<compile_context>
chip_gen: v7x
topology: tpu7x:2x2x1
jax: 0.10.2.dev20260603
libtpu: 0.0.44.dev20260713+nightly
codegen_flags: <defaults>
</compile_context>

<pallas_src>
import functools

import jax
import jax.numpy as jnp
from jax import lax
from jax.experimental import pallas as pl
from jax.experimental.pallas import tpu as pltpu
from jax.experimental.pallas import tpu_sc as plsc

_ALPHA = 0.9
_NUM_PARTS = 7
_FEATURE_DIM = 256


def _sc_reduce_body(embs_hbm, vm_hbm, out_hbm, ebuf, vbuf, wrow, acbuf, frow,
                    esem, vsem, *, R, N, T, D, V, L, NC, RPW, alpha):
    f32 = jnp.float32
    wid = lax.axis_index("s") * NC + lax.axis_index("c")
    base = wid * RPW

    VL = (V + 1) * T * L

    def start_row(j, slot):
        row = base + j
        pltpu.make_async_copy(embs_hbm.at[row], ebuf.at[slot],
                              esem).start()
        pltpu.make_async_copy(vm_hbm.at[row],
                              vbuf.at[pl.ds(slot * VL, VL)], vsem).start()

    def process(j, slot):
        pltpu.make_async_copy(embs_hbm.at[0], ebuf.at[slot], esem).wait()
        pltpu.make_async_copy(vm_hbm.at[0],
                              vbuf.at[pl.ds(slot * VL, VL)], vsem).wait()
        vbase = slot * VL
        for p in range(V):
            def chain_step(k, v):
                t = T - 1 - k
                vis_t = vbuf[pl.ds(vbase + (p * T + t) * L, L)]
                m = vbuf[pl.ds(vbase + (V * T + t) * L, L)]
                v_nz = jnp.where(v != 0.0, 1.0, 0.0)
                d_nz = jnp.where(vis_t != 0.0, 1.0, 0.0)
                xor = v_nz + d_nz - 2.0 * v_nz * d_nz
                a_t = v * vis_t * alpha + xor * v
                c_t = v * vis_t * (1.0 - alpha) + xor * vis_t
                acbuf[pl.ds(t * L, L)] = m * a_t + (1.0 - m)
                acbuf[pl.ds((T + t) * L, L)] = m * c_t
                return m * jnp.maximum(v, vis_t) + (1.0 - m) * v
            lax.fori_loop(0, T, chain_step, jnp.zeros((L,), f32))

            def prefix_step(t, prod):
                wrow[pl.ds((p * T + t) * L, L)] = acbuf[
                    pl.ds((T + t) * L, L)] * prod
                return prod * acbuf[pl.ds(t * L, L)]
            lax.fori_loop(0, T, prefix_step, jnp.ones((L,), f32))

        FD = D // V
        CH = FD // L
        for p in range(V):
            def t_step(t, accs):
                ws = wrow[pl.ds((p * T + t) * L, L)]
                return tuple(
                    acc + ws * ebuf[slot, t, pl.ds(p * FD + c * L, L)]
                    for c, acc in enumerate(accs))
            accs = lax.fori_loop(
                0, T, t_step, tuple(jnp.zeros((L,), f32) for _ in range(CH)))
            for c in range(CH):
                frow[pl.ds(p * FD + c * L, L)] = accs[c]
        pltpu.sync_copy(frow, out_hbm.at[base + j])

    start_row(0, 0)
    start_row(1, 1)

    def row_step(g, carry):
        slot = lax.rem(g, 2)
        process(g, slot)
        @pl.when(g + 2 < RPW)
        def _():
            start_row(g + 2, slot)
        return carry
    lax.fori_loop(0, RPW, row_step, jnp.int32(0))


def _tc_linear_body(mask_ref, f_ref, w_ref, b_ref, out_ref):
    f32 = jnp.float32
    lin = jax.lax.dot_general(
        f_ref[:, :], w_ref[:, :], (((1,), (1,)), ((), ())),
        preferred_element_type=f32)
    lin = lin + b_ref[:, :]
    new_mask = jnp.max(mask_ref[:, :], axis=1, keepdims=True)
    out_ref[:, :] = jnp.where(new_mask > 0.0, lin, 0.0)


def kernel(embs, vis, masks, W, b):
    B, N, T, D = embs.shape
    V = vis.shape[-1]
    K = W.shape[0]
    R = B * N
    L = 16

    info = plsc.get_sparse_core_info()
    NC, NS = info.num_cores, info.num_subcores
    NW = NC * NS
    RPW = R // NW

    embs3 = embs.reshape(R, T, D)
    masks2 = masks.reshape(R, T).astype(jnp.float32)
    vis_b = jnp.broadcast_to(
        jnp.transpose(vis.reshape(R, T, V), (0, 2, 1))[..., None],
        (R, V, T, L))
    mask_b = jnp.broadcast_to(masks2[:, None, :, None], (R, 1, T, L))
    vm = jnp.concatenate([vis_b, mask_b], axis=1).reshape(R, (V + 1) * T * L)

    mesh = plsc.VectorSubcoreMesh(core_axis_name="c", subcore_axis_name="s")
    sc_body = functools.partial(
        _sc_reduce_body, R=R, N=N, T=T, D=D, V=V, L=L, NC=NC, RPW=RPW,
        alpha=_ALPHA)
    feats = pl.kernel(
        sc_body,
        out_type=jax.ShapeDtypeStruct((R, D), jnp.float32),
        mesh=mesh,
        scratch_types=[
            pltpu.VMEM((2, T, D), jnp.float32),
            pltpu.VMEM((2 * (V + 1) * T * L,), jnp.float32),
            pltpu.VMEM((V * T * L,), jnp.float32),
            pltpu.VMEM((2 * T * L,), jnp.float32),
            pltpu.VMEM((D,), jnp.float32),
            pltpu.SemaphoreType.DMA,
            pltpu.SemaphoreType.DMA,
        ],
    )(embs3, vm)

    GL = 256
    out = pl.pallas_call(
        _tc_linear_body,
        grid=(R // GL,),
        in_specs=[
            pl.BlockSpec((GL, T), lambda i: (i, 0)),
            pl.BlockSpec((GL, D), lambda i: (i, 0)),
            pl.BlockSpec((K, D), lambda i: (0, 0)),
            pl.BlockSpec((1, K), lambda i: (0, 0)),
        ],
        out_specs=pl.BlockSpec((GL, K), lambda i: (i, 0)),
        out_shape=jax.ShapeDtypeStruct((R, K), jnp.float32),
    )(masks2, feats, W, b.reshape(1, K))
    return out.reshape(B, N, K)

# --- scband reference (transcript-rebuilt; emitter-appended) ---
"""Pipeline reference for scband-smart-linear-appearance-68092411510799 (READ-ONLY COPY).

The authoritative reference and input builder live on the scoring server;
editing this copy changes nothing except your own understanding.
"""

import jax, jax.numpy as jnp
import numpy as np

ALPHA = 0.9
NUM_PARTS = 7
FEATURE_DIM = 256


def setup_inputs(seed: int = 0) -> dict:
    key = jax.random.key(seed)
    k1, k2, k3 = jax.random.split(key, 3)
    B, N, T, D, V = 16, 64, 20, 1792, 7
    token_dim = 256
    embs = jax.random.normal(k1, (B, N, T, D), dtype=jnp.float32)
    vis = jax.random.uniform(k2, (B, N, T, V), dtype=jnp.float32)
    masks = jnp.ones((B, N, T), dtype=bool)
    W = jax.random.normal(k3, (token_dim, D), dtype=jnp.float32) * 0.02
    b = jnp.zeros((token_dim,), dtype=jnp.float32)
    return {"embs": embs, "vis": vis, "masks": masks, "W": W, "b": b}


def _smart(embs, vis, masks, alpha=ALPHA):
    B, N, T, D = embs.shape
    V = vis.shape[-1]

    def step(carry, xs):
        new_emb, new_vis, new_mask = carry
        emb_t, vis_t, mask_t = xs
        tracklet = new_emb.reshape(B, N, NUM_PARTS, FEATURE_DIM)
        det = emb_t.reshape(B, N, NUM_PARTS, FEATURE_DIM)
        xor = jnp.logical_xor(new_vis != 0, vis_t != 0).astype(jnp.float32)
        ema_t = new_vis * vis_t * alpha + xor * new_vis
        ema_d = new_vis * vis_t * (1.0 - alpha) + xor * vis_t
        smooth = (ema_t[..., None] * tracklet + ema_d[..., None] * det).reshape(B, N, D)
        m = mask_t[..., None]
        new_emb2 = jnp.where(m, smooth, new_emb)
        new_vis2 = jnp.where(m, jnp.maximum(new_vis, vis_t), new_vis)
        new_mask2 = jnp.logical_or(new_mask, mask_t)
        return (new_emb2, new_vis2, new_mask2), None

    # iterate t = T-1 ... 0 (reversed), exactly like the torch loop
    xs = (jnp.moveaxis(embs, 2, 0)[::-1],
          jnp.moveaxis(vis, 2, 0)[::-1],
          jnp.moveaxis(masks, 2, 0)[::-1])
    init = (jnp.zeros((B, N, D), jnp.float32),
            jnp.zeros((B, N, V), jnp.float32),
            jnp.zeros((B, N), bool))
    (new_emb, new_vis, new_mask), _ = jax.lax.scan(step, init, xs)
    return new_emb[:, :, None, :], new_vis[:, :, None, :], new_mask[:, :, None]


def reference(embs, vis, masks, W, b):
    if masks.shape[2] > 1:
        feats, new_vis, m = _smart(embs, vis, masks, ALPHA)
    else:
        feats, new_vis, m = embs, vis, masks
    # tokens[m] = linear(feats[m]) -> masked scatter-overwrite into zero buffer
    lin = jnp.einsum('bntd,kd->bntk', feats, W) + b
    tokens = jnp.where(m[..., None], lin, jnp.zeros_like(lin))
    return tokens.squeeze(axis=2)

if __name__ == "__main__":
    import jax
    _d = setup_inputs()
    print(jax.jit(kernel)(*tuple(_d.values())))

</pallas_src>

<mosaic_0001>
#map = affine_map<(d0, d1) -> (0, 0, 0)>
#map1 = affine_map<(d0, d1) -> (0, 0)>
module attributes {stable_mosaic.version = 14 : i64} {
  func.func @_sc_reduce_body(%arg0: i32, %arg1: i32, %arg2: memref<1024x20x1792xf32, #tpu.memory_space<hbm>>, %arg3: memref<1024x2560xf32, #tpu.memory_space<hbm>>, %arg4: memref<1024x1792xf32, #tpu.memory_space<hbm>>, %arg5: memref<2x20x1792xf32, #tpu.memory_space<vmem>>, %arg6: memref<5120xf32, #tpu.memory_space<vmem>>, %arg7: memref<2240xf32, #tpu.memory_space<vmem>>, %arg8: memref<640xf32, #tpu.memory_space<vmem>>, %arg9: memref<1792xf32, #tpu.memory_space<vmem>>, %arg10: memref<!tpu.dma_semaphore, #tpu.memory_space<semaphore_mem>>, %arg11: memref<!tpu.dma_semaphore, #tpu.memory_space<semaphore_mem>>) attributes {dimension_semantics = [#tpu.dimension_semantics<core_parallel>, #tpu.dimension_semantics<subcore_parallel>], iteration_bounds = array<i64: 2, 16>, scalar_prefetch = 0 : i64, scratch_operands = 7 : i64, tpu.core_type = #tpu.core_type<sc_vector_subcore>, window_params = [{transform_indices = #map}, {transform_indices = #map1}, {transform_indices = #map1}]} {
    %mul3A = arith.constant 2 : i32
    %mul3A_0 = arith.muli %arg1, %mul3A : i32
    %add3A = arith.addi %mul3A_0, %arg0 : i32
    %mul3A_1 = arith.constant 32 : i32
    %mul3A_2 = arith.muli %add3A, %mul3A_1 : i32
    %add3A_3 = arith.constant 0 : i32
    %add3A_4 = arith.addi %mul3A_2, %add3A_3 : i32
    %dma_start3A = arith.constant 0 : i32
    %dma_start3A_5 = arith.constant 0 : i32
    %dma_start3A_6 = arith.constant 0 : i32
    %dma_start3A_7 = tpu.memref_slice %arg5[%dma_start3A, %dma_start3A_5, %dma_start3A_6] : memref<2x20x1792xf32, #tpu.memory_space<vmem>> -> memref<1x20x1792xf32, #tpu.memory_space<vmem>>
    %dma_start3A_8 = tpu.memref_squeeze %dma_start3A_7 : memref<1x20x1792xf32, #tpu.memory_space<vmem>> -> memref<20x1792xf32, #tpu.memory_space<vmem>>
    %dma_start3A_9 = arith.constant 0 : i32
    %dma_start3A_10 = arith.constant 0 : i32
    %dma_start3A_11 = tpu.memref_slice %arg2[%add3A_4, %dma_start3A_9, %dma_start3A_10] : memref<1024x20x1792xf32, #tpu.memory_space<hbm>> -> memref<1x20x1792xf32, #tpu.memory_space<hbm>>
    %dma_start3A_12 = tpu.memref_squeeze %dma_start3A_11 : memref<1x20x1792xf32, #tpu.memory_space<hbm>> -> memref<20x1792xf32, #tpu.memory_space<hbm>>
    %dma_start3A_13 = arith.constant 0 : i32
    %dma_start3A_14 = arith.constant 0 : i32
    %dma_start3A_15 = tpu.memref_slice %arg5[%dma_start3A, %dma_start3A_13, %dma_start3A_14] : memref<2x20x1792xf32, #tpu.memory_space<vmem>> -> memref<1x20x1792xf32, #tpu.memory_space<vmem>>
    %dma_start3A_16 = tpu.memref_squeeze %dma_start3A_15 : memref<1x20x1792xf32, #tpu.memory_space<vmem>> -> memref<20x1792xf32, #tpu.memory_space<vmem>>
    %dma_start3A_17 = arith.constant 0 : i32
    %dma_start3A_18 = arith.constant 0 : i32
    %dma_start3A_19 = tpu.memref_slice %arg2[%add3A_4, %dma_start3A_17, %dma_start3A_18] : memref<1024x20x1792xf32, #tpu.memory_space<hbm>> -> memref<1x20x1792xf32, #tpu.memory_space<hbm>>
    %dma_start3A_20 = tpu.memref_squeeze %dma_start3A_19 : memref<1x20x1792xf32, #tpu.memory_space<hbm>> -> memref<20x1792xf32, #tpu.memory_space<hbm>>
    tpu.enqueue_dma source(%dma_start3A_20 : memref<20x1792xf32, #tpu.memory_space<hbm>>) target(%dma_start3A_16 : memref<20x1792xf32, #tpu.memory_space<vmem>>) target_semaphore(%arg10 : memref<!tpu.dma_semaphore, #tpu.memory_space<semaphore_mem>>)
    %dma_start3A_21 = arith.constant 0 : i32
    %dma_start3A_22 = tpu.memref_slice %arg6[%dma_start3A_21] : memref<5120xf32, #tpu.memory_space<vmem>> -> memref<2560xf32, #tpu.memory_space<vmem>>
    %dma_start3A_23 = arith.constant 0 : i32
    %dma_start3A_24 = tpu.memref_slice %arg3[%add3A_4, %dma_start3A_23] : memref<1024x2560xf32, #tpu.memory_space<hbm>> -> memref<1x2560xf32, #tpu.memory_space<hbm>>
    %dma_start3A_25 = tpu.memref_squeeze %dma_start3A_24 : memref<1x2560xf32, #tpu.memory_space<hbm>> -> memref<2560xf32, #tpu.memory_space<hbm>>
    %dma_start3A_26 = arith.constant 0 : i32
    %dma_start3A_27 = tpu.memref_slice %arg6[%dma_start3A_26] : memref<5120xf32, #tpu.memory_space<vmem>> -> memref<2560xf32, #tpu.memory_space<vmem>>
    %dma_start3A_28 = arith.constant 0 : i32
    %dma_start3A_29 = tpu.memref_slice %arg3[%add3A_4, %dma_start3A_28] : memref<1024x2560xf32, #tpu.memory_space<hbm>> -> memref<1x2560xf32, #tpu.memory_space<hbm>>
    %dma_start3A_30 = tpu.memref_squeeze %dma_start3A_29 : memref<1x2560xf32, #tpu.memory_space<hbm>> -> memref<2560xf32, #tpu.memory_space<hbm>>
    tpu.enqueue_dma source(%dma_start3A_30 : memref<2560xf32, #tpu.memory_space<hbm>>) target(%dma_start3A_27 : memref<2560xf32, #tpu.memory_space<vmem>>) target_semaphore(%arg11 : memref<!tpu.dma_semaphore, #tpu.memory_space<semaphore_mem>>)
    %add3A_31 = arith.constant 1 : i32
    %add3A_32 = arith.addi %mul3A_2, %add3A_31 : i32
    %dma_start3A_33 = arith.constant 1 : i32
    %dma_start3A_34 = arith.constant 0 : i32
    %dma_start3A_35 = arith.constant 0 : i32
    %dma_start3A_36 = tpu.memref_slice %arg5[%dma_start3A_33, %dma_start3A_34, %dma_start3A_35] : memref<2x20x1792xf32, #tpu.memory_space<vmem>> -> memref<1x20x1792xf32, #tpu.memory_space<vmem>>
    %dma_start3A_37 = tpu.memref_squeeze %dma_start3A_36 : memref<1x20x1792xf32, #tpu.memory_space<vmem>> -> memref<20x1792xf32, #tpu.memory_space<vmem>>
    %dma_start3A_38 = arith.constant 0 : i32
    %dma_start3A_39 = arith.constant 0 : i32
    %dma_start3A_40 = tpu.memref_slice %arg2[%add3A_32, %dma_start3A_38, %dma_start3A_39] : memref<1024x20x1792xf32, #tpu.memory_space<hbm>> -> memref<1x20x1792xf32, #tpu.memory_space<hbm>>
    %dma_start3A_41 = tpu.memref_squeeze %dma_start3A_40 : memref<1x20x1792xf32, #tpu.memory_space<hbm>> -> memref<20x1792xf32, #tpu.memory_space<hbm>>
    %dma_start3A_42 = arith.constant 0 : i32
    %dma_start3A_43 = arith.constant 0 : i32
    %dma_start3A_44 = tpu.memref_slice %arg5[%dma_start3A_33, %dma_start3A_42, %dma_start3A_43] : memref<2x20x1792xf32, #tpu.memory_space<vmem>> -> memref<1x20x1792xf32, #tpu.memory_space<vmem>>
    %dma_start3A_45 = tpu.memref_squeeze %dma_start3A_44 : memref<1x20x1792xf32, #tpu.memory_space<vmem>> -> memref<20x1792xf32, #tpu.memory_space<vmem>>
    %dma_start3A_46 = arith.constant 0 : i32
    %dma_start3A_47 = arith.constant 0 : i32
    %dma_start3A_48 = tpu.memref_slice %arg2[%add3A_32, %dma_start3A_46, %dma_start3A_47] : memref<1024x20x1792xf32, #tpu.memory_space<hbm>> -> memref<1x20x1792xf32, #tpu.memory_space<hbm>>
    %dma_start3A_49 = tpu.memref_squeeze %dma_start3A_48 : memref<1x20x1792xf32, #tpu.memory_space<hbm>> -> memref<20x1792xf32, #tpu.memory_space<hbm>>
    tpu.enqueue_dma source(%dma_start3A_49 : memref<20x1792xf32, #tpu.memory_space<hbm>>) target(%dma_start3A_45 : memref<20x1792xf32, #tpu.memory_space<vmem>>) target_semaphore(%arg10 : memref<!tpu.dma_semaphore, #tpu.memory_space<semaphore_mem>>)
    %dma_start3A_50 = arith.constant 2560 : i32
    %dma_start3A_51 = tpu.memref_slice %arg6[%dma_start3A_50] : memref<5120xf32, #tpu.memory_space<vmem>> -> memref<2560xf32, #tpu.memory_space<vmem>>
    %dma_start3A_52 = arith.constant 0 : i32
    %dma_start3A_53 = tpu.memref_slice %arg3[%add3A_32, %dma_start3A_52] : memref<1024x2560xf32, #tpu.memory_space<hbm>> -> memref<1x2560xf32, #tpu.memory_space<hbm>>
    %dma_start3A_54 = tpu.memref_squeeze %dma_start3A_53 : memref<1x2560xf32, #tpu.memory_space<hbm>> -> memref<2560xf32, #tpu.memory_space<hbm>>
    %dma_start3A_55 = arith.constant 2560 : i32
    %dma_start3A_56 = tpu.memref_slice %arg6[%dma_start3A_55] : memref<5120xf32, #tpu.memory_space<vmem>> -> memref<2560xf32, #tpu.memory_space<vmem>>
    %dma_start3A_57 = arith.constant 0 : i32
    %dma_start3A_58 = tpu.memref_slice %arg3[%add3A_32, %dma_start3A_57] : memref<1024x2560xf32, #tpu.memory_space<hbm>> -> memref<1x2560xf32, #tpu.memory_space<hbm>>
    %dma_start3A_59 = tpu.memref_squeeze %dma_start3A_58 : memref<1x2560xf32, #tpu.memory_space<hbm>> -> memref<2560xf32, #tpu.memory_space<hbm>>
    tpu.enqueue_dma source(%dma_start3A_59 : memref<2560xf32, #tpu.memory_space<hbm>>) target(%dma_start3A_56 : memref<2560xf32, #tpu.memory_space<vmem>>) target_semaphore(%arg11 : memref<!tpu.dma_semaphore, #tpu.memory_space<semaphore_mem>>)
    %scan3A = arith.constant 0 : i32
    %scan3A_60 = arith.constant 0 : i32
    %scan3A_61 = arith.constant 32 : i32
    %scan3A_62 = arith.addi %scan3A_60, %scan3A_61 : i32
    %scan3A_63 = arith.constant 1 : i32
    scf.for %scan3A_65 = %scan3A_60 to %scan3A_62 step %scan3A_63  : i32 {
      %rem3A = arith.constant 2 : i32
      %rem3A_66 = arith.remsi %scan3A_65, %rem3A : i32
      %dma_wait3A = arith.constant 0 : i32
      %dma_wait3A_67 = arith.constant 0 : i32
      %dma_wait3A_68 = arith.constant 0 : i32
      %dma_wait3A_69 = tpu.memref_slice %arg5[%rem3A_66, %dma_wait3A_67, %dma_wait3A_68] : memref<2x20x1792xf32, #tpu.memory_space<vmem>> -> memref<1x20x1792xf32, #tpu.memory_space<vmem>>
      %dma_wait3A_70 = tpu.memref_squeeze %dma_wait3A_69 : memref<1x20x1792xf32, #tpu.memory_space<vmem>> -> memref<20x1792xf32, #tpu.memory_space<vmem>>
      %dma_wait3A_71 = arith.constant 0 : i32
      %dma_wait3A_72 = arith.constant 0 : i32
      %dma_wait3A_73 = tpu.memref_slice %arg2[%dma_wait3A, %dma_wait3A_71, %dma_wait3A_72] : memref<1024x20x1792xf32, #tpu.memory_space<hbm>> -> memref<1x20x1792xf32, #tpu.memory_space<hbm>>
      %dma_wait3A_74 = tpu.memref_squeeze %dma_wait3A_73 : memref<1x20x1792xf32, #tpu.memory_space<hbm>> -> memref<20x1792xf32, #tpu.memory_space<hbm>>
      %dma_wait3A_75 = arith.constant 0 : i32
      %dma_wait3A_76 = arith.constant 0 : i32
      %dma_wait3A_77 = tpu.memref_slice %arg5[%rem3A_66, %dma_wait3A_75, %dma_wait3A_76] : memref<2x20x1792xf32, #tpu.memory_space<vmem>> -> memref<1x20x1792xf32, #tpu.memory_space<vmem>>
      %dma_wait3A_78 = tpu.memref_squeeze %dma_wait3A_77 : memref<1x20x1792xf32, #tpu.memory_space<vmem>> -> memref<20x1792xf32, #tpu.memory_space<vmem>>
      %dma_wait3A_79 = arith.constant 0 : i32
      %dma_wait3A_80 = arith.constant 0 : i32
      %dma_wait3A_81 = tpu.memref_slice %arg2[%dma_wait3A, %dma_wait3A_79, %dma_wait3A_80] : memref<1024x20x1792xf32, #tpu.memory_space<hbm>> -> memref<1x20x1792xf32, #tpu.memory_space<hbm>>
      %dma_wait3A_82 = tpu.memref_squeeze %dma_wait3A_81 : memref<1x20x1792xf32, #tpu.memory_space<hbm>> -> memref<20x1792xf32, #tpu.memory_space<hbm>>
      tpu.wait_dma2 semaphore(%arg10 : memref<!tpu.dma_semaphore, #tpu.memory_space<semaphore_mem>>) src(%dma_wait3A_82 : memref<20x1792xf32, #tpu.memory_space<hbm>>) dst(%dma_wait3A_78 : memref<20x1792xf32, #tpu.memory_space<vmem>>)
      %mul3A_83 = arith.constant 2560 : i32
      %mul3A_84 = arith.muli %rem3A_66, %mul3A_83 : i32
      %dma_wait3A_85 = arith.constant 0 : i32
      %dma_wait3A_86 = tpu.memref_slice %arg6[%mul3A_84] : memref<5120xf32, #tpu.memory_space<vmem>> -> memref<2560xf32, #tpu.memory_space<vmem>>
      %dma_wait3A_87 = arith.constant 0 : i32
      %dma_wait3A_88 = tpu.memref_slice %arg3[%dma_wait3A_85, %dma_wait3A_87] : memref<1024x2560xf32, #tpu.memory_space<hbm>> -> memref<1x2560xf32, #tpu.memory_space<hbm>>
      %dma_wait3A_89 = tpu.memref_squeeze %dma_wait3A_88 : memref<1x2560xf32, #tpu.memory_space<hbm>> -> memref<2560xf32, #tpu.memory_space<hbm>>
      %dma_wait3A_90 = tpu.memref_slice %arg6[%mul3A_84] : memref<5120xf32, #tpu.memory_space<vmem>> -> memref<2560xf32, #tpu.memory_space<vmem>>
      %dma_wait3A_91 = arith.constant 0 : i32
      %dma_wait3A_92 = tpu.memref_slice %arg3[%dma_wait3A_85, %dma_wait3A_91] : memref<1024x2560xf32, #tpu.memory_space<hbm>> -> memref<1x2560xf32, #tpu.memory_space<hbm>>
      %dma_wait3A_93 = tpu.memref_squeeze %dma_wait3A_92 : memref<1x2560xf32, #tpu.memory_space<hbm>> -> memref<2560xf32, #tpu.memory_space<hbm>>
      tpu.wait_dma2 semaphore(%arg11 : memref<!tpu.dma_semaphore, #tpu.memory_space<semaphore_mem>>) src(%dma_wait3A_93 : memref<2560xf32, #tpu.memory_space<hbm>>) dst(%dma_wait3A_90 : memref<2560xf32, #tpu.memory_space<vmem>>)
      %mul3A_94 = arith.constant 2560 : i32
      %mul3A_95 = arith.muli %rem3A_66, %mul3A_94 : i32
      %broadcast_in_dim3A = arith.constant 0.000000e+00 : f32
      %broadcast_in_dim3A_96 = vector.broadcast %broadcast_in_dim3A : f32 to vector<16xf32>
      %scan3A_97 = arith.constant 0 : i32
      %scan3A_98 = arith.constant 20 : i32
      %scan3A_99 = arith.addi %scan3A_97, %scan3A_98 : i32
      %scan3A_100 = arith.constant 1 : i32
      %scan3A_101 = scf.for %scan3A_925 = %scan3A_97 to %scan3A_99 step %scan3A_100 iter_args(%scan3A_926 = %broadcast_in_dim3A_96) -> (vector<16xf32>)  : i32 {
        %sub3A = arith.constant 19 : i32
        %sub3A_927 = arith.subi %sub3A, %scan3A_925 : i32
        %add3A_928 = arith.constant 0 : i32
        %add3A_929 = arith.addi %add3A_928, %sub3A_927 : i32
        %mul3A_930 = arith.constant 16 : i32
        %mul3A_931 = arith.muli %add3A_929, %mul3A_930 : i32
        %add3A_932 = arith.addi %mul3A_95, %mul3A_931 : i32
        %get3A = arith.index_cast %add3A_932 : i32 to index
        %get3A_933 = tpu.vector_load %arg6[%get3A] {strides = array<i32>} : memref<5120xf32, #tpu.memory_space<vmem>>, vector<16xf32>,
        %get3A_934 = vector.shape_cast %get3A_933 : vector<16xf32> to vector<16xf32>
        %add3A_935 = arith.constant 140 : i32
        %add3A_936 = arith.addi %add3A_935, %sub3A_927 : i32
        %mul3A_937 = arith.constant 16 : i32
        %mul3A_938 = arith.muli %add3A_936, %mul3A_937 : i32
        %add3A_939 = arith.addi %mul3A_95, %mul3A_938 : i32
        %get3A_940 = arith.index_cast %add3A_939 : i32 to index
        %get3A_941 = tpu.vector_load %arg6[%get3A_940] {strides = array<i32>} : memref<5120xf32, #tpu.memory_space<vmem>>, vector<16xf32>,
        %get3A_942 = vector.shape_cast %get3A_941 : vector<16xf32> to vector<16xf32>
        %ne3A = arith.constant 0.000000e+00 : f32
        %ne3A_943 = vector.broadcast %ne3A : f32 to vector<16xf32>
        %ne3A_944 = arith.cmpf one, %scan3A_926, %ne3A_943 : vector<16xf32>
        %jit3A = arith.constant 1.000000e+00 : f32
        %jit3A_945 = arith.constant 0.000000e+00 : f32
        %broadcast_in_dim3A_946 = vector.broadcast %jit3A : f32 to vector<16xf32>
        %broadcast_in_dim3A_947 = vector.broadcast %jit3A_945 : f32 to vector<16xf32>
        %select_n3A = arith.select %ne3A_944, %broadcast_in_dim3A_946, %broadcast_in_dim3A_947 : vector<16xi1>, vector<16xf32>
        %ne3A_948 = arith.constant 0.000000e+00 : f32
        %ne3A_949 = vector.broadcast %ne3A_948 : f32 to vector<16xf32>
        %ne3A_950 = arith.cmpf one, %get3A_934, %ne3A_949 : vector<16xf32>
        %jit3A_951 = arith.constant 1.000000e+00 : f32
        %jit3A_952 = arith.constant 0.000000e+00 : f32
        %broadcast_in_dim3A_953 = vector.broadcast %jit3A_951 : f32 to vector<16xf32>
        %broadcast_in_dim3A_954 = vector.broadcast %jit3A_952 : f32 to vector<16xf32>
        %select_n3A_955 = arith.select %ne3A_950, %broadcast_in_dim3A_953, %broadcast_in_dim3A_954 : vector<16xi1>, vector<16xf32>
        %add3A_956 = arith.addf %select_n3A, %select_n3A_955 : vector<16xf32>
        %mul3A_957 = arith.constant 2.000000e+00 : f32
        %mul3A_958 = vector.broadcast %mul3A_957 : f32 to vector<16xf32>
        %mul3A_959 = arith.mulf %mul3A_958, %select_n3A : vector<16xf32>
        %mul3A_960 = arith.mulf %mul3A_959, %select_n3A_955 : vector<16xf32>
        %sub3A_961 = arith.subf %add3A_956, %mul3A_960 : vector<16xf32>
        %mul3A_962 = arith.mulf %scan3A_926, %get3A_934 : vector<16xf32>
        %mul3A_963 = arith.constant 0.899999976 : f32
        %mul3A_964 = vector.broadcast %mul3A_963 : f32 to vector<16xf32>
        %mul3A_965 = arith.mulf %mul3A_962, %mul3A_964 : vector<16xf32>
        %mul3A_966 = arith.mulf %sub3A_961, %scan3A_926 : vector<16xf32>
        %add3A_967 = arith.addf %mul3A_965, %mul3A_966 : vector<16xf32>
        %mul3A_968 = arith.mulf %scan3A_926, %get3A_934 : vector<16xf32>
        %mul3A_969 = arith.constant 1.000000e-01 : f32
        %mul3A_970 = vector.broadcast %mul3A_969 : f32 to vector<16xf32>
        %mul3A_971 = arith.mulf %mul3A_968, %mul3A_970 : vector<16xf32>
        %mul3A_972 = arith.mulf %sub3A_961, %get3A_934 : vector<16xf32>
        %add3A_973 = arith.addf %mul3A_971, %mul3A_972 : vector<16xf32>
        %mul3A_974 = arith.mulf %get3A_942, %add3A_967 : vector<16xf32>
        %sub3A_975 = arith.constant 1.000000e+00 : f32
        %sub3A_976 = vector.broadcast %sub3A_975 : f32 to vector<16xf32>
        %sub3A_977 = arith.subf %sub3A_976, %get3A_942 : vector<16xf32>
        %add3A_978 = arith.addf %mul3A_974, %sub3A_977 : vector<16xf32>
        %mul3A_979 = arith.constant 16 : i32
        %mul3A_980 = arith.muli %sub3A_927, %mul3A_979 : i32
        %swap3A_981 = arith.index_cast %mul3A_980 : i32 to index
        %swap3A_982 = tpu.vector_load %arg8[%swap3A_981] {strides = array<i32>} : memref<640xf32, #tpu.memory_space<vmem>>, vector<16xf32>,
        %swap3A_983 = vector.shape_cast %swap3A_982 : vector<16xf32> to vector<16xf32>
        %swap3A_984 = vector.shape_cast %add3A_978 : vector<16xf32> to vector<16xf32>
        tpu.vector_store %arg8[%swap3A_981], %swap3A_984 {strides = array<i32>} : memref<640xf32, #tpu.memory_space<vmem>>, vector<16xf32>,
        %mul3A_985 = arith.mulf %get3A_942, %add3A_973 : vector<16xf32>
        %add3A_986 = arith.constant 20 : i32
        %add3A_987 = arith.addi %add3A_986, %sub3A_927 : i32
        %mul3A_988 = arith.constant 16 : i32
        %mul3A_989 = arith.muli %add3A_987, %mul3A_988 : i32
        %swap3A_990 = arith.index_cast %mul3A_989 : i32 to index
        %swap3A_991 = tpu.vector_load %arg8[%swap3A_990] {strides = array<i32>} : memref<640xf32, #tpu.memory_space<vmem>>, vector<16xf32>,
        %swap3A_992 = vector.shape_cast %swap3A_991 : vector<16xf32> to vector<16xf32>
        %swap3A_993 = vector.shape_cast %mul3A_985 : vector<16xf32> to vector<16xf32>
        tpu.vector_store %arg8[%swap3A_990], %swap3A_993 {strides = array<i32>} : memref<640xf32, #tpu.memory_space<vmem>>, vector<16xf32>,
        %max3A = arith.maximumf %scan3A_926, %get3A_934 : vector<16xf32>
        %mul3A_994 = arith.mulf %get3A_942, %max3A : vector<16xf32>
        %sub3A_995 = arith.constant 1.000000e+00 : f32
        %sub3A_996 = vector.broadcast %sub3A_995 : f32 to vector<16xf32>
        %sub3A_997 = arith.subf %sub3A_996, %get3A_942 : vector<16xf32>
        %mul3A_998 = arith.mulf %sub3A_997, %scan3A_926 : vector<16xf32>
        %add3A_999 = arith.addf %mul3A_994, %mul3A_998 : vector<16xf32>
        scf.yield %add3A_999 : vector<16xf32>
      }
      %scan3A_102 = arith.constant 20 : i32
      %broadcast_in_dim3A_103 = arith.constant 1.000000e+00 : f32
      %broadcast_in_dim3A_104 = vector.broadcast %broadcast_in_dim3A_103 : f32 to vector<16xf32>
      %scan3A_105 = arith.constant 0 : i32
      %scan3A_106 = arith.constant 20 : i32
      %scan3A_107 = arith.addi %scan3A_105, %scan3A_106 : i32
      %scan3A_108 = arith.constant 1 : i32
      %scan3A_109 = scf.for %scan3A_925 = %scan3A_105 to %scan3A_107 step %scan3A_108 iter_args(%scan3A_926 = %broadcast_in_dim3A_104) -> (vector<16xf32>)  : i32 {
        %add3A_927 = arith.constant 20 : i32
        %add3A_928 = arith.addi %add3A_927, %scan3A_925 : i32
        %mul3A_929 = arith.constant 16 : i32
        %mul3A_930 = arith.muli %add3A_928, %mul3A_929 : i32
        %get3A = arith.index_cast %mul3A_930 : i32 to index
        %get3A_931 = tpu.vector_load %arg8[%get3A] {strides = array<i32>} : memref<640xf32, #tpu.memory_space<vmem>>, vector<16xf32>,
        %get3A_932 = vector.shape_cast %get3A_931 : vector<16xf32> to vector<16xf32>
        %mul3A_933 = arith.mulf %get3A_932, %scan3A_926 : vector<16xf32>
        %add3A_934 = arith.constant 0 : i32
        %add3A_935 = arith.addi %add3A_934, %scan3A_925 : i32
        %mul3A_936 = arith.constant 16 : i32
        %mul3A_937 = arith.muli %add3A_935, %mul3A_936 : i32
        %swap3A_938 = arith.index_cast %mul3A_937 : i32 to index
        %swap3A_939 = tpu.vector_load %arg7[%swap3A_938] {strides = array<i32>} : memref<2240xf32, #tpu.memory_space<vmem>>, vector<16xf32>,
        %swap3A_940 = vector.shape_cast %swap3A_939 : vector<16xf32> to vector<16xf32>
        %swap3A_941 = vector.shape_cast %mul3A_933 : vector<16xf32> to vector<16xf32>
        tpu.vector_store %arg7[%swap3A_938], %swap3A_941 {strides = array<i32>} : memref<2240xf32, #tpu.memory_space<vmem>>, vector<16xf32>,
        %mul3A_942 = arith.constant 16 : i32
        %mul3A_943 = arith.muli %scan3A_925, %mul3A_942 : i32
        %get3A_944 = arith.index_cast %mul3A_943 : i32 to index
        %get3A_945 = tpu.vector_load %arg8[%get3A_944] {strides = array<i32>} : memref<640xf32, #tpu.memory_space<vmem>>, vector<16xf32>,
        %get3A_946 = vector.shape_cast %get3A_945 : vector<16xf32> to vector<16xf32>
        %mul3A_947 = arith.mulf %scan3A_926, %get3A_946 : vector<16xf32>
        scf.yield %mul3A_947 : vector<16xf32>
      }
      %scan3A_110 = arith.constant 20 : i32
      %broadcast_in_dim3A_111 = arith.constant 0.000000e+00 : f32
      %broadcast_in_dim3A_112 = vector.broadcast %broadcast_in_dim3A_111 : f32 to vector<16xf32>
      %scan3A_113 = arith.constant 0 : i32
      %scan3A_114 = arith.constant 20 : i32
      %scan3A_115 = arith.addi %scan3A_113, %scan3A_114 : i32
      %scan3A_116 = arith.constant 1 : i32
      %scan3A_117 = scf.for %scan3A_925 = %scan3A_113 to %scan3A_115 step %scan3A_116 iter_args(%scan3A_926 = %broadcast_in_dim3A_112) -> (vector<16xf32>)  : i32 {
        %sub3A = arith.constant 19 : i32
        %sub3A_927 = arith.subi %sub3A, %scan3A_925 : i32
        %add3A_928 = arith.constant 20 : i32
        %add3A_929 = arith.addi %add3A_928, %sub3A_927 : i32
        %mul3A_930 = arith.constant 16 : i32
        %mul3A_931 = arith.muli %add3A_929, %mul3A_930 : i32
        %add3A_932 = arith.addi %mul3A_95, %mul3A_931 : i32
        %get3A = arith.index_cast %add3A_932 : i32 to index
        %get3A_933 = tpu.vector_load %arg6[%get3A] {strides = array<i32>} : memref<5120xf32, #tpu.memory_space<vmem>>, vector<16xf32>,
        %get3A_934 = vector.shape_cast %get3A_933 : vector<16xf32> to vector<16xf32>
        %add3A_935 = arith.constant 140 : i32
        %add3A_936 = arith.addi %add3A_935, %sub3A_927 : i32
        %mul3A_937 = arith.constant 16 : i32
        %mul3A_938 = arith.muli %add3A_936, %mul3A_937 : i32
        %add3A_939 = arith.addi %mul3A_95, %mul3A_938 : i32
        %get3A_940 = arith.index_cast %add3A_939 : i32 to index
        %get3A_941 = tpu.vector_load %arg6[%get3A_940] {strides = array<i32>} : memref<5120xf32, #tpu.memory_space<vmem>>, vector<16xf32>,
        %get3A_942 = vector.shape_cast %get3A_941 : vector<16xf32> to vector<16xf32>
        %ne3A = arith.constant 0.000000e+00 : f32
        %ne3A_943 = vector.broadcast %ne3A : f32 to vector<16xf32>
        %ne3A_944 = arith.cmpf one, %scan3A_926, %ne3A_943 : vector<16xf32>
        %jit3A = arith.constant 1.000000e+00 : f32
        %jit3A_945 = arith.constant 0.000000e+00 : f32
        %broadcast_in_dim3A_946 = vector.broadcast %jit3A : f32 to vector<16xf32>
        %broadcast_in_dim3A_947 = vector.broadcast %jit3A_945 : f32 to vector<16xf32>
        %select_n3A = arith.select %ne3A_944, %broadcast_in_dim3A_946, %broadcast_in_dim3A_947 : vector<16xi1>, vector<16xf32>
        %ne3A_948 = arith.constant 0.000000e+00 : f32
        %ne3A_949 = vector.broadcast %ne3A_948 : f32 to vector<16xf32>
        %ne3A_950 = arith.cmpf one, %get3A_934, %ne3A_949 : vector<16xf32>
        %jit3A_951 = arith.constant 1.000000e+00 : f32
        %jit3A_952 = arith.constant 0.000000e+00 : f32
        %broadcast_in_dim3A_953 = vector.broadcast %jit3A_951 : f32 to vector<16xf32>
        %broadcast_in_dim3A_954 = vector.broadcast %jit3A_952 : f32 to vector<16xf32>
        %select_n3A_955 = arith.select %ne3A_950, %broadcast_in_dim3A_953, %broadcast_in_dim3A_954 : vector<16xi1>, vector<16xf32>
        %add3A_956 = arith.addf %select_n3A, %select_n3A_955 : vector<16xf32>
        %mul3A_957 = arith.constant 2.000000e+00 : f32
        %mul3A_958 = vector.broadcast %mul3A_957 : f32 to vector<16xf32>
        %mul3A_959 = arith.mulf %mul3A_958, %select_n3A : vector<16xf32>
        %mul3A_960 = arith.mulf %mul3A_959, %select_n3A_955 : vector<16xf32>
        %sub3A_961 = arith.subf %add3A_956, %mul3A_960 : vector<16xf32>
        %mul3A_962 = arith.mulf %scan3A_926, %get3A_934 : vector<16xf32>
        %mul3A_963 = arith.constant 0.899999976 : f32
        %mul3A_964 = vector.broadcast %mul3A_963 : f32 to vector<16xf32>
        %mul3A_965 = arith.mulf %mul3A_962, %mul3A_964 : vector<16xf32>
        %mul3A_966 = arith.mulf %sub3A_961, %scan3A_926 : vector<16xf32>
        %add3A_967 = arith.addf %mul3A_965, %mul3A_966 : vector<16xf32>
        %mul3A_968 = arith.mulf %scan3A_926, %get3A_934 : vector<16xf32>
        %mul3A_969 = arith.constant 1.000000e-01 : f32
        %mul3A_970 = vector.broadcast %mul3A_969 : f32 to vector<16xf32>
        %mul3A_971 = arith.mulf %mul3A_968, %mul3A_970 : vector<16xf32>
        %mul3A_972 = arith.mulf %sub3A_961, %get3A_934 : vector<16xf32>
        %add3A_973 = arith.addf %mul3A_971, %mul3A_972 : vector<16xf32>
        %mul3A_974 = arith.mulf %get3A_942, %add3A_967 : vector<16xf32>
        %sub3A_975 = arith.constant 1.000000e+00 : f32
        %sub3A_976 = vector.broadcast %sub3A_975 : f32 to vector<16xf32>
        %sub3A_977 = arith.subf %sub3A_976, %get3A_942 : vector<16xf32>
        %add3A_978 = arith.addf %mul3A_974, %sub3A_977 : vector<16xf32>
        %mul3A_979 = arith.constant 16 : i32
        %mul3A_980 = arith.muli %sub3A_927, %mul3A_979 : i32
        %swap3A_981 = arith.index_cast %mul3A_980 : i32 to index
        %swap3A_982 = tpu.vector_load %arg8[%swap3A_981] {strides = array<i32>} : memref<640xf32, #tpu.memory_space<vmem>>, vector<16xf32>,
        %swap3A_983 = vector.shape_cast %swap3A_982 : vector<16xf32> to vector<16xf32>
        %swap3A_984 = vector.shape_cast %add3A_978 : vector<16xf32> to vector<16xf32>
        tpu.vector_store %arg8[%swap3A_981], %swap3A_984 {strides = array<i32>} : memref<640xf32, #tpu.memory_space<vmem>>, vector<16xf32>,
        %mul3A_985 = arith.mulf %get3A_942, %add3A_973 : vector<16xf32>
        %add3A_986 = arith.constant 20 : i32
        %add3A_987 = arith.addi %add3A_986, %sub3A_927 : i32
        %mul3A_988 = arith.constant 16 : i32
        %mul3A_989 = arith.muli %add3A_987, %mul3A_988 : i32
        %swap3A_990 = arith.index_cast %mul3A_989 : i32 to index
        %swap3A_991 = tpu.vector_load %arg8[%swap3A_990] {strides = array<i32>} : memref<640xf32, #tpu.memory_space<vmem>>, vector<16xf32>,
        %swap3A_992 = vector.shape_cast %swap3A_991 : vector<16xf32> to vector<16xf32>
        %swap3A_993 = vector.shape_cast %mul3A_985 : vector<16xf32> to vector<16xf32>
        tpu.vector_store %arg8[%swap3A_990], %swap3A_993 {strides = array<i32>} : memref<640xf32, #tpu.memory_space<vmem>>, vector<16xf32>,
        %max3A = arith.maximumf %scan3A_926, %get3A_934 : vector<16xf32>
        %mul3A_994 = arith.mulf %get3A_942, %max3A : vector<16xf32>
        %sub3A_995 = arith.constant 1.000000e+00 : f32
        %sub3A_996 = vector.broadcast %sub3A_995 : f32 to vector<16xf32>
        %sub3A_997 = arith.subf %sub3A_996, %get3A_942 : vector<16xf32>
        %mul3A_998 = arith.mulf %sub3A_997, %scan3A_926 : vector<16xf32>
        %add3A_999 = arith.addf %mul3A_994, %mul3A_998 : vector<16xf32>
        scf.yield %add3A_999 : vector<16xf32>
      }
      %scan3A_118 = arith.constant 20 : i32
      %broadcast_in_dim3A_119 = arith.constant 1.000000e+00 : f32
      %broadcast_in_dim3A_120 = vector.broadcast %broadcast_in_dim3A_119 : f32 to vector<16xf32>
      %scan3A_121 = arith.constant 0 : i32
      %scan3A_122 = arith.constant 20 : i32
      %scan3A_123 = arith.addi %scan3A_121, %scan3A_122 : i32
      %scan3A_124 = arith.constant 1 : i32
      %scan3A_125 = scf.for %scan3A_925 = %scan3A_121 to %scan3A_123 step %scan3A_124 iter_args(%scan3A_926 = %broadcast_in_dim3A_120) -> (vector<16xf32>)  : i32 {
        %add3A_927 = arith.constant 20 : i32
        %add3A_928 = arith.addi %add3A_927, %scan3A_925 : i32
        %mul3A_929 = arith.constant 16 : i32
        %mul3A_930 = arith.muli %add3A_928, %mul3A_929 : i32
        %get3A = arith.index_cast %mul3A_930 : i32 to index
        %get3A_931 = tpu.vector_load %arg8[%get3A] {strides = array<i32>} : memref<640xf32, #tpu.memory_space<vmem>>, vector<16xf32>,
        %get3A_932 = vector.shape_cast %get3A_931 : vector<16xf32> to vector<16xf32>
        %mul3A_933 = arith.mulf %get3A_932, %scan3A_926 : vector<16xf32>
        %add3A_934 = arith.constant 20 : i32
        %add3A_935 = arith.addi %add3A_934, %scan3A_925 : i32
        %mul3A_936 = arith.constant 16 : i32
        %mul3A_937 = arith.muli %add3A_935, %mul3A_936 : i32
        %swap3A_938 = arith.index_cast %mul3A_937 : i32 to index
        %swap3A_939 = tpu.vector_load %arg7[%swap3A_938] {strides = array<i32>} : memref<2240xf32, #tpu.memory_space<vmem>>, vector<16xf32>,
        %swap3A_940 = vector.shape_cast %swap3A_939 : vector<16xf32> to vector<16xf32>
        %swap3A_941 = vector.shape_cast %mul3A_933 : vector<16xf32> to vector<16xf32>
        tpu.vector_store %arg7[%swap3A_938], %swap3A_941 {strides = array<i32>} : memref<2240xf32, #tpu.memory_space<vmem>>, vector<16xf32>,
        %mul3A_942 = arith.constant 16 : i32
        %mul3A_943 = arith.muli %scan3A_925, %mul3A_942 : i32
        %get3A_944 = arith.index_cast %mul3A_943 : i32 to index
        %get3A_945 = tpu.vector_load %arg8[%get3A_944] {strides = array<i32>} : memref<640xf32, #tpu.memory_space<vmem>>, vector<16xf32>,
        %get3A_946 = vector.shape_cast %get3A_945 : vector<16xf32> to vector<16xf32>
        %mul3A_947 = arith.mulf %scan3A_926, %get3A_946 : vector<16xf32>
        scf.yield %mul3A_947 : vector<16xf32>
      }
      %scan3A_126 = arith.constant 20 : i32
      %broadcast_in_dim3A_127 = arith.constant 0.000000e+00 : f32
      %broadcast_in_dim3A_128 = vector.broadcast %broadcast_in_dim3A_127 : f32 to vector<16xf32>
      %scan3A_129 = arith.constant 0 : i32
      %scan3A_130 = arith.constant 20 : i32
      %scan3A_131 = arith.addi %scan3A_129, %scan3A_130 : i32
      %scan3A_132 = arith.constant 1 : i32
      %scan3A_133 = scf.for %scan3A_925 = %scan3A_129 to %scan3A_131 step %scan3A_132 iter_args(%scan3A_926 = %broadcast_in_dim3A_128) -> (vector<16xf32>)  : i32 {
        %sub3A = arith.constant 19 : i32
        %sub3A_927 = arith.subi %sub3A, %scan3A_925 : i32
        %add3A_928 = arith.constant 40 : i32
        %add3A_929 = arith.addi %add3A_928, %sub3A_927 : i32
        %mul3A_930 = arith.constant 16 : i32
        %mul3A_931 = arith.muli %add3A_929, %mul3A_930 : i32
        %add3A_932 = arith.addi %mul3A_95, %mul3A_931 : i32
        %get3A = arith.index_cast %add3A_932 : i32 to index
        %get3A_933 = tpu.vector_load %arg6[%get3A] {strides = array<i32>} : memref<5120xf32, #tpu.memory_space<vmem>>, vector<16xf32>,
        %get3A_934 = vector.shape_cast %get3A_933 : vector<16xf32> to vector<16xf32>
        %add3A_935 = arith.constant 140 : i32
        %add3A_936 = arith.addi %add3A_935, %sub3A_927 : i32
        %mul3A_937 = arith.constant 16 : i32
        %mul3A_938 = arith.muli %add3A_936, %mul3A_937 : i32
        %add3A_939 = arith.addi %mul3A_95, %mul3A_938 : i32
        %get3A_940 = arith.index_cast %add3A_939 : i32 to index
        %get3A_941 = tpu.vector_load %arg6[%get3A_940] {strides = array<i32>} : memref<5120xf32, #tpu.memory_space<vmem>>, vector<16xf32>,
        %get3A_942 = vector.shape_cast %get3A_941 : vector<16xf32> to vector<16xf32>
        %ne3A = arith.constant 0.000000e+00 : f32
        %ne3A_943 = vector.broadcast %ne3A : f32 to vector<16xf32>
        %ne3A_944 = arith.cmpf one, %scan3A_926, %ne3A_943 : vector<16xf32>
        %jit3A = arith.constant 1.000000e+00 : f32
        %jit3A_945 = arith.constant 0.000000e+00 : f32
        %broadcast_in_dim3A_946 = vector.broadcast %jit3A : f32 to vector<16xf32>
        %broadcast_in_dim3A_947 = vector.broadcast %jit3A_945 : f32 to vector<16xf32>
        %select_n3A = arith.select %ne3A_944, %broadcast_in_dim3A_946, %broadcast_in_dim3A_947 : vector<16xi1>, vector<16xf32>
        %ne3A_948 = arith.constant 0.000000e+00 : f32
        %ne3A_949 = vector.broadcast %ne3A_948 : f32 to vector<16xf32>
        %ne3A_950 = arith.cmpf one, %get3A_934, %ne3A_949 : vector<16xf32>
        %jit3A_951 = arith.constant 1.000000e+00 : f32
        %jit3A_952 = arith.constant 0.000000e+00 : f32
        %broadcast_in_dim3A_953 = vector.broadcast %jit3A_951 : f32 to vector<16xf32>
        %broadcast_in_dim3A_954 = vector.broadcast %jit3A_952 : f32 to vector<16xf32>
        %select_n3A_955 = arith.select %ne3A_950, %broadcast_in_dim3A_953, %broadcast_in_dim3A_954 : vector<16xi1>, vector<16xf32>
        %add3A_956 = arith.addf %select_n3A, %select_n3A_955 : vector<16xf32>
        %mul3A_957 = arith.constant 2.000000e+00 : f32
        %mul3A_958 = vector.broadcast %mul3A_957 : f32 to vector<16xf32>
        %mul3A_959 = arith.mulf %mul3A_958, %select_n3A : vector<16xf32>
        %mul3A_960 = arith.mulf %mul3A_959, %select_n3A_955 : vector<16xf32>
        %sub3A_961 = arith.subf %add3A_956, %mul3A_960 : vector<16xf32>
        %mul3A_962 = arith.mulf %scan3A_926, %get3A_934 : vector<16xf32>
        %mul3A_963 = arith.constant 0.899999976 : f32
        %mul3A_964 = vector.broadcast %mul3A_963 : f32 to vector<16xf32>
        %mul3A_965 = arith.mulf %mul3A_962, %mul3A_964 : vector<16xf32>
        %mul3A_966 = arith.mulf %sub3A_961, %scan3A_926 : vector<16xf32>
        %add3A_967 = arith.addf %mul3A_965, %mul3A_966 : vector<16xf32>
        %mul3A_968 = arith.mulf %scan3A_926, %get3A_934 : vector<16xf32>
        %mul3A_969 = arith.constant 1.000000e-01 : f32
        %mul3A_970 = vector.broadcast %mul3A_969 : f32 to vector<16xf32>
        %mul3A_971 = arith.mulf %mul3A_968, %mul3A_970 : vector<16xf32>
        %mul3A_972 = arith.mulf %sub3A_961, %get3A_934 : vector<16xf32>
        %add3A_973 = arith.addf %mul3A_971, %mul3A_972 : vector<16xf32>
        %mul3A_974 = arith.mulf %get3A_942, %add3A_967 : vector<16xf32>
        %sub3A_975 = arith.constant 1.000000e+00 : f32
        %sub3A_976 = vector.broadcast %sub3A_975 : f32 to vector<16xf32>
        %sub3A_977 = arith.subf %sub3A_976, %get3A_942 : vector<16xf32>
        %add3A_978 = arith.addf %mul3A_974, %sub3A_977 : vector<16xf32>
        %mul3A_979 = arith.constant 16 : i32
        %mul3A_980 = arith.muli %sub3A_927, %mul3A_979 : i32
        %swap3A_981 = arith.index_cast %mul3A_980 : i32 to index
        %swap3A_982 = tpu.vector_load %arg8[%swap3A_981] {strides = array<i32>} : memref<640xf32, #tpu.memory_space<vmem>>, vector<16xf32>,
        %swap3A_983 = vector.shape_cast %swap3A_982 : vector<16xf32> to vector<16xf32>
        %swap3A_984 = vector.shape_cast %add3A_978 : vector<16xf32> to vector<16xf32>
        tpu.vector_store %arg8[%swap3A_981], %swap3A_984 {strides = array<i32>} : memref<640xf32, #tpu.memory_space<vmem>>, vector<16xf32>,
        %mul3A_985 = arith.mulf %get3A_942, %add3A_973 : vector<16xf32>
        %add3A_986 = arith.constant 20 : i32
        %add3A_987 = arith.addi %add3A_986, %sub3A_927 : i32
        %mul3A_988 = arith.constant 16 : i32
        %mul3A_989 = arith.muli %add3A_987, %mul3A_988 : i32
        %swap3A_990 = arith.index_cast %mul3A_989 : i32 to index
        %swap3A_991 = tpu.vector_load %arg8[%swap3A_990] {strides = array<i32>} : memref<640xf32, #tpu.memory_space<vmem>>, vector<16xf32>,
        %swap3A_992 = vector.shape_cast %swap3A_991 : vector<16xf32> to vector<16xf32>
        %swap3A_993 = vector.shape_cast %mul3A_985 : vector<16xf32> to vector<16xf32>
        tpu.vector_store %arg8[%swap3A_990], %swap3A_993 {strides = array<i32>} : memref<640xf32, #tpu.memory_space<vmem>>, vector<16xf32>,
        %max3A = arith.maximumf %scan3A_926, %get3A_934 : vector<16xf32>
        %mul3A_994 = arith.mulf %get3A_942, %max3A : vector<16xf32>
        %sub3A_995 = arith.constant 1.000000e+00 : f32
        %sub3A_996 = vector.broadcast %sub3A_995 : f32 to vector<16xf32>
        %sub3A_997 = arith.subf %sub3A_996, %get3A_942 : vector<16xf32>
        %mul3A_998 = arith.mulf %sub3A_997, %scan3A_926 : vector<16xf32>
        %add3A_999 = arith.addf %mul3A_994, %mul3A_998 : vector<16xf32>
        scf.yield %add3A_999 : vector<16xf32>
      }
      %scan3A_134 = arith.constant 20 : i32
      %broadcast_in_dim3A_135 = arith.constant 1.000000e+00 : f32
      %broadcast_in_dim3A_136 = vector.broadcast %broadcast_in_dim3A_135 : f32 to vector<16xf32>
      %scan3A_137 = arith.constant 0 : i32
      %scan3A_138 = arith.constant 20 : i32
      %scan3A_139 = arith.addi %scan3A_137, %scan3A_138 : i32
      %scan3A_140 = arith.constant 1 : i32
      %scan3A_141 = scf.for %scan3A_925 = %scan3A_137 to %scan3A_139 step %scan3A_140 iter_args(%scan3A_926 = %broadcast_in_dim3A_136) -> (vector<16xf32>)  : i32 {
        %add3A_927 = arith.constant 20 : i32
        %add3A_928 = arith.addi %add3A_927, %scan3A_925 : i32
        %mul3A_929 = arith.constant 16 : i32
        %mul3A_930 = arith.muli %add3A_928, %mul3A_929 : i32
        %get3A = arith.index_cast %mul3A_930 : i32 to index
        %get3A_931 = tpu.vector_load %arg8[%get3A] {strides = array<i32>} : memref<640xf32, #tpu.memory_space<vmem>>, vector<16xf32>,
        %get3A_932 = vector.shape_cast %get3A_931 : vector<16xf32> to vector<16xf32>
        %mul3A_933 = arith.mulf %get3A_932, %scan3A_926 : vector<16xf32>
        %add3A_934 = arith.constant 40 : i32
        %add3A_935 = arith.addi %add3A_934, %scan3A_925 : i32
        %mul3A_936 = arith.constant 16 : i32
        %mul3A_937 = arith.muli %add3A_935, %mul3A_936 : i32
        %swap3A_938 = arith.index_cast %mul3A_937 : i32 to index
        %swap3A_939 = tpu.vector_load %arg7[%swap3A_938] {strides = array<i32>} : memref<2240xf32, #tpu.memory_space<vmem>>, vector<16xf32>,
        %swap3A_940 = vector.shape_cast %swap3A_939 : vector<16xf32> to vector<16xf32>
        %swap3A_941 = vector.shape_cast %mul3A_933 : vector<16xf32> to vector<16xf32>
        tpu.vector_store %arg7[%swap3A_938], %swap3A_941 {strides = array<i32>} : memref<2240xf32, #tpu.memory_space<vmem>>, vector<16xf32>,
        %mul3A_942 = arith.constant 16 : i32
        %mul3A_943 = arith.muli %scan3A_925, %mul3A_942 : i32
        %get3A_944 = arith.index_cast %mul3A_943 : i32 to index
        %get3A_945 = tpu.vector_load %arg8[%get3A_944] {strides = array<i32>} : memref<640xf32, #tpu.memory_space<vmem>>, vector<16xf32>,
        %get3A_946 = vector.shape_cast %get3A_945 : vector<16xf32> to vector<16xf32>
        %mul3A_947 = arith.mulf %scan3A_926, %get3A_946 : vector<16xf32>
        scf.yield %mul3A_947 : vector<16xf32>
      }
      %scan3A_142 = arith.constant 20 : i32
      %broadcast_in_dim3A_143 = arith.constant 0.000000e+00 : f32
      %broadcast_in_dim3A_144 = vector.broadcast %broadcast_in_dim3A_143 : f32 to vector<16xf32>
      %scan3A_145 = arith.constant 0 : i32
      %scan3A_146 = arith.constant 20 : i32
      %scan3A_147 = arith.addi %scan3A_145, %scan3A_146 : i32
      %scan3A_148 = arith.constant 1 : i32
      %scan3A_149 = scf.for %scan3A_925 = %scan3A_145 to %scan3A_147 step %scan3A_148 iter_args(%scan3A_926 = %broadcast_in_dim3A_144) -> (vector<16xf32>)  : i32 {
        %sub3A = arith.constant 19 : i32
        %sub3A_927 = arith.subi %sub3A, %scan3A_925 : i32
        %add3A_928 = arith.constant 60 : i32
        %add3A_929 = arith.addi %add3A_928, %sub3A_927 : i32
        %mul3A_930 = arith.constant 16 : i32
        %mul3A_931 = arith.muli %add3A_929, %mul3A_930 : i32
        %add3A_932 = arith.addi %mul3A_95, %mul3A_931 : i32
        %get3A = arith.index_cast %add3A_932 : i32 to index
        %get3A_933 = tpu.vector_load %arg6[%get3A] {strides = array<i32>} : memref<5120xf32, #tpu.memory_space<vmem>>, vector<16xf32>,
        %get3A_934 = vector.shape_cast %get3A_933 : vector<16xf32> to vector<16xf32>
        %add3A_935 = arith.constant 140 : i32
        %add3A_936 = arith.addi %add3A_935, %sub3A_927 : i32
        %mul3A_937 = arith.constant 16 : i32
        %mul3A_938 = arith.muli %add3A_936, %mul3A_937 : i32
        %add3A_939 = arith.addi %mul3A_95, %mul3A_938 : i32
        %get3A_940 = arith.index_cast %add3A_939 : i32 to index
        %get3A_941 = tpu.vector_load %arg6[%get3A_940] {strides = array<i32>} : memref<5120xf32, #tpu.memory_space<vmem>>, vector<16xf32>,
        %get3A_942 = vector.shape_cast %get3A_941 : vector<16xf32> to vector<16xf32>
        %ne3A = arith.constant 0.000000e+00 : f32
        %ne3A_943 = vector.broadcast %ne3A : f32 to vector<16xf32>
        %ne3A_944 = arith.cmpf one, %scan3A_926, %ne3A_943 : vector<16xf32>
        %jit3A = arith.constant 1.000000e+00 : f32
        %jit3A_945 = arith.constant 0.000000e+00 : f32
        %broadcast_in_dim3A_946 = vector.broadcast %jit3A : f32 to vector<16xf32>
        %broadcast_in_dim3A_947 = vector.broadcast %jit3A_945 : f32 to vector<16xf32>
        %select_n3A = arith.select %ne3A_944, %broadcast_in_dim3A_946, %broadcast_in_dim3A_947 : vector<16xi1>, vector<16xf32>
        %ne3A_948 = arith.constant 0.000000e+00 : f32
        %ne3A_949 = vector.broadcast %ne3A_948 : f32 to vector<16xf32>
        %ne3A_950 = arith.cmpf one, %get3A_934, %ne3A_949 : vector<16xf32>
        %jit3A_951 = arith.constant 1.000000e+00 : f32
        %jit3A_952 = arith.constant 0.000000e+00 : f32
        %broadcast_in_dim3A_953 = vector.broadcast %jit3A_951 : f32 to vector<16xf32>
        %broadcast_in_dim3A_954 = vector.broadcast %jit3A_952 : f32 to vector<16xf32>
        %select_n3A_955 = arith.select %ne3A_950, %broadcast_in_dim3A_953, %broadcast_in_dim3A_954 : vector<16xi1>, vector<16xf32>
        %add3A_956 = arith.addf %select_n3A, %select_n3A_955 : vector<16xf32>
        %mul3A_957 = arith.constant 2.000000e+00 : f32
        %mul3A_958 = vector.broadcast %mul3A_957 : f32 to vector<16xf32>
        %mul3A_959 = arith.mulf %mul3A_958, %select_n3A : vector<16xf32>
        %mul3A_960 = arith.mulf %mul3A_959, %select_n3A_955 : vector<16xf32>
        %sub3A_961 = arith.subf %add3A_956, %mul3A_960 : vector<16xf32>
        %mul3A_962 = arith.mulf %scan3A_926, %get3A_934 : vector<16xf32>
        %mul3A_963 = arith.constant 0.899999976 : f32
        %mul3A_964 = vector.broadcast %mul3A_963 : f32 to vector<16xf32>
        %mul3A_965 = arith.mulf %mul3A_962, %mul3A_964 : vector<16xf32>
        %mul3A_966 = arith.mulf %sub3A_961, %scan3A_926 : vector<16xf32>
        %add3A_967 = arith.addf %mul3A_965, %mul3A_966 : vector<16xf32>
        %mul3A_968 = arith.mulf %scan3A_926, %get3A_934 : vector<16xf32>
        %mul3A_969 = arith.constant 1.000000e-01 : f32
        %mul3A_970 = vector.broadcast %mul3A_969 : f32 to vector<16xf32>
        %mul3A_971 = arith.mulf %mul3A_968, %mul3A_970 : vector<16xf32>
        %mul3A_972 = arith.mulf %sub3A_961, %get3A_934 : vector<16xf32>
        %add3A_973 = arith.addf %mul3A_971, %mul3A_972 : vector<16xf32>
        %mul3A_974 = arith.mulf %get3A_942, %add3A_967 : vector<16xf32>
        %sub3A_975 = arith.constant 1.000000e+00 : f32
        %sub3A_976 = vector.broadcast %sub3A_975 : f32 to vector<16xf32>
        %sub3A_977 = arith.subf %sub3A_976, %get3A_942 : vector<16xf32>
        %add3A_978 = arith.addf %mul3A_974, %sub3A_977 : vector<16xf32>
        %mul3A_979 = arith.constant 16 : i32
        %mul3A_980 = arith.muli %sub3A_927, %mul3A_979 : i32
        %swap3A_981 = arith.index_cast %mul3A_980 : i32 to index
        %swap3A_982 = tpu.vector_load %arg8[%swap3A_981] {strides = array<i32>} : memref<640xf32, #tpu.memory_space<vmem>>, vector<16xf32>,
        %swap3A_983 = vector.shape_cast %swap3A_982 : vector<16xf32> to vector<16xf32>
        %swap3A_984 = vector.shape_cast %add3A_978 : vector<16xf32> to vector<16xf32>
        tpu.vector_store %arg8[%swap3A_981], %swap3A_984 {strides = array<i32>} : memref<640xf32, #tpu.memory_space<vmem>>, vector<16xf32>,
        %mul3A_985 = arith.mulf %get3A_942, %add3A_973 : vector<16xf32>
        %add3A_986 = arith.constant 20 : i32
        %add3A_987 = arith.addi %add3A_986, %sub3A_927 : i32
        %mul3A_988 = arith.constant 16 : i32
        %mul3A_989 = arith.muli %add3A_987, %mul3A_988 : i32
        %swap3A_990 = arith.index_cast %mul3A_989 : i32 to index
        %swap3A_991 = tpu.vector_load %arg8[%swap3A_990] {strides = array<i32>} : memref<640xf32, #tpu.memory_space<vmem>>, vector<16xf32>,
        %swap3A_992 = vector.shape_cast %swap3A_991 : vector<16xf32> to vector<16xf32>
        %swap3A_993 = vector.shape_cast %mul3A_985 : vector<16xf32> to vector<16xf32>
        tpu.vector_store %arg8[%swap3A_990], %swap3A_993 {strides = array<i32>} : memref<640xf32, #tpu.memory_space<vmem>>, vector<16xf32>,
        %max3A = arith.maximumf %scan3A_926, %get3A_934 : vector<16xf32>
        %mul3A_994 = arith.mulf %get3A_942, %max3A : vector<16xf32>
        %sub3A_995 = arith.constant 1.000000e+00 : f32
        %sub3A_996 = vector.broadcast %sub3A_995 : f32 to vector<16xf32>
        %sub3A_997 = arith.subf %sub3A_996, %get3A_942 : vector<16xf32>
        %mul3A_998 = arith.mulf %sub3A_997, %scan3A_926 : vector<16xf32>
        %add3A_999 = arith.addf %mul3A_994, %mul3A_998 : vector<16xf32>
        scf.yield %add3A_999 : vector<16xf32>
      }
      %scan3A_150 = arith.constant 20 : i32
      %broadcast_in_dim3A_151 = arith.constant 1.000000e+00 : f32
      %broadcast_in_dim3A_152 = vector.broadcast %broadcast_in_dim3A_151 : f32 to vector<16xf32>
      %scan3A_153 = arith.constant 0 : i32
      %scan3A_154 = arith.constant 20 : i32
      %scan3A_155 = arith.addi %scan3A_153, %scan3A_154 : i32
      %scan3A_156 = arith.constant 1 : i32
      %scan3A_157 = scf.for %scan3A_925 = %scan3A_153 to %scan3A_155 step %scan3A_156 iter_args(%scan3A_926 = %broadcast_in_dim3A_152) -> (vector<16xf32>)  : i32 {
        %add3A_927 = arith.constant 20 : i32
        %add3A_928 = arith.addi %add3A_927, %scan3A_925 : i32
        %mul3A_929 = arith.constant 16 : i32
        %mul3A_930 = arith.muli %add3A_928, %mul3A_929 : i32
        %get3A = arith.index_cast %mul3A_930 : i32 to index
        %get3A_931 = tpu.vector_load %arg8[%get3A] {strides = array<i32>} : memref<640xf32, #tpu.memory_space<vmem>>, vector<16xf32>,
        %get3A_932 = vector.shape_cast %get3A_931 : vector<16xf32> to vector<16xf32>
        %mul3A_933 = arith.mulf %get3A_932, %scan3A_926 : vector<16xf32>
        %add3A_934 = arith.constant 60 : i32
        %add3A_935 = arith.addi %add3A_934, %scan3A_925 : i32
        %mul3A_936 = arith.constant 16 : i32
        %mul3A_937 = arith.muli %add3A_935, %mul3A_936 : i32
        %swap3A_938 = arith.index_cast %mul3A_937 : i32 to index
        %swap3A_939 = tpu.vector_load %arg7[%swap3A_938] {strides = array<i32>} : memref<2240xf32, #tpu.memory_space<vmem>>, vector<16xf32>,
        %swap3A_940 = vector.shape_cast %swap3A_939 : vector<16xf32> to vector<16xf32>
        %swap3A_941 = vector.shape_cast %mul3A_933 : vector<16xf32> to vector<16xf32>
        tpu.vector_store %arg7[%swap3A_938], %swap3A_941 {strides = array<i32>} : memref<2240xf32, #tpu.memory_space<vmem>>, vector<16xf32>,
        %mul3A_942 = arith.constant 16 : i32
        %mul3A_943 = arith.muli %scan3A_925, %mul3A_942 : i32
        %get3A_944 = arith.index_cast %mul3A_943 : i32 to index
        %get3A_945 = tpu.vector_load %arg8[%get3A_944] {strides = array<i32>} : memref<640xf32, #tpu.memory_space<vmem>>, vector<16xf32>,
        %get3A_946 = vector.shape_cast %get3A_945 : vector<16xf32> to vector<16xf32>
        %mul3A_947 = arith.mulf %scan3A_926, %get3A_946 : vector<16xf32>
        scf.yield %mul3A_947 : vector<16xf32>
      }
      %scan3A_158 = arith.constant 20 : i32
      %broadcast_in_dim3A_159 = arith.constant 0.000000e+00 : f32
      %broadcast_in_dim3A_160 = vector.broadcast %broadcast_in_dim3A_159 : f32 to vector<16xf32>
      %scan3A_161 = arith.constant 0 : i32
      %scan3A_162 = arith.constant 20 : i32
      %scan3A_163 = arith.addi %scan3A_161, %scan3A_162 : i32
      %scan3A_164 = arith.constant 1 : i32
      %scan3A_165 = scf.for %scan3A_925 = %scan3A_161 to %scan3A_163 step %scan3A_164 iter_args(%scan3A_926 = %broadcast_in_dim3A_160) -> (vector<16xf32>)  : i32 {
        %sub3A = arith.constant 19 : i32
        %sub3A_927 = arith.subi %sub3A, %scan3A_925 : i32
        %add3A_928 = arith.constant 80 : i32
        %add3A_929 = arith.addi %add3A_928, %sub3A_927 : i32
        %mul3A_930 = arith.constant 16 : i32
        %mul3A_931 = arith.muli %add3A_929, %mul3A_930 : i32
        %add3A_932 = arith.addi %mul3A_95, %mul3A_931 : i32
        %get3A = arith.index_cast %add3A_932 : i32 to index
        %get3A_933 = tpu.vector_load %arg6[%get3A] {strides = array<i32>} : memref<5120xf32, #tpu.memory_space<vmem>>, vector<16xf32>,
        %get3A_934 = vector.shape_cast %get3A_933 : vector<16xf32> to vector<16xf32>
        %add3A_935 = arith.constant 140 : i32
        %add3A_936 = arith.addi %add3A_935, %sub3A_927 : i32
        %mul3A_937 = arith.constant 16 : i32
        %mul3A_938 = arith.muli %add3A_936, %mul3A_937 : i32
        %add3A_939 = arith.addi %mul3A_95, %mul3A_938 : i32
        %get3A_940 = arith.index_cast %add3A_939 : i32 to index
        %get3A_941 = tpu.vector_load %arg6[%get3A_940] {strides = array<i32>} : memref<5120xf32, #tpu.memory_space<vmem>>, vector<16xf32>,
        %get3A_942 = vector.shape_cast %get3A_941 : vector<16xf32> to vector<16xf32>
        %ne3A = arith.constant 0.000000e+00 : f32
        %ne3A_943 = vector.broadcast %ne3A : f32 to vector<16xf32>
        %ne3A_944 = arith.cmpf one, %scan3A_926, %ne3A_943 : vector<16xf32>
        %jit3A = arith.constant 1.000000e+00 : f32
        %jit3A_945 = arith.constant 0.000000e+00 : f32
        %broadcast_in_dim3A_946 = vector.broadcast %jit3A : f32 to vector<16xf32>
        %broadcast_in_dim3A_947 = vector.broadcast %jit3A_945 : f32 to vector<16xf32>
        %select_n3A = arith.select %ne3A_944, %broadcast_in_dim3A_946, %broadcast_in_dim3A_947 : vector<16xi1>, vector<16xf32>
        %ne3A_948 = arith.constant 0.000000e+00 : f32
        %ne3A_949 = vector.broadcast %ne3A_948 : f32 to vector<16xf32>
        %ne3A_950 = arith.cmpf one, %get3A_934, %ne3A_949 : vector<16xf32>
        %jit3A_951 = arith.constant 1.000000e+00 : f32
        %jit3A_952 = arith.constant 0.000000e+00 : f32
        %broadcast_in_dim3A_953 = vector.broadcast %jit3A_951 : f32 to vector<16xf32>
        %broadcast_in_dim3A_954 = vector.broadcast %jit3A_952 : f32 to vector<16xf32>
        %select_n3A_955 = arith.select %ne3A_950, %broadcast_in_dim3A_953, %broadcast_in_dim3A_954 : vector<16xi1>, vector<16xf32>
        %add3A_956 = arith.addf %select_n3A, %select_n3A_955 : vector<16xf32>
        %mul3A_957 = arith.constant 2.000000e+00 : f32
        %mul3A_958 = vector.broadcast %mul3A_957 : f32 to vector<16xf32>
        %mul3A_959 = arith.mulf %mul3A_958, %select_n3A : vector<16xf32>
        %mul3A_960 = arith.mulf %mul3A_959, %select_n3A_955 : vector<16xf32>
        %sub3A_961 = arith.subf %add3A_956, %mul3A_960 : vector<16xf32>
        %mul3A_962 = arith.mulf %scan3A_926, %get3A_934 : vector<16xf32>
        %mul3A_963 = arith.constant 0.899999976 : f32
        %mul3A_964 = vector.broadcast %mul3A_963 : f32 to vector<16xf32>
        %mul3A_965 = arith.mulf %mul3A_962, %mul3A_964 : vector<16xf32>
        %mul3A_966 = arith.mulf %sub3A_961, %scan3A_926 : vector<16xf32>
        %add3A_967 = arith.addf %mul3A_965, %mul3A_966 : vector<16xf32>
        %mul3A_968 = arith.mulf %scan3A_926, %get3A_934 : vector<16xf32>
        %mul3A_969 = arith.constant 1.000000e-01 : f32
        %mul3A_970 = vector.broadcast %mul3A_969 : f32 to vector<16xf32>
        %mul3A_971 = arith.mulf %mul3A_968, %mul3A_970 : vector<16xf32>
        %mul3A_972 = arith.mulf %sub3A_961, %get3A_934 : vector<16xf32>
        %add3A_973 = arith.addf %mul3A_971, %mul3A_972 : vector<16xf32>
        %mul3A_974 = arith.mulf %get3A_942, %add3A_967 : vector<16xf32>
        %sub3A_975 = arith.constant 1.000000e+00 : f32
        %sub3A_976 = vector.broadcast %sub3A_975 : f32 to vector<16xf32>
        %sub3A_977 = arith.subf %sub3A_976, %get3A_942 : vector<16xf32>
        %add3A_978 = arith.addf %mul3A_974, %sub3A_977 : vector<16xf32>
        %mul3A_979 = arith.constant 16 : i32
        %mul3A_980 = arith.muli %sub3A_927, %mul3A_979 : i32
        %swap3A_981 = arith.index_cast %mul3A_980 : i32 to index
        %swap3A_982 = tpu.vector_load %arg8[%swap3A_981] {strides = array<i32>} : memref<640xf32, #tpu.memory_space<vmem>>, vector<16xf32>,
        %swap3A_983 = vector.shape_cast %swap3A_982 : vector<16xf32> to vector<16xf32>
        %swap3A_984 = vector.shape_cast %add3A_978 : vector<16xf32> to vector<16xf32>
        tpu.vector_store %arg8[%swap3A_981], %swap3A_984 {strides = array<i32>} : memref<640xf32, #tpu.memory_space<vmem>>, vector<16xf32>,
        %mul3A_985 = arith.mulf %get3A_942, %add3A_973 : vector<16xf32>
        %add3A_986 = arith.constant 20 : i32
        %add3A_987 = arith.addi %add3A_986, %sub3A_927 : i32
        %mul3A_988 = arith.constant 16 : i32
        %mul3A_989 = arith.muli %add3A_987, %mul3A_988 : i32
        %swap3A_990 = arith.index_cast %mul3A_989 : i32 to index
        %swap3A_991 = tpu.vector_load %arg8[%swap3A_990] {strides = array<i32>} : memref<640xf32, #tpu.memory_space<vmem>>, vector<16xf32>,
        %swap3A_992 = vector.shape_cast %swap3A_991 : vector<16xf32> to vector<16xf32>
        %swap3A_993 = vector.shape_cast %mul3A_985 : vector<16xf32> to vector<16xf32>
        tpu.vector_store %arg8[%swap3A_990], %swap3A_993 {strides = array<i32>} : memref<640xf32, #tpu.memory_space<vmem>>, vector<16xf32>,
        %max3A = arith.maximumf %scan3A_926, %get3A_934 : vector<16xf32>
        %mul3A_994 = arith.mulf %get3A_942, %max3A : vector<16xf32>
        %sub3A_995 = arith.constant 1.000000e+00 : f32
        %sub3A_996 = vector.broadcast %sub3A_995 : f32 to vector<16xf32>
        %sub3A_997 = arith.subf %sub3A_996, %get3A_942 : vector<16xf32>
        %mul3A_998 = arith.mulf %sub3A_997, %scan3A_926 : vector<16xf32>
        %add3A_999 = arith.addf %mul3A_994, %mul3A_998 : vector<16xf32>
        scf.yield %add3A_999 : vector<16xf32>
      }
      %scan3A_166 = arith.constant 20 : i32
      %broadcast_in_dim3A_167 = arith.constant 1.000000e+00 : f32
      %broadcast_in_dim3A_168 = vector.broadcast %broadcast_in_dim3A_167 : f32 to vector<16xf32>
      %scan3A_169 = arith.constant 0 : i32
      %scan3A_170 = arith.constant 20 : i32
      %scan3A_171 = arith.addi %scan3A_169, %scan3A_170 : i32
      %scan3A_172 = arith.constant 1 : i32
      %scan3A_173 = scf.for %scan3A_925 = %scan3A_169 to %scan3A_171 step %scan3A_172 iter_args(%scan3A_926 = %broadcast_in_dim3A_168) -> (vector<16xf32>)  : i32 {
        %add3A_927 = arith.constant 20 : i32
        %add3A_928 = arith.addi %add3A_927, %scan3A_925 : i32
        %mul3A_929 = arith.constant 16 : i32
        %mul3A_930 = arith.muli %add3A_928, %mul3A_929 : i32
        %get3A = arith.index_cast %mul3A_930 : i32 to index
        %get3A_931 = tpu.vector_load %arg8[%get3A] {strides = array<i32>} : memref<640xf32, #tpu.memory_space<vmem>>, vector<16xf32>,
        %get3A_932 = vector.shape_cast %get3A_931 : vector<16xf32> to vector<16xf32>
        %mul3A_933 = arith.mulf %get3A_932, %scan3A_926 : vector<16xf32>
        %add3A_934 = arith.constant 80 : i32
        %add3A_935 = arith.addi %add3A_934, %scan3A_925 : i32
        %mul3A_936 = arith.constant 16 : i32
        %mul3A_937 = arith.muli %add3A_935, %mul3A_936 : i32
        %swap3A_938 = arith.index_cast %mul3A_937 : i32 to index
        %swap3A_939 = tpu.vector_load %arg7[%swap3A_938] {strides = array<i32>} : memref<2240xf32, #tpu.memory_space<vmem>>, vector<16xf32>,
        %swap3A_940 = vector.shape_cast %swap3A_939 : vector<16xf32> to vector<16xf32>
        %swap3A_941 = vector.shape_cast %mul3A_933 : vector<16xf32> to vector<16xf32>
        tpu.vector_store %arg7[%swap3A_938], %swap3A_941 {strides = array<i32>} : memref<2240xf32, #tpu.memory_space<vmem>>, vector<16xf32>,
        %mul3A_942 = arith.constant 16 : i32
        %mul3A_943 = arith.muli %scan3A_925, %mul3A_942 : i32
        %get3A_944 = arith.index_cast %mul3A_943 : i32 to index
        %get3A_945 = tpu.vector_load %arg8[%get3A_944] {strides = array<i32>} : memref<640xf32, #tpu.memory_space<vmem>>, vector<16xf32>,
        %get3A_946 = vector.shape_cast %get3A_945 : vector<16xf32> to vector<16xf32>
        %mul3A_947 = arith.mulf %scan3A_926, %get3A_946 : vector<16xf32>
        scf.yield %mul3A_947 : vector<16xf32>
      }
      %scan3A_174 = arith.constant 20 : i32
      %broadcast_in_dim3A_175 = arith.constant 0.000000e+00 : f32
      %broadcast_in_dim3A_176 = vector.broadcast %broadcast_in_dim3A_175 : f32 to vector<16xf32>
      %scan3A_177 = arith.constant 0 : i32
      %scan3A_178 = arith.constant 20 : i32
      %scan3A_179 = arith.addi %scan3A_177, %scan3A_178 : i32
      %scan3A_180 = arith.constant 1 : i32
      %scan3A_181 = scf.for %scan3A_925 = %scan3A_177 to %scan3A_179 step %scan3A_180 iter_args(%scan3A_926 = %broadcast_in_dim3A_176) -> (vector<16xf32>)  : i32 {
        %sub3A = arith.constant 19 : i32
        %sub3A_927 = arith.subi %sub3A, %scan3A_925 : i32
        %add3A_928 = arith.constant 100 : i32
        %add3A_929 = arith.addi %add3A_928, %sub3A_927 : i32
        %mul3A_930 = arith.constant 16 : i32
        %mul3A_931 = arith.muli %add3A_929, %mul3A_930 : i32
        %add3A_932 = arith.addi %mul3A_95, %mul3A_931 : i32
        %get3A = arith.index_cast %add3A_932 : i32 to index
        %get3A_933 = tpu.vector_load %arg6[%get3A] {strides = array<i32>} : memref<5120xf32, #tpu.memory_space<vmem>>, vector<16xf32>,
        %get3A_934 = vector.shape_cast %get3A_933 : vector<16xf32> to vector<16xf32>
        %add3A_935 = arith.constant 140 : i32
        %add3A_936 = arith.addi %add3A_935, %sub3A_927 : i32
        %mul3A_937 = arith.constant 16 : i32
        %mul3A_938 = arith.muli %add3A_936, %mul3A_937 : i32
        %add3A_939 = arith.addi %mul3A_95, %mul3A_938 : i32
        %get3A_940 = arith.index_cast %add3A_939 : i32 to index
        %get3A_941 = tpu.vector_load %arg6[%get3A_940] {strides = array<i32>} : memref<5120xf32, #tpu.memory_space<vmem>>, vector<16xf32>,
        %get3A_942 = vector.shape_cast %get3A_941 : vector<16xf32> to vector<16xf32>
        %ne3A = arith.constant 0.000000e+00 : f32
        %ne3A_943 = vector.broadcast %ne3A : f32 to vector<16xf32>
        %ne3A_944 = arith.cmpf one, %scan3A_926, %ne3A_943 : vector<16xf32>
        %jit3A = arith.constant 1.000000e+00 : f32
        %jit3A_945 = arith.constant 0.000000e+00 : f32
        %broadcast_in_dim3A_946 = vector.broadcast %jit3A : f32 to vector<16xf32>
        %broadcast_in_dim3A_947 = vector.broadcast %jit3A_945 : f32 to vector<16xf32>
        %select_n3A = arith.select %ne3A_944, %broadcast_in_dim3A_946, %broadcast_in_dim3A_947 : vector<16xi1>, vector<16xf32>
        %ne3A_948 = arith.constant 0.000000e+00 : f32
        %ne3A_949 = vector.broadcast %ne3A_948 : f32 to vector<16xf32>
        %ne3A_950 = arith.cmpf one, %get3A_934, %ne3A_949 : vector<16xf32>
        %jit3A_951 = arith.constant 1.000000e+00 : f32
        %jit3A_952 = arith.constant 0.000000e+00 : f32
        %broadcast_in_dim3A_953 = vector.broadcast %jit3A_951 : f32 to vector<16xf32>
        %broadcast_in_dim3A_954 = vector.broadcast %jit3A_952 : f32 to vector<16xf32>
        %select_n3A_955 = arith.select %ne3A_950, %broadcast_in_dim3A_953, %broadcast_in_dim3A_954 : vector<16xi1>, vector<16xf32>
        %add3A_956 = arith.addf %select_n3A, %select_n3A_955 : vector<16xf32>
        %mul3A_957 = arith.constant 2.000000e+00 : f32
        %mul3A_958 = vector.broadcast %mul3A_957 : f32 to vector<16xf32>
        %mul3A_959 = arith.mulf %mul3A_958, %select_n3A : vector<16xf32>
        %mul3A_960 = arith.mulf %mul3A_959, %select_n3A_955 : vector<16xf32>
        %sub3A_961 = arith.subf %add3A_956, %mul3A_960 : vector<16xf32>
        %mul3A_962 = arith.mulf %scan3A_926, %get3A_934 : vector<16xf32>
        %mul3A_963 = arith.constant 0.899999976 : f32
        %mul3A_964 = vector.broadcast %mul3A_963 : f32 to vector<16xf32>
        %mul3A_965 = arith.mulf %mul3A_962, %mul3A_964 : vector<16xf32>
        %mul3A_966 = arith.mulf %sub3A_961, %scan3A_926 : vector<16xf32>
        %add3A_967 = arith.addf %mul3A_965, %mul3A_966 : vector<16xf32>
        %mul3A_968 = arith.mulf %scan3A_926, %get3A_934 : vector<16xf32>
        %mul3A_969 = arith.constant 1.000000e-01 : f32
        %mul3A_970 = vector.broadcast %mul3A_969 : f32 to vector<16xf32>
        %mul3A_971 = arith.mulf %mul3A_968, %mul3A_970 : vector<16xf32>
        %mul3A_972 = arith.mulf %sub3A_961, %get3A_934 : vector<16xf32>
        %add3A_973 = arith.addf %mul3A_971, %mul3A_972 : vector<16xf32>
        %mul3A_974 = arith.mulf %get3A_942, %add3A_967 : vector<16xf32>
        %sub3A_975 = arith.constant 1.000000e+00 : f32
        %sub3A_976 = vector.broadcast %sub3A_975 : f32 to vector<16xf32>
        %sub3A_977 = arith.subf %sub3A_976, %get3A_942 : vector<16xf32>
        %add3A_978 = arith.addf %mul3A_974, %sub3A_977 : vector<16xf32>
        %mul3A_979 = arith.constant 16 : i32
        %mul3A_980 = arith.muli %sub3A_927, %mul3A_979 : i32
        %swap3A_981 = arith.index_cast %mul3A_980 : i32 to index
        %swap3A_982 = tpu.vector_load %arg8[%swap3A_981] {strides = array<i32>} : memref<640xf32, #tpu.memory_space<vmem>>, vector<16xf32>,
        %swap3A_983 = vector.shape_cast %swap3A_982 : vector<16xf32> to vector<16xf32>
        %swap3A_984 = vector.shape_cast %add3A_978 : vector<16xf32> to vector<16xf32>
        tpu.vector_store %arg8[%swap3A_981], %swap3A_984 {strides = array<i32>} : memref<640xf32, #tpu.memory_space<vmem>>, vector<16xf32>,
        %mul3A_985 = arith.mulf %get3A_942, %add3A_973 : vector<16xf32>
        %add3A_986 = arith.constant 20 : i32
        %add3A_987 = arith.addi %add3A_986, %sub3A_927 : i32
        %mul3A_988 = arith.constant 16 : i32
        %mul3A_989 = arith.muli %add3A_987, %mul3A_988 : i32
        %swap3A_990 = arith.index_cast %mul3A_989 : i32 to index
        %swap3A_991 = tpu.vector_load %arg8[%swap3A_990] {strides = array<i32>} : memref<640xf32, #tpu.memory_space<vmem>>, vector<16xf32>,
        %swap3A_992 = vector.shape_cast %swap3A_991 : vector<16xf32> to vector<16xf32>
        %swap3A_993 = vector.shape_cast %mul3A_985 : vector<16xf32> to vector<16xf32>
        tpu.vector_store %arg8[%swap3A_990], %swap3A_993 {strides = array<i32>} : memref<640xf32, #tpu.memory_space<vmem>>, vector<16xf32>,
        %max3A = arith.maximumf %scan3A_926, %get3A_934 : vector<16xf32>
        %mul3A_994 = arith.mulf %get3A_942, %max3A : vector<16xf32>
        %sub3A_995 = arith.constant 1.000000e+00 : f32
        %sub3A_996 = vector.broadcast %sub3A_995 : f32 to vector<16xf32>
        %sub3A_997 = arith.subf %sub3A_996, %get3A_942 : vector<16xf32>
        %mul3A_998 = arith.mulf %sub3A_997, %scan3A_926 : vector<16xf32>
        %add3A_999 = arith.addf %mul3A_994, %mul3A_998 : vector<16xf32>
        scf.yield %add3A_999 : vector<16xf32>
      }
      %scan3A_182 = arith.constant 20 : i32
      %broadcast_in_dim3A_183 = arith.constant 1.000000e+00 : f32
      %broadcast_in_dim3A_184 = vector.broadcast %broadcast_in_dim3A_183 : f32 to vector<16xf32>
      %scan3A_185 = arith.constant 0 : i32
      %scan3A_186 = arith.constant 20 : i32
      %scan3A_187 = arith.addi %scan3A_185, %scan3A_186 : i32
      %scan3A_188 = arith.constant 1 : i32
      %scan3A_189 = scf.for %scan3A_925 = %scan3A_185 to %scan3A_187 step %scan3A_188 iter_args(%scan3A_926 = %broadcast_in_dim3A_184) -> (vector<16xf32>)  : i32 {
        %add3A_927 = arith.constant 20 : i32
        %add3A_928 = arith.addi %add3A_927, %scan3A_925 : i32
        %mul3A_929 = arith.constant 16 : i32
        %mul3A_930 = arith.muli %add3A_928, %mul3A_929 : i32
        %get3A = arith.index_cast %mul3A_930 : i32 to index
        %get3A_931 = tpu.vector_load %arg8[%get3A] {strides = array<i32>} : memref<640xf32, #tpu.memory_space<vmem>>, vector<16xf32>,
        %get3A_932 = vector.shape_cast %get3A_931 : vector<16xf32> to vector<16xf32>
        %mul3A_933 = arith.mulf %get3A_932, %scan3A_926 : vector<16xf32>
        %add3A_934 = arith.constant 100 : i32
        %add3A_935 = arith.addi %add3A_934, %scan3A_925 : i32
        %mul3A_936 = arith.constant 16 : i32
        %mul3A_937 = arith.muli %add3A_935, %mul3A_936 : i32
        %swap3A_938 = arith.index_cast %mul3A_937 : i32 to index
        %swap3A_939 = tpu.vector_load %arg7[%swap3A_938] {strides = array<i32>} : memref<2240xf32, #tpu.memory_space<vmem>>, vector<16xf32>,
        %swap3A_940 = vector.shape_cast %swap3A_939 : vector<16xf32> to vector<16xf32>
        %swap3A_941 = vector.shape_cast %mul3A_933 : vector<16xf32> to vector<16xf32>
        tpu.vector_store %arg7[%swap3A_938], %swap3A_941 {strides = array<i32>} : memref<2240xf32, #tpu.memory_space<vmem>>, vector<16xf32>,
        %mul3A_942 = arith.constant 16 : i32
        %mul3A_943 = arith.muli %scan3A_925, %mul3A_942 : i32
        %get3A_944 = arith.index_cast %mul3A_943 : i32 to index
        %get3A_945 = tpu.vector_load %arg8[%get3A_944] {strides = array<i32>} : memref<640xf32, #tpu.memory_space<vmem>>, vector<16xf32>,
        %get3A_946 = vector.shape_cast %get3A_945 : vector<16xf32> to vector<16xf32>
        %mul3A_947 = arith.mulf %scan3A_926, %get3A_946 : vector<16xf32>
        scf.yield %mul3A_947 : vector<16xf32>
      }
      %scan3A_190 = arith.constant 20 : i32
      %broadcast_in_dim3A_191 = arith.constant 0.000000e+00 : f32
      %broadcast_in_dim3A_192 = vector.broadcast %broadcast_in_dim3A_191 : f32 to vector<16xf32>
      %scan3A_193 = arith.constant 0 : i32
      %scan3A_194 = arith.constant 20 : i32
      %scan3A_195 = arith.addi %scan3A_193, %scan3A_194 : i32
      %scan3A_196 = arith.constant 1 : i32
      %scan3A_197 = scf.for %scan3A_925 = %scan3A_193 to %scan3A_195 step %scan3A_196 iter_args(%scan3A_926 = %broadcast_in_dim3A_192) -> (vector<16xf32>)  : i32 {
        %sub3A = arith.constant 19 : i32
        %sub3A_927 = arith.subi %sub3A, %scan3A_925 : i32
        %add3A_928 = arith.constant 120 : i32
        %add3A_929 = arith.addi %add3A_928, %sub3A_927 : i32
        %mul3A_930 = arith.constant 16 : i32
        %mul3A_931 = arith.muli %add3A_929, %mul3A_930 : i32
        %add3A_932 = arith.addi %mul3A_95, %mul3A_931 : i32
        %get3A = arith.index_cast %add3A_932 : i32 to index
        %get3A_933 = tpu.vector_load %arg6[%get3A] {strides = array<i32>} : memref<5120xf32, #tpu.memory_space<vmem>>, vector<16xf32>,
        %get3A_934 = vector.shape_cast %get3A_933 : vector<16xf32> to vector<16xf32>
        %add3A_935 = arith.constant 140 : i32
        %add3A_936 = arith.addi %add3A_935, %sub3A_927 : i32
        %mul3A_937 = arith.constant 16 : i32
        %mul3A_938 = arith.muli %add3A_936, %mul3A_937 : i32
        %add3A_939 = arith.addi %mul3A_95, %mul3A_938 : i32
        %get3A_940 = arith.index_cast %add3A_939 : i32 to index
        %get3A_941 = tpu.vector_load %arg6[%get3A_940] {strides = array<i32>} : memref<5120xf32, #tpu.memory_space<vmem>>, vector<16xf32>,
        %get3A_942 = vector.shape_cast %get3A_941 : vector<16xf32> to vector<16xf32>
        %ne3A = arith.constant 0.000000e+00 : f32
        %ne3A_943 = vector.broadcast %ne3A : f32 to vector<16xf32>
        %ne3A_944 = arith.cmpf one, %scan3A_926, %ne3A_943 : vector<16xf32>
        %jit3A = arith.constant 1.000000e+00 : f32
        %jit3A_945 = arith.constant 0.000000e+00 : f32
        %broadcast_in_dim3A_946 = vector.broadcast %jit3A : f32 to vector<16xf32>
        %broadcast_in_dim3A_947 = vector.broadcast %jit3A_945 : f32 to vector<16xf32>
        %select_n3A = arith.select %ne3A_944, %broadcast_in_dim3A_946, %broadcast_in_dim3A_947 : vector<16xi1>, vector<16xf32>
        %ne3A_948 = arith.constant 0.000000e+00 : f32
        %ne3A_949 = vector.broadcast %ne3A_948 : f32 to vector<16xf32>
        %ne3A_950 = arith.cmpf one, %get3A_934, %ne3A_949 : vector<16xf32>
        %jit3A_951 = arith.constant 1.000000e+00 : f32
        %jit3A_952 = arith.constant 0.000000e+00 : f32
        %broadcast_in_dim3A_953 = vector.broadcast %jit3A_951 : f32 to vector<16xf32>
        %broadcast_in_dim3A_954 = vector.broadcast %jit3A_952 : f32 to vector<16xf32>
        %select_n3A_955 = arith.select %ne3A_950, %broadcast_in_dim3A_953, %broadcast_in_dim3A_954 : vector<16xi1>, vector<16xf32>
        %add3A_956 = arith.addf %select_n3A, %select_n3A_955 : vector<16xf32>
        %mul3A_957 = arith.constant 2.000000e+00 : f32
        %mul3A_958 = vector.broadcast %mul3A_957 : f32 to vector<16xf32>
        %mul3A_959 = arith.mulf %mul3A_958, %select_n3A : vector<16xf32>
        %mul3A_960 = arith.mulf %mul3A_959, %select_n3A_955 : vector<16xf32>
        %sub3A_961 = arith.subf %add3A_956, %mul3A_960 : vector<16xf32>
        %mul3A_962 = arith.mulf %scan3A_926, %get3A_934 : vector<16xf32>
        %mul3A_963 = arith.constant 0.899999976 : f32
        %mul3A_964 = vector.broadcast %mul3A_963 : f32 to vector<16xf32>
        %mul3A_965 = arith.mulf %mul3A_962, %mul3A_964 : vector<16xf32>
        %mul3A_966 = arith.mulf %sub3A_961, %scan3A_926 : vector<16xf32>
        %add3A_967 = arith.addf %mul3A_965, %mul3A_966 : vector<16xf32>
        %mul3A_968 = arith.mulf %scan3A_926, %get3A_934 : vector<16xf32>
        %mul3A_969 = arith.constant 1.000000e-01 : f32
        %mul3A_970 = vector.broadcast %mul3A_969 : f32 to vector<16xf32>
        %mul3A_971 = arith.mulf %mul3A_968, %mul3A_970 : vector<16xf32>
        %mul3A_972 = arith.mulf %sub3A_961, %get3A_934 : vector<16xf32>
        %add3A_973 = arith.addf %mul3A_971, %mul3A_972 : vector<16xf32>
        %mul3A_974 = arith.mulf %get3A_942, %add3A_967 : vector<16xf32>
        %sub3A_975 = arith.constant 1.000000e+00 : f32
        %sub3A_976 = vector.broadcast %sub3A_975 : f32 to vector<16xf32>
        %sub3A_977 = arith.subf %sub3A_976, %get3A_942 : vector<16xf32>
        %add3A_978 = arith.addf %mul3A_974, %sub3A_977 : vector<16xf32>
        %mul3A_979 = arith.constant 16 : i32
        %mul3A_980 = arith.muli %sub3A_927, %mul3A_979 : i32
        %swap3A_981 = arith.index_cast %mul3A_980 : i32 to index
        %swap3A_982 = tpu.vector_load %arg8[%swap3A_981] {strides = array<i32>} : memref<640xf32, #tpu.memory_space<vmem>>, vector<16xf32>,
        %swap3A_983 = vector.shape_cast %swap3A_982 : vector<16xf32> to vector<16xf32>
        %swap3A_984 = vector.shape_cast %add3A_978 : vector<16xf32> to vector<16xf32>
        tpu.vector_store %arg8[%swap3A_981], %swap3A_984 {strides = array<i32>} : memref<640xf32, #tpu.memory_space<vmem>>, vector<16xf32>,
        %mul3A_985 = arith.mulf %get3A_942, %add3A_973 : vector<16xf32>
        %add3A_986 = arith.constant 20 : i32
        %add3A_987 = arith.addi %add3A_986, %sub3A_927 : i32
        %mul3A_988 = arith.constant 16 : i32
        %mul3A_989 = arith.muli %add3A_987, %mul3A_988 : i32
        %swap3A_990 = arith.index_cast %mul3A_989 : i32 to index
        %swap3A_991 = tpu.vector_load %arg8[%swap3A_990] {strides = array<i32>} : memref<640xf32, #tpu.memory_space<vmem>>, vector<16xf32>,
        %swap3A_992 = vector.shape_cast %swap3A_991 : vector<16xf32> to vector<16xf32>
        %swap3A_993 = vector.shape_cast %mul3A_985 : vector<16xf32> to vector<16xf32>
        tpu.vector_store %arg8[%swap3A_990], %swap3A_993 {strides = array<i32>} : memref<640xf32, #tpu.memory_space<vmem>>, vector<16xf32>,
        %max3A = arith.maximumf %scan3A_926, %get3A_934 : vector<16xf32>
        %mul3A_994 = arith.mulf %get3A_942, %max3A : vector<16xf32>
        %sub3A_995 = arith.constant 1.000000e+00 : f32
        %sub3A_996 = vector.broadcast %sub3A_995 : f32 to vector<16xf32>
        %sub3A_997 = arith.subf %sub3A_996, %get3A_942 : vector<16xf32>
        %mul3A_998 = arith.mulf %sub3A_997, %scan3A_926 : vector<16xf32>
        %add3A_999 = arith.addf %mul3A_994, %mul3A_998 : vector<16xf32>
        scf.yield %add3A_999 : vector<16xf32>
      }
      %scan3A_198 = arith.constant 20 : i32
      %broadcast_in_dim3A_199 = arith.constant 1.000000e+00 : f32
      %broadcast_in_dim3A_200 = vector.broadcast %broadcast_in_dim3A_199 : f32 to vector<16xf32>
      %scan3A_201 = arith.constant 0 : i32
      %scan3A_202 = arith.constant 20 : i32
      %scan3A_203 = arith.addi %scan3A_201, %scan3A_202 : i32
      %scan3A_204 = arith.constant 1 : i32
      %scan3A_205 = scf.for %scan3A_925 = %scan3A_201 to %scan3A_203 step %scan3A_204 iter_args(%scan3A_926 = %broadcast_in_dim3A_200) -> (vector<16xf32>)  : i32 {
        %add3A_927 = arith.constant 20 : i32
        %add3A_928 = arith.addi %add3A_927, %scan3A_925 : i32
        %mul3A_929 = arith.constant 16 : i32
        %mul3A_930 = arith.muli %add3A_928, %mul3A_929 : i32
        %get3A = arith.index_cast %mul3A_930 : i32 to index
        %get3A_931 = tpu.vector_load %arg8[%get3A] {strides = array<i32>} : memref<640xf32, #tpu.memory_space<vmem>>, vector<16xf32>,
        %get3A_932 = vector.shape_cast %get3A_931 : vector<16xf32> to vector<16xf32>
        %mul3A_933 = arith.mulf %get3A_932, %scan3A_926 : vector<16xf32>
        %add3A_934 = arith.constant 120 : i32
        %add3A_935 = arith.addi %add3A_934, %scan3A_925 : i32
        %mul3A_936 = arith.constant 16 : i32
        %mul3A_937 = arith.muli %add3A_935, %mul3A_936 : i32
        %swap3A_938 = arith.index_cast %mul3A_937 : i32 to index
        %swap3A_939 = tpu.vector_load %arg7[%swap3A_938] {strides = array<i32>} : memref<2240xf32, #tpu.memory_space<vmem>>, vector<16xf32>,
        %swap3A_940 = vector.shape_cast %swap3A_939 : vector<16xf32> to vector<16xf32>
        %swap3A_941 = vector.shape_cast %mul3A_933 : vector<16xf32> to vector<16xf32>
        tpu.vector_store %arg7[%swap3A_938], %swap3A_941 {strides = array<i32>} : memref<2240xf32, #tpu.memory_space<vmem>>, vector<16xf32>,
        %mul3A_942 = arith.constant 16 : i32
        %mul3A_943 = arith.muli %scan3A_925, %mul3A_942 : i32
        %get3A_944 = arith.index_cast %mul3A_943 : i32 to index
        %get3A_945 = tpu.vector_load %arg8[%get3A_944] {strides = array<i32>} : memref<640xf32, #tpu.memory_space<vmem>>, vector<16xf32>,
        %get3A_946 = vector.shape_cast %get3A_945 : vector<16xf32> to vector<16xf32>
        %mul3A_947 = arith.mulf %scan3A_926, %get3A_946 : vector<16xf32>
        scf.yield %mul3A_947 : vector<16xf32>
      }
      %scan3A_206 = arith.constant 20 : i32
      %broadcast_in_dim3A_207 = arith.constant 0.000000e+00 : f32
      %broadcast_in_dim3A_208 = vector.broadcast %broadcast_in_dim3A_207 : f32 to vector<16xf32>
      %broadcast_in_dim3A_209 = arith.constant 0.000000e+00 : f32
      %broadcast_in_dim3A_210 = vector.broadcast %broadcast_in_dim3A_209 : f32 to vector<16xf32>
      %broadcast_in_dim3A_211 = arith.constant 0.000000e+00 : f32
      %broadcast_in_dim3A_212 = vector.broadcast %broadcast_in_dim3A_211 : f32 to vector<16xf32>
      %broadcast_in_dim3A_213 = arith.constant 0.000000e+00 : f32
      %broadcast_in_dim3A_214 = vector.broadcast %broadcast_in_dim3A_213 : f32 to vector<16xf32>
      %broadcast_in_dim3A_215 = arith.constant 0.000000e+00 : f32
      %broadcast_in_dim3A_216 = vector.broadcast %broadcast_in_dim3A_215 : f32 to vector<16xf32>
      %broadcast_in_dim3A_217 = arith.constant 0.000000e+00 : f32
      %broadcast_in_dim3A_218 = vector.broadcast %broadcast_in_dim3A_217 : f32 to vector<16xf32>
      %broadcast_in_dim3A_219 = arith.constant 0.000000e+00 : f32
      %broadcast_in_dim3A_220 = vector.broadcast %broadcast_in_dim3A_219 : f32 to vector<16xf32>
      %broadcast_in_dim3A_221 = arith.constant 0.000000e+00 : f32
      %broadcast_in_dim3A_222 = vector.broadcast %broadcast_in_dim3A_221 : f32 to vector<16xf32>
      %broadcast_in_dim3A_223 = arith.constant 0.000000e+00 : f32
      %broadcast_in_dim3A_224 = vector.broadcast %broadcast_in_dim3A_223 : f32 to vector<16xf32>
      %broadcast_in_dim3A_225 = arith.constant 0.000000e+00 : f32
      %broadcast_in_dim3A_226 = vector.broadcast %broadcast_in_dim3A_225 : f32 to vector<16xf32>
      %broadcast_in_dim3A_227 = arith.constant 0.000000e+00 : f32
      %broadcast_in_dim3A_228 = vector.broadcast %broadcast_in_dim3A_227 : f32 to vector<16xf32>
      %broadcast_in_dim3A_229 = arith.constant 0.000000e+00 : f32
      %broadcast_in_dim3A_230 = vector.broadcast %broadcast_in_dim3A_229 : f32 to vector<16xf32>
      %broadcast_in_dim3A_231 = arith.constant 0.000000e+00 : f32
      %broadcast_in_dim3A_232 = vector.broadcast %broadcast_in_dim3A_231 : f32 to vector<16xf32>
      %broadcast_in_dim3A_233 = arith.constant 0.000000e+00 : f32
      %broadcast_in_dim3A_234 = vector.broadcast %broadcast_in_dim3A_233 : f32 to vector<16xf32>
      %broadcast_in_dim3A_235 = arith.constant 0.000000e+00 : f32
      %broadcast_in_dim3A_236 = vector.broadcast %broadcast_in_dim3A_235 : f32 to vector<16xf32>
      %broadcast_in_dim3A_237 = arith.constant 0.000000e+00 : f32
      %broadcast_in_dim3A_238 = vector.broadcast %broadcast_in_dim3A_237 : f32 to vector<16xf32>
      %scan3A_239 = arith.constant 0 : i32
      %scan3A_240 = arith.constant 20 : i32
      %scan3A_241 = arith.addi %scan3A_239, %scan3A_240 : i32
      %scan3A_242 = arith.constant 1 : i32
      %scan3A_243:16 = scf.for %scan3A_925 = %scan3A_239 to %scan3A_241 step %scan3A_242 iter_args(%scan3A_926 = %broadcast_in_dim3A_208, %scan3A_927 = %broadcast_in_dim3A_210, %scan3A_928 = %broadcast_in_dim3A_212, %scan3A_929 = %broadcast_in_dim3A_214, %scan3A_930 = %broadcast_in_dim3A_216, %scan3A_931 = %broadcast_in_dim3A_218, %scan3A_932 = %broadcast_in_dim3A_220, %scan3A_933 = %broadcast_in_dim3A_222, %scan3A_934 = %broadcast_in_dim3A_224, %scan3A_935 = %broadcast_in_dim3A_226, %scan3A_936 = %broadcast_in_dim3A_228, %scan3A_937 = %broadcast_in_dim3A_230, %scan3A_938 = %broadcast_in_dim3A_232, %scan3A_939 = %broadcast_in_dim3A_234, %scan3A_940 = %broadcast_in_dim3A_236, %scan3A_941 = %broadcast_in_dim3A_238) -> (vector<16xf32>, vector<16xf32>, vector<16xf32>, vector<16xf32>, vector<16xf32>, vector<16xf32>, vector<16xf32>, vector<16xf32>, vector<16xf32>, vector<16xf32>, vector<16xf32>, vector<16xf32>, vector<16xf32>, vector<16xf32>, vector<16xf32>, vector<16xf32>)  : i32 {
        %add3A_942 = arith.constant 0 : i32
        %add3A_943 = arith.addi %add3A_942, %scan3A_925 : i32
        %mul3A_944 = arith.constant 16 : i32
        %mul3A_945 = arith.muli %add3A_943, %mul3A_944 : i32
        %get3A = arith.index_cast %mul3A_945 : i32 to index
        %get3A_946 = tpu.vector_load %arg7[%get3A] {strides = array<i32>} : memref<2240xf32, #tpu.memory_space<vmem>>, vector<16xf32>,
        %get3A_947 = vector.shape_cast %get3A_946 : vector<16xf32> to vector<16xf32>
        %get3A_948 = arith.index_cast %rem3A_66 : i32 to index
        %get3A_949 = arith.index_cast %scan3A_925 : i32 to index
        %get3A_950 = arith.constant 0 : index
        %get3A_951 = tpu.vector_load %arg5[%get3A_948, %get3A_949, %get3A_950] {strides = array<i32>} : memref<2x20x1792xf32, #tpu.memory_space<vmem>>, vector<1x1x16xf32>,
        %get3A_952 = vector.shape_cast %get3A_951 : vector<1x1x16xf32> to vector<16xf32>
        %mul3A_953 = arith.mulf %get3A_947, %get3A_952 : vector<16xf32>
        %add3A_954 = arith.addf %scan3A_926, %mul3A_953 : vector<16xf32>
        %get3A_955 = arith.index_cast %rem3A_66 : i32 to index
        %get3A_956 = arith.index_cast %scan3A_925 : i32 to index
        %get3A_957 = arith.constant 16 : index
        %get3A_958 = tpu.vector_load %arg5[%get3A_955, %get3A_956, %get3A_957] {strides = array<i32>} : memref<2x20x1792xf32, #tpu.memory_space<vmem>>, vector<1x1x16xf32>,
        %get3A_959 = vector.shape_cast %get3A_958 : vector<1x1x16xf32> to vector<16xf32>
        %mul3A_960 = arith.mulf %get3A_947, %get3A_959 : vector<16xf32>
        %add3A_961 = arith.addf %scan3A_927, %mul3A_960 : vector<16xf32>
        %get3A_962 = arith.index_cast %rem3A_66 : i32 to index
        %get3A_963 = arith.index_cast %scan3A_925 : i32 to index
        %get3A_964 = arith.constant 32 : index
        %get3A_965 = tpu.vector_load %arg5[%get3A_962, %get3A_963, %get3A_964] {strides = array<i32>} : memref<2x20x1792xf32, #tpu.memory_space<vmem>>, vector<1x1x16xf32>,
        %get3A_966 = vector.shape_cast %get3A_965 : vector<1x1x16xf32> to vector<16xf32>
        %mul3A_967 = arith.mulf %get3A_947, %get3A_966 : vector<16xf32>
        %add3A_968 = arith.addf %scan3A_928, %mul3A_967 : vector<16xf32>
        %get3A_969 = arith.index_cast %rem3A_66 : i32 to index
        %get3A_970 = arith.index_cast %scan3A_925 : i32 to index
        %get3A_971 = arith.constant 48 : index
        %get3A_972 = tpu.vector_load %arg5[%get3A_969, %get3A_970, %get3A_971] {strides = array<i32>} : memref<2x20x1792xf32, #tpu.memory_space<vmem>>, vector<1x1x16xf32>,
        %get3A_973 = vector.shape_cast %get3A_972 : vector<1x1x16xf32> to vector<16xf32>
        %mul3A_974 = arith.mulf %get3A_947, %get3A_973 : vector<16xf32>
        %add3A_975 = arith.addf %scan3A_929, %mul3A_974 : vector<16xf32>
        %get3A_976 = arith.index_cast %rem3A_66 : i32 to index
        %get3A_977 = arith.index_cast %scan3A_925 : i32 to index
        %get3A_978 = arith.constant 64 : index
        %get3A_979 = tpu.vector_load %arg5[%get3A_976, %get3A_977, %get3A_978] {strides = array<i32>} : memref<2x20x1792xf32, #tpu.memory_space<vmem>>, vector<1x1x16xf32>,
        %get3A_980 = vector.shape_cast %get3A_979 : vector<1x1x16xf32> to vector<16xf32>
        %mul3A_981 = arith.mulf %get3A_947, %get3A_980 : vector<16xf32>
        %add3A_982 = arith.addf %scan3A_930, %mul3A_981 : vector<16xf32>
        %get3A_983 = arith.index_cast %rem3A_66 : i32 to index
        %get3A_984 = arith.index_cast %scan3A_925 : i32 to index
        %get3A_985 = arith.constant 80 : index
        %get3A_986 = tpu.vector_load %arg5[%get3A_983, %get3A_984, %get3A_985] {strides = array<i32>} : memref<2x20x1792xf32, #tpu.memory_space<vmem>>, vector<1x1x16xf32>,
        %get3A_987 = vector.shape_cast %get3A_986 : vector<1x1x16xf32> to vector<16xf32>
        %mul3A_988 = arith.mulf %get3A_947, %get3A_987 : vector<16xf32>
        %add3A_989 = arith.addf %scan3A_931, %mul3A_988 : vector<16xf32>
        %get3A_990 = arith.index_cast %rem3A_66 : i32 to index
        %get3A_991 = arith.index_cast %scan3A_925 : i32 to index
        %get3A_992 = arith.constant 96 : index
        %get3A_993 = tpu.vector_load %arg5[%get3A_990, %get3A_991, %get3A_992] {strides = array<i32>} : memref<2x20x1792xf32, #tpu.memory_space<vmem>>, vector<1x1x16xf32>,
        %get3A_994 = vector.shape_cast %get3A_993 : vector<1x1x16xf32> to vector<16xf32>
        %mul3A_995 = arith.mulf %get3A_947, %get3A_994 : vector<16xf32>
        %add3A_996 = arith.addf %scan3A_932, %mul3A_995 : vector<16xf32>
        %get3A_997 = arith.index_cast %rem3A_66 : i32 to index
        %get3A_998 = arith.index_cast %scan3A_925 : i32 to index
        %get3A_999 = arith.constant 112 : index
        %get3A_1000 = tpu.vector_load %arg5[%get3A_997, %get3A_998, %get3A_999] {strides = array<i32>} : memref<2x20x1792xf32, #tpu.memory_space<vmem>>, vector<1x1x16xf32>,
        %get3A_1001 = vector.shape_cast %get3A_1000 : vector<1x1x16xf32> to vector<16xf32>
        %mul3A_1002 = arith.mulf %get3A_947, %get3A_1001 : vector<16xf32>
        %add3A_1003 = arith.addf %scan3A_933, %mul3A_1002 : vector<16xf32>
        %get3A_1004 = arith.index_cast %rem3A_66 : i32 to index
        %get3A_1005 = arith.index_cast %scan3A_925 : i32 to index
        %get3A_1006 = arith.constant 128 : index
        %get3A_1007 = tpu.vector_load %arg5[%get3A_1004, %get3A_1005, %get3A_1006] {strides = array<i32>} : memref<2x20x1792xf32, #tpu.memory_space<vmem>>, vector<1x1x16xf32>,
        %get3A_1008 = vector.shape_cast %get3A_1007 : vector<1x1x16xf32> to vector<16xf32>
        %mul3A_1009 = arith.mulf %get3A_947, %get3A_1008 : vector<16xf32>
        %add3A_1010 = arith.addf %scan3A_934, %mul3A_1009 : vector<16xf32>
        %get3A_1011 = arith.index_cast %rem3A_66 : i32 to index
        %get3A_1012 = arith.index_cast %scan3A_925 : i32 to index
        %get3A_1013 = arith.constant 144 : index
        %get3A_1014 = tpu.vector_load %arg5[%get3A_1011, %get3A_1012, %get3A_1013] {strides = array<i32>} : memref<2x20x1792xf32, #tpu.memory_space<vmem>>, vector<1x1x16xf32>,
        %get3A_1015 = vector.shape_cast %get3A_1014 : vector<1x1x16xf32> to vector<16xf32>
        %mul3A_1016 = arith.mulf %get3A_947, %get3A_1015 : vector<16xf32>
        %add3A_1017 = arith.addf %scan3A_935, %mul3A_1016 : vector<16xf32>
        %get3A_1018 = arith.index_cast %rem3A_66 : i32 to index
        %get3A_1019 = arith.index_cast %scan3A_925 : i32 to index
        %get3A_1020 = arith.constant 160 : index
        %get3A_1021 = tpu.vector_load %arg5[%get3A_1018, %get3A_1019, %get3A_1020] {strides = array<i32>} : memref<2x20x1792xf32, #tpu.memory_space<vmem>>, vector<1x1x16xf32>,
        %get3A_1022 = vector.shape_cast %get3A_1021 : vector<1x1x16xf32> to vector<16xf32>
        %mul3A_1023 = arith.mulf %get3A_947, %get3A_1022 : vector<16xf32>
        %add3A_1024 = arith.addf %scan3A_936, %mul3A_1023 : vector<16xf32>
        %get3A_1025 = arith.index_cast %rem3A_66 : i32 to index
        %get3A_1026 = arith.index_cast %scan3A_925 : i32 to index
        %get3A_1027 = arith.constant 176 : index
        %get3A_1028 = tpu.vector_load %arg5[%get3A_1025, %get3A_1026, %get3A_1027] {strides = array<i32>} : memref<2x20x1792xf32, #tpu.memory_space<vmem>>, vector<1x1x16xf32>,
        %get3A_1029 = vector.shape_cast %get3A_1028 : vector<1x1x16xf32> to vector<16xf32>
        %mul3A_1030 = arith.mulf %get3A_947, %get3A_1029 : vector<16xf32>
        %add3A_1031 = arith.addf %scan3A_937, %mul3A_1030 : vector<16xf32>
        %get3A_1032 = arith.index_cast %rem3A_66 : i32 to index
        %get3A_1033 = arith.index_cast %scan3A_925 : i32 to index
        %get3A_1034 = arith.constant 192 : index
        %get3A_1035 = tpu.vector_load %arg5[%get3A_1032, %get3A_1033, %get3A_1034] {strides = array<i32>} : memref<2x20x1792xf32, #tpu.memory_space<vmem>>, vector<1x1x16xf32>,
        %get3A_1036 = vector.shape_cast %get3A_1035 : vector<1x1x16xf32> to vector<16xf32>
        %mul3A_1037 = arith.mulf %get3A_947, %get3A_1036 : vector<16xf32>
        %add3A_1038 = arith.addf %scan3A_938, %mul3A_1037 : vector<16xf32>
        %get3A_1039 = arith.index_cast %rem3A_66 : i32 to index
        %get3A_1040 = arith.index_cast %scan3A_925 : i32 to index
        %get3A_1041 = arith.constant 208 : index
        %get3A_1042 = tpu.vector_load %arg5[%get3A_1039, %get3A_1040, %get3A_1041] {strides = array<i32>} : memref<2x20x1792xf32, #tpu.memory_space<vmem>>, vector<1x1x16xf32>,
        %get3A_1043 = vector.shape_cast %get3A_1042 : vector<1x1x16xf32> to vector<16xf32>
        %mul3A_1044 = arith.mulf %get3A_947, %get3A_1043 : vector<16xf32>
        %add3A_1045 = arith.addf %scan3A_939, %mul3A_1044 : vector<16xf32>
        %get3A_1046 = arith.index_cast %rem3A_66 : i32 to index
        %get3A_1047 = arith.index_cast %scan3A_925 : i32 to index
        %get3A_1048 = arith.constant 224 : index
        %get3A_1049 = tpu.vector_load %arg5[%get3A_1046, %get3A_1047, %get3A_1048] {strides = array<i32>} : memref<2x20x1792xf32, #tpu.memory_space<vmem>>, vector<1x1x16xf32>,
        %get3A_1050 = vector.shape_cast %get3A_1049 : vector<1x1x16xf32> to vector<16xf32>
        %mul3A_1051 = arith.mulf %get3A_947, %get3A_1050 : vector<16xf32>
        %add3A_1052 = arith.addf %scan3A_940, %mul3A_1051 : vector<16xf32>
        %get3A_1053 = arith.index_cast %rem3A_66 : i32 to index
        %get3A_1054 = arith.index_cast %scan3A_925 : i32 to index
        %get3A_1055 = arith.constant 240 : index
        %get3A_1056 = tpu.vector_load %arg5[%get3A_1053, %get3A_1054, %get3A_1055] {strides = array<i32>} : memref<2x20x1792xf32, #tpu.memory_space<vmem>>, vector<1x1x16xf32>,
        %get3A_1057 = vector.shape_cast %get3A_1056 : vector<1x1x16xf32> to vector<16xf32>
        %mul3A_1058 = arith.mulf %get3A_947, %get3A_1057 : vector<16xf32>
        %add3A_1059 = arith.addf %scan3A_941, %mul3A_1058 : vector<16xf32>
        scf.yield %add3A_954, %add3A_961, %add3A_968, %add3A_975, %add3A_982, %add3A_989, %add3A_996, %add3A_1003, %add3A_1010, %add3A_1017, %add3A_1024, %add3A_1031, %add3A_1038, %add3A_1045, %add3A_1052, %add3A_1059 : vector<16xf32>, vector<16xf32>, vector<16xf32>, vector<16xf32>, vector<16xf32>, vector<16xf32>, vector<16xf32>, vector<16xf32>, vector<16xf32>, vector<16xf32>, vector<16xf32>, vector<16xf32>, vector<16xf32>, vector<16xf32>, vector<16xf32>, vector<16xf32>
      }
      %scan3A_244 = arith.constant 20 : i32
      %swap3A = arith.constant 0 : index
      %swap3A_245 = tpu.vector_load %arg9[%swap3A] {strides = array<i32>} : memref<1792xf32, #tpu.memory_space<vmem>>, vector<16xf32>,
      %swap3A_246 = vector.shape_cast %swap3A_245 : vector<16xf32> to vector<16xf32>
      %swap3A_247 = vector.shape_cast %scan3A_243#0 : vector<16xf32> to vector<16xf32>
      tpu.vector_store %arg9[%swap3A], %swap3A_247 {strides = array<i32>} : memref<1792xf32, #tpu.memory_space<vmem>>, vector<16xf32>,
      %swap3A_248 = arith.constant 16 : index
      %swap3A_249 = tpu.vector_load %arg9[%swap3A_248] {strides = array<i32>} : memref<1792xf32, #tpu.memory_space<vmem>>, vector<16xf32>,
      %swap3A_250 = vector.shape_cast %swap3A_249 : vector<16xf32> to vector<16xf32>
      %swap3A_251 = vector.shape_cast %scan3A_243#1 : vector<16xf32> to vector<16xf32>
      tpu.vector_store %arg9[%swap3A_248], %swap3A_251 {strides = array<i32>} : memref<1792xf32, #tpu.memory_space<vmem>>, vector<16xf32>,
      %swap3A_252 = arith.constant 32 : index
      %swap3A_253 = tpu.vector_load %arg9[%swap3A_252] {strides = array<i32>} : memref<1792xf32, #tpu.memory_space<vmem>>, vector<16xf32>,
      %swap3A_254 = vector.shape_cast %swap3A_253 : vector<16xf32> to vector<16xf32>
      %swap3A_255 = vector.shape_cast %scan3A_243#2 : vector<16xf32> to vector<16xf32>
      tpu.vector_store %arg9[%swap3A_252], %swap3A_255 {strides = array<i32>} : memref<1792xf32, #tpu.memory_space<vmem>>, vector<16xf32>,
      %swap3A_256 = arith.constant 48 : index
      %swap3A_257 = tpu.vector_load %arg9[%swap3A_256] {strides = array<i32>} : memref<1792xf32, #tpu.memory_space<vmem>>, vector<16xf32>,
      %swap3A_258 = vector.shape_cast %swap3A_257 : vector<16xf32> to vector<16xf32>
      %swap3A_259 = vector.shape_cast %scan3A_243#3 : vector<16xf32> to vector<16xf32>
      tpu.vector_store %arg9[%swap3A_256], %swap3A_259 {strides = array<i32>} : memref<1792xf32, #tpu.memory_space<vmem>>, vector<16xf32>,
      %swap3A_260 = arith.constant 64 : index
      %swap3A_261 = tpu.vector_load %arg9[%swap3A_260] {strides = array<i32>} : memref<1792xf32, #tpu.memory_space<vmem>>, vector<16xf32>,
      %swap3A_262 = vector.shape_cast %swap3A_261 : vector<16xf32> to vector<16xf32>
      %swap3A_263 = vector.shape_cast %scan3A_243#4 : vector<16xf32> to vector<16xf32>
      tpu.vector_store %arg9[%swap3A_260], %swap3A_263 {strides = array<i32>} : memref<1792xf32, #tpu.memory_space<vmem>>, vector<16xf32>,
      %swap3A_264 = arith.constant 80 : index
      %swap3A_265 = tpu.vector_load %arg9[%swap3A_264] {strides = array<i32>} : memref<1792xf32, #tpu.memory_space<vmem>>, vector<16xf32>,
      %swap3A_266 = vector.shape_cast %swap3A_265 : vector<16xf32> to vector<16xf32>
      %swap3A_267 = vector.shape_cast %scan3A_243#5 : vector<16xf32> to vector<16xf32>
      tpu.vector_store %arg9[%swap3A_264], %swap3A_267 {strides = array<i32>} : memref<1792xf32, #tpu.memory_space<vmem>>, vector<16xf32>,
      %swap3A_268 = arith.constant 96 : index
      %swap3A_269 = tpu.vector_load %arg9[%swap3A_268] {strides = array<i32>} : memref<1792xf32, #tpu.memory_space<vmem>>, vector<16xf32>,
      %swap3A_270 = vector.shape_cast %swap3A_269 : vector<16xf32> to vector<16xf32>
      %swap3A_271 = vector.shape_cast %scan3A_243#6 : vector<16xf32> to vector<16xf32>
      tpu.vector_store %arg9[%swap3A_268], %swap3A_271 {strides = array<i32>} : memref<1792xf32, #tpu.memory_space<vmem>>, vector<16xf32>,
      %swap3A_272 = arith.constant 112 : index
      %swap3A_273 = tpu.vector_load %arg9[%swap3A_272] {strides = array<i32>} : memref<1792xf32, #tpu.memory_space<vmem>>, vector<16xf32>,
      %swap3A_274 = vector.shape_cast %swap3A_273 : vector<16xf32> to vector<16xf32>
      %swap3A_275 = vector.shape_cast %scan3A_243#7 : vector<16xf32> to vector<16xf32>
      tpu.vector_store %arg9[%swap3A_272], %swap3A_275 {strides = array<i32>} : memref<1792xf32, #tpu.memory_space<vmem>>, vector<16xf32>,
      %swap3A_276 = arith.constant 128 : index
      %swap3A_277 = tpu.vector_load %arg9[%swap3A_276] {strides = array<i32>} : memref<1792xf32, #tpu.memory_space<vmem>>, vector<16xf32>,
      %swap3A_278 = vector.shape_cast %swap3A_277 : vector<16xf32> to vector<16xf32>
      %swap3A_279 = vector.shape_cast %scan3A_243#8 : vector<16xf32> to vector<16xf32>
      tpu.vector_store %arg9[%swap3A_276], %swap3A_279 {strides = array<i32>} : memref<1792xf32, #tpu.memory_space<vmem>>, vector<16xf32>,
      %swap3A_280 = arith.constant 144 : index
      %swap3A_281 = tpu.vector_load %arg9[%swap3A_280] {strides = array<i32>} : memref<1792xf32, #tpu.memory_space<vmem>>, vector<16xf32>,
      %swap3A_282 = vector.shape_cast %swap3A_281 : vector<16xf32> to vector<16xf32>
      %swap3A_283 = vector.shape_cast %scan3A_243#9 : vector<16xf32> to vector<16xf32>
      tpu.vector_store %arg9[%swap3A_280], %swap3A_283 {strides = array<i32>} : memref<1792xf32, #tpu.memory_space<vmem>>, vector<16xf32>,
      %swap3A_284 = arith.constant 160 : index
      %swap3A_285 = tpu.vector_load %arg9[%swap3A_284] {strides = array<i32>} : memref<1792xf32, #tpu.memory_space<vmem>>, vector<16xf32>,
      %swap3A_286 = vector.shape_cast %swap3A_285 : vector<16xf32> to vector<16xf32>
      %swap3A_287 = vector.shape_cast %scan3A_243#10 : vector<16xf32> to vector<16xf32>
      tpu.vector_store %arg9[%swap3A_284], %swap3A_287 {strides = array<i32>} : memref<1792xf32, #tpu.memory_space<vmem>>, vector<16xf32>,
      %swap3A_288 = arith.constant 176 : index
      %swap3A_289 = tpu.vector_load %arg9[%swap3A_288] {strides = array<i32>} : memref<1792xf32, #tpu.memory_space<vmem>>, vector<16xf32>,
      %swap3A_290 = vector.shape_cast %swap3A_289 : vector<16xf32> to vector<16xf32>
      %swap3A_291 = vector.shape_cast %scan3A_243#11 : vector<16xf32> to vector<16xf32>
      tpu.vector_store %arg9[%swap3A_288], %swap3A_291 {strides = array<i32>} : memref<1792xf32, #tpu.memory_space<vmem>>, vector<16xf32>,
      %swap3A_292 = arith.constant 192 : index
      %swap3A_293 = tpu.vector_load %arg9[%swap3A_292] {strides = array<i32>} : memref<1792xf32, #tpu.memory_space<vmem>>, vector<16xf32>,
      %swap3A_294 = vector.shape_cast %swap3A_293 : vector<16xf32> to vector<16xf32>
      %swap3A_295 = vector.shape_cast %scan3A_243#12 : vector<16xf32> to vector<16xf32>
      tpu.vector_store %arg9[%swap3A_292], %swap3A_295 {strides = array<i32>} : memref<1792xf32, #tpu.memory_space<vmem>>, vector<16xf32>,
      %swap3A_296 = arith.constant 208 : index
      %swap3A_297 = tpu.vector_load %arg9[%swap3A_296] {strides = array<i32>} : memref<1792xf32, #tpu.memory_space<vmem>>, vector<16xf32>,
      %swap3A_298 = vector.shape_cast %swap3A_297 : vector<16xf32> to vector<16xf32>
      %swap3A_299 = vector.shape_cast %scan3A_243#13 : vector<16xf32> to vector<16xf32>
      tpu.vector_store %arg9[%swap3A_296], %swap3A_299 {strides = array<i32>} : memref<1792xf32, #tpu.memory_space<vmem>>, vector<16xf32>,
      %swap3A_300 = arith.constant 224 : index
      %swap3A_301 = tpu.vector_load %arg9[%swap3A_300] {strides = array<i32>} : memref<1792xf32, #tpu.memory_space<vmem>>, vector<16xf32>,
      %swap3A_302 = vector.shape_cast %swap3A_301 : vector<16xf32> to vector<16xf32>
      %swap3A_303 = vector.shape_cast %scan3A_243#14 : vector<16xf32> to vector<16xf32>
      tpu.vector_store %arg9[%swap3A_300], %swap3A_303 {strides = array<i32>} : memref<1792xf32, #tpu.memory_space<vmem>>, vector<16xf32>,
      %swap3A_304 = arith.constant 240 : index
      %swap3A_305 = tpu.vector_load %arg9[%swap3A_304] {strides = array<i32>} : memref<1792xf32, #tpu.memory_space<vmem>>, vector<16xf32>,
      %swap3A_306 = vector.shape_cast %swap3A_305 : vector<16xf32> to vector<16xf32>
      %swap3A_307 = vector.shape_cast %scan3A_243#15 : vector<16xf32> to vector<16xf32>
      tpu.vector_store %arg9[%swap3A_304], %swap3A_307 {strides = array<i32>} : memref<1792xf32, #tpu.memory_space<vmem>>, vector<16xf32>,
      %broadcast_in_dim3A_308 = arith.constant 0.000000e+00 : f32
      %broadcast_in_dim3A_309 = vector.broadcast %broadcast_in_dim3A_308 : f32 to vector<16xf32>
      %broadcast_in_dim3A_310 = arith.constant 0.000000e+00 : f32
      %broadcast_in_dim3A_311 = vector.broadcast %broadcast_in_dim3A_310 : f32 to vector<16xf32>
      %broadcast_in_dim3A_312 = arith.constant 0.000000e+00 : f32
      %broadcast_in_dim3A_313 = vector.broadcast %broadcast_in_dim3A_312 : f32 to vector<16xf32>
      %broadcast_in_dim3A_314 = arith.constant 0.000000e+00 : f32
      %broadcast_in_dim3A_315 = vector.broadcast %broadcast_in_dim3A_314 : f32 to vector<16xf32>
      %broadcast_in_dim3A_316 = arith.constant 0.000000e+00 : f32
      %broadcast_in_dim3A_317 = vector.broadcast %broadcast_in_dim3A_316 : f32 to vector<16xf32>
      %broadcast_in_dim3A_318 = arith.constant 0.000000e+00 : f32
      %broadcast_in_dim3A_319 = vector.broadcast %broadcast_in_dim3A_318 : f32 to vector<16xf32>
      %broadcast_in_dim3A_320 = arith.constant 0.000000e+00 : f32
      %broadcast_in_dim3A_321 = vector.broadcast %broadcast_in_dim3A_320 : f32 to vector<16xf32>
      %broadcast_in_dim3A_322 = arith.constant 0.000000e+00 : f32
      %broadcast_in_dim3A_323 = vector.broadcast %broadcast_in_dim3A_322 : f32 to vector<16xf32>
      %broadcast_in_dim3A_324 = arith.constant 0.000000e+00 : f32
      %broadcast_in_dim3A_325 = vector.broadcast %broadcast_in_dim3A_324 : f32 to vector<16xf32>
      %broadcast_in_dim3A_326 = arith.constant 0.000000e+00 : f32
      %broadcast_in_dim3A_327 = vector.broadcast %broadcast_in_dim3A_326 : f32 to vector<16xf32>
      %broadcast_in_dim3A_328 = arith.constant 0.000000e+00 : f32
      %broadcast_in_dim3A_329 = vector.broadcast %broadcast_in_dim3A_328 : f32 to vector<16xf32>
      %broadcast_in_dim3A_330 = arith.constant 0.000000e+00 : f32
      %broadcast_in_dim3A_331 = vector.broadcast %broadcast_in_dim3A_330 : f32 to vector<16xf32>
      %broadcast_in_dim3A_332 = arith.constant 0.000000e+00 : f32
      %broadcast_in_dim3A_333 = vector.broadcast %broadcast_in_dim3A_332 : f32 to vector<16xf32>
      %broadcast_in_dim3A_334 = arith.constant 0.000000e+00 : f32
      %broadcast_in_dim3A_335 = vector.broadcast %broadcast_in_dim3A_334 : f32 to vector<16xf32>
      %broadcast_in_dim3A_336 = arith.constant 0.000000e+00 : f32
      %broadcast_in_dim3A_337 = vector.broadcast %broadcast_in_dim3A_336 : f32 to vector<16xf32>
      %broadcast_in_dim3A_338 = arith.constant 0.000000e+00 : f32
      %broadcast_in_dim3A_339 = vector.broadcast %broadcast_in_dim3A_338 : f32 to vector<16xf32>
      %scan3A_340 = arith.constant 0 : i32
      %scan3A_341 = arith.constant 20 : i32
      %scan3A_342 = arith.addi %scan3A_340, %scan3A_341 : i32
      %scan3A_343 = arith.constant 1 : i32
      %scan3A_344:16 = scf.for %scan3A_925 = %scan3A_340 to %scan3A_342 step %scan3A_343 iter_args(%scan3A_926 = %broadcast_in_dim3A_309, %scan3A_927 = %broadcast_in_dim3A_311, %scan3A_928 = %broadcast_in_dim3A_313, %scan3A_929 = %broadcast_in_dim3A_315, %scan3A_930 = %broadcast_in_dim3A_317, %scan3A_931 = %broadcast_in_dim3A_319, %scan3A_932 = %broadcast_in_dim3A_321, %scan3A_933 = %broadcast_in_dim3A_323, %scan3A_934 = %broadcast_in_dim3A_325, %scan3A_935 = %broadcast_in_dim3A_327, %scan3A_936 = %broadcast_in_dim3A_329, %scan3A_937 = %broadcast_in_dim3A_331, %scan3A_938 = %broadcast_in_dim3A_333, %scan3A_939 = %broadcast_in_dim3A_335, %scan3A_940 = %broadcast_in_dim3A_337, %scan3A_941 = %broadcast_in_dim3A_339) -> (vector<16xf32>, vector<16xf32>, vector<16xf32>, vector<16xf32>, vector<16xf32>, vector<16xf32>, vector<16xf32>, vector<16xf32>, vector<16xf32>, vector<16xf32>, vector<16xf32>, vector<16xf32>, vector<16xf32>, vector<16xf32>, vector<16xf32>, vector<16xf32>)  : i32 {
        %add3A_942 = arith.constant 20 : i32
        %add3A_943 = arith.addi %add3A_942, %scan3A_925 : i32
        %mul3A_944 = arith.constant 16 : i32
        %mul3A_945 = arith.muli %add3A_943, %mul3A_944 : i32
        %get3A = arith.index_cast %mul3A_945 : i32 to index
        %get3A_946 = tpu.vector_load %arg7[%get3A] {strides = array<i32>} : memref<2240xf32, #tpu.memory_space<vmem>>, vector<16xf32>,
        %get3A_947 = vector.shape_cast %get3A_946 : vector<16xf32> to vector<16xf32>
        %get3A_948 = arith.index_cast %rem3A_66 : i32 to index
        %get3A_949 = arith.index_cast %scan3A_925 : i32 to index
        %get3A_950 = arith.constant 256 : index
        %get3A_951 = tpu.vector_load %arg5[%get3A_948, %get3A_949, %get3A_950] {strides = array<i32>} : memref<2x20x1792xf32, #tpu.memory_space<vmem>>, vector<1x1x16xf32>,
        %get3A_952 = vector.shape_cast %get3A_951 : vector<1x1x16xf32> to vector<16xf32>
        %mul3A_953 = arith.mulf %get3A_947, %get3A_952 : vector<16xf32>
        %add3A_954 = arith.addf %scan3A_926, %mul3A_953 : vector<16xf32>
        %get3A_955 = arith.index_cast %rem3A_66 : i32 to index
        %get3A_956 = arith.index_cast %scan3A_925 : i32 to index
        %get3A_957 = arith.constant 272 : index
        %get3A_958 = tpu.vector_load %arg5[%get3A_955, %get3A_956, %get3A_957] {strides = array<i32>} : memref<2x20x1792xf32, #tpu.memory_space<vmem>>, vector<1x1x16xf32>,
        %get3A_959 = vector.shape_cast %get3A_958 : vector<1x1x16xf32> to vector<16xf32>
        %mul3A_960 = arith.mulf %get3A_947, %get3A_959 : vector<16xf32>
        %add3A_961 = arith.addf %scan3A_927, %mul3A_960 : vector<16xf32>
        %get3A_962 = arith.index_cast %rem3A_66 : i32 to index
        %get3A_963 = arith.index_cast %scan3A_925 : i32 to index
        %get3A_964 = arith.constant 288 : index
        %get3A_965 = tpu.vector_load %arg5[%get3A_962, %get3A_963, %get3A_964] {strides = array<i32>} : memref<2x20x1792xf32, #tpu.memory_space<vmem>>, vector<1x1x16xf32>,
        %get3A_966 = vector.shape_cast %get3A_965 : vector<1x1x16xf32> to vector<16xf32>
        %mul3A_967 = arith.mulf %get3A_947, %get3A_966 : vector<16xf32>
        %add3A_968 = arith.addf %scan3A_928, %mul3A_967 : vector<16xf32>
        %get3A_969 = arith.index_cast %rem3A_66 : i32 to index
        %get3A_970 = arith.index_cast %scan3A_925 : i32 to index
        %get3A_971 = arith.constant 304 : index
        %get3A_972 = tpu.vector_load %arg5[%get3A_969, %get3A_970, %get3A_971] {strides = array<i32>} : memref<2x20x1792xf32, #tpu.memory_space<vmem>>, vector<1x1x16xf32>,
        %get3A_973 = vector.shape_cast %get3A_972 : vector<1x1x16xf32> to vector<16xf32>
        %mul3A_974 = arith.mulf %get3A_947, %get3A_973 : vector<16xf32>
        %add3A_975 = arith.addf %scan3A_929, %mul3A_974 : vector<16xf32>
        %get3A_976 = arith.index_cast %rem3A_66 : i32 to index
        %get3A_977 = arith.index_cast %scan3A_925 : i32 to index
        %get3A_978 = arith.constant 320 : index
        %get3A_979 = tpu.vector_load %arg5[%get3A_976, %get3A_977, %get3A_978] {strides = array<i32>} : memref<2x20x1792xf32, #tpu.memory_space<vmem>>, vector<1x1x16xf32>,
        %get3A_980 = vector.shape_cast %get3A_979 : vector<1x1x16xf32> to vector<16xf32>
        %mul3A_981 = arith.mulf %get3A_947, %get3A_980 : vector<16xf32>
        %add3A_982 = arith.addf %scan3A_930, %mul3A_981 : vector<16xf32>
        %get3A_983 = arith.index_cast %rem3A_66 : i32 to index
        %get3A_984 = arith.index_cast %scan3A_925 : i32 to index
        %get3A_985 = arith.constant 336 : index
        %get3A_986 = tpu.vector_load %arg5[%get3A_983, %get3A_984, %get3A_985] {strides = array<i32>} : memref<2x20x1792xf32, #tpu.memory_space<vmem>>, vector<1x1x16xf32>,
        %get3A_987 = vector.shape_cast %get3A_986 : vector<1x1x16xf32> to vector<16xf32>
        %mul3A_988 = arith.mulf %get3A_947, %get3A_987 : vector<16xf32>
        %add3A_989 = arith.addf %scan3A_931, %mul3A_988 : vector<16xf32>
        %get3A_990 = arith.index_cast %rem3A_66 : i32 to index
        %get3A_991 = arith.index_cast %scan3A_925 : i32 to index
        %get3A_992 = arith.constant 352 : index
        %get3A_993 = tpu.vector_load %arg5[%get3A_990, %get3A_991, %get3A_992] {strides = array<i32>} : memref<2x20x1792xf32, #tpu.memory_space<vmem>>, vector<1x1x16xf32>,
        %get3A_994 = vector.shape_cast %get3A_993 : vector<1x1x16xf32> to vector<16xf32>
        %mul3A_995 = arith.mulf %get3A_947, %get3A_994 : vector<16xf32>
        %add3A_996 = arith.addf %scan3A_932, %mul3A_995 : vector<16xf32>
        %get3A_997 = arith.index_cast %rem3A_66 : i32 to index
        %get3A_998 = arith.index_cast %scan3A_925 : i32 to index
        %get3A_999 = arith.constant 368 : index
        %get3A_1000 = tpu.vector_load %arg5[%get3A_997, %get3A_998, %get3A_999] {strides = array<i32>} : memref<2x20x1792xf32, #tpu.memory_space<vmem>>, vector<1x1x16xf32>,
        %get3A_1001 = vector.shape_cast %get3A_1000 : vector<1x1x16xf32> to vector<16xf32>
        %mul3A_1002 = arith.mulf %get3A_947, %get3A_1001 : vector<16xf32>
        %add3A_1003 = arith.addf %scan3A_933, %mul3A_1002 : vector<16xf32>
        %get3A_1004 = arith.index_cast %rem3A_66 : i32 to index
        %get3A_1005 = arith.index_cast %scan3A_925 : i32 to index
        %get3A_1006 = arith.constant 384 : index
        %get3A_1007 = tpu.vector_load %arg5[%get3A_1004, %get3A_1005, %get3A_1006] {strides = array<i32>} : memref<2x20x1792xf32, #tpu.memory_space<vmem>>, vector<1x1x16xf32>,
        %get3A_1008 = vector.shape_cast %get3A_1007 : vector<1x1x16xf32> to vector<16xf32>
        %mul3A_1009 = arith.mulf %get3A_947, %get3A_1008 : vector<16xf32>
        %add3A_1010 = arith.addf %scan3A_934, %mul3A_1009 : vector<16xf32>
        %get3A_1011 = arith.index_cast %rem3A_66 : i32 to index
        %get3A_1012 = arith.index_cast %scan3A_925 : i32 to index
        %get3A_1013 = arith.constant 400 : index
        %get3A_1014 = tpu.vector_load %arg5[%get3A_1011, %get3A_1012, %get3A_1013] {strides = array<i32>} : memref<2x20x1792xf32, #tpu.memory_space<vmem>>, vector<1x1x16xf32>,
        %get3A_1015 = vector.shape_cast %get3A_1014 : vector<1x1x16xf32> to vector<16xf32>
        %mul3A_1016 = arith.mulf %get3A_947, %get3A_1015 : vector<16xf32>
        %add3A_1017 = arith.addf %scan3A_935, %mul3A_1016 : vector<16xf32>
        %get3A_1018 = arith.index_cast %rem3A_66 : i32 to index
        %get3A_1019 = arith.index_cast %scan3A_925 : i32 to index
        %get3A_1020 = arith.constant 416 : index
        %get3A_1021 = tpu.vector_load %arg5[%get3A_1018, %get3A_1019, %get3A_1020] {strides = array<i32>} : memref<2x20x1792xf32, #tpu.memory_space<vmem>>, vector<1x1x16xf32>,
        %get3A_1022 = vector.shape_cast %get3A_1021 : vector<1x1x16xf32> to vector<16xf32>
        %mul3A_1023 = arith.mulf %get3A_947, %get3A_1022 : vector<16xf32>
        %add3A_1024 = arith.addf %scan3A_936, %mul3A_1023 : vector<16xf32>
        %get3A_1025 = arith.index_cast %rem3A_66 : i32 to index
        %get3A_1026 = arith.index_cast %scan3A_925 : i32 to index
        %get3A_1027 = arith.constant 432 : index
        %get3A_1028 = tpu.vector_load %arg5[%get3A_1025, %get3A_1026, %get3A_1027] {strides = array<i32>} : memref<2x20x1792xf32, #tpu.memory_space<vmem>>, vector<1x1x16xf32>,
        %get3A_1029 = vector.shape_cast %get3A_1028 : vector<1x1x16xf32> to vector<16xf32>
        %mul3A_1030 = arith.mulf %get3A_947, %get3A_1029 : vector<16xf32>
        %add3A_1031 = arith.addf %scan3A_937, %mul3A_1030 : vector<16xf32>
        %get3A_1032 = arith.index_cast %rem3A_66 : i32 to index
        %get3A_1033 = arith.index_cast %scan3A_925 : i32 to index
        %get3A_1034 = arith.constant 448 : index
        %get3A_1035 = tpu.vector_load %arg5[%get3A_1032, %get3A_1033, %get3A_1034] {strides = array<i32>} : memref<2x20x1792xf32, #tpu.memory_space<vmem>>, vector<1x1x16xf32>,
        %get3A_1036 = vector.shape_cast %get3A_1035 : vector<1x1x16xf32> to vector<16xf32>
        %mul3A_1037 = arith.mulf %get3A_947, %get3A_1036 : vector<16xf32>
        %add3A_1038 = arith.addf %scan3A_938, %mul3A_1037 : vector<16xf32>
        %get3A_1039 = arith.index_cast %rem3A_66 : i32 to index
        %get3A_1040 = arith.index_cast %scan3A_925 : i32 to index
        %get3A_1041 = arith.constant 464 : index
        %get3A_1042 = tpu.vector_load %arg5[%get3A_1039, %get3A_1040, %get3A_1041] {strides = array<i32>} : memref<2x20x1792xf32, #tpu.memory_space<vmem>>, vector<1x1x16xf32>,
        %get3A_1043 = vector.shape_cast %get3A_1042 : vector<1x1x16xf32> to vector<16xf32>
        %mul3A_1044 = arith.mulf %get3A_947, %get3A_1043 : vector<16xf32>
        %add3A_1045 = arith.addf %scan3A_939, %mul3A_1044 : vector<16xf32>
        %get3A_1046 = arith.index_cast %rem3A_66 : i32 to index
        %get3A_1047 = arith.index_cast %scan3A_925 : i32 to index
        %get3A_1048 = arith.constant 480 : index
        %get3A_1049 = tpu.vector_load %arg5[%get3A_1046, %get3A_1047, %get3A_1048] {strides = array<i32>} : memref<2x20x1792xf32, #tpu.memory_space<vmem>>, vector<1x1x16xf32>,
        %get3A_1050 = vector.shape_cast %get3A_1049 : vector<1x1x16xf32> to vector<16xf32>
        %mul3A_1051 = arith.mulf %get3A_947, %get3A_1050 : vector<16xf32>
        %add3A_1052 = arith.addf %scan3A_940, %mul3A_1051 : vector<16xf32>
        %get3A_1053 = arith.index_cast %rem3A_66 : i32 to index
        %get3A_1054 = arith.index_cast %scan3A_925 : i32 to index
        %get3A_1055 = arith.constant 496 : index
        %get3A_1056 = tpu.vector_load %arg5[%get3A_1053, %get3A_1054, %get3A_1055] {strides = array<i32>} : memref<2x20x1792xf32, #tpu.memory_space<vmem>>, vector<1x1x16xf32>,
        %get3A_1057 = vector.shape_cast %get3A_1056 : vector<1x1x16xf32> to vector<16xf32>
        %mul3A_1058 = arith.mulf %get3A_947, %get3A_1057 : vector<16xf32>
        %add3A_1059 = arith.addf %scan3A_941, %mul3A_1058 : vector<16xf32>
        scf.yield %add3A_954, %add3A_961, %add3A_968, %add3A_975, %add3A_982, %add3A_989, %add3A_996, %add3A_1003, %add3A_1010, %add3A_1017, %add3A_1024, %add3A_1031, %add3A_1038, %add3A_1045, %add3A_1052, %add3A_1059 : vector<16xf32>, vector<16xf32>, vector<16xf32>, vector<16xf32>, vector<16xf32>, vector<16xf32>, vector<16xf32>, vector<16xf32>, vector<16xf32>, vector<16xf32>, vector<16xf32>, vector<16xf32>, vector<16xf32>, vector<16xf32>, vector<16xf32>, vector<16xf32>
      }
      %scan3A_345 = arith.constant 20 : i32
      %swap3A_346 = arith.constant 256 : index
      %swap3A_347 = tpu.vector_load %arg9[%swap3A_346] {strides = array<i32>} : memref<1792xf32, #tpu.memory_space<vmem>>, vector<16xf32>,
      %swap3A_348 = vector.shape_cast %swap3A_347 : vector<16xf32> to vector<16xf32>
      %swap3A_349 = vector.shape_cast %scan3A_344#0 : vector<16xf32> to vector<16xf32>
      tpu.vector_store %arg9[%swap3A_346], %swap3A_349 {strides = array<i32>} : memref<1792xf32, #tpu.memory_space<vmem>>, vector<16xf32>,
      %swap3A_350 = arith.constant 272 : index
      %swap3A_351 = tpu.vector_load %arg9[%swap3A_350] {strides = array<i32>} : memref<1792xf32, #tpu.memory_space<vmem>>, vector<16xf32>,
      %swap3A_352 = vector.shape_cast %swap3A_351 : vector<16xf32> to vector<16xf32>
      %swap3A_353 = vector.shape_cast %scan3A_344#1 : vector<16xf32> to vector<16xf32>
      tpu.vector_store %arg9[%swap3A_350], %swap3A_353 {strides = array<i32>} : memref<1792xf32, #tpu.memory_space<vmem>>, vector<16xf32>,
      %swap3A_354 = arith.constant 288 : index
      %swap3A_355 = tpu.vector_load %arg9[%swap3A_354] {strides = array<i32>} : memref<1792xf32, #tpu.memory_space<vmem>>, vector<16xf32>,
      %swap3A_356 = vector.shape_cast %swap3A_355 : vector<16xf32> to vector<16xf32>
      %swap3A_357 = vector.shape_cast %scan3A_344#2 : vector<16xf32> to vector<16xf32>
      tpu.vector_store %arg9[%swap3A_354], %swap3A_357 {strides = array<i32>} : memref<1792xf32, #tpu.memory_space<vmem>>, vector<16xf32>,
      %swap3A_358 = arith.constant 304 : index
      %swap3A_359 = tpu.vector_load %arg9[%swap3A_358] {strides = array<i32>} : memref<1792xf32, #tpu.memory_space<vmem>>, vector<16xf32>,
      %swap3A_360 = vector.shape_cast %swap3A_359 : vector<16xf32> to vector<16xf32>
      %swap3A_361 = vector.shape_cast %scan3A_344#3 : vector<16xf32> to vector<16xf32>
      tpu.vector_store %arg9[%swap3A_358], %swap3A_361 {strides = array<i32>} : memref<1792xf32, #tpu.memory_space<vmem>>, vector<16xf32>,
      %swap3A_362 = arith.constant 320 : index
      %swap3A_363 = tpu.vector_load %arg9[%swap3A_362] {strides = array<i32>} : memref<1792xf32, #tpu.memory_space<vmem>>, vector<16xf32>,
      %swap3A_364 = vector.shape_cast %swap3A_363 : vector<16xf32> to vector<16xf32>
      %swap3A_365 = vector.shape_cast %scan3A_344#4 : vector<16xf32> to vector<16xf32>
      tpu.vector_store %arg9[%swap3A_362], %swap3A_365 {strides = array<i32>} : memref<1792xf32, #tpu.memory_space<vmem>>, vector<16xf32>,
      %swap3A_366 = arith.constant 336 : index
      %swap3A_367 = tpu.vector_load %arg9[%swap3A_366] {strides = array<i32>} : memref<1792xf32, #tpu.memory_space<vmem>>, vector<16xf32>,
      %swap3A_368 = vector.shape_cast %swap3A_367 : vector<16xf32> to vector<16xf32>
      %swap3A_369 = vector.shape_cast %scan3A_344#5 : vector<16xf32> to vector<16xf32>
      tpu.vector_store %arg9[%swap3A_366], %swap3A_369 {strides = array<i32>} : memref<1792xf32, #tpu.memory_space<vmem>>, vector<16xf32>,
      %swap3A_370 = arith.constant 352 : index
      %swap3A_371 = tpu.vector_load %arg9[%swap3A_370] {strides = array<i32>} : memref<1792xf32, #tpu.memory_space<vmem>>, vector<16xf32>,
      %swap3A_372 = vector.shape_cast %swap3A_371 : vector<16xf32> to vector<16xf32>
      %swap3A_373 = vector.shape_cast %scan3A_344#6 : vector<16xf32> to vector<16xf32>
      tpu.vector_store %arg9[%swap3A_370], %swap3A_373 {strides = array<i32>} : memref<1792xf32, #tpu.memory_space<vmem>>, vector<16xf32>,
      %swap3A_374 = arith.constant 368 : index
      %swap3A_375 = tpu.vector_load %arg9[%swap3A_374] {strides = array<i32>} : memref<1792xf32, #tpu.memory_space<vmem>>, vector<16xf32>,
      %swap3A_376 = vector.shape_cast %swap3A_375 : vector<16xf32> to vector<16xf32>
      %swap3A_377 = vector.shape_cast %scan3A_344#7 : vector<16xf32> to vector<16xf32>
      tpu.vector_store %arg9[%swap3A_374], %swap3A_377 {strides = array<i32>} : memref<1792xf32, #tpu.memory_space<vmem>>, vector<16xf32>,
      %swap3A_378 = arith.constant 384 : index
      %swap3A_379 = tpu.vector_load %arg9[%swap3A_378] {strides = array<i32>} : memref<1792xf32, #tpu.memory_space<vmem>>, vector<16xf32>,
      %swap3A_380 = vector.shape_cast %swap3A_379 : vector<16xf32> to vector<16xf32>
      %swap3A_381 = vector.shape_cast %scan3A_344#8 : vector<16xf32> to vector<16xf32>
      tpu.vector_store %arg9[%swap3A_378], %swap3A_381 {strides = array<i32>} : memref<1792xf32, #tpu.memory_space<vmem>>, vector<16xf32>,
      %swap3A_382 = arith.constant 400 : index
      %swap3A_383 = tpu.vector_load %arg9[%swap3A_382] {strides = array<i32>} : memref<1792xf32, #tpu.memory_space<vmem>>, vector<16xf32>,
      %swap3A_384 = vector.shape_cast %swap3A_383 : vector<16xf32> to vector<16xf32>
      %swap3A_385 = vector.shape_cast %scan3A_344#9 : vector<16xf32> to vector<16xf32>
      tpu.vector_store %arg9[%swap3A_382], %swap3A_385 {strides = array<i32>} : memref<1792xf32, #tpu.memory_space<vmem>>, vector<16xf32>,
      %swap3A_386 = arith.constant 416 : index
      %swap3A_387 = tpu.vector_load %arg9[%swap3A_386] {strides = array<i32>} : memref<1792xf32, #tpu.memory_space<vmem>>, vector<16xf32>,
      %swap3A_388 = vector.shape_cast %swap3A_387 : vector<16xf32> to vector<16xf32>
      %swap3A_389 = vector.shape_cast %scan3A_344#10 : vector<16xf32> to vector<16xf32>
      tpu.vector_store %arg9[%swap3A_386], %swap3A_389 {strides = array<i32>} : memref<1792xf32, #tpu.memory_space<vmem>>, vector<16xf32>,
      %swap3A_390 = arith.constant 432 : index
      %swap3A_391 = tpu.vector_load %arg9[%swap3A_390] {strides = array<i32>} : memref<1792xf32, #tpu.memory_space<vmem>>, vector<16xf32>,
      %swap3A_392 = vector.shape_cast %swap3A_391 : vector<16xf32> to vector<16xf32>
      %swap3A_393 = vector.shape_cast %scan3A_344#11 : vector<16xf32> to vector<16xf32>
      tpu.vector_store %arg9[%swap3A_390], %swap3A_393 {strides = array<i32>} : memref<1792xf32, #tpu.memory_space<vmem>>, vector<16xf32>,
      %swap3A_394 = arith.constant 448 : index
      %swap3A_395 = tpu.vector_load %arg9[%swap3A_394] {strides = array<i32>} : memref<1792xf32, #tpu.memory_space<vmem>>, vector<16xf32>,
      %swap3A_396 = vector.shape_cast %swap3A_395 : vector<16xf32> to vector<16xf32>
      %swap3A_397 = vector.shape_cast %scan3A_344#12 : vector<16xf32> to vector<16xf32>
      tpu.vector_store %arg9[%swap3A_394], %swap3A_397 {strides = array<i32>} : memref<1792xf32, #tpu.memory_space<vmem>>, vector<16xf32>,
      %swap3A_398 = arith.constant 464 : index
      %swap3A_399 = tpu.vector_load %arg9[%swap3A_398] {strides = array<i32>} : memref<1792xf32, #tpu.memory_space<vmem>>, vector<16xf32>,
      %swap3A_400 = vector.shape_cast %swap3A_399 : vector<16xf32> to vector<16xf32>
      %swap3A_401 = vector.shape_cast %scan3A_344#13 : vector<16xf32> to vector<16xf32>
      tpu.vector_store %arg9[%swap3A_398], %swap3A_401 {strides = array<i32>} : memref<1792xf32, #tpu.memory_space<vmem>>, vector<16xf32>,
      %swap3A_402 = arith.constant 480 : index
      %swap3A_403 = tpu.vector_load %arg9[%swap3A_402] {strides = array<i32>} : memref<1792xf32, #tpu.memory_space<vmem>>, vector<16xf32>,
      %swap3A_404 = vector.shape_cast %swap3A_403 : vector<16xf32> to vector<16xf32>
      %swap3A_405 = vector.shape_cast %scan3A_344#14 : vector<16xf32> to vector<16xf32>
      tpu.vector_store %arg9[%swap3A_402], %swap3A_405 {strides = array<i32>} : memref<1792xf32, #tpu.memory_space<vmem>>, vector<16xf32>,
      %swap3A_406 = arith.constant 496 : index
      %swap3A_407 = tpu.vector_load %arg9[%swap3A_406] {strides = array<i32>} : memref<1792xf32, #tpu.memory_space<vmem>>, vector<16xf32>,
      %swap3A_408 = vector.shape_cast %swap3A_407 : vector<16xf32> to vector<16xf32>
      %swap3A_409 = vector.shape_cast %scan3A_344#15 : vector<16xf32> to vector<16xf32>
      tpu.vector_store %arg9[%swap3A_406], %swap3A_409 {strides = array<i32>} : memref<1792xf32, #tpu.memory_space<vmem>>, vector<16xf32>,
      %broadcast_in_dim3A_410 = arith.constant 0.000000e+00 : f32
      %broadcast_in_dim3A_411 = vector.broadcast %broadcast_in_dim3A_410 : f32 to vector<16xf32>
      %broadcast_in_dim3A_412 = arith.constant 0.000000e+00 : f32
      %broadcast_in_dim3A_413 = vector.broadcast %broadcast_in_dim3A_412 : f32 to vector<16xf32>
      %broadcast_in_dim3A_414 = arith.constant 0.000000e+00 : f32
      %broadcast_in_dim3A_415 = vector.broadcast %broadcast_in_dim3A_414 : f32 to vector<16xf32>
      %broadcast_in_dim3A_416 = arith.constant 0.000000e+00 : f32
      %broadcast_in_dim3A_417 = vector.broadcast %broadcast_in_dim3A_416 : f32 to vector<16xf32>
      %broadcast_in_dim3A_418 = arith.constant 0.000000e+00 : f32
      %broadcast_in_dim3A_419 = vector.broadcast %broadcast_in_dim3A_418 : f32 to vector<16xf32>
      %broadcast_in_dim3A_420 = arith.constant 0.000000e+00 : f32
      %broadcast_in_dim3A_421 = vector.broadcast %broadcast_in_dim3A_420 : f32 to vector<16xf32>
      %broadcast_in_dim3A_422 = arith.constant 0.000000e+00 : f32
      %broadcast_in_dim3A_423 = vector.broadcast %broadcast_in_dim3A_422 : f32 to vector<16xf32>
      %broadcast_in_dim3A_424 = arith.constant 0.000000e+00 : f32
      %broadcast_in_dim3A_425 = vector.broadcast %broadcast_in_dim3A_424 : f32 to vector<16xf32>
      %broadcast_in_dim3A_426 = arith.constant 0.000000e+00 : f32
      %broadcast_in_dim3A_427 = vector.broadcast %broadcast_in_dim3A_426 : f32 to vector<16xf32>
      %broadcast_in_dim3A_428 = arith.constant 0.000000e+00 : f32
      %broadcast_in_dim3A_429 = vector.broadcast %broadcast_in_dim3A_428 : f32 to vector<16xf32>
      %broadcast_in_dim3A_430 = arith.constant 0.000000e+00 : f32
      %broadcast_in_dim3A_431 = vector.broadcast %broadcast_in_dim3A_430 : f32 to vector<16xf32>
      %broadcast_in_dim3A_432 = arith.constant 0.000000e+00 : f32
      %broadcast_in_dim3A_433 = vector.broadcast %broadcast_in_dim3A_432 : f32 to vector<16xf32>
      %broadcast_in_dim3A_434 = arith.constant 0.000000e+00 : f32
      %broadcast_in_dim3A_435 = vector.broadcast %broadcast_in_dim3A_434 : f32 to vector<16xf32>
      %broadcast_in_dim3A_436 = arith.constant 0.000000e+00 : f32
      %broadcast_in_dim3A_437 = vector.broadcast %broadcast_in_dim3A_436 : f32 to vector<16xf32>
      %broadcast_in_dim3A_438 = arith.constant 0.000000e+00 : f32
      %broadcast_in_dim3A_439 = vector.broadcast %broadcast_in_dim3A_438 : f32 to vector<16xf32>
      %broadcast_in_dim3A_440 = arith.constant 0.000000e+00 : f32
      %broadcast_in_dim3A_441 = vector.broadcast %broadcast_in_dim3A_440 : f32 to vector<16xf32>
      %scan3A_442 = arith.constant 0 : i32
      %scan3A_443 = arith.constant 20 : i32
      %scan3A_444 = arith.addi %scan3A_442, %scan3A_443 : i32
      %scan3A_445 = arith.constant 1 : i32
      %scan3A_446:16 = scf.for %scan3A_925 = %scan3A_442 to %scan3A_444 step %scan3A_445 iter_args(%scan3A_926 = %broadcast_in_dim3A_411, %scan3A_927 = %broadcast_in_dim3A_413, %scan3A_928 = %broadcast_in_dim3A_415, %scan3A_929 = %broadcast_in_dim3A_417, %scan3A_930 = %broadcast_in_dim3A_419, %scan3A_931 = %broadcast_in_dim3A_421, %scan3A_932 = %broadcast_in_dim3A_423, %scan3A_933 = %broadcast_in_dim3A_425, %scan3A_934 = %broadcast_in_dim3A_427, %scan3A_935 = %broadcast_in_dim3A_429, %scan3A_936 = %broadcast_in_dim3A_431, %scan3A_937 = %broadcast_in_dim3A_433, %scan3A_938 = %broadcast_in_dim3A_435, %scan3A_939 = %broadcast_in_dim3A_437, %scan3A_940 = %broadcast_in_dim3A_439, %scan3A_941 = %broadcast_in_dim3A_441) -> (vector<16xf32>, vector<16xf32>, vector<16xf32>, vector<16xf32>, vector<16xf32>, vector<16xf32>, vector<16xf32>, vector<16xf32>, vector<16xf32>, vector<16xf32>, vector<16xf32>, vector<16xf32>, vector<16xf32>, vector<16xf32>, vector<16xf32>, vector<16xf32>)  : i32 {
        %add3A_942 = arith.constant 40 : i32
        %add3A_943 = arith.addi %add3A_942, %scan3A_925 : i32
        %mul3A_944 = arith.constant 16 : i32
        %mul3A_945 = arith.muli %add3A_943, %mul3A_944 : i32
        %get3A = arith.index_cast %mul3A_945 : i32 to index
        %get3A_946 = tpu.vector_load %arg7[%get3A] {strides = array<i32>} : memref<2240xf32, #tpu.memory_space<vmem>>, vector<16xf32>,
        %get3A_947 = vector.shape_cast %get3A_946 : vector<16xf32> to vector<16xf32>
        %get3A_948 = arith.index_cast %rem3A_66 : i32 to index
        %get3A_949 = arith.index_cast %scan3A_925 : i32 to index
        %get3A_950 = arith.constant 512 : index
        %get3A_951 = tpu.vector_load %arg5[%get3A_948, %get3A_949, %get3A_950] {strides = array<i32>} : memref<2x20x1792xf32, #tpu.memory_space<vmem>>, vector<1x1x16xf32>,
        %get3A_952 = vector.shape_cast %get3A_951 : vector<1x1x16xf32> to vector<16xf32>
        %mul3A_953 = arith.mulf %get3A_947, %get3A_952 : vector<16xf32>
        %add3A_954 = arith.addf %scan3A_926, %mul3A_953 : vector<16xf32>
        %get3A_955 = arith.index_cast %rem3A_66 : i32 to index
        %get3A_956 = arith.index_cast %scan3A_925 : i32 to index
        %get3A_957 = arith.constant 528 : index
        %get3A_958 = tpu.vector_load %arg5[%get3A_955, %get3A_956, %get3A_957] {strides = array<i32>} : memref<2x20x1792xf32, #tpu.memory_space<vmem>>, vector<1x1x16xf32>,
        %get3A_959 = vector.shape_cast %get3A_958 : vector<1x1x16xf32> to vector<16xf32>
        %mul3A_960 = arith.mulf %get3A_947, %get3A_959 : vector<16xf32>
        %add3A_961 = arith.addf %scan3A_927, %mul3A_960 : vector<16xf32>
        %get3A_962 = arith.index_cast %rem3A_66 : i32 to index
        %get3A_963 = arith.index_cast %scan3A_925 : i32 to index
        %get3A_964 = arith.constant 544 : index
        %get3A_965 = tpu.vector_load %arg5[%get3A_962, %get3A_963, %get3A_964] {strides = array<i32>} : memref<2x20x1792xf32, #tpu.memory_space<vmem>>, vector<1x1x16xf32>,
        %get3A_966 = vector.shape_cast %get3A_965 : vector<1x1x16xf32> to vector<16xf32>
        %mul3A_967 = arith.mulf %get3A_947, %get3A_966 : vector<16xf32>
        %add3A_968 = arith.addf %scan3A_928, %mul3A_967 : vector<16xf32>
        %get3A_969 = arith.index_cast %rem3A_66 : i32 to index
        %get3A_970 = arith.index_cast %scan3A_925 : i32 to index
        %get3A_971 = arith.constant 560 : index
        %get3A_972 = tpu.vector_load %arg5[%get3A_969, %get3A_970, %get3A_971] {strides = array<i32>} : memref<2x20x1792xf32, #tpu.memory_space<vmem>>, vector<1x1x16xf32>,
        %get3A_973 = vector.shape_cast %get3A_972 : vector<1x1x16xf32> to vector<16xf32>
        %mul3A_974 = arith.mulf %get3A_947, %get3A_973 : vector<16xf32>
        %add3A_975 = arith.addf %scan3A_929, %mul3A_974 : vector<16xf32>
        %get3A_976 = arith.index_cast %rem3A_66 : i32 to index
        %get3A_977 = arith.index_cast %scan3A_925 : i32 to index
        %get3A_978 = arith.constant 576 : index
        %get3A_979 = tpu.vector_load %arg5[%get3A_976, %get3A_977, %get3A_978] {strides = array<i32>} : memref<2x20x1792xf32, #tpu.memory_space<vmem>>, vector<1x1x16xf32>,
        %get3A_980 = vector.shape_cast %get3A_979 : vector<1x1x16xf32> to vector<16xf32>
        %mul3A_981 = arith.mulf %get3A_947, %get3A_980 : vector<16xf32>
        %add3A_982 = arith.addf %scan3A_930, %mul3A_981 : vector<16xf32>
        %get3A_983 = arith.index_cast %rem3A_66 : i32 to index
        %get3A_984 = arith.index_cast %scan3A_925 : i32 to index
        %get3A_985 = arith.constant 592 : index
        %get3A_986 = tpu.vector_load %arg5[%get3A_983, %get3A_984, %get3A_985] {strides = array<i32>} : memref<2x20x1792xf32, #tpu.memory_space<vmem>>, vector<1x1x16xf32>,
        %get3A_987 = vector.shape_cast %get3A_986 : vector<1x1x16xf32> to vector<16xf32>
        %mul3A_988 = arith.mulf %get3A_947, %get3A_987 : vector<16xf32>
        %add3A_989 = arith.addf %scan3A_931, %mul3A_988 : vector<16xf32>
        %get3A_990 = arith.index_cast %rem3A_66 : i32 to index
        %get3A_991 = arith.index_cast %scan3A_925 : i32 to index
        %get3A_992 = arith.constant 608 : index
        %get3A_993 = tpu.vector_load %arg5[%get3A_990, %get3A_991, %get3A_992] {strides = array<i32>} : memref<2x20x1792xf32, #tpu.memory_space<vmem>>, vector<1x1x16xf32>,
        %get3A_994 = vector.shape_cast %get3A_993 : vector<1x1x16xf32> to vector<16xf32>
        %mul3A_995 = arith.mulf %get3A_947, %get3A_994 : vector<16xf32>
        %add3A_996 = arith.addf %scan3A_932, %mul3A_995 : vector<16xf32>
        %get3A_997 = arith.index_cast %rem3A_66 : i32 to index
        %get3A_998 = arith.index_cast %scan3A_925 : i32 to index
        %get3A_999 = arith.constant 624 : index
        %get3A_1000 = tpu.vector_load %arg5[%get3A_997, %get3A_998, %get3A_999] {strides = array<i32>} : memref<2x20x1792xf32, #tpu.memory_space<vmem>>, vector<1x1x16xf32>,
        %get3A_1001 = vector.shape_cast %get3A_1000 : vector<1x1x16xf32> to vector<16xf32>
        %mul3A_1002 = arith.mulf %get3A_947, %get3A_1001 : vector<16xf32>
        %add3A_1003 = arith.addf %scan3A_933, %mul3A_1002 : vector<16xf32>
        %get3A_1004 = arith.index_cast %rem3A_66 : i32 to index
        %get3A_1005 = arith.index_cast %scan3A_925 : i32 to index
        %get3A_1006 = arith.constant 640 : index
        %get3A_1007 = tpu.vector_load %arg5[%get3A_1004, %get3A_1005, %get3A_1006] {strides = array<i32>} : memref<2x20x1792xf32, #tpu.memory_space<vmem>>, vector<1x1x16xf32>,
        %get3A_1008 = vector.shape_cast %get3A_1007 : vector<1x1x16xf32> to vector<16xf32>
        %mul3A_1009 = arith.mulf %get3A_947, %get3A_1008 : vector<16xf32>
        %add3A_1010 = arith.addf %scan3A_934, %mul3A_1009 : vector<16xf32>
        %get3A_1011 = arith.index_cast %rem3A_66 : i32 to index
        %get3A_1012 = arith.index_cast %scan3A_925 : i32 to index
        %get3A_1013 = arith.constant 656 : index
        %get3A_1014 = tpu.vector_load %arg5[%get3A_1011, %get3A_1012, %get3A_1013] {strides = array<i32>} : memref<2x20x1792xf32, #tpu.memory_space<vmem>>, vector<1x1x16xf32>,
        %get3A_1015 = vector.shape_cast %get3A_1014 : vector<1x1x16xf32> to vector<16xf32>
        %mul3A_1016 = arith.mulf %get3A_947, %get3A_1015 : vector<16xf32>
        %add3A_1017 = arith.addf %scan3A_935, %mul3A_1016 : vector<16xf32>
        %get3A_1018 = arith.index_cast %rem3A_66 : i32 to index
        %get3A_1019 = arith.index_cast %scan3A_925 : i32 to index
        %get3A_1020 = arith.constant 672 : index
        %get3A_1021 = tpu.vector_load %arg5[%get3A_1018, %get3A_1019, %get3A_1020] {strides = array<i32>} : memref<2x20x1792xf32, #tpu.memory_space<vmem>>, vector<1x1x16xf32>,
        %get3A_1022 = vector.shape_cast %get3A_1021 : vector<1x1x16xf32> to vector<16xf32>
        %mul3A_1023 = arith.mulf %get3A_947, %get3A_1022 : vector<16xf32>
        %add3A_1024 = arith.addf %scan3A_936, %mul3A_1023 : vector<16xf32>
        %get3A_1025 = arith.index_cast %rem3A_66 : i32 to index
        %get3A_1026 = arith.index_cast %scan3A_925 : i32 to index
        %get3A_1027 = arith.constant 688 : index
        %get3A_1028 = tpu.vector_load %arg5[%get3A_1025, %get3A_1026, %get3A_1027] {strides = array<i32>} : memref<2x20x1792xf32, #tpu.memory_space<vmem>>, vector<1x1x16xf32>,
        %get3A_1029 = vector.shape_cast %get3A_1028 : vector<1x1x16xf32> to vector<16xf32>
        %mul3A_1030 = arith.mulf %get3A_947, %get3A_1029 : vector<16xf32>
        %add3A_1031 = arith.addf %scan3A_937, %mul3A_1030 : vector<16xf32>
        %get3A_1032 = arith.index_cast %rem3A_66 : i32 to index
        %get3A_1033 = arith.index_cast %scan3A_925 : i32 to index
        %get3A_1034 = arith.constant 704 : index
        %get3A_1035 = tpu.vector_load %arg5[%get3A_1032, %get3A_1033, %get3A_1034] {strides = array<i32>} : memref<2x20x1792xf32, #tpu.memory_space<vmem>>, vector<1x1x16xf32>,
        %get3A_1036 = vector.shape_cast %get3A_1035 : vector<1x1x16xf32> to vector<16xf32>
        %mul3A_1037 = arith.mulf %get3A_947, %get3A_1036 : vector<16xf32>
        %add3A_1038 = arith.addf %scan3A_938, %mul3A_1037 : vector<16xf32>
        %get3A_1039 = arith.index_cast %rem3A_66 : i32 to index
        %get3A_1040 = arith.index_cast %scan3A_925 : i32 to index
        %get3A_1041 = arith.constant 720 : index
        %get3A_1042 = tpu.vector_load %arg5[%get3A_1039, %get3A_1040, %get3A_1041] {strides = array<i32>} : memref<2x20x1792xf32, #tpu.memory_space<vmem>>, vector<1x1x16xf32>,
        %get3A_1043 = vector.shape_cast %get3A_1042 : vector<1x1x16xf32> to vector<16xf32>
        %mul3A_1044 = arith.mulf %get3A_947, %get3A_1043 : vector<16xf32>
        %add3A_1045 = arith.addf %scan3A_939, %mul3A_1044 : vector<16xf32>
        %get3A_1046 = arith.index_cast %rem3A_66 : i32 to index
        %get3A_1047 = arith.index_cast %scan3A_925 : i32 to index
        %get3A_1048 = arith.constant 736 : index
        %get3A_1049 = tpu.vector_load %arg5[%get3A_1046, %get3A_1047, %get3A_1048] {strides = array<i32>} : memref<2x20x1792xf32, #tpu.memory_space<vmem>>, vector<1x1x16xf32>,
        %get3A_1050 = vector.shape_cast %get3A_1049 : vector<1x1x16xf32> to vector<16xf32>
        %mul3A_1051 = arith.mulf %get3A_947, %get3A_1050 : vector<16xf32>
        %add3A_1052 = arith.addf %scan3A_940, %mul3A_1051 : vector<16xf32>
        %get3A_1053 = arith.index_cast %rem3A_66 : i32 to index
        %get3A_1054 = arith.index_cast %scan3A_925 : i32 to index
        %get3A_1055 = arith.constant 752 : index
        %get3A_1056 = tpu.vector_load %arg5[%get3A_1053, %get3A_1054, %get3A_1055] {strides = array<i32>} : memref<2x20x1792xf32, #tpu.memory_space<vmem>>, vector<1x1x16xf32>,
        %get3A_1057 = vector.shape_cast %get3A_1056 : vector<1x1x16xf32> to vector<16xf32>
        %mul3A_1058 = arith.mulf %get3A_947, %get3A_1057 : vector<16xf32>
        %add3A_1059 = arith.addf %scan3A_941, %mul3A_1058 : vector<16xf32>
        scf.yield %add3A_954, %add3A_961, %add3A_968, %add3A_975, %add3A_982, %add3A_989, %add3A_996, %add3A_1003, %add3A_1010, %add3A_1017, %add3A_1024, %add3A_1031, %add3A_1038, %add3A_1045, %add3A_1052, %add3A_1059 : vector<16xf32>, vector<16xf32>, vector<16xf32>, vector<16xf32>, vector<16xf32>, vector<16xf32>, vector<16xf32>, vector<16xf32>, vector<16xf32>, vector<16xf32>, vector<16xf32>, vector<16xf32>, vector<16xf32>, vector<16xf32>, vector<16xf32>, vector<16xf32>
      }
      %scan3A_447 = arith.constant 20 : i32
      %swap3A_448 = arith.constant 512 : index
      %swap3A_449 = tpu.vector_load %arg9[%swap3A_448] {strides = array<i32>} : memref<1792xf32, #tpu.memory_space<vmem>>, vector<16xf32>,
      %swap3A_450 = vector.shape_cast %swap3A_449 : vector<16xf32> to vector<16xf32>
      %swap3A_451 = vector.shape_cast %scan3A_446#0 : vector<16xf32> to vector<16xf32>
      tpu.vector_store %arg9[%swap3A_448], %swap3A_451 {strides = array<i32>} : memref<1792xf32, #tpu.memory_space<vmem>>, vector<16xf32>,
      %swap3A_452 = arith.constant 528 : index
      %swap3A_453 = tpu.vector_load %arg9[%swap3A_452] {strides = array<i32>} : memref<1792xf32, #tpu.memory_space<vmem>>, vector<16xf32>,
      %swap3A_454 = vector.shape_cast %swap3A_453 : vector<16xf32> to vector<16xf32>
      %swap3A_455 = vector.shape_cast %scan3A_446#1 : vector<16xf32> to vector<16xf32>
      tpu.vector_store %arg9[%swap3A_452], %swap3A_455 {strides = array<i32>} : memref<1792xf32, #tpu.memory_space<vmem>>, vector<16xf32>,
      %swap3A_456 = arith.constant 544 : index
      %swap3A_457 = tpu.vector_load %arg9[%swap3A_456] {strides = array<i32>} : memref<1792xf32, #tpu.memory_space<vmem>>, vector<16xf32>,
      %swap3A_458 = vector.shape_cast %swap3A_457 : vector<16xf32> to vector<16xf32>
      %swap3A_459 = vector.shape_cast %scan3A_446#2 : vector<16xf32> to vector<16xf32>
      tpu.vector_store %arg9[%swap3A_456], %swap3A_459 {strides = array<i32>} : memref<1792xf32, #tpu.memory_space<vmem>>, vector<16xf32>,
      %swap3A_460 = arith.constant 560 : index
      %swap3A_461 = tpu.vector_load %arg9[%swap3A_460] {strides = array<i32>} : memref<1792xf32, #tpu.memory_space<vmem>>, vector<16xf32>,
      %swap3A_462 = vector.shape_cast %swap3A_461 : vector<16xf32> to vector<16xf32>
      %swap3A_463 = vector.shape_cast %scan3A_446#3 : vector<16xf32> to vector<16xf32>
      tpu.vector_store %arg9[%swap3A_460], %swap3A_463 {strides = array<i32>} : memref<1792xf32, #tpu.memory_space<vmem>>, vector<16xf32>,
      %swap3A_464 = arith.constant 576 : index
      %swap3A_465 = tpu.vector_load %arg9[%swap3A_464] {strides = array<i32>} : memref<1792xf32, #tpu.memory_space<vmem>>, vector<16xf32>,
      %swap3A_466 = vector.shape_cast %swap3A_465 : vector<16xf32> to vector<16xf32>
      %swap3A_467 = vector.shape_cast %scan3A_446#4 : vector<16xf32> to vector<16xf32>
      tpu.vector_store %arg9[%swap3A_464], %swap3A_467 {strides = array<i32>} : memref<1792xf32, #tpu.memory_space<vmem>>, vector<16xf32>,
      %swap3A_468 = arith.constant 592 : index
      %swap3A_469 = tpu.vector_load %arg9[%swap3A_468] {strides = array<i32>} : memref<1792xf32, #tpu.memory_space<vmem>>, vector<16xf32>,
      %swap3A_470 = vector.shape_cast %swap3A_469 : vector<16xf32> to vector<16xf32>
      %swap3A_471 = vector.shape_cast %scan3A_446#5 : vector<16xf32> to vector<16xf32>
      tpu.vector_store %arg9[%swap3A_468], %swap3A_471 {strides = array<i32>} : memref<1792xf32, #tpu.memory_space<vmem>>, vector<16xf32>,
      %swap3A_472 = arith.constant 608 : index
      %swap3A_473 = tpu.vector_load %arg9[%swap3A_472] {strides = array<i32>} : memref<1792xf32, #tpu.memory_space<vmem>>, vector<16xf32>,
      %swap3A_474 = vector.shape_cast %swap3A_473 : vector<16xf32> to vector<16xf32>
      %swap3A_475 = vector.shape_cast %scan3A_446#6 : vector<16xf32> to vector<16xf32>
      tpu.vector_store %arg9[%swap3A_472], %swap3A_475 {strides = array<i32>} : memref<1792xf32, #tpu.memory_space<vmem>>, vector<16xf32>,
      %swap3A_476 = arith.constant 624 : index
      %swap3A_477 = tpu.vector_load %arg9[%swap3A_476] {strides = array<i32>} : memref<1792xf32, #tpu.memory_space<vmem>>, vector<16xf32>,
      %swap3A_478 = vector.shape_cast %swap3A_477 : vector<16xf32> to vector<16xf32>
      %swap3A_479 = vector.shape_cast %scan3A_446#7 : vector<16xf32> to vector<16xf32>
      tpu.vector_store %arg9[%swap3A_476], %swap3A_479 {strides = array<i32>} : memref<1792xf32, #tpu.memory_space<vmem>>, vector<16xf32>,
      %swap3A_480 = arith.constant 640 : index
      %swap3A_481 = tpu.vector_load %arg9[%swap3A_480] {strides = array<i32>} : memref<1792xf32, #tpu.memory_space<vmem>>, vector<16xf32>,
      %swap3A_482 = vector.shape_cast %swap3A_481 : vector<16xf32> to vector<16xf32>
      %swap3A_483 = vector.shape_cast %scan3A_446#8 : vector<16xf32> to vector<16xf32>
      tpu.vector_store %arg9[%swap3A_480], %swap3A_483 {strides = array<i32>} : memref<1792xf32, #tpu.memory_space<vmem>>, vector<16xf32>,
      %swap3A_484 = arith.constant 656 : index
      %swap3A_485 = tpu.vector_load %arg9[%swap3A_484] {strides = array<i32>} : memref<1792xf32, #tpu.memory_space<vmem>>, vector<16xf32>,
      %swap3A_486 = vector.shape_cast %swap3A_485 : vector<16xf32> to vector<16xf32>
      %swap3A_487 = vector.shape_cast %scan3A_446#9 : vector<16xf32> to vector<16xf32>
      tpu.vector_store %arg9[%swap3A_484], %swap3A_487 {strides = array<i32>} : memref<1792xf32, #tpu.memory_space<vmem>>, vector<16xf32>,
      %swap3A_488 = arith.constant 672 : index
      %swap3A_489 = tpu.vector_load %arg9[%swap3A_488] {strides = array<i32>} : memref<1792xf32, #tpu.memory_space<vmem>>, vector<16xf32>,
      %swap3A_490 = vector.shape_cast %swap3A_489 : vector<16xf32> to vector<16xf32>
      %swap3A_491 = vector.shape_cast %scan3A_446#10 : vector<16xf32> to vector<16xf32>
      tpu.vector_store %arg9[%swap3A_488], %swap3A_491 {strides = array<i32>} : memref<1792xf32, #tpu.memory_space<vmem>>, vector<16xf32>,
      %swap3A_492 = arith.constant 688 : index
      %swap3A_493 = tpu.vector_load %arg9[%swap3A_492] {strides = array<i32>} : memref<1792xf32, #tpu.memory_space<vmem>>, vector<16xf32>,
      %swap3A_494 = vector.shape_cast %swap3A_493 : vector<16xf32> to vector<16xf32>
      %swap3A_495 = vector.shape_cast %scan3A_446#11 : vector<16xf32> to vector<16xf32>
      tpu.vector_store %arg9[%swap3A_492], %swap3A_495 {strides = array<i32>} : memref<1792xf32, #tpu.memory_space<vmem>>, vector<16xf32>,
      %swap3A_496 = arith.constant 704 : index
      %swap3A_497 = tpu.vector_load %arg9[%swap3A_496] {strides = array<i32>} : memref<1792xf32, #tpu.memory_space<vmem>>, vector<16xf32>,
      %swap3A_498 = vector.shape_cast %swap3A_497 : vector<16xf32> to vector<16xf32>
      %swap3A_499 = vector.shape_cast %scan3A_446#12 : vector<16xf32> to vector<16xf32>
      tpu.vector_store %arg9[%swap3A_496], %swap3A_499 {strides = array<i32>} : memref<1792xf32, #tpu.memory_space<vmem>>, vector<16xf32>,
      %swap3A_500 = arith.constant 720 : index
      %swap3A_501 = tpu.vector_load %arg9[%swap3A_500] {strides = array<i32>} : memref<1792xf32, #tpu.memory_space<vmem>>, vector<16xf32>,
      %swap3A_502 = vector.shape_cast %swap3A_501 : vector<16xf32> to vector<16xf32>
      %swap3A_503 = vector.shape_cast %scan3A_446#13 : vector<16xf32> to vector<16xf32>
      tpu.vector_store %arg9[%swap3A_500], %swap3A_503 {strides = array<i32>} : memref<1792xf32, #tpu.memory_space<vmem>>, vector<16xf32>,
      %swap3A_504 = arith.constant 736 : index
      %swap3A_505 = tpu.vector_load %arg9[%swap3A_504] {strides = array<i32>} : memref<1792xf32, #tpu.memory_space<vmem>>, vector<16xf32>,
      %swap3A_506 = vector.shape_cast %swap3A_505 : vector<16xf32> to vector<16xf32>
      %swap3A_507 = vector.shape_cast %scan3A_446#14 : vector<16xf32> to vector<16xf32>
      tpu.vector_store %arg9[%swap3A_504], %swap3A_507 {strides = array<i32>} : memref<1792xf32, #tpu.memory_space<vmem>>, vector<16xf32>,
      %swap3A_508 = arith.constant 752 : index
      %swap3A_509 = tpu.vector_load %arg9[%swap3A_508] {strides = array<i32>} : memref<1792xf32, #tpu.memory_space<vmem>>, vector<16xf32>,
      %swap3A_510 = vector.shape_cast %swap3A_509 : vector<16xf32> to vector<16xf32>
      %swap3A_511 = vector.shape_cast %scan3A_446#15 : vector<16xf32> to vector<16xf32>
      tpu.vector_store %arg9[%swap3A_508], %swap3A_511 {strides = array<i32>} : memref<1792xf32, #tpu.memory_space<vmem>>, vector<16xf32>,
      %broadcast_in_dim3A_512 = arith.constant 0.000000e+00 : f32
      %broadcast_in_dim3A_513 = vector.broadcast %broadcast_in_dim3A_512 : f32 to vector<16xf32>
      %broadcast_in_dim3A_514 = arith.constant 0.000000e+00 : f32
      %broadcast_in_dim3A_515 = vector.broadcast %broadcast_in_dim3A_514 : f32 to vector<16xf32>
      %broadcast_in_dim3A_516 = arith.constant 0.000000e+00 : f32
      %broadcast_in_dim3A_517 = vector.broadcast %broadcast_in_dim3A_516 : f32 to vector<16xf32>
      %broadcast_in_dim3A_518 = arith.constant 0.000000e+00 : f32
      %broadcast_in_dim3A_519 = vector.broadcast %broadcast_in_dim3A_518 : f32 to vector<16xf32>
      %broadcast_in_dim3A_520 = arith.constant 0.000000e+00 : f32
      %broadcast_in_dim3A_521 = vector.broadcast %broadcast_in_dim3A_520 : f32 to vector<16xf32>
      %broadcast_in_dim3A_522 = arith.constant 0.000000e+00 : f32
      %broadcast_in_dim3A_523 = vector.broadcast %broadcast_in_dim3A_522 : f32 to vector<16xf32>
      %broadcast_in_dim3A_524 = arith.constant 0.000000e+00 : f32
      %broadcast_in_dim3A_525 = vector.broadcast %broadcast_in_dim3A_524 : f32 to vector<16xf32>
      %broadcast_in_dim3A_526 = arith.constant 0.000000e+00 : f32
      %broadcast_in_dim3A_527 = vector.broadcast %broadcast_in_dim3A_526 : f32 to vector<16xf32>
      %broadcast_in_dim3A_528 = arith.constant 0.000000e+00 : f32
      %broadcast_in_dim3A_529 = vector.broadcast %broadcast_in_dim3A_528 : f32 to vector<16xf32>
      %broadcast_in_dim3A_530 = arith.constant 0.000000e+00 : f32
      %broadcast_in_dim3A_531 = vector.broadcast %broadcast_in_dim3A_530 : f32 to vector<16xf32>
      %broadcast_in_dim3A_532 = arith.constant 0.000000e+00 : f32
      %broadcast_in_dim3A_533 = vector.broadcast %broadcast_in_dim3A_532 : f32 to vector<16xf32>
      %broadcast_in_dim3A_534 = arith.constant 0.000000e+00 : f32
      %broadcast_in_dim3A_535 = vector.broadcast %broadcast_in_dim3A_534 : f32 to vector<16xf32>
      %broadcast_in_dim3A_536 = arith.constant 0.000000e+00 : f32
      %broadcast_in_dim3A_537 = vector.broadcast %broadcast_in_dim3A_536 : f32 to vector<16xf32>
      %broadcast_in_dim3A_538 = arith.constant 0.000000e+00 : f32
      %broadcast_in_dim3A_539 = vector.broadcast %broadcast_in_dim3A_538 : f32 to vector<16xf32>
      %broadcast_in_dim3A_540 = arith.constant 0.000000e+00 : f32
      %broadcast_in_dim3A_541 = vector.broadcast %broadcast_in_dim3A_540 : f32 to vector<16xf32>
      %broadcast_in_dim3A_542 = arith.constant 0.000000e+00 : f32
      %broadcast_in_dim3A_543 = vector.broadcast %broadcast_in_dim3A_542 : f32 to vector<16xf32>
      %scan3A_544 = arith.constant 0 : i32
      %scan3A_545 = arith.constant 20 : i32
      %scan3A_546 = arith.addi %scan3A_544, %scan3A_545 : i32
      %scan3A_547 = arith.constant 1 : i32
      %scan3A_548:16 = scf.for %scan3A_925 = %scan3A_544 to %scan3A_546 step %scan3A_547 iter_args(%scan3A_926 = %broadcast_in_dim3A_513, %scan3A_927 = %broadcast_in_dim3A_515, %scan3A_928 = %broadcast_in_dim3A_517, %scan3A_929 = %broadcast_in_dim3A_519, %scan3A_930 = %broadcast_in_dim3A_521, %scan3A_931 = %broadcast_in_dim3A_523, %scan3A_932 = %broadcast_in_dim3A_525, %scan3A_933 = %broadcast_in_dim3A_527, %scan3A_934 = %broadcast_in_dim3A_529, %scan3A_935 = %broadcast_in_dim3A_531, %scan3A_936 = %broadcast_in_dim3A_533, %scan3A_937 = %broadcast_in_dim3A_535, %scan3A_938 = %broadcast_in_dim3A_537, %scan3A_939 = %broadcast_in_dim3A_539, %scan3A_940 = %broadcast_in_dim3A_541, %scan3A_941 = %broadcast_in_dim3A_543) -> (vector<16xf32>, vector<16xf32>, vector<16xf32>, vector<16xf32>, vector<16xf32>, vector<16xf32>, vector<16xf32>, vector<16xf32>, vector<16xf32>, vector<16xf32>, vector<16xf32>, vector<16xf32>, vector<16xf32>, vector<16xf32>, vector<16xf32>, vector<16xf32>)  : i32 {
        %add3A_942 = arith.constant 60 : i32
        %add3A_943 = arith.addi %add3A_942, %scan3A_925 : i32
        %mul3A_944 = arith.constant 16 : i32
        %mul3A_945 = arith.muli %add3A_943, %mul3A_944 : i32
        %get3A = arith.index_cast %mul3A_945 : i32 to index
        %get3A_946 = tpu.vector_load %arg7[%get3A] {strides = array<i32>} : memref<2240xf32, #tpu.memory_space<vmem>>, vector<16xf32>,
        %get3A_947 = vector.shape_cast %get3A_946 : vector<16xf32> to vector<16xf32>
        %get3A_948 = arith.index_cast %rem3A_66 : i32 to index
        %get3A_949 = arith.index_cast %scan3A_925 : i32 to index
        %get3A_950 = arith.constant 768 : index
        %get3A_951 = tpu.vector_load %arg5[%get3A_948, %get3A_949, %get3A_950] {strides = array<i32>} : memref<2x20x1792xf32, #tpu.memory_space<vmem>>, vector<1x1x16xf32>,
        %get3A_952 = vector.shape_cast %get3A_951 : vector<1x1x16xf32> to vector<16xf32>
        %mul3A_953 = arith.mulf %get3A_947, %get3A_952 : vector<16xf32>
        %add3A_954 = arith.addf %scan3A_926, %mul3A_953 : vector<16xf32>
        %get3A_955 = arith.index_cast %rem3A_66 : i32 to index
        %get3A_956 = arith.index_cast %scan3A_925 : i32 to index
        %get3A_957 = arith.constant 784 : index
        %get3A_958 = tpu.vector_load %arg5[%get3A_955, %get3A_956, %get3A_957] {strides = array<i32>} : memref<2x20x1792xf32, #tpu.memory_space<vmem>>, vector<1x1x16xf32>,
        %get3A_959 = vector.shape_cast %get3A_958 : vector<1x1x16xf32> to vector<16xf32>
        %mul3A_960 = arith.mulf %get3A_947, %get3A_959 : vector<16xf32>
        %add3A_961 = arith.addf %scan3A_927, %mul3A_960 : vector<16xf32>
        %get3A_962 = arith.index_cast %rem3A_66 : i32 to index
        %get3A_963 = arith.index_cast %scan3A_925 : i32 to index
        %get3A_964 = arith.constant 800 : index
        %get3A_965 = tpu.vector_load %arg5[%get3A_962, %get3A_963, %get3A_964] {strides = array<i32>} : memref<2x20x1792xf32, #tpu.memory_space<vmem>>, vector<1x1x16xf32>,
        %get3A_966 = vector.shape_cast %get3A_965 : vector<1x1x16xf32> to vector<16xf32>
        %mul3A_967 = arith.mulf %get3A_947, %get3A_966 : vector<16xf32>
        %add3A_968 = arith.addf %scan3A_928, %mul3A_967 : vector<16xf32>
        %get3A_969 = arith.index_cast %rem3A_66 : i32 to index
        %get3A_970 = arith.index_cast %scan3A_925 : i32 to index
        %get3A_971 = arith.constant 816 : index
        %get3A_972 = tpu.vector_load %arg5[%get3A_969, %get3A_970, %get3A_971] {strides = array<i32>} : memref<2x20x1792xf32, #tpu.memory_space<vmem>>, vector<1x1x16xf32>,
        %get3A_973 = vector.shape_cast %get3A_972 : vector<1x1x16xf32> to vector<16xf32>
        %mul3A_974 = arith.mulf %get3A_947, %get3A_973 : vector<16xf32>
        %add3A_975 = arith.addf %scan3A_929, %mul3A_974 : vector<16xf32>
        %get3A_976 = arith.index_cast %rem3A_66 : i32 to index
        %get3A_977 = arith.index_cast %scan3A_925 : i32 to index
        %get3A_978 = arith.constant 832 : index
        %get3A_979 = tpu.vector_load %arg5[%get3A_976, %get3A_977, %get3A_978] {strides = array<i32>} : memref<2x20x1792xf32, #tpu.memory_space<vmem>>, vector<1x1x16xf32>,
        %get3A_980 = vector.shape_cast %get3A_979 : vector<1x1x16xf32> to vector<16xf32>
        %mul3A_981 = arith.mulf %get3A_947, %get3A_980 : vector<16xf32>
        %add3A_982 = arith.addf %scan3A_930, %mul3A_981 : vector<16xf32>
        %get3A_983 = arith.index_cast %rem3A_66 : i32 to index
        %get3A_984 = arith.index_cast %scan3A_925 : i32 to index
        %get3A_985 = arith.constant 848 : index
        %get3A_986 = tpu.vector_load %arg5[%get3A_983, %get3A_984, %get3A_985] {strides = array<i32>} : memref<2x20x1792xf32, #tpu.memory_space<vmem>>, vector<1x1x16xf32>,
        %get3A_987 = vector.shape_cast %get3A_986 : vector<1x1x16xf32> to vector<16xf32>
        %mul3A_988 = arith.mulf %get3A_947, %get3A_987 : vector<16xf32>
        %add3A_989 = arith.addf %scan3A_931, %mul3A_988 : vector<16xf32>
        %get3A_990 = arith.index_cast %rem3A_66 : i32 to index
        %get3A_991 = arith.index_cast %scan3A_925 : i32 to index
        %get3A_992 = arith.constant 864 : index
        %get3A_993 = tpu.vector_load %arg5[%get3A_990, %get3A_991, %get3A_992] {strides = array<i32>} : memref<2x20x1792xf32, #tpu.memory_space<vmem>>, vector<1x1x16xf32>,
        %get3A_994 = vector.shape_cast %get3A_993 : vector<1x1x16xf32> to vector<16xf32>
        %mul3A_995 = arith.mulf %get3A_947, %get3A_994 : vector<16xf32>
        %add3A_996 = arith.addf %scan3A_932, %mul3A_995 : vector<16xf32>
        %get3A_997 = arith.index_cast %rem3A_66 : i32 to index
        %get3A_998 = arith.index_cast %scan3A_925 : i32 to index
        %get3A_999 = arith.constant 880 : index
        %get3A_1000 = tpu.vector_load %arg5[%get3A_997, %get3A_998, %get3A_999] {strides = array<i32>} : memref<2x20x1792xf32, #tpu.memory_space<vmem>>, vector<1x1x16xf32>,
        %get3A_1001 = vector.shape_cast %get3A_1000 : vector<1x1x16xf32> to vector<16xf32>
        %mul3A_1002 = arith.mulf %get3A_947, %get3A_1001 : vector<16xf32>
        %add3A_1003 = arith.addf %scan3A_933, %mul3A_1002 : vector<16xf32>
        %get3A_1004 = arith.index_cast %rem3A_66 : i32 to index
        %get3A_1005 = arith.index_cast %scan3A_925 : i32 to index
        %get3A_1006 = arith.constant 896 : index
        %get3A_1007 = tpu.vector_load %arg5[%get3A_1004, %get3A_1005, %get3A_1006] {strides = array<i32>} : memref<2x20x1792xf32, #tpu.memory_space<vmem>>, vector<1x1x16xf32>,
        %get3A_1008 = vector.shape_cast %get3A_1007 : vector<1x1x16xf32> to vector<16xf32>
        %mul3A_1009 = arith.mulf %get3A_947, %get3A_1008 : vector<16xf32>
        %add3A_1010 = arith.addf %scan3A_934, %mul3A_1009 : vector<16xf32>
        %get3A_1011 = arith.index_cast %rem3A_66 : i32 to index
        %get3A_1012 = arith.index_cast %scan3A_925 : i32 to index
        %get3A_1013 = arith.constant 912 : index
        %get3A_1014 = tpu.vector_load %arg5[%get3A_1011, %get3A_1012, %get3A_1013] {strides = array<i32>} : memref<2x20x1792xf32, #tpu.memory_space<vmem>>, vector<1x1x16xf32>,
        %get3A_1015 = vector.shape_cast %get3A_1014 : vector<1x1x16xf32> to vector<16xf32>
        %mul3A_1016 = arith.mulf %get3A_947, %get3A_1015 : vector<16xf32>
        %add3A_1017 = arith.addf %scan3A_935, %mul3A_1016 : vector<16xf32>
        %get3A_1018 = arith.index_cast %rem3A_66 : i32 to index
        %get3A_1019 = arith.index_cast %scan3A_925 : i32 to index
        %get3A_1020 = arith.constant 928 : index
        %get3A_1021 = tpu.vector_load %arg5[%get3A_1018, %get3A_1019, %get3A_1020] {strides = array<i32>} : memref<2x20x1792xf32, #tpu.memory_space<vmem>>, vector<1x1x16xf32>,
        %get3A_1022 = vector.shape_cast %get3A_1021 : vector<1x1x16xf32> to vector<16xf32>
        %mul3A_1023 = arith.mulf %get3A_947, %get3A_1022 : vector<16xf32>
        %add3A_1024 = arith.addf %scan3A_936, %mul3A_1023 : vector<16xf32>
        %get3A_1025 = arith.index_cast %rem3A_66 : i32 to index
        %get3A_1026 = arith.index_cast %scan3A_925 : i32 to index
        %get3A_1027 = arith.constant 944 : index
        %get3A_1028 = tpu.vector_load %arg5[%get3A_1025, %get3A_1026, %get3A_1027] {strides = array<i32>} : memref<2x20x1792xf32, #tpu.memory_space<vmem>>, vector<1x1x16xf32>,
        %get3A_1029 = vector.shape_cast %get3A_1028 : vector<1x1x16xf32> to vector<16xf32>
        %mul3A_1030 = arith.mulf %get3A_947, %get3A_1029 : vector<16xf32>
        %add3A_1031 = arith.addf %scan3A_937, %mul3A_1030 : vector<16xf32>
        %get3A_1032 = arith.index_cast %rem3A_66 : i32 to index
        %get3A_1033 = arith.index_cast %scan3A_925 : i32 to index
        %get3A_1034 = arith.constant 960 : index
        %get3A_1035 = tpu.vector_load %arg5[%get3A_1032, %get3A_1033, %get3A_1034] {strides = array<i32>} : memref<2x20x1792xf32, #tpu.memory_space<vmem>>, vector<1x1x16xf32>,
        %get3A_1036 = vector.shape_cast %get3A_1035 : vector<1x1x16xf32> to vector<16xf32>
        %mul3A_1037 = arith.mulf %get3A_947, %get3A_1036 : vector<16xf32>
        %add3A_1038 = arith.addf %scan3A_938, %mul3A_1037 : vector<16xf32>
        %get3A_1039 = arith.index_cast %rem3A_66 : i32 to index
        %get3A_1040 = arith.index_cast %scan3A_925 : i32 to index
        %get3A_1041 = arith.constant 976 : index
        %get3A_1042 = tpu.vector_load %arg5[%get3A_1039, %get3A_1040, %get3A_1041] {strides = array<i32>} : memref<2x20x1792xf32, #tpu.memory_space<vmem>>, vector<1x1x16xf32>,
        %get3A_1043 = vector.shape_cast %get3A_1042 : vector<1x1x16xf32> to vector<16xf32>
        %mul3A_1044 = arith.mulf %get3A_947, %get3A_1043 : vector<16xf32>
        %add3A_1045 = arith.addf %scan3A_939, %mul3A_1044 : vector<16xf32>
        %get3A_1046 = arith.index_cast %rem3A_66 : i32 to index
        %get3A_1047 = arith.index_cast %scan3A_925 : i32 to index
        %get3A_1048 = arith.constant 992 : index
        %get3A_1049 = tpu.vector_load %arg5[%get3A_1046, %get3A_1047, %get3A_1048] {strides = array<i32>} : memref<2x20x1792xf32, #tpu.memory_space<vmem>>, vector<1x1x16xf32>,
        %get3A_1050 = vector.shape_cast %get3A_1049 : vector<1x1x16xf32> to vector<16xf32>
        %mul3A_1051 = arith.mulf %get3A_947, %get3A_1050 : vector<16xf32>
        %add3A_1052 = arith.addf %scan3A_940, %mul3A_1051 : vector<16xf32>
        %get3A_1053 = arith.index_cast %rem3A_66 : i32 to index
        %get3A_1054 = arith.index_cast %scan3A_925 : i32 to index
        %get3A_1055 = arith.constant 1008 : index
        %get3A_1056 = tpu.vector_load %arg5[%get3A_1053, %get3A_1054, %get3A_1055] {strides = array<i32>} : memref<2x20x1792xf32, #tpu.memory_space<vmem>>, vector<1x1x16xf32>,
        %get3A_1057 = vector.shape_cast %get3A_1056 : vector<1x1x16xf32> to vector<16xf32>
        %mul3A_1058 = arith.mulf %get3A_947, %get3A_1057 : vector<16xf32>
        %add3A_1059 = arith.addf %scan3A_941, %mul3A_1058 : vector<16xf32>
        scf.yield %add3A_954, %add3A_961, %add3A_968, %add3A_975, %add3A_982, %add3A_989, %add3A_996, %add3A_1003, %add3A_1010, %add3A_1017, %add3A_1024, %add3A_1031, %add3A_1038, %add3A_1045, %add3A_1052, %add3A_1059 : vector<16xf32>, vector<16xf32>, vector<16xf32>, vector<16xf32>, vector<16xf32>, vector<16xf32>, vector<16xf32>, vector<16xf32>, vector<16xf32>, vector<16xf32>, vector<16xf32>, vector<16xf32>, vector<16xf32>, vector<16xf32>, vector<16xf32>, vector<16xf32>
      }
      %scan3A_549 = arith.constant 20 : i32
      %swap3A_550 = arith.constant 768 : index
      %swap3A_551 = tpu.vector_load %arg9[%swap3A_550] {strides = array<i32>} : memref<1792xf32, #tpu.memory_space<vmem>>, vector<16xf32>,
      %swap3A_552 = vector.shape_cast %swap3A_551 : vector<16xf32> to vector<16xf32>
      %swap3A_553 = vector.shape_cast %scan3A_548#0 : vector<16xf32> to vector<16xf32>
      tpu.vector_store %arg9[%swap3A_550], %swap3A_553 {strides = array<i32>} : memref<1792xf32, #tpu.memory_space<vmem>>, vector<16xf32>,
      %swap3A_554 = arith.constant 784 : index
      %swap3A_555 = tpu.vector_load %arg9[%swap3A_554] {strides = array<i32>} : memref<1792xf32, #tpu.memory_space<vmem>>, vector<16xf32>,
      %swap3A_556 = vector.shape_cast %swap3A_555 : vector<16xf32> to vector<16xf32>
      %swap3A_557 = vector.shape_cast %scan3A_548#1 : vector<16xf32> to vector<16xf32>
      tpu.vector_store %arg9[%swap3A_554], %swap3A_557 {strides = array<i32>} : memref<1792xf32, #tpu.memory_space<vmem>>, vector<16xf32>,
      %swap3A_558 = arith.constant 800 : index
      %swap3A_559 = tpu.vector_load %arg9[%swap3A_558] {strides = array<i32>} : memref<1792xf32, #tpu.memory_space<vmem>>, vector<16xf32>,
      %swap3A_560 = vector.shape_cast %swap3A_559 : vector<16xf32> to vector<16xf32>
      %swap3A_561 = vector.shape_cast %scan3A_548#2 : vector<16xf32> to vector<16xf32>
      tpu.vector_store %arg9[%swap3A_558], %swap3A_561 {strides = array<i32>} : memref<1792xf32, #tpu.memory_space<vmem>>, vector<16xf32>,
      %swap3A_562 = arith.constant 816 : index
      %swap3A_563 = tpu.vector_load %arg9[%swap3A_562] {strides = array<i32>} : memref<1792xf32, #tpu.memory_space<vmem>>, vector<16xf32>,
      %swap3A_564 = vector.shape_cast %swap3A_563 : vector<16xf32> to vector<16xf32>
      %swap3A_565 = vector.shape_cast %scan3A_548#3 : vector<16xf32> to vector<16xf32>
      tpu.vector_store %arg9[%swap3A_562], %swap3A_565 {strides = array<i32>} : memref<1792xf32, #tpu.memory_space<vmem>>, vector<16xf32>,
      %swap3A_566 = arith.constant 832 : index
      %swap3A_567 = tpu.vector_load %arg9[%swap3A_566] {strides = array<i32>} : memref<1792xf32, #tpu.memory_space<vmem>>, vector<16xf32>,
      %swap3A_568 = vector.shape_cast %swap3A_567 : vector<16xf32> to vector<16xf32>
      %swap3A_569 = vector.shape_cast %scan3A_548#4 : vector<16xf32> to vector<16xf32>
      tpu.vector_store %arg9[%swap3A_566], %swap3A_569 {strides = array<i32>} : memref<1792xf32, #tpu.memory_space<vmem>>, vector<16xf32>,
      %swap3A_570 = arith.constant 848 : index
      %swap3A_571 = tpu.vector_load %arg9[%swap3A_570] {strides = array<i32>} : memref<1792xf32, #tpu.memory_space<vmem>>, vector<16xf32>,
      %swap3A_572 = vector.shape_cast %swap3A_571 : vector<16xf32> to vector<16xf32>
      %swap3A_573 = vector.shape_cast %scan3A_548#5 : vector<16xf32> to vector<16xf32>
      tpu.vector_store %arg9[%swap3A_570], %swap3A_573 {strides = array<i32>} : memref<1792xf32, #tpu.memory_space<vmem>>, vector<16xf32>,
      %swap3A_574 = arith.constant 864 : index
      %swap3A_575 = tpu.vector_load %arg9[%swap3A_574] {strides = array<i32>} : memref<1792xf32, #tpu.memory_space<vmem>>, vector<16xf32>,
      %swap3A_576 = vector.shape_cast %swap3A_575 : vector<16xf32> to vector<16xf32>
      %swap3A_577 = vector.shape_cast %scan3A_548#6 : vector<16xf32> to vector<16xf32>
      tpu.vector_store %arg9[%swap3A_574], %swap3A_577 {strides = array<i32>} : memref<1792xf32, #tpu.memory_space<vmem>>, vector<16xf32>,
      %swap3A_578 = arith.constant 880 : index
      %swap3A_579 = tpu.vector_load %arg9[%swap3A_578] {strides = array<i32>} : memref<1792xf32, #tpu.memory_space<vmem>>, vector<16xf32>,
      %swap3A_580 = vector.shape_cast %swap3A_579 : vector<16xf32> to vector<16xf32>
      %swap3A_581 = vector.shape_cast %scan3A_548#7 : vector<16xf32> to vector<16xf32>
      tpu.vector_store %arg9[%swap3A_578], %swap3A_581 {strides = array<i32>} : memref<1792xf32, #tpu.memory_space<vmem>>, vector<16xf32>,
      %swap3A_582 = arith.constant 896 : index
      %swap3A_583 = tpu.vector_load %arg9[%swap3A_582] {strides = array<i32>} : memref<1792xf32, #tpu.memory_space<vmem>>, vector<16xf32>,
      %swap3A_584 = vector.shape_cast %swap3A_583 : vector<16xf32> to vector<16xf32>
      %swap3A_585 = vector.shape_cast %scan3A_548#8 : vector<16xf32> to vector<16xf32>
      tpu.vector_store %arg9[%swap3A_582], %swap3A_585 {strides = array<i32>} : memref<1792xf32, #tpu.memory_space<vmem>>, vector<16xf32>,
      %swap3A_586 = arith.constant 912 : index
      %swap3A_587 = tpu.vector_load %arg9[%swap3A_586] {strides = array<i32>} : memref<1792xf32, #tpu.memory_space<vmem>>, vector<16xf32>,
      %swap3A_588 = vector.shape_cast %swap3A_587 : vector<16xf32> to vector<16xf32>
      %swap3A_589 = vector.shape_cast %scan3A_548#9 : vector<16xf32> to vector<16xf32>
      tpu.vector_store %arg9[%swap3A_586], %swap3A_589 {strides = array<i32>} : memref<1792xf32, #tpu.memory_space<vmem>>, vector<16xf32>,
      %swap3A_590 = arith.constant 928 : index
      %swap3A_591 = tpu.vector_load %arg9[%swap3A_590] {strides = array<i32>} : memref<1792xf32, #tpu.memory_space<vmem>>, vector<16xf32>,
      %swap3A_592 = vector.shape_cast %swap3A_591 : vector<16xf32> to vector<16xf32>
      %swap3A_593 = vector.shape_cast %scan3A_548#10 : vector<16xf32> to vector<16xf32>
      tpu.vector_store %arg9[%swap3A_590], %swap3A_593 {strides = array<i32>} : memref<1792xf32, #tpu.memory_space<vmem>>, vector<16xf32>,
      %swap3A_594 = arith.constant 944 : index
      %swap3A_595 = tpu.vector_load %arg9[%swap3A_594] {strides = array<i32>} : memref<1792xf32, #tpu.memory_space<vmem>>, vector<16xf32>,
      %swap3A_596 = vector.shape_cast %swap3A_595 : vector<16xf32> to vector<16xf32>
      %swap3A_597 = vector.shape_cast %scan3A_548#11 : vector<16xf32> to vector<16xf32>
      tpu.vector_store %arg9[%swap3A_594], %swap3A_597 {strides = array<i32>} : memref<1792xf32, #tpu.memory_space<vmem>>, vector<16xf32>,
      %swap3A_598 = arith.constant 960 : index
      %swap3A_599 = tpu.vector_load %arg9[%swap3A_598] {strides = array<i32>} : memref<1792xf32, #tpu.memory_space<vmem>>, vector<16xf32>,
      %swap3A_600 = vector.shape_cast %swap3A_599 : vector<16xf32> to vector<16xf32>
      %swap3A_601 = vector.shape_cast %scan3A_548#12 : vector<16xf32> to vector<16xf32>
      tpu.vector_store %arg9[%swap3A_598], %swap3A_601 {strides = array<i32>} : memref<1792xf32, #tpu.memory_space<vmem>>, vector<16xf32>,
      %swap3A_602 = arith.constant 976 : index
      %swap3A_603 = tpu.vector_load %arg9[%swap3A_602] {strides = array<i32>} : memref<1792xf32, #tpu.memory_space<vmem>>, vector<16xf32>,
      %swap3A_604 = vector.shape_cast %swap3A_603 : vector<16xf32> to vector<16xf32>
      %swap3A_605 = vector.shape_cast %scan3A_548#13 : vector<16xf32> to vector<16xf32>
      tpu.vector_store %arg9[%swap3A_602], %swap3A_605 {strides = array<i32>} : memref<1792xf32, #tpu.memory_space<vmem>>, vector<16xf32>,
      %swap3A_606 = arith.constant 992 : index
      %swap3A_607 = tpu.vector_load %arg9[%swap3A_606] {strides = array<i32>} : memref<1792xf32, #tpu.memory_space<vmem>>, vector<16xf32>,
      %swap3A_608 = vector.shape_cast %swap3A_607 : vector<16xf32> to vector<16xf32>
      %swap3A_609 = vector.shape_cast %scan3A_548#14 : vector<16xf32> to vector<16xf32>
      tpu.vector_store %arg9[%swap3A_606], %swap3A_609 {strides = array<i32>} : memref<1792xf32, #tpu.memory_space<vmem>>, vector<16xf32>,
      %swap3A_610 = arith.constant 1008 : index
      %swap3A_611 = tpu.vector_load %arg9[%swap3A_610] {strides = array<i32>} : memref<1792xf32, #tpu.memory_space<vmem>>, vector<16xf32>,
      %swap3A_612 = vector.shape_cast %swap3A_611 : vector<16xf32> to vector<16xf32>
      %swap3A_613 = vector.shape_cast %scan3A_548#15 : vector<16xf32> to vector<16xf32>
      tpu.vector_store %arg9[%swap3A_610], %swap3A_613 {strides = array<i32>} : memref<1792xf32, #tpu.memory_space<vmem>>, vector<16xf32>,
      %broadcast_in_dim3A_614 = arith.constant 0.000000e+00 : f32
      %broadcast_in_dim3A_615 = vector.broadcast %broadcast_in_dim3A_614 : f32 to vector<16xf32>
      %broadcast_in_dim3A_616 = arith.constant 0.000000e+00 : f32
      %broadcast_in_dim3A_617 = vector.broadcast %broadcast_in_dim3A_616 : f32 to vector<16xf32>
      %broadcast_in_dim3A_618 = arith.constant 0.000000e+00 : f32
      %broadcast_in_dim3A_619 = vector.broadcast %broadcast_in_dim3A_618 : f32 to vector<16xf32>
      %broadcast_in_dim3A_620 = arith.constant 0.000000e+00 : f32
      %broadcast_in_dim3A_621 = vector.broadcast %broadcast_in_dim3A_620 : f32 to vector<16xf32>
      %broadcast_in_dim3A_622 = arith.constant 0.000000e+00 : f32
      %broadcast_in_dim3A_623 = vector.broadcast %broadcast_in_dim3A_622 : f32 to vector<16xf32>
      %broadcast_in_dim3A_624 = arith.constant 0.000000e+00 : f32
      %broadcast_in_dim3A_625 = vector.broadcast %broadcast_in_dim3A_624 : f32 to vector<16xf32>
      %broadcast_in_dim3A_626 = arith.constant 0.000000e+00 : f32
      %broadcast_in_dim3A_627 = vector.broadcast %broadcast_in_dim3A_626 : f32 to vector<16xf32>
      %broadcast_in_dim3A_628 = arith.constant 0.000000e+00 : f32
      %broadcast_in_dim3A_629 = vector.broadcast %broadcast_in_dim3A_628 : f32 to vector<16xf32>
      %broadcast_in_dim3A_630 = arith.constant 0.000000e+00 : f32
      %broadcast_in_dim3A_631 = vector.broadcast %broadcast_in_dim3A_630 : f32 to vector<16xf32>
      %broadcast_in_dim3A_632 = arith.constant 0.000000e+00 : f32
      %broadcast_in_dim3A_633 = vector.broadcast %broadcast_in_dim3A_632 : f32 to vector<16xf32>
      %broadcast_in_dim3A_634 = arith.constant 0.000000e+00 : f32
      %broadcast_in_dim3A_635 = vector.broadcast %broadcast_in_dim3A_634 : f32 to vector<16xf32>
      %broadcast_in_dim3A_636 = arith.constant 0.000000e+00 : f32
      %broadcast_in_dim3A_637 = vector.broadcast %broadcast_in_dim3A_636 : f32 to vector<16xf32>
      %broadcast_in_dim3A_638 = arith.constant 0.000000e+00 : f32
      %broadcast_in_dim3A_639 = vector.broadcast %broadcast_in_dim3A_638 : f32 to vector<16xf32>
      %broadcast_in_dim3A_640 = arith.constant 0.000000e+00 : f32
      %broadcast_in_dim3A_641 = vector.broadcast %broadcast_in_dim3A_640 : f32 to vector<16xf32>
      %broadcast_in_dim3A_642 = arith.constant 0.000000e+00 : f32
      %broadcast_in_dim3A_643 = vector.broadcast %broadcast_in_dim3A_642 : f32 to vector<16xf32>
      %broadcast_in_dim3A_644 = arith.constant 0.000000e+00 : f32
      %broadcast_in_dim3A_645 = vector.broadcast %broadcast_in_dim3A_644 : f32 to vector<16xf32>
      %scan3A_646 = arith.constant 0 : i32
      %scan3A_647 = arith.constant 20 : i32
      %scan3A_648 = arith.addi %scan3A_646, %scan3A_647 : i32
      %scan3A_649 = arith.constant 1 : i32
      %scan3A_650:16 = scf.for %scan3A_925 = %scan3A_646 to %scan3A_648 step %scan3A_649 iter_args(%scan3A_926 = %broadcast_in_dim3A_615, %scan3A_927 = %broadcast_in_dim3A_617, %scan3A_928 = %broadcast_in_dim3A_619, %scan3A_929 = %broadcast_in_dim3A_621, %scan3A_930 = %broadcast_in_dim3A_623, %scan3A_931 = %broadcast_in_dim3A_625, %scan3A_932 = %broadcast_in_dim3A_627, %scan3A_933 = %broadcast_in_dim3A_629, %scan3A_934 = %broadcast_in_dim3A_631, %scan3A_935 = %broadcast_in_dim3A_633, %scan3A_936 = %broadcast_in_dim3A_635, %scan3A_937 = %broadcast_in_dim3A_637, %scan3A_938 = %broadcast_in_dim3A_639, %scan3A_939 = %broadcast_in_dim3A_641, %scan3A_940 = %broadcast_in_dim3A_643, %scan3A_941 = %broadcast_in_dim3A_645) -> (vector<16xf32>, vector<16xf32>, vector<16xf32>, vector<16xf32>, vector<16xf32>, vector<16xf32>, vector<16xf32>, vector<16xf32>, vector<16xf32>, vector<16xf32>, vector<16xf32>, vector<16xf32>, vector<16xf32>, vector<16xf32>, vector<16xf32>, vector<16xf32>)  : i32 {
        %add3A_942 = arith.constant 80 : i32
        %add3A_943 = arith.addi %add3A_942, %scan3A_925 : i32
        %mul3A_944 = arith.constant 16 : i32
        %mul3A_945 = arith.muli %add3A_943, %mul3A_944 : i32
        %get3A = arith.index_cast %mul3A_945 : i32 to index
        %get3A_946 = tpu.vector_load %arg7[%get3A] {strides = array<i32>} : memref<2240xf32, #tpu.memory_space<vmem>>, vector<16xf32>,
        %get3A_947 = vector.shape_cast %get3A_946 : vector<16xf32> to vector<16xf32>
        %get3A_948 = arith.index_cast %rem3A_66 : i32 to index
        %get3A_949 = arith.index_cast %scan3A_925 : i32 to index
        %get3A_950 = arith.constant 1024 : index
        %get3A_951 = tpu.vector_load %arg5[%get3A_948, %get3A_949, %get3A_950] {strides = array<i32>} : memref<2x20x1792xf32, #tpu.memory_space<vmem>>, vector<1x1x16xf32>,
        %get3A_952 = vector.shape_cast %get3A_951 : vector<1x1x16xf32> to vector<16xf32>
        %mul3A_953 = arith.mulf %get3A_947, %get3A_952 : vector<16xf32>
        %add3A_954 = arith.addf %scan3A_926, %mul3A_953 : vector<16xf32>
        %get3A_955 = arith.index_cast %rem3A_66 : i32 to index
        %get3A_956 = arith.index_cast %scan3A_925 : i32 to index
        %get3A_957 = arith.constant 1040 : index
        %get3A_958 = tpu.vector_load %arg5[%get3A_955, %get3A_956, %get3A_957] {strides = array<i32>} : memref<2x20x1792xf32, #tpu.memory_space<vmem>>, vector<1x1x16xf32>,
        %get3A_959 = vector.shape_cast %get3A_958 : vector<1x1x16xf32> to vector<16xf32>
        %mul3A_960 = arith.mulf %get3A_947, %get3A_959 : vector<16xf32>
        %add3A_961 = arith.addf %scan3A_927, %mul3A_960 : vector<16xf32>
        %get3A_962 = arith.index_cast %rem3A_66 : i32 to index
        %get3A_963 = arith.index_cast %scan3A_925 : i32 to index
        %get3A_964 = arith.constant 1056 : index
        %get3A_965 = tpu.vector_load %arg5[%get3A_962, %get3A_963, %get3A_964] {strides = array<i32>} : memref<2x20x1792xf32, #tpu.memory_space<vmem>>, vector<1x1x16xf32>,
        %get3A_966 = vector.shape_cast %get3A_965 : vector<1x1x16xf32> to vector<16xf32>
        %mul3A_967 = arith.mulf %get3A_947, %get3A_966 : vector<16xf32>
        %add3A_968 = arith.addf %scan3A_928, %mul3A_967 : vector<16xf32>
        %get3A_969 = arith.index_cast %rem3A_66 : i32 to index
        %get3A_970 = arith.index_cast %scan3A_925 : i32 to index
        %get3A_971 = arith.constant 1072 : index
        %get3A_972 = tpu.vector_load %arg5[%get3A_969, %get3A_970, %get3A_971] {strides = array<i32>} : memref<2x20x1792xf32, #tpu.memory_space<vmem>>, vector<1x1x16xf32>,
        %get3A_973 = vector.shape_cast %get3A_972 : vector<1x1x16xf32> to vector<16xf32>
        %mul3A_974 = arith.mulf %get3A_947, %get3A_973 : vector<16xf32>
        %add3A_975 = arith.addf %scan3A_929, %mul3A_974 : vector<16xf32>
        %get3A_976 = arith.index_cast %rem3A_66 : i32 to index
        %get3A_977 = arith.index_cast %scan3A_925 : i32 to index
        %get3A_978 = arith.constant 1088 : index
        %get3A_979 = tpu.vector_load %arg5[%get3A_976, %get3A_977, %get3A_978] {strides = array<i32>} : memref<2x20x1792xf32, #tpu.memory_space<vmem>>, vector<1x1x16xf32>,
        %get3A_980 = vector.shape_cast %get3A_979 : vector<1x1x16xf32> to vector<16xf32>
        %mul3A_981 = arith.mulf %get3A_947, %get3A_980 : vector<16xf32>
        %add3A_982 = arith.addf %scan3A_930, %mul3A_981 : vector<16xf32>
        %get3A_983 = arith.index_cast %rem3A_66 : i32 to index
        %get3A_984 = arith.index_cast %scan3A_925 : i32 to index
        %get3A_985 = arith.constant 1104 : index
        %get3A_986 = tpu.vector_load %arg5[%get3A_983, %get3A_984, %get3A_985] {strides = array<i32>} : memref<2x20x1792xf32, #tpu.memory_space<vmem>>, vector<1x1x16xf32>,
        %get3A_987 = vector.shape_cast %get3A_986 : vector<1x1x16xf32> to vector<16xf32>
        %mul3A_988 = arith.mulf %get3A_947, %get3A_987 : vector<16xf32>
        %add3A_989 = arith.addf %scan3A_931, %mul3A_988 : vector<16xf32>
        %get3A_990 = arith.index_cast %rem3A_66 : i32 to index
        %get3A_991 = arith.index_cast %scan3A_925 : i32 to index
        %get3A_992 = arith.constant 1120 : index
        %get3A_993 = tpu.vector_load %arg5[%get3A_990, %get3A_991, %get3A_992] {strides = array<i32>} : memref<2x20x1792xf32, #tpu.memory_space<vmem>>, vector<1x1x16xf32>,
        %get3A_994 = vector.shape_cast %get3A_993 : vector<1x1x16xf32> to vector<16xf32>
        %mul3A_995 = arith.mulf %get3A_947, %get3A_994 : vector<16xf32>
        %add3A_996 = arith.addf %scan3A_932, %mul3A_995 : vector<16xf32>
        %get3A_997 = arith.index_cast %rem3A_66 : i32 to index
        %get3A_998 = arith.index_cast %scan3A_925 : i32 to index
        %get3A_999 = arith.constant 1136 : index
        %get3A_1000 = tpu.vector_load %arg5[%get3A_997, %get3A_998, %get3A_999] {strides = array<i32>} : memref<2x20x1792xf32, #tpu.memory_space<vmem>>, vector<1x1x16xf32>,
        %get3A_1001 = vector.shape_cast %get3A_1000 : vector<1x1x16xf32> to vector<16xf32>
        %mul3A_1002 = arith.mulf %get3A_947, %get3A_1001 : vector<16xf32>
        %add3A_1003 = arith.addf %scan3A_933, %mul3A_1002 : vector<16xf32>
        %get3A_1004 = arith.index_cast %rem3A_66 : i32 to index
        %get3A_1005 = arith.index_cast %scan3A_925 : i32 to index
        %get3A_1006 = arith.constant 1152 : index
        %get3A_1007 = tpu.vector_load %arg5[%get3A_1004, %get3A_1005, %get3A_1006] {strides = array<i32>} : memref<2x20x1792xf32, #tpu.memory_space<vmem>>, vector<1x1x16xf32>,
        %get3A_1008 = vector.shape_cast %get3A_1007 : vector<1x1x16xf32> to vector<16xf32>
        %mul3A_1009 = arith.mulf %get3A_947, %get3A_1008 : vector<16xf32>
        %add3A_1010 = arith.addf %scan3A_934, %mul3A_1009 : vector<16xf32>
        %get3A_1011 = arith.index_cast %rem3A_66 : i32 to index
        %get3A_1012 = arith.index_cast %scan3A_925 : i32 to index
        %get3A_1013 = arith.constant 1168 : index
        %get3A_1014 = tpu.vector_load %arg5[%get3A_1011, %get3A_1012, %get3A_1013] {strides = array<i32>} : memref<2x20x1792xf32, #tpu.memory_space<vmem>>, vector<1x1x16xf32>,
        %get3A_1015 = vector.shape_cast %get3A_1014 : vector<1x1x16xf32> to vector<16xf32>
        %mul3A_1016 = arith.mulf %get3A_947, %get3A_1015 : vector<16xf32>
        %add3A_1017 = arith.addf %scan3A_935, %mul3A_1016 : vector<16xf32>
        %get3A_1018 = arith.index_cast %rem3A_66 : i32 to index
        %get3A_1019 = arith.index_cast %scan3A_925 : i32 to index
        %get3A_1020 = arith.constant 1184 : index
        %get3A_1021 = tpu.vector_load %arg5[%get3A_1018, %get3A_1019, %get3A_1020] {strides = array<i32>} : memref<2x20x1792xf32, #tpu.memory_space<vmem>>, vector<1x1x16xf32>,
        %get3A_1022 = vector.shape_cast %get3A_1021 : vector<1x1x16xf32> to vector<16xf32>
        %mul3A_1023 = arith.mulf %get3A_947, %get3A_1022 : vector<16xf32>
        %add3A_1024 = arith.addf %scan3A_936, %mul3A_1023 : vector<16xf32>
        %get3A_1025 = arith.index_cast %rem3A_66 : i32 to index
        %get3A_1026 = arith.index_cast %scan3A_925 : i32 to index
        %get3A_1027 = arith.constant 1200 : index
        %get3A_1028 = tpu.vector_load %arg5[%get3A_1025, %get3A_1026, %get3A_1027] {strides = array<i32>} : memref<2x20x1792xf32, #tpu.memory_space<vmem>>, vector<1x1x16xf32>,
        %get3A_1029 = vector.shape_cast %get3A_1028 : vector<1x1x16xf32> to vector<16xf32>
        %mul3A_1030 = arith.mulf %get3A_947, %get3A_1029 : vector<16xf32>
        %add3A_1031 = arith.addf %scan3A_937, %mul3A_1030 : vector<16xf32>
        %get3A_1032 = arith.index_cast %rem3A_66 : i32 to index
        %get3A_1033 = arith.index_cast %scan3A_925 : i32 to index
        %get3A_1034 = arith.constant 1216 : index
        %get3A_1035 = tpu.vector_load %arg5[%get3A_1032, %get3A_1033, %get3A_1034] {strides = array<i32>} : memref<2x20x1792xf32, #tpu.memory_space<vmem>>, vector<1x1x16xf32>,
        %get3A_1036 = vector.shape_cast %get3A_1035 : vector<1x1x16xf32> to vector<16xf32>
        %mul3A_1037 = arith.mulf %get3A_947, %get3A_1036 : vector<16xf32>
        %add3A_1038 = arith.addf %scan3A_938, %mul3A_1037 : vector<16xf32>
        %get3A_1039 = arith.index_cast %rem3A_66 : i32 to index
        %get3A_1040 = arith.index_cast %scan3A_925 : i32 to index
        %get3A_1041 = arith.constant 1232 : index
        %get3A_1042 = tpu.vector_load %arg5[%get3A_1039, %get3A_1040, %get3A_1041] {strides = array<i32>} : memref<2x20x1792xf32, #tpu.memory_space<vmem>>, vector<1x1x16xf32>,
        %get3A_1043 = vector.shape_cast %get3A_1042 : vector<1x1x16xf32> to vector<16xf32>
        %mul3A_1044 = arith.mulf %get3A_947, %get3A_1043 : vector<16xf32>
        %add3A_1045 = arith.addf %scan3A_939, %mul3A_1044 : vector<16xf32>
        %get3A_1046 = arith.index_cast %rem3A_66 : i32 to index
        %get3A_1047 = arith.index_cast %scan3A_925 : i32 to index
        %get3A_1048 = arith.constant 1248 : index
        %get3A_1049 = tpu.vector_load %arg5[%get3A_1046, %get3A_1047, %get3A_1048] {strides = array<i32>} : memref<2x20x1792xf32, #tpu.memory_space<vmem>>, vector<1x1x16xf32>,
        %get3A_1050 = vector.shape_cast %get3A_1049 : vector<1x1x16xf32> to vector<16xf32>
        %mul3A_1051 = arith.mulf %get3A_947, %get3A_1050 : vector<16xf32>
        %add3A_1052 = arith.addf %scan3A_940, %mul3A_1051 : vector<16xf32>
        %get3A_1053 = arith.index_cast %rem3A_66 : i32 to index
        %get3A_1054 = arith.index_cast %scan3A_925 : i32 to index
        %get3A_1055 = arith.constant 1264 : index
        %get3A_1056 = tpu.vector_load %arg5[%get3A_1053, %get3A_1054, %get3A_1055] {strides = array<i32>} : memref<2x20x1792xf32, #tpu.memory_space<vmem>>, vector<1x1x16xf32>,
        %get3A_1057 = vector.shape_cast %get3A_1056 : vector<1x1x16xf32> to vector<16xf32>
        %mul3A_1058 = arith.mulf %get3A_947, %get3A_1057 : vector<16xf32>
        %add3A_1059 = arith.addf %scan3A_941, %mul3A_1058 : vector<16xf32>
        scf.yield %add3A_954, %add3A_961, %add3A_968, %add3A_975, %add3A_982, %add3A_989, %add3A_996, %add3A_1003, %add3A_1010, %add3A_1017, %add3A_1024, %add3A_1031, %add3A_1038, %add3A_1045, %add3A_1052, %add3A_1059 : vector<16xf32>, vector<16xf32>, vector<16xf32>, vector<16xf32>, vector<16xf32>, vector<16xf32>, vector<16xf32>, vector<16xf32>, vector<16xf32>, vector<16xf32>, vector<16xf32>, vector<16xf32>, vector<16xf32>, vector<16xf32>, vector<16xf32>, vector<16xf32>
      }
      %scan3A_651 = arith.constant 20 : i32
      %swap3A_652 = arith.constant 1024 : index
      %swap3A_653 = tpu.vector_load %arg9[%swap3A_652] {strides = array<i32>} : memref<1792xf32, #tpu.memory_space<vmem>>, vector<16xf32>,
      %swap3A_654 = vector.shape_cast %swap3A_653 : vector<16xf32> to vector<16xf32>
      %swap3A_655 = vector.shape_cast %scan3A_650#0 : vector<16xf32> to vector<16xf32>
      tpu.vector_store %arg9[%swap3A_652], %swap3A_655 {strides = array<i32>} : memref<1792xf32, #tpu.memory_space<vmem>>, vector<16xf32>,
      %swap3A_656 = arith.constant 1040 : index
      %swap3A_657 = tpu.vector_load %arg9[%swap3A_656] {strides = array<i32>} : memref<1792xf32, #tpu.memory_space<vmem>>, vector<16xf32>,
      %swap3A_658 = vector.shape_cast %swap3A_657 : vector<16xf32> to vector<16xf32>
      %swap3A_659 = vector.shape_cast %scan3A_650#1 : vector<16xf32> to vector<16xf32>
      tpu.vector_store %arg9[%swap3A_656], %swap3A_659 {strides = array<i32>} : memref<1792xf32, #tpu.memory_space<vmem>>, vector<16xf32>,
      %swap3A_660 = arith.constant 1056 : index
      %swap3A_661 = tpu.vector_load %arg9[%swap3A_660] {strides = array<i32>} : memref<1792xf32, #tpu.memory_space<vmem>>, vector<16xf32>,
      %swap3A_662 = vector.shape_cast %swap3A_661 : vector<16xf32> to vector<16xf32>
      %swap3A_663 = vector.shape_cast %scan3A_650#2 : vector<16xf32> to vector<16xf32>
      tpu.vector_store %arg9[%swap3A_660], %swap3A_663 {strides = array<i32>} : memref<1792xf32, #tpu.memory_space<vmem>>, vector<16xf32>,
      %swap3A_664 = arith.constant 1072 : index
      %swap3A_665 = tpu.vector_load %arg9[%swap3A_664] {strides = array<i32>} : memref<1792xf32, #tpu.memory_space<vmem>>, vector<16xf32>,
      %swap3A_666 = vector.shape_cast %swap3A_665 : vector<16xf32> to vector<16xf32>
      %swap3A_667 = vector.shape_cast %scan3A_650#3 : vector<16xf32> to vector<16xf32>
      tpu.vector_store %arg9[%swap3A_664], %swap3A_667 {strides = array<i32>} : memref<1792xf32, #tpu.memory_space<vmem>>, vector<16xf32>,
      %swap3A_668 = arith.constant 1088 : index
      %swap3A_669 = tpu.vector_load %arg9[%swap3A_668] {strides = array<i32>} : memref<1792xf32, #tpu.memory_space<vmem>>, vector<16xf32>,
      %swap3A_670 = vector.shape_cast %swap3A_669 : vector<16xf32> to vector<16xf32>
      %swap3A_671 = vector.shape_cast %scan3A_650#4 : vector<16xf32> to vector<16xf32>
      tpu.vector_store %arg9[%swap3A_668], %swap3A_671 {strides = array<i32>} : memref<1792xf32, #tpu.memory_space<vmem>>, vector<16xf32>,
      %swap3A_672 = arith.constant 1104 : index
      %swap3A_673 = tpu.vector_load %arg9[%swap3A_672] {strides = array<i32>} : memref<1792xf32, #tpu.memory_space<vmem>>, vector<16xf32>,
      %swap3A_674 = vector.shape_cast %swap3A_673 : vector<16xf32> to vector<16xf32>
      %swap3A_675 = vector.shape_cast %scan3A_650#5 : vector<16xf32> to vector<16xf32>
      tpu.vector_store %arg9[%swap3A_672], %swap3A_675 {strides = array<i32>} : memref<1792xf32, #tpu.memory_space<vmem>>, vector<16xf32>,
      %swap3A_676 = arith.constant 1120 : index
      %swap3A_677 = tpu.vector_load %arg9[%swap3A_676] {strides = array<i32>} : memref<1792xf32, #tpu.memory_space<vmem>>, vector<16xf32>,
      %swap3A_678 = vector.shape_cast %swap3A_677 : vector<16xf32> to vector<16xf32>
      %swap3A_679 = vector.shape_cast %scan3A_650#6 : vector<16xf32> to vector<16xf32>
      tpu.vector_store %arg9[%swap3A_676], %swap3A_679 {strides = array<i32>} : memref<1792xf32, #tpu.memory_space<vmem>>, vector<16xf32>,
      %swap3A_680 = arith.constant 1136 : index
      %swap3A_681 = tpu.vector_load %arg9[%swap3A_680] {strides = array<i32>} : memref<1792xf32, #tpu.memory_space<vmem>>, vector<16xf32>,
      %swap3A_682 = vector.shape_cast %swap3A_681 : vector<16xf32> to vector<16xf32>
      %swap3A_683 = vector.shape_cast %scan3A_650#7 : vector<16xf32> to vector<16xf32>
      tpu.vector_store %arg9[%swap3A_680], %swap3A_683 {strides = array<i32>} : memref<1792xf32, #tpu.memory_space<vmem>>, vector<16xf32>,
      %swap3A_684 = arith.constant 1152 : index
      %swap3A_685 = tpu.vector_load %arg9[%swap3A_684] {strides = array<i32>} : memref<1792xf32, #tpu.memory_space<vmem>>, vector<16xf32>,
      %swap3A_686 = vector.shape_cast %swap3A_685 : vector<16xf32> to vector<16xf32>
      %swap3A_687 = vector.shape_cast %scan3A_650#8 : vector<16xf32> to vector<16xf32>
      tpu.vector_store %arg9[%swap3A_684], %swap3A_687 {strides = array<i32>} : memref<1792xf32, #tpu.memory_space<vmem>>, vector<16xf32>,
      %swap3A_688 = arith.constant 1168 : index
      %swap3A_689 = tpu.vector_load %arg9[%swap3A_688] {strides = array<i32>} : memref<1792xf32, #tpu.memory_space<vmem>>, vector<16xf32>,
      %swap3A_690 = vector.shape_cast %swap3A_689 : vector<16xf32> to vector<16xf32>
      %swap3A_691 = vector.shape_cast %scan3A_650#9 : vector<16xf32> to vector<16xf32>
      tpu.vector_store %arg9[%swap3A_688], %swap3A_691 {strides = array<i32>} : memref<1792xf32, #tpu.memory_space<vmem>>, vector<16xf32>,
      %swap3A_692 = arith.constant 1184 : index
      %swap3A_693 = tpu.vector_load %arg9[%swap3A_692] {strides = array<i32>} : memref<1792xf32, #tpu.memory_space<vmem>>, vector<16xf32>,
      %swap3A_694 = vector.shape_cast %swap3A_693 : vector<16xf32> to vector<16xf32>
      %swap3A_695 = vector.shape_cast %scan3A_650#10 : vector<16xf32> to vector<16xf32>
      tpu.vector_store %arg9[%swap3A_692], %swap3A_695 {strides = array<i32>} : memref<1792xf32, #tpu.memory_space<vmem>>, vector<16xf32>,
      %swap3A_696 = arith.constant 1200 : index
      %swap3A_697 = tpu.vector_load %arg9[%swap3A_696] {strides = array<i32>} : memref<1792xf32, #tpu.memory_space<vmem>>, vector<16xf32>,
      %swap3A_698 = vector.shape_cast %swap3A_697 : vector<16xf32> to vector<16xf32>
      %swap3A_699 = vector.shape_cast %scan3A_650#11 : vector<16xf32> to vector<16xf32>
      tpu.vector_store %arg9[%swap3A_696], %swap3A_699 {strides = array<i32>} : memref<1792xf32, #tpu.memory_space<vmem>>, vector<16xf32>,
      %swap3A_700 = arith.constant 1216 : index
      %swap3A_701 = tpu.vector_load %arg9[%swap3A_700] {strides = array<i32>} : memref<1792xf32, #tpu.memory_space<vmem>>, vector<16xf32>,
      %swap3A_702 = vector.shape_cast %swap3A_701 : vector<16xf32> to vector<16xf32>
      %swap3A_703 = vector.shape_cast %scan3A_650#12 : vector<16xf32> to vector<16xf32>
      tpu.vector_store %arg9[%swap3A_700], %swap3A_703 {strides = array<i32>} : memref<1792xf32, #tpu.memory_space<vmem>>, vector<16xf32>,
      %swap3A_704 = arith.constant 1232 : index
      %swap3A_705 = tpu.vector_load %arg9[%swap3A_704] {strides = array<i32>} : memref<1792xf32, #tpu.memory_space<vmem>>, vector<16xf32>,
      %swap3A_706 = vector.shape_cast %swap3A_705 : vector<16xf32> to vector<16xf32>
      %swap3A_707 = vector.shape_cast %scan3A_650#13 : vector<16xf32> to vector<16xf32>
      tpu.vector_store %arg9[%swap3A_704], %swap3A_707 {strides = array<i32>} : memref<1792xf32, #tpu.memory_space<vmem>>, vector<16xf32>,
      %swap3A_708 = arith.constant 1248 : index
      %swap3A_709 = tpu.vector_load %arg9[%swap3A_708] {strides = array<i32>} : memref<1792xf32, #tpu.memory_space<vmem>>, vector<16xf32>,
      %swap3A_710 = vector.shape_cast %swap3A_709 : vector<16xf32> to vector<16xf32>
      %swap3A_711 = vector.shape_cast %scan3A_650#14 : vector<16xf32> to vector<16xf32>
      tpu.vector_store %arg9[%swap3A_708], %swap3A_711 {strides = array<i32>} : memref<1792xf32, #tpu.memory_space<vmem>>, vector<16xf32>,
      %swap3A_712 = arith.constant 1264 : index
      %swap3A_713 = tpu.vector_load %arg9[%swap3A_712] {strides = array<i32>} : memref<1792xf32, #tpu.memory_space<vmem>>, vector<16xf32>,
      %swap3A_714 = vector.shape_cast %swap3A_713 : vector<16xf32> to vector<16xf32>
      %swap3A_715 = vector.shape_cast %scan3A_650#15 : vector<16xf32> to vector<16xf32>
      tpu.vector_store %arg9[%swap3A_712], %swap3A_715 {strides = array<i32>} : memref<1792xf32, #tpu.memory_space<vmem>>, vector<16xf32>,
      %broadcast_in_dim3A_716 = arith.constant 0.000000e+00 : f32
      %broadcast_in_dim3A_717 = vector.broadcast %broadcast_in_dim3A_716 : f32 to vector<16xf32>
      %broadcast_in_dim3A_718 = arith.constant 0.000000e+00 : f32
      %broadcast_in_dim3A_719 = vector.broadcast %broadcast_in_dim3A_718 : f32 to vector<16xf32>
      %broadcast_in_dim3A_720 = arith.constant 0.000000e+00 : f32
      %broadcast_in_dim3A_721 = vector.broadcast %broadcast_in_dim3A_720 : f32 to vector<16xf32>
      %broadcast_in_dim3A_722 = arith.constant 0.000000e+00 : f32
      %broadcast_in_dim3A_723 = vector.broadcast %broadcast_in_dim3A_722 : f32 to vector<16xf32>
      %broadcast_in_dim3A_724 = arith.constant 0.000000e+00 : f32
      %broadcast_in_dim3A_725 = vector.broadcast %broadcast_in_dim3A_724 : f32 to vector<16xf32>
      %broadcast_in_dim3A_726 = arith.constant 0.000000e+00 : f32
      %broadcast_in_dim3A_727 = vector.broadcast %broadcast_in_dim3A_726 : f32 to vector<16xf32>
      %broadcast_in_dim3A_728 = arith.constant 0.000000e+00 : f32
      %broadcast_in_dim3A_729 = vector.broadcast %broadcast_in_dim3A_728 : f32 to vector<16xf32>
      %broadcast_in_dim3A_730 = arith.constant 0.000000e+00 : f32
      %broadcast_in_dim3A_731 = vector.broadcast %broadcast_in_dim3A_730 : f32 to vector<16xf32>
      %broadcast_in_dim3A_732 = arith.constant 0.000000e+00 : f32
      %broadcast_in_dim3A_733 = vector.broadcast %broadcast_in_dim3A_732 : f32 to vector<16xf32>
      %broadcast_in_dim3A_734 = arith.constant 0.000000e+00 : f32
      %broadcast_in_dim3A_735 = vector.broadcast %broadcast_in_dim3A_734 : f32 to vector<16xf32>
      %broadcast_in_dim3A_736 = arith.constant 0.000000e+00 : f32
      %broadcast_in_dim3A_737 = vector.broadcast %broadcast_in_dim3A_736 : f32 to vector<16xf32>
      %broadcast_in_dim3A_738 = arith.constant 0.000000e+00 : f32
      %broadcast_in_dim3A_739 = vector.broadcast %broadcast_in_dim3A_738 : f32 to vector<16xf32>
      %broadcast_in_dim3A_740 = arith.constant 0.000000e+00 : f32
      %broadcast_in_dim3A_741 = vector.broadcast %broadcast_in_dim3A_740 : f32 to vector<16xf32>
      %broadcast_in_dim3A_742 = arith.constant 0.000000e+00 : f32
      %broadcast_in_dim3A_743 = vector.broadcast %broadcast_in_dim3A_742 : f32 to vector<16xf32>
      %broadcast_in_dim3A_744 = arith.constant 0.000000e+00 : f32
      %broadcast_in_dim3A_745 = vector.broadcast %broadcast_in_dim3A_744 : f32 to vector<16xf32>
      %broadcast_in_dim3A_746 = arith.constant 0.000000e+00 : f32
      %broadcast_in_dim3A_747 = vector.broadcast %broadcast_in_dim3A_746 : f32 to vector<16xf32>
      %scan3A_748 = arith.constant 0 : i32
      %scan3A_749 = arith.constant 20 : i32
      %scan3A_750 = arith.addi %scan3A_748, %scan3A_749 : i32
      %scan3A_751 = arith.constant 1 : i32
      %scan3A_752:16 = scf.for %scan3A_925 = %scan3A_748 to %scan3A_750 step %scan3A_751 iter_args(%scan3A_926 = %broadcast_in_dim3A_717, %scan3A_927 = %broadcast_in_dim3A_719, %scan3A_928 = %broadcast_in_dim3A_721, %scan3A_929 = %broadcast_in_dim3A_723, %scan3A_930 = %broadcast_in_dim3A_725, %scan3A_931 = %broadcast_in_dim3A_727, %scan3A_932 = %broadcast_in_dim3A_729, %scan3A_933 = %broadcast_in_dim3A_731, %scan3A_934 = %broadcast_in_dim3A_733, %scan3A_935 = %broadcast_in_dim3A_735, %scan3A_936 = %broadcast_in_dim3A_737, %scan3A_937 = %broadcast_in_dim3A_739, %scan3A_938 = %broadcast_in_dim3A_741, %scan3A_939 = %broadcast_in_dim3A_743, %scan3A_940 = %broadcast_in_dim3A_745, %scan3A_941 = %broadcast_in_dim3A_747) -> (vector<16xf32>, vector<16xf32>, vector<16xf32>, vector<16xf32>, vector<16xf32>, vector<16xf32>, vector<16xf32>, vector<16xf32>, vector<16xf32>, vector<16xf32>, vector<16xf32>, vector<16xf32>, vector<16xf32>, vector<16xf32>, vector<16xf32>, vector<16xf32>)  : i32 {
        %add3A_942 = arith.constant 100 : i32
        %add3A_943 = arith.addi %add3A_942, %scan3A_925 : i32
        %mul3A_944 = arith.constant 16 : i32
        %mul3A_945 = arith.muli %add3A_943, %mul3A_944 : i32
        %get3A = arith.index_cast %mul3A_945 : i32 to index
        %get3A_946 = tpu.vector_load %arg7[%get3A] {strides = array<i32>} : memref<2240xf32, #tpu.memory_space<vmem>>, vector<16xf32>,
        %get3A_947 = vector.shape_cast %get3A_946 : vector<16xf32> to vector<16xf32>
        %get3A_948 = arith.index_cast %rem3A_66 : i32 to index
        %get3A_949 = arith.index_cast %scan3A_925 : i32 to index
        %get3A_950 = arith.constant 1280 : index
        %get3A_951 = tpu.vector_load %arg5[%get3A_948, %get3A_949, %get3A_950] {strides = array<i32>} : memref<2x20x1792xf32, #tpu.memory_space<vmem>>, vector<1x1x16xf32>,
        %get3A_952 = vector.shape_cast %get3A_951 : vector<1x1x16xf32> to vector<16xf32>
        %mul3A_953 = arith.mulf %get3A_947, %get3A_952 : vector<16xf32>
        %add3A_954 = arith.addf %scan3A_926, %mul3A_953 : vector<16xf32>
        %get3A_955 = arith.index_cast %rem3A_66 : i32 to index
        %get3A_956 = arith.index_cast %scan3A_925 : i32 to index
        %get3A_957 = arith.constant 1296 : index
        %get3A_958 = tpu.vector_load %arg5[%get3A_955, %get3A_956, %get3A_957] {strides = array<i32>} : memref<2x20x1792xf32, #tpu.memory_space<vmem>>, vector<1x1x16xf32>,
        %get3A_959 = vector.shape_cast %get3A_958 : vector<1x1x16xf32> to vector<16xf32>
        %mul3A_960 = arith.mulf %get3A_947, %get3A_959 : vector<16xf32>
        %add3A_961 = arith.addf %scan3A_927, %mul3A_960 : vector<16xf32>
        %get3A_962 = arith.index_cast %rem3A_66 : i32 to index
        %get3A_963 = arith.index_cast %scan3A_925 : i32 to index
        %get3A_964 = arith.constant 1312 : index
        %get3A_965 = tpu.vector_load %arg5[%get3A_962, %get3A_963, %get3A_964] {strides = array<i32>} : memref<2x20x1792xf32, #tpu.memory_space<vmem>>, vector<1x1x16xf32>,
        %get3A_966 = vector.shape_cast %get3A_965 : vector<1x1x16xf32> to vector<16xf32>
        %mul3A_967 = arith.mulf %get3A_947, %get3A_966 : vector<16xf32>
        %add3A_968 = arith.addf %scan3A_928, %mul3A_967 : vector<16xf32>
        %get3A_969 = arith.index_cast %rem3A_66 : i32 to index
        %get3A_970 = arith.index_cast %scan3A_925 : i32 to index
        %get3A_971 = arith.constant 1328 : index
        %get3A_972 = tpu.vector_load %arg5[%get3A_969, %get3A_970, %get3A_971] {strides = array<i32>} : memref<2x20x1792xf32, #tpu.memory_space<vmem>>, vector<1x1x16xf32>,
        %get3A_973 = vector.shape_cast %get3A_972 : vector<1x1x16xf32> to vector<16xf32>
        %mul3A_974 = arith.mulf %get3A_947, %get3A_973 : vector<16xf32>
        %add3A_975 = arith.addf %scan3A_929, %mul3A_974 : vector<16xf32>
        %get3A_976 = arith.index_cast %rem3A_66 : i32 to index
        %get3A_977 = arith.index_cast %scan3A_925 : i32 to index
        %get3A_978 = arith.constant 1344 : index
        %get3A_979 = tpu.vector_load %arg5[%get3A_976, %get3A_977, %get3A_978] {strides = array<i32>} : memref<2x20x1792xf32, #tpu.memory_space<vmem>>, vector<1x1x16xf32>,
        %get3A_980 = vector.shape_cast %get3A_979 : vector<1x1x16xf32> to vector<16xf32>
        %mul3A_981 = arith.mulf %get3A_947, %get3A_980 : vector<16xf32>
        %add3A_982 = arith.addf %scan3A_930, %mul3A_981 : vector<16xf32>
        %get3A_983 = arith.index_cast %rem3A_66 : i32 to index
        %get3A_984 = arith.index_cast %scan3A_925 : i32 to index
        %get3A_985 = arith.constant 1360 : index
        %get3A_986 = tpu.vector_load %arg5[%get3A_983, %get3A_984, %get3A_985] {strides = array<i32>} : memref<2x20x1792xf32, #tpu.memory_space<vmem>>, vector<1x1x16xf32>,
        %get3A_987 = vector.shape_cast %get3A_986 : vector<1x1x16xf32> to vector<16xf32>
        %mul3A_988 = arith.mulf %get3A_947, %get3A_987 : vector<16xf32>
        %add3A_989 = arith.addf %scan3A_931, %mul3A_988 : vector<16xf32>
        %get3A_990 = arith.index_cast %rem3A_66 : i32 to index
        %get3A_991 = arith.index_cast %scan3A_925 : i32 to index
        %get3A_992 = arith.constant 1376 : index
        %get3A_993 = tpu.vector_load %arg5[%get3A_990, %get3A_991, %get3A_992] {strides = array<i32>} : memref<2x20x1792xf32, #tpu.memory_space<vmem>>, vector<1x1x16xf32>,
        %get3A_994 = vector.shape_cast %get3A_993 : vector<1x1x16xf32> to vector<16xf32>
        %mul3A_995 = arith.mulf %get3A_947, %get3A_994 : vector<16xf32>
        %add3A_996 = arith.addf %scan3A_932, %mul3A_995 : vector<16xf32>
        %get3A_997 = arith.index_cast %rem3A_66 : i32 to index
        %get3A_998 = arith.index_cast %scan3A_925 : i32 to index
        %get3A_999 = arith.constant 1392 : index
        %get3A_1000 = tpu.vector_load %arg5[%get3A_997, %get3A_998, %get3A_999] {strides = array<i32>} : memref<2x20x1792xf32, #tpu.memory_space<vmem>>, vector<1x1x16xf32>,
        %get3A_1001 = vector.shape_cast %get3A_1000 : vector<1x1x16xf32> to vector<16xf32>
        %mul3A_1002 = arith.mulf %get3A_947, %get3A_1001 : vector<16xf32>
        %add3A_1003 = arith.addf %scan3A_933, %mul3A_1002 : vector<16xf32>
        %get3A_1004 = arith.index_cast %rem3A_66 : i32 to index
        %get3A_1005 = arith.index_cast %scan3A_925 : i32 to index
        %get3A_1006 = arith.constant 1408 : index
        %get3A_1007 = tpu.vector_load %arg5[%get3A_1004, %get3A_1005, %get3A_1006] {strides = array<i32>} : memref<2x20x1792xf32, #tpu.memory_space<vmem>>, vector<1x1x16xf32>,
        %get3A_1008 = vector.shape_cast %get3A_1007 : vector<1x1x16xf32> to vector<16xf32>
        %mul3A_1009 = arith.mulf %get3A_947, %get3A_1008 : vector<16xf32>
        %add3A_1010 = arith.addf %scan3A_934, %mul3A_1009 : vector<16xf32>
        %get3A_1011 = arith.index_cast %rem3A_66 : i32 to index
        %get3A_1012 = arith.index_cast %scan3A_925 : i32 to index
        %get3A_1013 = arith.constant 1424 : index
        %get3A_1014 = tpu.vector_load %arg5[%get3A_1011, %get3A_1012, %get3A_1013] {strides = array<i32>} : memref<2x20x1792xf32, #tpu.memory_space<vmem>>, vector<1x1x16xf32>,
        %get3A_1015 = vector.shape_cast %get3A_1014 : vector<1x1x16xf32> to vector<16xf32>
        %mul3A_1016 = arith.mulf %get3A_947, %get3A_1015 : vector<16xf32>
        %add3A_1017 = arith.addf %scan3A_935, %mul3A_1016 : vector<16xf32>
        %get3A_1018 = arith.index_cast %rem3A_66 : i32 to index
        %get3A_1019 = arith.index_cast %scan3A_925 : i32 to index
        %get3A_1020 = arith.constant 1440 : index
        %get3A_1021 = tpu.vector_load %arg5[%get3A_1018, %get3A_1019, %get3A_1020] {strides = array<i32>} : memref<2x20x1792xf32, #tpu.memory_space<vmem>>, vector<1x1x16xf32>,
        %get3A_1022 = vector.shape_cast %get3A_1021 : vector<1x1x16xf32> to vector<16xf32>
        %mul3A_1023 = arith.mulf %get3A_947, %get3A_1022 : vector<16xf32>
        %add3A_1024 = arith.addf %scan3A_936, %mul3A_1023 : vector<16xf32>
        %get3A_1025 = arith.index_cast %rem3A_66 : i32 to index
        %get3A_1026 = arith.index_cast %scan3A_925 : i32 to index
        %get3A_1027 = arith.constant 1456 : index
        %get3A_1028 = tpu.vector_load %arg5[%get3A_1025, %get3A_1026, %get3A_1027] {strides = array<i32>} : memref<2x20x1792xf32, #tpu.memory_space<vmem>>, vector<1x1x16xf32>,
        %get3A_1029 = vector.shape_cast %get3A_1028 : vector<1x1x16xf32> to vector<16xf32>
        %mul3A_1030 = arith.mulf %get3A_947, %get3A_1029 : vector<16xf32>
        %add3A_1031 = arith.addf %scan3A_937, %mul3A_1030 : vector<16xf32>
        %get3A_1032 = arith.index_cast %rem3A_66 : i32 to index
        %get3A_1033 = arith.index_cast %scan3A_925 : i32 to index
        %get3A_1034 = arith.constant 1472 : index
        %get3A_1035 = tpu.vector_load %arg5[%get3A_1032, %get3A_1033, %get3A_1034] {strides = array<i32>} : memref<2x20x1792xf32, #tpu.memory_space<vmem>>, vector<1x1x16xf32>,
        %get3A_1036 = vector.shape_cast %get3A_1035 : vector<1x1x16xf32> to vector<16xf32>
        %mul3A_1037 = arith.mulf %get3A_947, %get3A_1036 : vector<16xf32>
        %add3A_1038 = arith.addf %scan3A_938, %mul3A_1037 : vector<16xf32>
        %get3A_1039 = arith.index_cast %rem3A_66 : i32 to index
        %get3A_1040 = arith.index_cast %scan3A_925 : i32 to index
        %get3A_1041 = arith.constant 1488 : index
        %get3A_1042 = tpu.vector_load %arg5[%get3A_1039, %get3A_1040, %get3A_1041] {strides = array<i32>} : memref<2x20x1792xf32, #tpu.memory_space<vmem>>, vector<1x1x16xf32>,
        %get3A_1043 = vector.shape_cast %get3A_1042 : vector<1x1x16xf32> to vector<16xf32>
        %mul3A_1044 = arith.mulf %get3A_947, %get3A_1043 : vector<16xf32>
        %add3A_1045 = arith.addf %scan3A_939, %mul3A_1044 : vector<16xf32>
        %get3A_1046 = arith.index_cast %rem3A_66 : i32 to index
        %get3A_1047 = arith.index_cast %scan3A_925 : i32 to index
        %get3A_1048 = arith.constant 1504 : index
        %get3A_1049 = tpu.vector_load %arg5[%get3A_1046, %get3A_1047, %get3A_1048] {strides = array<i32>} : memref<2x20x1792xf32, #tpu.memory_space<vmem>>, vector<1x1x16xf32>,
        %get3A_1050 = vector.shape_cast %get3A_1049 : vector<1x1x16xf32> to vector<16xf32>
        %mul3A_1051 = arith.mulf %get3A_947, %get3A_1050 : vector<16xf32>
        %add3A_1052 = arith.addf %scan3A_940, %mul3A_1051 : vector<16xf32>
        %get3A_1053 = arith.index_cast %rem3A_66 : i32 to index
        %get3A_1054 = arith.index_cast %scan3A_925 : i32 to index
        %get3A_1055 = arith.constant 1520 : index
        %get3A_1056 = tpu.vector_load %arg5[%get3A_1053, %get3A_1054, %get3A_1055] {strides = array<i32>} : memref<2x20x1792xf32, #tpu.memory_space<vmem>>, vector<1x1x16xf32>,
        %get3A_1057 = vector.shape_cast %get3A_1056 : vector<1x1x16xf32> to vector<16xf32>
        %mul3A_1058 = arith.mulf %get3A_947, %get3A_1057 : vector<16xf32>
        %add3A_1059 = arith.addf %scan3A_941, %mul3A_1058 : vector<16xf32>
        scf.yield %add3A_954, %add3A_961, %add3A_968, %add3A_975, %add3A_982, %add3A_989, %add3A_996, %add3A_1003, %add3A_1010, %add3A_1017, %add3A_1024, %add3A_1031, %add3A_1038, %add3A_1045, %add3A_1052, %add3A_1059 : vector<16xf32>, vector<16xf32>, vector<16xf32>, vector<16xf32>, vector<16xf32>, vector<16xf32>, vector<16xf32>, vector<16xf32>, vector<16xf32>, vector<16xf32>, vector<16xf32>, vector<16xf32>, vector<16xf32>, vector<16xf32>, vector<16xf32>, vector<16xf32>
      }
      %scan3A_753 = arith.constant 20 : i32
      %swap3A_754 = arith.constant 1280 : index
      %swap3A_755 = tpu.vector_load %arg9[%swap3A_754] {strides = array<i32>} : memref<1792xf32, #tpu.memory_space<vmem>>, vector<16xf32>,
      %swap3A_756 = vector.shape_cast %swap3A_755 : vector<16xf32> to vector<16xf32>
      %swap3A_757 = vector.shape_cast %scan3A_752#0 : vector<16xf32> to vector<16xf32>
      tpu.vector_store %arg9[%swap3A_754], %swap3A_757 {strides = array<i32>} : memref<1792xf32, #tpu.memory_space<vmem>>, vector<16xf32>,
      %swap3A_758 = arith.constant 1296 : index
      %swap3A_759 = tpu.vector_load %arg9[%swap3A_758] {strides = array<i32>} : memref<1792xf32, #tpu.memory_space<vmem>>, vector<16xf32>,
      %swap3A_760 = vector.shape_cast %swap3A_759 : vector<16xf32> to vector<16xf32>
      %swap3A_761 = vector.shape_cast %scan3A_752#1 : vector<16xf32> to vector<16xf32>
      tpu.vector_store %arg9[%swap3A_758], %swap3A_761 {strides = array<i32>} : memref<1792xf32, #tpu.memory_space<vmem>>, vector<16xf32>,
      %swap3A_762 = arith.constant 1312 : index
      %swap3A_763 = tpu.vector_load %arg9[%swap3A_762] {strides = array<i32>} : memref<1792xf32, #tpu.memory_space<vmem>>, vector<16xf32>,
      %swap3A_764 = vector.shape_cast %swap3A_763 : vector<16xf32> to vector<16xf32>
      %swap3A_765 = vector.shape_cast %scan3A_752#2 : vector<16xf32> to vector<16xf32>
      tpu.vector_store %arg9[%swap3A_762], %swap3A_765 {strides = array<i32>} : memref<1792xf32, #tpu.memory_space<vmem>>, vector<16xf32>,
      %swap3A_766 = arith.constant 1328 : index
      %swap3A_767 = tpu.vector_load %arg9[%swap3A_766] {strides = array<i32>} : memref<1792xf32, #tpu.memory_space<vmem>>, vector<16xf32>,
      %swap3A_768 = vector.shape_cast %swap3A_767 : vector<16xf32> to vector<16xf32>
      %swap3A_769 = vector.shape_cast %scan3A_752#3 : vector<16xf32> to vector<16xf32>
      tpu.vector_store %arg9[%swap3A_766], %swap3A_769 {strides = array<i32>} : memref<1792xf32, #tpu.memory_space<vmem>>, vector<16xf32>,
      %swap3A_770 = arith.constant 1344 : index
      %swap3A_771 = tpu.vector_load %arg9[%swap3A_770] {strides = array<i32>} : memref<1792xf32, #tpu.memory_space<vmem>>, vector<16xf32>,
      %swap3A_772 = vector.shape_cast %swap3A_771 : vector<16xf32> to vector<16xf32>
      %swap3A_773 = vector.shape_cast %scan3A_752#4 : vector<16xf32> to vector<16xf32>
      tpu.vector_store %arg9[%swap3A_770], %swap3A_773 {strides = array<i32>} : memref<1792xf32, #tpu.memory_space<vmem>>, vector<16xf32>,
      %swap3A_774 = arith.constant 1360 : index
      %swap3A_775 = tpu.vector_load %arg9[%swap3A_774] {strides = array<i32>} : memref<1792xf32, #tpu.memory_space<vmem>>, vector<16xf32>,
      %swap3A_776 = vector.shape_cast %swap3A_775 : vector<16xf32> to vector<16xf32>
      %swap3A_777 = vector.shape_cast %scan3A_752#5 : vector<16xf32> to vector<16xf32>
      tpu.vector_store %arg9[%swap3A_774], %swap3A_777 {strides = array<i32>} : memref<1792xf32, #tpu.memory_space<vmem>>, vector<16xf32>,
      %swap3A_778 = arith.constant 1376 : index
      %swap3A_779 = tpu.vector_load %arg9[%swap3A_778] {strides = array<i32>} : memref<1792xf32, #tpu.memory_space<vmem>>, vector<16xf32>,
      %swap3A_780 = vector.shape_cast %swap3A_779 : vector<16xf32> to vector<16xf32>
      %swap3A_781 = vector.shape_cast %scan3A_752#6 : vector<16xf32> to vector<16xf32>
      tpu.vector_store %arg9[%swap3A_778], %swap3A_781 {strides = array<i32>} : memref<1792xf32, #tpu.memory_space<vmem>>, vector<16xf32>,
      %swap3A_782 = arith.constant 1392 : index
      %swap3A_783 = tpu.vector_load %arg9[%swap3A_782] {strides = array<i32>} : memref<1792xf32, #tpu.memory_space<vmem>>, vector<16xf32>,
      %swap3A_784 = vector.shape_cast %swap3A_783 : vector<16xf32> to vector<16xf32>
      %swap3A_785 = vector.shape_cast %scan3A_752#7 : vector<16xf32> to vector<16xf32>
      tpu.vector_store %arg9[%swap3A_782], %swap3A_785 {strides = array<i32>} : memref<1792xf32, #tpu.memory_space<vmem>>, vector<16xf32>,
      %swap3A_786 = arith.constant 1408 : index
      %swap3A_787 = tpu.vector_load %arg9[%swap3A_786] {strides = array<i32>} : memref<1792xf32, #tpu.memory_space<vmem>>, vector<16xf32>,
      %swap3A_788 = vector.shape_cast %swap3A_787 : vector<16xf32> to vector<16xf32>
      %swap3A_789 = vector.shape_cast %scan3A_752#8 : vector<16xf32> to vector<16xf32>
      tpu.vector_store %arg9[%swap3A_786], %swap3A_789 {strides = array<i32>} : memref<1792xf32, #tpu.memory_space<vmem>>, vector<16xf32>,
      %swap3A_790 = arith.constant 1424 : index
      %swap3A_791 = tpu.vector_load %arg9[%swap3A_790] {strides = array<i32>} : memref<1792xf32, #tpu.memory_space<vmem>>, vector<16xf32>,
      %swap3A_792 = vector.shape_cast %swap3A_791 : vector<16xf32> to vector<16xf32>
      %swap3A_793 = vector.shape_cast %scan3A_752#9 : vector<16xf32> to vector<16xf32>
      tpu.vector_store %arg9[%swap3A_790], %swap3A_793 {strides = array<i32>} : memref<1792xf32, #tpu.memory_space<vmem>>, vector<16xf32>,
      %swap3A_794 = arith.constant 1440 : index
      %swap3A_795 = tpu.vector_load %arg9[%swap3A_794] {strides = array<i32>} : memref<1792xf32, #tpu.memory_space<vmem>>, vector<16xf32>,
      %swap3A_796 = vector.shape_cast %swap3A_795 : vector<16xf32> to vector<16xf32>
      %swap3A_797 = vector.shape_cast %scan3A_752#10 : vector<16xf32> to vector<16xf32>
      tpu.vector_store %arg9[%swap3A_794], %swap3A_797 {strides = array<i32>} : memref<1792xf32, #tpu.memory_space<vmem>>, vector<16xf32>,
      %swap3A_798 = arith.constant 1456 : index
      %swap3A_799 = tpu.vector_load %arg9[%swap3A_798] {strides = array<i32>} : memref<1792xf32, #tpu.memory_space<vmem>>, vector<16xf32>,
      %swap3A_800 = vector.shape_cast %swap3A_799 : vector<16xf32> to vector<16xf32>
      %swap3A_801 = vector.shape_cast %scan3A_752#11 : vector<16xf32> to vector<16xf32>
      tpu.vector_store %arg9[%swap3A_798], %swap3A_801 {strides = array<i32>} : memref<1792xf32, #tpu.memory_space<vmem>>, vector<16xf32>,
      %swap3A_802 = arith.constant 1472 : index
      %swap3A_803 = tpu.vector_load %arg9[%swap3A_802] {strides = array<i32>} : memref<1792xf32, #tpu.memory_space<vmem>>, vector<16xf32>,
      %swap3A_804 = vector.shape_cast %swap3A_803 : vector<16xf32> to vector<16xf32>
      %swap3A_805 = vector.shape_cast %scan3A_752#12 : vector<16xf32> to vector<16xf32>
      tpu.vector_store %arg9[%swap3A_802], %swap3A_805 {strides = array<i32>} : memref<1792xf32, #tpu.memory_space<vmem>>, vector<16xf32>,
      %swap3A_806 = arith.constant 1488 : index
      %swap3A_807 = tpu.vector_load %arg9[%swap3A_806] {strides = array<i32>} : memref<1792xf32, #tpu.memory_space<vmem>>, vector<16xf32>,
      %swap3A_808 = vector.shape_cast %swap3A_807 : vector<16xf32> to vector<16xf32>
      %swap3A_809 = vector.shape_cast %scan3A_752#13 : vector<16xf32> to vector<16xf32>
      tpu.vector_store %arg9[%swap3A_806], %swap3A_809 {strides = array<i32>} : memref<1792xf32, #tpu.memory_space<vmem>>, vector<16xf32>,
      %swap3A_810 = arith.constant 1504 : index
      %swap3A_811 = tpu.vector_load %arg9[%swap3A_810] {strides = array<i32>} : memref<1792xf32, #tpu.memory_space<vmem>>, vector<16xf32>,
      %swap3A_812 = vector.shape_cast %swap3A_811 : vector<16xf32> to vector<16xf32>
      %swap3A_813 = vector.shape_cast %scan3A_752#14 : vector<16xf32> to vector<16xf32>
      tpu.vector_store %arg9[%swap3A_810], %swap3A_813 {strides = array<i32>} : memref<1792xf32, #tpu.memory_space<vmem>>, vector<16xf32>,
      %swap3A_814 = arith.constant 1520 : index
      %swap3A_815 = tpu.vector_load %arg9[%swap3A_814] {strides = array<i32>} : memref<1792xf32, #tpu.memory_space<vmem>>, vector<16xf32>,
      %swap3A_816 = vector.shape_cast %swap3A_815 : vector<16xf32> to vector<16xf32>
      %swap3A_817 = vector.shape_cast %scan3A_752#15 : vector<16xf32> to vector<16xf32>
      tpu.vector_store %arg9[%swap3A_814], %swap3A_817 {strides = array<i32>} : memref<1792xf32, #tpu.memory_space<vmem>>, vector<16xf32>,
      %broadcast_in_dim3A_818 = arith.constant 0.000000e+00 : f32
      %broadcast_in_dim3A_819 = vector.broadcast %broadcast_in_dim3A_818 : f32 to vector<16xf32>
      %broadcast_in_dim3A_820 = arith.constant 0.000000e+00 : f32
      %broadcast_in_dim3A_821 = vector.broadcast %broadcast_in_dim3A_820 : f32 to vector<16xf32>
      %broadcast_in_dim3A_822 = arith.constant 0.000000e+00 : f32
      %broadcast_in_dim3A_823 = vector.broadcast %broadcast_in_dim3A_822 : f32 to vector<16xf32>
      %broadcast_in_dim3A_824 = arith.constant 0.000000e+00 : f32
      %broadcast_in_dim3A_825 = vector.broadcast %broadcast_in_dim3A_824 : f32 to vector<16xf32>
      %broadcast_in_dim3A_826 = arith.constant 0.000000e+00 : f32
      %broadcast_in_dim3A_827 = vector.broadcast %broadcast_in_dim3A_826 : f32 to vector<16xf32>
      %broadcast_in_dim3A_828 = arith.constant 0.000000e+00 : f32
      %broadcast_in_dim3A_829 = vector.broadcast %broadcast_in_dim3A_828 : f32 to vector<16xf32>
      %broadcast_in_dim3A_830 = arith.constant 0.000000e+00 : f32
      %broadcast_in_dim3A_831 = vector.broadcast %broadcast_in_dim3A_830 : f32 to vector<16xf32>
      %broadcast_in_dim3A_832 = arith.constant 0.000000e+00 : f32
      %broadcast_in_dim3A_833 = vector.broadcast %broadcast_in_dim3A_832 : f32 to vector<16xf32>
      %broadcast_in_dim3A_834 = arith.constant 0.000000e+00 : f32
      %broadcast_in_dim3A_835 = vector.broadcast %broadcast_in_dim3A_834 : f32 to vector<16xf32>
      %broadcast_in_dim3A_836 = arith.constant 0.000000e+00 : f32
      %broadcast_in_dim3A_837 = vector.broadcast %broadcast_in_dim3A_836 : f32 to vector<16xf32>
      %broadcast_in_dim3A_838 = arith.constant 0.000000e+00 : f32
      %broadcast_in_dim3A_839 = vector.broadcast %broadcast_in_dim3A_838 : f32 to vector<16xf32>
      %broadcast_in_dim3A_840 = arith.constant 0.000000e+00 : f32
      %broadcast_in_dim3A_841 = vector.broadcast %broadcast_in_dim3A_840 : f32 to vector<16xf32>
      %broadcast_in_dim3A_842 = arith.constant 0.000000e+00 : f32
      %broadcast_in_dim3A_843 = vector.broadcast %broadcast_in_dim3A_842 : f32 to vector<16xf32>
      %broadcast_in_dim3A_844 = arith.constant 0.000000e+00 : f32
      %broadcast_in_dim3A_845 = vector.broadcast %broadcast_in_dim3A_844 : f32 to vector<16xf32>
      %broadcast_in_dim3A_846 = arith.constant 0.000000e+00 : f32
      %broadcast_in_dim3A_847 = vector.broadcast %broadcast_in_dim3A_846 : f32 to vector<16xf32>
      %broadcast_in_dim3A_848 = arith.constant 0.000000e+00 : f32
      %broadcast_in_dim3A_849 = vector.broadcast %broadcast_in_dim3A_848 : f32 to vector<16xf32>
      %scan3A_850 = arith.constant 0 : i32
      %scan3A_851 = arith.constant 20 : i32
      %scan3A_852 = arith.addi %scan3A_850, %scan3A_851 : i32
      %scan3A_853 = arith.constant 1 : i32
      %scan3A_854:16 = scf.for %scan3A_925 = %scan3A_850 to %scan3A_852 step %scan3A_853 iter_args(%scan3A_926 = %broadcast_in_dim3A_819, %scan3A_927 = %broadcast_in_dim3A_821, %scan3A_928 = %broadcast_in_dim3A_823, %scan3A_929 = %broadcast_in_dim3A_825, %scan3A_930 = %broadcast_in_dim3A_827, %scan3A_931 = %broadcast_in_dim3A_829, %scan3A_932 = %broadcast_in_dim3A_831, %scan3A_933 = %broadcast_in_dim3A_833, %scan3A_934 = %broadcast_in_dim3A_835, %scan3A_935 = %broadcast_in_dim3A_837, %scan3A_936 = %broadcast_in_dim3A_839, %scan3A_937 = %broadcast_in_dim3A_841, %scan3A_938 = %broadcast_in_dim3A_843, %scan3A_939 = %broadcast_in_dim3A_845, %scan3A_940 = %broadcast_in_dim3A_847, %scan3A_941 = %broadcast_in_dim3A_849) -> (vector<16xf32>, vector<16xf32>, vector<16xf32>, vector<16xf32>, vector<16xf32>, vector<16xf32>, vector<16xf32>, vector<16xf32>, vector<16xf32>, vector<16xf32>, vector<16xf32>, vector<16xf32>, vector<16xf32>, vector<16xf32>, vector<16xf32>, vector<16xf32>)  : i32 {
        %add3A_942 = arith.constant 120 : i32
        %add3A_943 = arith.addi %add3A_942, %scan3A_925 : i32
        %mul3A_944 = arith.constant 16 : i32
        %mul3A_945 = arith.muli %add3A_943, %mul3A_944 : i32
        %get3A = arith.index_cast %mul3A_945 : i32 to index
        %get3A_946 = tpu.vector_load %arg7[%get3A] {strides = array<i32>} : memref<2240xf32, #tpu.memory_space<vmem>>, vector<16xf32>,
        %get3A_947 = vector.shape_cast %get3A_946 : vector<16xf32> to vector<16xf32>
        %get3A_948 = arith.index_cast %rem3A_66 : i32 to index
        %get3A_949 = arith.index_cast %scan3A_925 : i32 to index
        %get3A_950 = arith.constant 1536 : index
        %get3A_951 = tpu.vector_load %arg5[%get3A_948, %get3A_949, %get3A_950] {strides = array<i32>} : memref<2x20x1792xf32, #tpu.memory_space<vmem>>, vector<1x1x16xf32>,
        %get3A_952 = vector.shape_cast %get3A_951 : vector<1x1x16xf32> to vector<16xf32>
        %mul3A_953 = arith.mulf %get3A_947, %get3A_952 : vector<16xf32>
        %add3A_954 = arith.addf %scan3A_926, %mul3A_953 : vector<16xf32>
        %get3A_955 = arith.index_cast %rem3A_66 : i32 to index
        %get3A_956 = arith.index_cast %scan3A_925 : i32 to index
        %get3A_957 = arith.constant 1552 : index
        %get3A_958 = tpu.vector_load %arg5[%get3A_955, %get3A_956, %get3A_957] {strides = array<i32>} : memref<2x20x1792xf32, #tpu.memory_space<vmem>>, vector<1x1x16xf32>,
        %get3A_959 = vector.shape_cast %get3A_958 : vector<1x1x16xf32> to vector<16xf32>
        %mul3A_960 = arith.mulf %get3A_947, %get3A_959 : vector<16xf32>
        %add3A_961 = arith.addf %scan3A_927, %mul3A_960 : vector<16xf32>
        %get3A_962 = arith.index_cast %rem3A_66 : i32 to index
        %get3A_963 = arith.index_cast %scan3A_925 : i32 to index
        %get3A_964 = arith.constant 1568 : index
        %get3A_965 = tpu.vector_load %arg5[%get3A_962, %get3A_963, %get3A_964] {strides = array<i32>} : memref<2x20x1792xf32, #tpu.memory_space<vmem>>, vector<1x1x16xf32>,
        %get3A_966 = vector.shape_cast %get3A_965 : vector<1x1x16xf32> to vector<16xf32>
        %mul3A_967 = arith.mulf %get3A_947, %get3A_966 : vector<16xf32>
        %add3A_968 = arith.addf %scan3A_928, %mul3A_967 : vector<16xf32>
        %get3A_969 = arith.index_cast %rem3A_66 : i32 to index
        %get3A_970 = arith.index_cast %scan3A_925 : i32 to index
        %get3A_971 = arith.constant 1584 : index
        %get3A_972 = tpu.vector_load %arg5[%get3A_969, %get3A_970, %get3A_971] {strides = array<i32>} : memref<2x20x1792xf32, #tpu.memory_space<vmem>>, vector<1x1x16xf32>,
        %get3A_973 = vector.shape_cast %get3A_972 : vector<1x1x16xf32> to vector<16xf32>
        %mul3A_974 = arith.mulf %get3A_947, %get3A_973 : vector<16xf32>
        %add3A_975 = arith.addf %scan3A_929, %mul3A_974 : vector<16xf32>
        %get3A_976 = arith.index_cast %rem3A_66 : i32 to index
        %get3A_977 = arith.index_cast %scan3A_925 : i32 to index
        %get3A_978 = arith.constant 1600 : index
        %get3A_979 = tpu.vector_load %arg5[%get3A_976, %get3A_977, %get3A_978] {strides = array<i32>} : memref<2x20x1792xf32, #tpu.memory_space<vmem>>, vector<1x1x16xf32>,
        %get3A_980 = vector.shape_cast %get3A_979 : vector<1x1x16xf32> to vector<16xf32>
        %mul3A_981 = arith.mulf %get3A_947, %get3A_980 : vector<16xf32>
        %add3A_982 = arith.addf %scan3A_930, %mul3A_981 : vector<16xf32>
        %get3A_983 = arith.index_cast %rem3A_66 : i32 to index
        %get3A_984 = arith.index_cast %scan3A_925 : i32 to index
        %get3A_985 = arith.constant 1616 : index
        %get3A_986 = tpu.vector_load %arg5[%get3A_983, %get3A_984, %get3A_985] {strides = array<i32>} : memref<2x20x1792xf32, #tpu.memory_space<vmem>>, vector<1x1x16xf32>,
        %get3A_987 = vector.shape_cast %get3A_986 : vector<1x1x16xf32> to vector<16xf32>
        %mul3A_988 = arith.mulf %get3A_947, %get3A_987 : vector<16xf32>
        %add3A_989 = arith.addf %scan3A_931, %mul3A_988 : vector<16xf32>
        %get3A_990 = arith.index_cast %rem3A_66 : i32 to index
        %get3A_991 = arith.index_cast %scan3A_925 : i32 to index
        %get3A_992 = arith.constant 1632 : index
        %get3A_993 = tpu.vector_load %arg5[%get3A_990, %get3A_991, %get3A_992] {strides = array<i32>} : memref<2x20x1792xf32, #tpu.memory_space<vmem>>, vector<1x1x16xf32>,
        %get3A_994 = vector.shape_cast %get3A_993 : vector<1x1x16xf32> to vector<16xf32>
        %mul3A_995 = arith.mulf %get3A_947, %get3A_994 : vector<16xf32>
        %add3A_996 = arith.addf %scan3A_932, %mul3A_995 : vector<16xf32>
        %get3A_997 = arith.index_cast %rem3A_66 : i32 to index
        %get3A_998 = arith.index_cast %scan3A_925 : i32 to index
        %get3A_999 = arith.constant 1648 : index
        %get3A_1000 = tpu.vector_load %arg5[%get3A_997, %get3A_998, %get3A_999] {strides = array<i32>} : memref<2x20x1792xf32, #tpu.memory_space<vmem>>, vector<1x1x16xf32>,
        %get3A_1001 = vector.shape_cast %get3A_1000 : vector<1x1x16xf32> to vector<16xf32>
        %mul3A_1002 = arith.mulf %get3A_947, %get3A_1001 : vector<16xf32>
        %add3A_1003 = arith.addf %scan3A_933, %mul3A_1002 : vector<16xf32>
        %get3A_1004 = arith.index_cast %rem3A_66 : i32 to index
        %get3A_1005 = arith.index_cast %scan3A_925 : i32 to index
        %get3A_1006 = arith.constant 1664 : index
        %get3A_1007 = tpu.vector_load %arg5[%get3A_1004, %get3A_1005, %get3A_1006] {strides = array<i32>} : memref<2x20x1792xf32, #tpu.memory_space<vmem>>, vector<1x1x16xf32>,
        %get3A_1008 = vector.shape_cast %get3A_1007 : vector<1x1x16xf32> to vector<16xf32>
        %mul3A_1009 = arith.mulf %get3A_947, %get3A_1008 : vector<16xf32>
        %add3A_1010 = arith.addf %scan3A_934, %mul3A_1009 : vector<16xf32>
        %get3A_1011 = arith.index_cast %rem3A_66 : i32 to index
        %get3A_1012 = arith.index_cast %scan3A_925 : i32 to index
        %get3A_1013 = arith.constant 1680 : index
        %get3A_1014 = tpu.vector_load %arg5[%get3A_1011, %get3A_1012, %get3A_1013] {strides = array<i32>} : memref<2x20x1792xf32, #tpu.memory_space<vmem>>, vector<1x1x16xf32>,
        %get3A_1015 = vector.shape_cast %get3A_1014 : vector<1x1x16xf32> to vector<16xf32>
        %mul3A_1016 = arith.mulf %get3A_947, %get3A_1015 : vector<16xf32>
        %add3A_1017 = arith.addf %scan3A_935, %mul3A_1016 : vector<16xf32>
        %get3A_1018 = arith.index_cast %rem3A_66 : i32 to index
        %get3A_1019 = arith.index_cast %scan3A_925 : i32 to index
        %get3A_1020 = arith.constant 1696 : index
        %get3A_1021 = tpu.vector_load %arg5[%get3A_1018, %get3A_1019, %get3A_1020] {strides = array<i32>} : memref<2x20x1792xf32, #tpu.memory_space<vmem>>, vector<1x1x16xf32>,
        %get3A_1022 = vector.shape_cast %get3A_1021 : vector<1x1x16xf32> to vector<16xf32>
        %mul3A_1023 = arith.mulf %get3A_947, %get3A_1022 : vector<16xf32>
        %add3A_1024 = arith.addf %scan3A_936, %mul3A_1023 : vector<16xf32>
        %get3A_1025 = arith.index_cast %rem3A_66 : i32 to index
        %get3A_1026 = arith.index_cast %scan3A_925 : i32 to index
        %get3A_1027 = arith.constant 1712 : index
        %get3A_1028 = tpu.vector_load %arg5[%get3A_1025, %get3A_1026, %get3A_1027] {strides = array<i32>} : memref<2x20x1792xf32, #tpu.memory_space<vmem>>, vector<1x1x16xf32>,
        %get3A_1029 = vector.shape_cast %get3A_1028 : vector<1x1x16xf32> to vector<16xf32>
        %mul3A_1030 = arith.mulf %get3A_947, %get3A_1029 : vector<16xf32>
        %add3A_1031 = arith.addf %scan3A_937, %mul3A_1030 : vector<16xf32>
        %get3A_1032 = arith.index_cast %rem3A_66 : i32 to index
        %get3A_1033 = arith.index_cast %scan3A_925 : i32 to index
        %get3A_1034 = arith.constant 1728 : index
        %get3A_1035 = tpu.vector_load %arg5[%get3A_1032, %get3A_1033, %get3A_1034] {strides = array<i32>} : memref<2x20x1792xf32, #tpu.memory_space<vmem>>, vector<1x1x16xf32>,
        %get3A_1036 = vector.shape_cast %get3A_1035 : vector<1x1x16xf32> to vector<16xf32>
        %mul3A_1037 = arith.mulf %get3A_947, %get3A_1036 : vector<16xf32>
        %add3A_1038 = arith.addf %scan3A_938, %mul3A_1037 : vector<16xf32>
        %get3A_1039 = arith.index_cast %rem3A_66 : i32 to index
        %get3A_1040 = arith.index_cast %scan3A_925 : i32 to index
        %get3A_1041 = arith.constant 1744 : index
        %get3A_1042 = tpu.vector_load %arg5[%get3A_1039, %get3A_1040, %get3A_1041] {strides = array<i32>} : memref<2x20x1792xf32, #tpu.memory_space<vmem>>, vector<1x1x16xf32>,
        %get3A_1043 = vector.shape_cast %get3A_1042 : vector<1x1x16xf32> to vector<16xf32>
        %mul3A_1044 = arith.mulf %get3A_947, %get3A_1043 : vector<16xf32>
        %add3A_1045 = arith.addf %scan3A_939, %mul3A_1044 : vector<16xf32>
        %get3A_1046 = arith.index_cast %rem3A_66 : i32 to index
        %get3A_1047 = arith.index_cast %scan3A_925 : i32 to index
        %get3A_1048 = arith.constant 1760 : index
        %get3A_1049 = tpu.vector_load %arg5[%get3A_1046, %get3A_1047, %get3A_1048] {strides = array<i32>} : memref<2x20x1792xf32, #tpu.memory_space<vmem>>, vector<1x1x16xf32>,
        %get3A_1050 = vector.shape_cast %get3A_1049 : vector<1x1x16xf32> to vector<16xf32>
        %mul3A_1051 = arith.mulf %get3A_947, %get3A_1050 : vector<16xf32>
        %add3A_1052 = arith.addf %scan3A_940, %mul3A_1051 : vector<16xf32>
        %get3A_1053 = arith.index_cast %rem3A_66 : i32 to index
        %get3A_1054 = arith.index_cast %scan3A_925 : i32 to index
        %get3A_1055 = arith.constant 1776 : index
        %get3A_1056 = tpu.vector_load %arg5[%get3A_1053, %get3A_1054, %get3A_1055] {strides = array<i32>} : memref<2x20x1792xf32, #tpu.memory_space<vmem>>, vector<1x1x16xf32>,
        %get3A_1057 = vector.shape_cast %get3A_1056 : vector<1x1x16xf32> to vector<16xf32>
        %mul3A_1058 = arith.mulf %get3A_947, %get3A_1057 : vector<16xf32>
        %add3A_1059 = arith.addf %scan3A_941, %mul3A_1058 : vector<16xf32>
        scf.yield %add3A_954, %add3A_961, %add3A_968, %add3A_975, %add3A_982, %add3A_989, %add3A_996, %add3A_1003, %add3A_1010, %add3A_1017, %add3A_1024, %add3A_1031, %add3A_1038, %add3A_1045, %add3A_1052, %add3A_1059 : vector<16xf32>, vector<16xf32>, vector<16xf32>, vector<16xf32>, vector<16xf32>, vector<16xf32>, vector<16xf32>, vector<16xf32>, vector<16xf32>, vector<16xf32>, vector<16xf32>, vector<16xf32>, vector<16xf32>, vector<16xf32>, vector<16xf32>, vector<16xf32>
      }
      %scan3A_855 = arith.constant 20 : i32
      %swap3A_856 = arith.constant 1536 : index
      %swap3A_857 = tpu.vector_load %arg9[%swap3A_856] {strides = array<i32>} : memref<1792xf32, #tpu.memory_space<vmem>>, vector<16xf32>,
      %swap3A_858 = vector.shape_cast %swap3A_857 : vector<16xf32> to vector<16xf32>
      %swap3A_859 = vector.shape_cast %scan3A_854#0 : vector<16xf32> to vector<16xf32>
      tpu.vector_store %arg9[%swap3A_856], %swap3A_859 {strides = array<i32>} : memref<1792xf32, #tpu.memory_space<vmem>>, vector<16xf32>,
      %swap3A_860 = arith.constant 1552 : index
      %swap3A_861 = tpu.vector_load %arg9[%swap3A_860] {strides = array<i32>} : memref<1792xf32, #tpu.memory_space<vmem>>, vector<16xf32>,
      %swap3A_862 = vector.shape_cast %swap3A_861 : vector<16xf32> to vector<16xf32>
      %swap3A_863 = vector.shape_cast %scan3A_854#1 : vector<16xf32> to vector<16xf32>
      tpu.vector_store %arg9[%swap3A_860], %swap3A_863 {strides = array<i32>} : memref<1792xf32, #tpu.memory_space<vmem>>, vector<16xf32>,
      %swap3A_864 = arith.constant 1568 : index
      %swap3A_865 = tpu.vector_load %arg9[%swap3A_864] {strides = array<i32>} : memref<1792xf32, #tpu.memory_space<vmem>>, vector<16xf32>,
      %swap3A_866 = vector.shape_cast %swap3A_865 : vector<16xf32> to vector<16xf32>
      %swap3A_867 = vector.shape_cast %scan3A_854#2 : vector<16xf32> to vector<16xf32>
      tpu.vector_store %arg9[%swap3A_864], %swap3A_867 {strides = array<i32>} : memref<1792xf32, #tpu.memory_space<vmem>>, vector<16xf32>,
      %swap3A_868 = arith.constant 1584 : index
      %swap3A_869 = tpu.vector_load %arg9[%swap3A_868] {strides = array<i32>} : memref<1792xf32, #tpu.memory_space<vmem>>, vector<16xf32>,
      %swap3A_870 = vector.shape_cast %swap3A_869 : vector<16xf32> to vector<16xf32>
      %swap3A_871 = vector.shape_cast %scan3A_854#3 : vector<16xf32> to vector<16xf32>
      tpu.vector_store %arg9[%swap3A_868], %swap3A_871 {strides = array<i32>} : memref<1792xf32, #tpu.memory_space<vmem>>, vector<16xf32>,
      %swap3A_872 = arith.constant 1600 : index
      %swap3A_873 = tpu.vector_load %arg9[%swap3A_872] {strides = array<i32>} : memref<1792xf32, #tpu.memory_space<vmem>>, vector<16xf32>,
      %swap3A_874 = vector.shape_cast %swap3A_873 : vector<16xf32> to vector<16xf32>
      %swap3A_875 = vector.shape_cast %scan3A_854#4 : vector<16xf32> to vector<16xf32>
      tpu.vector_store %arg9[%swap3A_872], %swap3A_875 {strides = array<i32>} : memref<1792xf32, #tpu.memory_space<vmem>>, vector<16xf32>,
      %swap3A_876 = arith.constant 1616 : index
      %swap3A_877 = tpu.vector_load %arg9[%swap3A_876] {strides = array<i32>} : memref<1792xf32, #tpu.memory_space<vmem>>, vector<16xf32>,
      %swap3A_878 = vector.shape_cast %swap3A_877 : vector<16xf32> to vector<16xf32>
      %swap3A_879 = vector.shape_cast %scan3A_854#5 : vector<16xf32> to vector<16xf32>
      tpu.vector_store %arg9[%swap3A_876], %swap3A_879 {strides = array<i32>} : memref<1792xf32, #tpu.memory_space<vmem>>, vector<16xf32>,
      %swap3A_880 = arith.constant 1632 : index
      %swap3A_881 = tpu.vector_load %arg9[%swap3A_880] {strides = array<i32>} : memref<1792xf32, #tpu.memory_space<vmem>>, vector<16xf32>,
      %swap3A_882 = vector.shape_cast %swap3A_881 : vector<16xf32> to vector<16xf32>
      %swap3A_883 = vector.shape_cast %scan3A_854#6 : vector<16xf32> to vector<16xf32>
      tpu.vector_store %arg9[%swap3A_880], %swap3A_883 {strides = array<i32>} : memref<1792xf32, #tpu.memory_space<vmem>>, vector<16xf32>,
      %swap3A_884 = arith.constant 1648 : index
      %swap3A_885 = tpu.vector_load %arg9[%swap3A_884] {strides = array<i32>} : memref<1792xf32, #tpu.memory_space<vmem>>, vector<16xf32>,
      %swap3A_886 = vector.shape_cast %swap3A_885 : vector<16xf32> to vector<16xf32>
      %swap3A_887 = vector.shape_cast %scan3A_854#7 : vector<16xf32> to vector<16xf32>
      tpu.vector_store %arg9[%swap3A_884], %swap3A_887 {strides = array<i32>} : memref<1792xf32, #tpu.memory_space<vmem>>, vector<16xf32>,
      %swap3A_888 = arith.constant 1664 : index
      %swap3A_889 = tpu.vector_load %arg9[%swap3A_888] {strides = array<i32>} : memref<1792xf32, #tpu.memory_space<vmem>>, vector<16xf32>,
      %swap3A_890 = vector.shape_cast %swap3A_889 : vector<16xf32> to vector<16xf32>
      %swap3A_891 = vector.shape_cast %scan3A_854#8 : vector<16xf32> to vector<16xf32>
      tpu.vector_store %arg9[%swap3A_888], %swap3A_891 {strides = array<i32>} : memref<1792xf32, #tpu.memory_space<vmem>>, vector<16xf32>,
      %swap3A_892 = arith.constant 1680 : index
      %swap3A_893 = tpu.vector_load %arg9[%swap3A_892] {strides = array<i32>} : memref<1792xf32, #tpu.memory_space<vmem>>, vector<16xf32>,
      %swap3A_894 = vector.shape_cast %swap3A_893 : vector<16xf32> to vector<16xf32>
      %swap3A_895 = vector.shape_cast %scan3A_854#9 : vector<16xf32> to vector<16xf32>
      tpu.vector_store %arg9[%swap3A_892], %swap3A_895 {strides = array<i32>} : memref<1792xf32, #tpu.memory_space<vmem>>, vector<16xf32>,
      %swap3A_896 = arith.constant 1696 : index
      %swap3A_897 = tpu.vector_load %arg9[%swap3A_896] {strides = array<i32>} : memref<1792xf32, #tpu.memory_space<vmem>>, vector<16xf32>,
      %swap3A_898 = vector.shape_cast %swap3A_897 : vector<16xf32> to vector<16xf32>
      %swap3A_899 = vector.shape_cast %scan3A_854#10 : vector<16xf32> to vector<16xf32>
      tpu.vector_store %arg9[%swap3A_896], %swap3A_899 {strides = array<i32>} : memref<1792xf32, #tpu.memory_space<vmem>>, vector<16xf32>,
      %swap3A_900 = arith.constant 1712 : index
      %swap3A_901 = tpu.vector_load %arg9[%swap3A_900] {strides = array<i32>} : memref<1792xf32, #tpu.memory_space<vmem>>, vector<16xf32>,
      %swap3A_902 = vector.shape_cast %swap3A_901 : vector<16xf32> to vector<16xf32>
      %swap3A_903 = vector.shape_cast %scan3A_854#11 : vector<16xf32> to vector<16xf32>
      tpu.vector_store %arg9[%swap3A_900], %swap3A_903 {strides = array<i32>} : memref<1792xf32, #tpu.memory_space<vmem>>, vector<16xf32>,
      %swap3A_904 = arith.constant 1728 : index
      %swap3A_905 = tpu.vector_load %arg9[%swap3A_904] {strides = array<i32>} : memref<1792xf32, #tpu.memory_space<vmem>>, vector<16xf32>,
      %swap3A_906 = vector.shape_cast %swap3A_905 : vector<16xf32> to vector<16xf32>
      %swap3A_907 = vector.shape_cast %scan3A_854#12 : vector<16xf32> to vector<16xf32>
      tpu.vector_store %arg9[%swap3A_904], %swap3A_907 {strides = array<i32>} : memref<1792xf32, #tpu.memory_space<vmem>>, vector<16xf32>,
      %swap3A_908 = arith.constant 1744 : index
      %swap3A_909 = tpu.vector_load %arg9[%swap3A_908] {strides = array<i32>} : memref<1792xf32, #tpu.memory_space<vmem>>, vector<16xf32>,
      %swap3A_910 = vector.shape_cast %swap3A_909 : vector<16xf32> to vector<16xf32>
      %swap3A_911 = vector.shape_cast %scan3A_854#13 : vector<16xf32> to vector<16xf32>
      tpu.vector_store %arg9[%swap3A_908], %swap3A_911 {strides = array<i32>} : memref<1792xf32, #tpu.memory_space<vmem>>, vector<16xf32>,
      %swap3A_912 = arith.constant 1760 : index
      %swap3A_913 = tpu.vector_load %arg9[%swap3A_912] {strides = array<i32>} : memref<1792xf32, #tpu.memory_space<vmem>>, vector<16xf32>,
      %swap3A_914 = vector.shape_cast %swap3A_913 : vector<16xf32> to vector<16xf32>
      %swap3A_915 = vector.shape_cast %scan3A_854#14 : vector<16xf32> to vector<16xf32>
      tpu.vector_store %arg9[%swap3A_912], %swap3A_915 {strides = array<i32>} : memref<1792xf32, #tpu.memory_space<vmem>>, vector<16xf32>,
      %swap3A_916 = arith.constant 1776 : index
      %swap3A_917 = tpu.vector_load %arg9[%swap3A_916] {strides = array<i32>} : memref<1792xf32, #tpu.memory_space<vmem>>, vector<16xf32>,
      %swap3A_918 = vector.shape_cast %swap3A_917 : vector<16xf32> to vector<16xf32>
      %swap3A_919 = vector.shape_cast %scan3A_854#15 : vector<16xf32> to vector<16xf32>
      tpu.vector_store %arg9[%swap3A_916], %swap3A_919 {strides = array<i32>} : memref<1792xf32, #tpu.memory_space<vmem>>, vector<16xf32>,
      %add3A_920 = arith.addi %mul3A_2, %scan3A_65 : i32
      "tpu.region"() ({
        %run_scoped3A = tpu.sem_alloc : memref<!tpu.dma_semaphore, #tpu.memory_space<semaphore_mem>>
        %dma_start3A_925 = arith.constant 0 : i32
        %dma_start3A_926 = tpu.memref_slice %arg4[%add3A_920, %dma_start3A_925] : memref<1024x1792xf32, #tpu.memory_space<hbm>> -> memref<1x1792xf32, #tpu.memory_space<hbm>>
        %dma_start3A_927 = tpu.memref_squeeze %dma_start3A_926 : memref<1x1792xf32, #tpu.memory_space<hbm>> -> memref<1792xf32, #tpu.memory_space<hbm>>
        %dma_start3A_928 = arith.constant 0 : i32
        %dma_start3A_929 = tpu.memref_slice %arg4[%add3A_920, %dma_start3A_928] : memref<1024x1792xf32, #tpu.memory_space<hbm>> -> memref<1x1792xf32, #tpu.memory_space<hbm>>
        %dma_start3A_930 = tpu.memref_squeeze %dma_start3A_929 : memref<1x1792xf32, #tpu.memory_space<hbm>> -> memref<1792xf32, #tpu.memory_space<hbm>>
        tpu.enqueue_dma source(%arg9 : memref<1792xf32, #tpu.memory_space<vmem>>) target(%dma_start3A_930 : memref<1792xf32, #tpu.memory_space<hbm>>) target_semaphore(%run_scoped3A : memref<!tpu.dma_semaphore, #tpu.memory_space<semaphore_mem>>)
        %dma_wait3A_931 = arith.constant 0 : i32
        %dma_wait3A_932 = tpu.memref_slice %arg4[%add3A_920, %dma_wait3A_931] : memref<1024x1792xf32, #tpu.memory_space<hbm>> -> memref<1x1792xf32, #tpu.memory_space<hbm>>
        %dma_wait3A_933 = tpu.memref_squeeze %dma_wait3A_932 : memref<1x1792xf32, #tpu.memory_space<hbm>> -> memref<1792xf32, #tpu.memory_space<hbm>>
        %dma_wait3A_934 = arith.constant 0 : i32
        %dma_wait3A_935 = tpu.memref_slice %arg4[%add3A_920, %dma_wait3A_934] : memref<1024x1792xf32, #tpu.memory_space<hbm>> -> memref<1x1792xf32, #tpu.memory_space<hbm>>
        %dma_wait3A_936 = tpu.memref_squeeze %dma_wait3A_935 : memref<1x1792xf32, #tpu.memory_space<hbm>> -> memref<1792xf32, #tpu.memory_space<hbm>>
        tpu.wait_dma2 semaphore(%run_scoped3A : memref<!tpu.dma_semaphore, #tpu.memory_space<semaphore_mem>>) src(%arg9 : memref<1792xf32, #tpu.memory_space<vmem>>) dst(%dma_wait3A_936 : memref<1792xf32, #tpu.memory_space<hbm>>)
        tpu.yield
      }) : () -> ()
      %add3A_921 = arith.constant 2 : i32
      %add3A_922 = arith.addi %scan3A_65, %add3A_921 : i32
      %lt3A = arith.constant 32 : i32
      %lt3A_923 = arith.cmpi slt, %add3A_922, %lt3A : i32
      %convert_element_type3A = arith.extui %lt3A_923 : i1 to i32
      %cond3A = arith.constant 0 : i32
      %cond3A_924 = arith.cmpi ne, %convert_element_type3A, %cond3A : i32
      scf.if %cond3A_924 {
        %add3A_925 = arith.constant 2 : i32
        %add3A_926 = arith.addi %scan3A_65, %add3A_925 : i32
        %add3A_927 = arith.addi %mul3A_2, %add3A_926 : i32
        %dma_start3A_928 = arith.constant 0 : i32
        %dma_start3A_929 = arith.constant 0 : i32
        %dma_start3A_930 = tpu.memref_slice %arg5[%rem3A_66, %dma_start3A_928, %dma_start3A_929] : memref<2x20x1792xf32, #tpu.memory_space<vmem>> -> memref<1x20x1792xf32, #tpu.memory_space<vmem>>
        %dma_start3A_931 = tpu.memref_squeeze %dma_start3A_930 : memref<1x20x1792xf32, #tpu.memory_space<vmem>> -> memref<20x1792xf32, #tpu.memory_space<vmem>>
        %dma_start3A_932 = arith.constant 0 : i32
        %dma_start3A_933 = arith.constant 0 : i32
        %dma_start3A_934 = tpu.memref_slice %arg2[%add3A_927, %dma_start3A_932, %dma_start3A_933] : memref<1024x20x1792xf32, #tpu.memory_space<hbm>> -> memref<1x20x1792xf32, #tpu.memory_space<hbm>>
        %dma_start3A_935 = tpu.memref_squeeze %dma_start3A_934 : memref<1x20x1792xf32, #tpu.memory_space<hbm>> -> memref<20x1792xf32, #tpu.memory_space<hbm>>
        %dma_start3A_936 = arith.constant 0 : i32
        %dma_start3A_937 = arith.constant 0 : i32
        %dma_start3A_938 = tpu.memref_slice %arg5[%rem3A_66, %dma_start3A_936, %dma_start3A_937] : memref<2x20x1792xf32, #tpu.memory_space<vmem>> -> memref<1x20x1792xf32, #tpu.memory_space<vmem>>
        %dma_start3A_939 = tpu.memref_squeeze %dma_start3A_938 : memref<1x20x1792xf32, #tpu.memory_space<vmem>> -> memref<20x1792xf32, #tpu.memory_space<vmem>>
        %dma_start3A_940 = arith.constant 0 : i32
        %dma_start3A_941 = arith.constant 0 : i32
        %dma_start3A_942 = tpu.memref_slice %arg2[%add3A_927, %dma_start3A_940, %dma_start3A_941] : memref<1024x20x1792xf32, #tpu.memory_space<hbm>> -> memref<1x20x1792xf32, #tpu.memory_space<hbm>>
        %dma_start3A_943 = tpu.memref_squeeze %dma_start3A_942 : memref<1x20x1792xf32, #tpu.memory_space<hbm>> -> memref<20x1792xf32, #tpu.memory_space<hbm>>
        tpu.enqueue_dma source(%dma_start3A_943 : memref<20x1792xf32, #tpu.memory_space<hbm>>) target(%dma_start3A_939 : memref<20x1792xf32, #tpu.memory_space<vmem>>) target_semaphore(%arg10 : memref<!tpu.dma_semaphore, #tpu.memory_space<semaphore_mem>>)
        %mul3A_944 = arith.constant 2560 : i32
        %mul3A_945 = arith.muli %rem3A_66, %mul3A_944 : i32
        %dma_start3A_946 = tpu.memref_slice %arg6[%mul3A_945] : memref<5120xf32, #tpu.memory_space<vmem>> -> memref<2560xf32, #tpu.memory_space<vmem>>
        %dma_start3A_947 = arith.constant 0 : i32
        %dma_start3A_948 = tpu.memref_slice %arg3[%add3A_927, %dma_start3A_947] : memref<1024x2560xf32, #tpu.memory_space<hbm>> -> memref<1x2560xf32, #tpu.memory_space<hbm>>
        %dma_start3A_949 = tpu.memref_squeeze %dma_start3A_948 : memref<1x2560xf32, #tpu.memory_space<hbm>> -> memref<2560xf32, #tpu.memory_space<hbm>>
        %dma_start3A_950 = tpu.memref_slice %arg6[%mul3A_945] : memref<5120xf32, #tpu.memory_space<vmem>> -> memref<2560xf32, #tpu.memory_space<vmem>>
        %dma_start3A_951 = arith.constant 0 : i32
        %dma_start3A_952 = tpu.memref_slice %arg3[%add3A_927, %dma_start3A_951] : memref<1024x2560xf32, #tpu.memory_space<hbm>> -> memref<1x2560xf32, #tpu.memory_space<hbm>>
        %dma_start3A_953 = tpu.memref_squeeze %dma_start3A_952 : memref<1x2560xf32, #tpu.memory_space<hbm>> -> memref<2560xf32, #tpu.memory_space<hbm>>
        tpu.enqueue_dma source(%dma_start3A_953 : memref<2560xf32, #tpu.memory_space<hbm>>) target(%dma_start3A_950 : memref<2560xf32, #tpu.memory_space<vmem>>) target_semaphore(%arg11 : memref<!tpu.dma_semaphore, #tpu.memory_space<semaphore_mem>>)
      } else {
      }
    }
    %scan3A_64 = arith.constant 32 : i32
    return
  }
}

module attributes {stable_mosaic.version = 14 : i64} {
  func.func @_tc_linear_body(%arg0: i32, %arg1: memref<256x20xf32, #tpu.memory_space<vmem>>, %arg2: memref<256x1792xf32, #tpu.memory_space<vmem>>, %arg3: memref<256x1792xf32, #tpu.memory_space<vmem>>, %arg4: memref<1x256xf32, #tpu.memory_space<vmem>>, %arg5: memref<256x256xf32, #tpu.memory_space<vmem>>) attributes {dimension_semantics = [#tpu.dimension_semantics<arbitrary>], iteration_bounds = array<i64: 4>, scalar_prefetch = 0 : i64, scratch_operands = 0 : i64, tpu.core_type = #tpu.core_type<tc>, window_params = [{transform_indices = @transform_0, window_bounds = array<i64: 256, 20>}, {transform_indices = @transform_1, window_bounds = array<i64: 256, 1792>}, {pipeline_mode = #tpu.pipeline_mode<synchronous>, transform_indices = @transform_2, window_bounds = array<i64: 256, 1792>}, {pipeline_mode = #tpu.pipeline_mode<synchronous>, transform_indices = @transform_3, window_bounds = array<i64: 1, 256>}, {transform_indices = @transform_4, window_bounds = array<i64: 256, 256>}]} {
    %get3A = arith.constant 0 : index
    %get3A_0 = arith.constant 0 : index
    %get3A_1 = vector.load %arg2[%get3A, %get3A_0] : memref<256x1792xf32, #tpu.memory_space<vmem>>, vector<256x1792xf32>
    %get3A_2 = arith.constant 0 : index
    %get3A_3 = arith.constant 0 : index
    %get3A_4 = vector.load %arg3[%get3A_2, %get3A_3] : memref<256x1792xf32, #tpu.memory_space<vmem>>, vector<256x1792xf32>
    %dot_general3A = arith.constant dense<0.000000e+00> : vector<256x256xf32>
    %dot_general3A_5 = tpu.matmul %get3A_1, %get3A_4, %dot_general3A {dimension_numbers = #tpu.dot_dimension_numbers<[1], [1], [0], [0], [0, 0, 1, 0], [], []>, transpose_lhs_hint = false} : vector<256x1792xf32>, vector<256x1792xf32>, vector<256x256xf32> -> vector<256x256xf32>
    %get3A_6 = arith.constant 0 : index
    %get3A_7 = arith.constant 0 : index
    %get3A_8 = vector.load %arg4[%get3A_6, %get3A_7] : memref<1x256xf32, #tpu.memory_space<vmem>>, vector<1x256xf32>
    %add3A = vector.broadcast %get3A_8 : vector<1x256xf32> to vector<256x256xf32>
    %add3A_9 = arith.addf %dot_general3A_5, %add3A : vector<256x256xf32>
    %get3A_10 = arith.constant 0 : index
    %get3A_11 = arith.constant 0 : index
    %get3A_12 = vector.load %arg1[%get3A_10, %get3A_11] : memref<256x20xf32, #tpu.memory_space<vmem>>, vector<256x20xf32>
    %reduce_max3A = arith.constant dense<0xFF800000> : vector<256xf32>
    %reduce_max3A_13 = vector.multi_reduction <maximumf>, %get3A_12, %reduce_max3A [1] : vector<256x20xf32> to vector<256xf32>
    %broadcast_in_dim3A = vector.shape_cast %reduce_max3A_13 : vector<256xf32> to vector<256x1xf32>
    %gt3A = arith.constant 0.000000e+00 : f32
    %gt3A_14 = vector.broadcast %gt3A : f32 to vector<256x1xf32>
    %gt3A_15 = arith.cmpf ogt, %broadcast_in_dim3A, %gt3A_14 : vector<256x1xf32>
    %jit3A = arith.constant 0.000000e+00 : f32
    %broadcast_in_dim3A_16 = vector.shape_cast %gt3A_15 : vector<256x1xi1> to vector<256x1xi1>
    %broadcast_in_dim3A_17 = vector.broadcast %broadcast_in_dim3A_16 : vector<256x1xi1> to vector<256x256xi1>
    %broadcast_in_dim3A_18 = vector.broadcast %jit3A : f32 to vector<256x256xf32>
    %select_n3A = arith.select %broadcast_in_dim3A_17, %add3A_9, %broadcast_in_dim3A_18 : vector<256x256xi1>, vector<256x256xf32>
    %swap3A = arith.constant 0 : index
    %swap3A_19 = arith.constant 0 : index
    %swap3A_20 = vector.load %arg5[%swap3A, %swap3A_19] : memref<256x256xf32, #tpu.memory_space<vmem>>, vector<256x256xf32>
    tpu.vector_store %arg5[%swap3A, %swap3A_19], %select_n3A {strides = array<i32>} : memref<256x256xf32, #tpu.memory_space<vmem>>, vector<256x256xf32>,
    return
  }
  func.func @transform_0(%arg0: i32) -> (i32, i32) {
    %c0_i32 = arith.constant 0 : i32
    %c0_i32_0 = arith.constant 0 : i32
    return %arg0, %c0_i32 : i32, i32
  }
  func.func @transform_1(%arg0: i32) -> (i32, i32) {
    %c0_i32 = arith.constant 0 : i32
    %c0_i32_0 = arith.constant 0 : i32
    return %arg0, %c0_i32 : i32, i32
  }
  func.func @transform_2(%arg0: i32) -> (i32, i32) {
    %c0_i32 = arith.constant 0 : i32
    %c0_i32_0 = arith.constant 0 : i32
    %c0_i32_1 = arith.constant 0 : i32
    return %c0_i32, %c0_i32_0 : i32, i32
  }
  func.func @transform_3(%arg0: i32) -> (i32, i32) {
    %c0_i32 = arith.constant 0 : i32
    %c0_i32_0 = arith.constant 0 : i32
    %c0_i32_1 = arith.constant 0 : i32
    return %c0_i32, %c0_i32_0 : i32, i32
  }
  func.func @transform_4(%arg0: i32) -> (i32, i32) {
    %c0_i32 = arith.constant 0 : i32
    %c0_i32_0 = arith.constant 0 : i32
    return %arg0, %c0_i32 : i32, i32
  }
}

</mosaic_0001>

<sc_bundles>
// kernel: kernel.4.cloned.1.call-start
scs
__scs_entry_jumppad:
0x0: {  	(pc) =	sbr.rel $0x88, $3  }
0x1: {  	(tag) =	ssettag $0x0;
	lr =	simm.s32 $0x1  }
0x2: {  	[smem:$0x3F9C] =	sst lr;
	_ =	strace $0xD0000000  }
0x3: {  	_ = 	snop  }
0x4: {  	_ = 	snop  }
0x5: {  	_ = 	snop  }
0x6: {  	_ = 	snop  }
0x7: {  	_ = 	snop  }
__scs_overlays_trampoline_lowered:
0x8: {  	[smem:$0x3FAB] =	sst s0  }
0x9: {  	[smem:$0x3FAC] =	sst s1  }
0xa: {  	[smem:$0x3FAD] =	sst s2  }
0xb: {  	[smem:$0x3FAE] =	sst s3  }
0xc: {  	[smem:$0x3FAF] =	sst s4  }
0xd: {  	[smem:$0x3FB0] =	sst s5  }
0xe: {  	[smem:$0x3FB1] =	sst s6  }
0xf: {  	[smem:$0x3FB2] =	sst s7  }
0x10: {  	[smem:$0x3FB3] =	sst s8  }
0x11: {  	[smem:$0x3FB4] =	sst s9;
	s0 =	simm.s32 @!p0 $0x0  }
0x12: {  	s1 =	sld [smem:$0x3F9A];
	s0 =	simm.s32 @p0 $0x1  }
0x13: {  	[smem:$0x3FB5] =	sst s0;
	s0 =	simm.s32 @!p1 $0x0  }
0x14: {  	s2 =	sld [smem:$0x3F99];
	s0 =	simm.s32 @p1 $0x1  }
0x15: {  	[smem:$0x3FB6] =	sst s0;
	s0 =	simm.s32 @!p2 $0x0  }
0x16: {  	s3 =	sld [smem:$0x3FDB];
	s0 =	simm.s32 @p2 $0x1  }
0x17: {  	s4 =	simm.s32 $0x1BF5;
	[smem:$0x3FB8] =	sst s0  }
0x18: {  	s0 =	sld [smem:$0x3F9B];
	_ =	swait.ge [sflag:s4], $0x0  }
0x19: {  	s7 =	sld [smem:$0x3F9C]  }
0x1a: {  	s8 =	sadd.s32 $0xFFFFE003, lr  }
0x1b: {  	s9 =	sadd.s32 $0xFFFFFEF7, lr;
	s5 =	simm.s32 $0xFFFFFFFF;
	p2 =	slt.u32 s8, $0xFFFFF086  }
0x1c: {  	p1 =	slt.u32 s9, $0xF7A;
	s5 =	simm.s32 @!p2 $0x0  }
0x1d: {  	s5 =	simm.s32 @p1 $0x1;
	p0 =	seq.s32 s7, s2  }
0x1e: {  	s7 =	smul.u32 @!p0 $0xF7A, s2;
	p2 =	seq.s32 @!p0 s5, $0x0  }
0x1f: {  	s9 =	smul.u32 $0xF7A, s1;
	s8 =	simm.s32 @!p0 $0x1BF5;
	p2 =	por !p2, p0  }
0x20: {  	[sflag:s8] =	ssyncset.s32 @!p0 $0xFFFFF086;
	s6 =	sadd.s32 @!p0 s3, s7;
	s7 =	simm.s32 @!p0 $0x108  }
0x21: {  	s3 =	sadd.s32 s3, s9;
	s6 =	sadd.s32 @!p0 $0x88, s6;
	s7 =	simm.s32 @p2 $0x1082  }
0x22: {  	[simem:s7], [sflag:s8] =	dma.local @!p0 [hbm:s6], $0xF7A  }
0x23: {  	s9 =	sor.u32 $0xD0000000, s2;
	s6 =	simm.s32 $0x108;
	_ =	swait.ge @!p0 [sflag:s8], $0x0  }
0x24: {  	s3 =	sadd.s32 $0x88, s3;
	s6 =	simm.s32 @!p1 $0x1082;
	[sflag:s4] =	ssyncset.s32 $0xFFFFF086  }
0x25: {  	[simem:s6], [sflag:s4] =	dma.local [hbm:s3], $0xF7A  }
0x26: {  	[smem:$0x3F9C] =	sst s1;
	(tag) =	ssettag s2;
	_ =	strace s9  }
0x27: {  	s1 =	sld [smem:$0x3FAC]  }
0x28: {  	s2 =	sld [smem:$0x3FAD]  }
0x29: {  	s4 =	sld [smem:$0x3FAF]  }
0x2a: {  	p0 =	seq.s32 s5, $0x0;
	s5 =	sld [smem:$0x3FB0]  }
0x2b: {  	s6 =	sld [smem:$0x3FB1]  }
0x2c: {  	s7 =	sld [smem:$0x3FB2]  }
0x2d: {  	s3 =	simm.s32 $0x108;
	s8 =	sld [smem:$0x3FB3]  }
0x2e: {  	s3 =	simm.s32 @!p0 $0x1082;
	s9 =	sld [smem:$0x3FB4]  }
0x2f: {  	lr =	sadd.s32 s0, s3;
	s0 =	sld [smem:$0x3FAB]  }
0x30: {  	s3 =	sld [smem:$0x3FAE]  }
0x31: {  	[smem:$0x3FB7] =	sst s10  }
0x32: {  	s10 =	sld [smem:$0x3FB5];
	_ =	sdelay $0x3  }
0x33: {  	p0 =	seq.s32 s10, $0x1;
	s10 =	sld [smem:$0x3FB7];
	_ =	sdelay $0x3  }
0x34: {  	[smem:$0x3FB7] =	sst s10  }
0x35: {  	s10 =	sld [smem:$0x3FB6];
	_ =	sdelay $0x3  }
0x36: {  	p1 =	seq.s32 s10, $0x1;
	s10 =	sld [smem:$0x3FB7];
	_ =	sdelay $0x3  }
0x37: {  	[smem:$0x3FB7] =	sst s10  }
0x38: {  	s10 =	sld [smem:$0x3FB8]  }
0x39: {  	_ = 	snop;
	(pc) =	sbr.ind lr, $3  }
0x3a: {  	_ = 	snop  }
0x3b: {  	_ = 	snop  }
0x3c: {  	p2 =	seq.s32 s10, $0x1;
	s10 =	sld [smem:$0x3FB7]  }
0x3d: {  	_ =	shalt  }
0x3e: {  	_ =	shalt  }
0x3f: {  	_ =	shalt  }
0x40: {  	_ =	shalt  }
0x41: {  	_ =	shalt  }
0x42: {  	_ =	shalt  }
0x43: {  	_ =	shalt  }
0x44: {  	_ =	shalt  }
0x45: {  	_ =	shalt  }
0x46: {  	_ =	shalt  }
0x47: {  	_ =	shalt  }
0x48: {  	_ =	shalt  }
0x49: {  	_ =	shalt  }
0x4a: {  	_ =	shalt  }
0x4b: {  	_ =	shalt  }
0x4c: {  	_ =	shalt  }
0x4d: {  	_ =	shalt  }
0x4e: {  	_ =	shalt  }
0x4f: {  	_ =	shalt  }
0x50: {  	_ =	shalt  }
0x51: {  	_ =	shalt  }
0x52: {  	_ =	shalt  }
0x53: {  	_ =	shalt  }
0x54: {  	_ =	shalt  }
0x55: {  	_ =	shalt  }
0x56: {  	_ =	shalt  }
0x57: {  	_ =	shalt  }
0x58: {  	_ =	shalt  }
0x59: {  	_ =	shalt  }
0x5a: {  	_ =	shalt  }
0x5b: {  	_ =	shalt  }
0x5c: {  	_ =	shalt  }
0x5d: {  	_ =	shalt  }
0x5e: {  	_ =	shalt  }
0x5f: {  	_ =	shalt  }
0x60: {  	_ =	shalt  }
0x61: {  	_ =	shalt  }
0x62: {  	_ =	shalt  }
0x63: {  	_ =	shalt  }
0x64: {  	_ =	shalt  }
0x65: {  	_ =	shalt  }
0x66: {  	_ =	shalt  }
0x67: {  	_ =	shalt  }
0x68: {  	_ =	shalt  }
0x69: {  	_ =	shalt  }
0x6a: {  	_ =	shalt  }
0x6b: {  	_ =	shalt  }
0x6c: {  	_ =	shalt  }
0x6d: {  	_ =	shalt  }
0x6e: {  	_ =	shalt  }
0x6f: {  	_ =	shalt  }
0x70: {  	_ =	shalt  }
0x71: {  	_ =	shalt  }
0x72: {  	_ =	shalt  }
0x73: {  	_ =	shalt  }
0x74: {  	_ =	shalt  }
0x75: {  	_ =	shalt  }
0x76: {  	_ =	shalt  }
0x77: {  	_ =	shalt  }
0x78: {  	_ =	shalt  }
0x79: {  	_ =	shalt  }
0x7a: {  	_ =	shalt  }
0x7b: {  	_ =	shalt  }
0x7c: {  	_ =	shalt  }
0x7d: {  	_ =	shalt  }
0x7e: {  	_ =	shalt  }
0x7f: {  	_ =	shalt  }
0x80: {  	_ =	shalt  }
0x81: {  	_ =	shalt  }
0x82: {  	_ =	shalt  }
0x83: {  	_ =	shalt  }
0x84: {  	_ =	shalt  }
0x85: {  	_ =	shalt  }
0x86: {  	_ =	shalt  }
0x87: {  	_ =	shalt  }
.Lfunc_end0:
.L_simem_size_0:
called_computation_lowered:
.L_overlay_start_0:
0x88: {  	s2 =	sld [smem:$0x3FD9]  }
0x89: {  	s3 =	sld [smem:$0x3FFE];
	_ =	sdelay $0x1  }
0x8a: {  	s1 =	srdreg.scid  }
0x8b: {  	s0 =	sand.u32 $0x1, s1  }
0x8c: {  	s16 =	sshll.u32 s0, $0xA;
	s2 =	sadd.s32 s3, s2  }
0x8d: {  	s2 =	sadd.s32 s2, s16  }
0x8e: {  	[smem:$0x3FC3] =	sst s2  }
0x8f: {  	_ = 	snop  }
0x90: {  	(tm) =	ssettm $0x1  }
0x91: {  	s17 =	sld [smem:$0x3FFB];
	_ =	sdelay $0x3  }
0x92: {  	_ =	strace s17  }
0x93: {  	s2 =	sld [smem:$0x3FFC];
	_ =	sdelay $0x3  }
0x94: {  	_ =	strace s2  }
0x95: {  	s2 =	sld [smem:$0x3FFD];
	_ =	sdelay $0x3  }
0x96: {  	_ =	strace s2  }
0x97: {  	_ =	strace $0x8FFFFFFF  }
0x98: {  	s18 =	sld [smem:$0x3FDB];
	_ =	sdelay $0x1  }
0x99: {  	s19 =	simm.s32 $_scs_section_size  }
0x9a: {  	s4 =	simm.s32 $_size__tile_overlayer_lowered;
	s5 =	simm.s32 $_tile_overlayer_lowered  }
0x9b: {  	s22 =	simm.s32 $0x1BFF;
	s21 =	sshll.u32 s5, $0x1;
	s2 =	sadd.s32 s19, s18  }
0x9c: {  	s6 =	simm.s32 $0x0;
	s20 =	sshll.u32 s4, $0x1;
	s4 =	sadd.s32 s21, s2  }
0x9d: {  	[timem:s6], [sflag:s22] =	dma.local [hbm:s4], s20  }
0x9e: {  	_ =	swait.ge [sflag:s22], s20  }
0x9f: {  	s3 =	ssub.s32 $0x0, s20;
	[sflag:s22] =	ssyncset.done $0x0  }
0xa0: {  	[sflag:s22] =	ssyncadd.s32 s3;
	_ =	sdelay $0x1  }
0xa1: {  	s23 =	simm.s32 $0x1B8B  }
0xa2: {  	_ =	swait.ge [sflag:s23], $0x1  }
0xa3: {  	[sflag:s23] =	ssyncset.done $0x0  }
0xa4: {  	s25 =	simm.s32 $0x1B8E;
	s24 =	sld [smem:$0x3FFE];
	[sflag:s23] =	ssyncadd.s32 $0xFFFFFFFF  }
0xa5: {  	s26 =	simm.s32 $execute0_lowered;
	[smem:$0x3FD2] =	sst s25  }
0xa6: {  	s4 =	sshll.u32 s26, $0x1;
	_ =	strace $0x80000046;
	[dreg:$0x1] =	wrdreg $0xFFFFFFFF  }
0xa7: {  	s28 =	simm.s32 $_size_execute0_lowered;
	s2 =	sadd.s32 s2, s4;
	[dreg:$0x0] =	wrdreg $0x0  }
0xa8: {  	s4 =	sshll.u32 s28, $0x1;
	[dreg:$0x2] =	wrdreg s2  }
0xa9: {  	[dreg:$0x3] =	wrdreg s4  }
0xaa: {  	[dreg:$0x4] =	wrdreg $0xC0  }
0xab: {  	_ =	task [dreg:s6], $0x5FFFF  }
0xac: {  	[dreg:$0x1] =	wrdreg $0xFFFFFFFF  }
0xad: {  	[dreg:$0x0] =	wrdreg $0x60  }
0xae: {  	[dreg:$0x2] =	wrdreg s24  }
0xaf: {  	[dreg:$0x3] =	wrdreg $0x9  }
0xb0: {  	_ =	task.clear_ibuf [dreg:s6], $0x4FFFF;
	_ =	strace $0x90000046  }
0xb1: {  	s29 =	simm.s32 $0x9;
	_ =	strace $0x80000048  }
0xb2: {  	_ =	swait.ge [sflag:s29], $0x1  }
0xb3: {  	[sflag:s29] =	ssyncadd.s32 $0xFFFFFFFF  }
0xb4: {  	_ =	strace $0x90000048  }
0xb5: {  	_ =	sfence  }
0xb6: {  	s30 =	sld [smem:$0x0];
	_ =	sdelay $0x2  }
0xb7: {  	s31 =	sshll.u32 s1, $0xD;
	s1 =	sshrl.u32 s1, $0x2  }
0xb8: {  	s3 =	sand.u32 $0x4000, s31;
	s1 =	sadd.s32 s1, s30  }
0xb9: {  	s0 =	sor.u32 s3, s0;
	s1 =	sshll.u32 s1, $0x11  }
0xba: {  	s0 =	sor.u32 s1, s0  }
0xbb: {  	s0 =	sadd.s32 $0x8F2B, s0  }
0xbc: {  	[sflag:s0] =	ssyncadd.remote.s32 $0x1  }
0xbd: {  	_ =	sfence.sel $0xFFFF  }
0xbe: {  	[dreg:$0x0] =	wrdreg $0xFFFFFFFF;
	(pc) =	sbr.abs _section_cstart, $3  }
0xbf: {  	[dreg:$0x1] =	wrdreg $0xFFFFFFFF  }
0xc0: {  	_ =	task.clear_ibuf [dreg:s6], $0x2FFFF;
	_ =	strace $0x9FFFFFFF  }
0xc1: {  	(tm) =	ssettm $0x7FFFFFFF  }
tec
execute0_lowered:
.L_overlay_start_1:
0x0: {  	(tag) =	ssettag $0x1  }
0x1: {  	s0 =	rddreg [dreg:$0x0]  }
0x2: {  	s1 =	srdreg.scid;
	s2 =	simm.s32 $0x0;
	s3 =	stileid.u32  }
0x3: {  	s12 =	simm.s32 $0x80;
	s13 =	simm.s32 $0x400;
	s14 =	simm.s32 $0x15000  }
0x4: {  	s15 =	simm.s32 $0xA800;
	s16 =	simm.s32 $0x15A00;
	s17 =	simm.s32 $0x1  }
0x5: {  	s18 =	simm.s32 $0x2;
	s19 =	simm.s32 $0x16F80;
	s1 =	sand.u32 $0x1, s1  }
0x6: {  	s20 =	simm.s32 $0x3;
	s3 =	sshll.u32 s3, $0x6;
	s4 =	sshll.u32 s1, $0x5  }
0x7: {  	s21 =	simm.s32 $0x0;
	[smem:$0x7FF] =	sst s2;
	s3 =	sor.u32 s4, s3  }
0x8: {  	s5 =	sadd.s32 $0xE00, s0;
	s7 =	smul.u32 $0x1500, s3;
	s6 =	sshrl.u32 s3, $0x3  }
0x9: {  	_ =	strace $0x80000047;
	s1 =	ssub.s32 $0x2, s1;
	s8 =	smul.u32 $0xA00, s6  }
0xa: {  	s4 =	sadd.s32 $0x50E00, s0;
	s31 =	sshrl.u32 s1, $0x1;
	s6 =	sadd.s32 $0x590E00, s0  }
0xb: {  	s0 =	ssub.s32 s1, s31;
	s7 =	sadd.s32 s4, s7;
	s8 =	sadd.s32 s5, s8  }
0xc: {  	v0 =	vimm.f32 $0.0e+00;
	s11 =	smax.u32 s0, $0x1;
	s9 =	sadd.s32 $0x1500, s7;
	s10 =	sadd.s32 $0x10, s8  }
.LBB2_1:
0xd: {  	[tilespmem:s2], [sflag:$0x1] =	stream.linear.gather [hbm4b:s7+s2], $0xA800, $0x38;
	[tilespmem:$0x17680] =	vst v63  }
0xe: {  	_ = 	snop  }
0xf: {  	[tilespmem:s14], [sflag:$0x2] =	stream.strided.gather [hbm4b:s8+s12], $0xA00, s13, s12, $0x38;
	[tilespmem:$0x17680] =	vst v63  }
0x10: {  	_ = 	snop  }
0x11: {  	[tilespmem:s15], [sflag:$0x1] =	stream.linear.gather [hbm4b:s9+s2], $0xA800, $0x38;
	[tilespmem:$0x17680] =	vst v63  }
0x12: {  	p0 =	por $0x0, $0x0;
	s22 =	simm.s32 $0x0  }
0x13: {  	[tilespmem:s16], [sflag:$0x2] =	stream.strided.gather [hbm4b:s10+s12], $0xA00, s13, s12, $0x38;
	[tilespmem:$0x17680] =	vst v63  }
.LBB2_2:
0x14: {  	s24 =	sand.u32 $0x1, s22;
	_ =	swait.ge [sflag:s17], $0xA800  }
0x15: {  	[sflag:s17] =	ssyncset.done $0x0;
	s0 =	smul.u32 $0xA00, s24  }
0x16: {  	s1 =	simm.s32 $0x130;
	[sflag:s17] =	ssyncadd.s32 $0xFFFF5800  }
0x17: {  	s25 =	sand.u32 $0x180, s1;
	_ =	swait.ge [sflag:s18], $0xA00;
	s23 =	sor.u32 $0x15000, s0  }
0x18: {  	s1 =	sand.u32 $0x70, s1;
	[sflag:s18] =	ssyncset.done $0x0;
	s0 =	sadd.s32 s25, s23  }
0x19: {  	[sflag:s18] =	ssyncadd.s32 $0xFFFFF600;
	s0 =	sadd.s32 s1, s0  }
0x1a: {  	v1 =	vld [tilespmem:s0+$0x0];
	_ =	sdelay $0x1  }
0x1b: {  	v3 =	vimm.f32 $0.0e+00  }
0x1c: {  	vm0 =	vlt.f32 v3, $0.0e+00;
	vm1 =	vgt.f32 v3, $0.0e+00  }
0x1d: {  	vm0 =	vmor vm1, vm0  }
0x1e: {  	v2 =	vsel vm0, $0x3F800000, v0;
	s0 =	simm.s32 $0x1;
	vm14 =	vlt.f32 v1, $0.0e+00;
	vm15 =	vgt.f32 v1, $0.0e+00  }
0x1f: {  	v4 =	vadd.f32 v2, v2;
	s0 =	simm.s32 @!p0 $0x0;
	vm0 =	vmor vm15, vm14  }
0x20: {  	s26 =	smul.u32 $0x2800, s0;
	v5 =	vsel vm0, $0x3F800000, v0  }
0x21: {  	v2 =	vadd.f32 v5, v2;
	v4 =	vmul.f32 v5, v4  }
0x22: {  	s1 =	sshrl.u32 s26, $0x2  }
0x23: {  	s25 =	sadd.s32 $0x159F0, s1;
	v2 =	vsub.f32 v2, v4;
	v4 =	vmul.f32 v1, v3  }
0x24: {  	v5 =	vld [tilespmem:s25+$0x0]  }
0x25: {  	v6 =	vmul.f32 $8.999999760e-01, v4;
	v7 =	vmul.f32 v2, v3  }
0x26: {  	v4 =	vmul.f32 $1.000000010e-01, v4;
	v2 =	vmul.f32 v2, v1  }
0x27: {  	v6 =	vadd.f32 v7, v6  }
0x28: {  	v2 =	vadd.f32 v2, v4  }
0x29: {  	s29 =	simm.s32 $0x16F70;
	v4 =	vmul.f32 v6, v5;
	v6 =	vsub.f32 $1.000000000e+00, v5  }
0x2a: {  	s31 =	simm.s32 $0x110;
	s28 =	smul.u32 $0xA00, s0;
	s0 =	simm.s32 $0x120;
	v1 =	vmax.f32 v3, v1;
	v2 =	vmul.f32 v2, v5  }
0x2b: {  	s26 =	sor.u32 $0x15000, s1;
	s1 =	sand.u32 $0x180, s0;
	s30 =	smov.u32 s25;
	v1 =	vmul.f32 v1, v5;
	v4 =	vadd.f32 v4, v6;
	v3 =	vmul.f32 v6, v3  }
.LBB2_3:
0x2c: {  	p1 =	sne.s32 s31, $0x0;
	s0 =	sand.u32 $0x70, s0;
	s1 =	sadd.s32 s1, s23;
	[tilespmem:s29+$0x0] =	vst v2  }
0x2d: {  	s1 =	sadd.s32 s0, s1;
	[tilespmem:s29+$0xFFFFFEC0] =	vst v4;
	v3 =	vadd.f32 v3, v1;
	s0 =	smov.u32 s31  }
0x2e: {  	v1 =	vld [tilespmem:s1+$0x0];
	_ =	sdelay $0x2  }
0x2f: {  	vm0 =	vlt.f32 v3, $0.0e+00;
	vm1 =	vgt.f32 v3, $0.0e+00  }
0x30: {  	vm0 =	vmor vm1, vm0  }
0x31: {  	v2 =	vsel vm0, $0x3F800000, v0;
	vm0 =	vlt.f32 v1, $0.0e+00;
	vm1 =	vgt.f32 v1, $0.0e+00  }
0x32: {  	v4 =	vadd.f32 v2, v2;
	v5 =	vmax.f32 v3, v1;
	vm0 =	vmor vm1, vm0  }
0x33: {  	v6 =	vsel vm0, $0x3F800000, v0  }
0x34: {  	v2 =	vadd.f32 v6, v2;
	v4 =	vmul.f32 v6, v4;
	_ =	sdelay $0x1  }
0x35: {  	s30 =	sadd.s32 $0xFFFFFFF0, s30;
	v2 =	vsub.f32 v2, v4;
	v4 =	vmul.f32 v1, v3  }
0x36: {  	v6 =	vld [tilespmem:s30+$0x0]  }
0x37: {  	v7 =	vmul.f32 $8.999999760e-01, v4;
	v8 =	vmul.f32 v2, v3  }
0x38: {  	v4 =	vmul.f32 $1.000000010e-01, v4;
	v1 =	vmul.f32 v2, v1  }
.Ltmp0:
0x39: {  	v2 =	vadd.f32 v8, v7;
	(pc) =	sbr.rel @p1 .LBB2_3-.Ltmp0, $4  }
0x3a: {  	v4 =	vadd.f32 v1, v4  }
0x3b: {  	v7 =	vmul.f32 v2, v6;
	v8 =	vsub.f32 $1.000000000e+00, v6;
	v1 =	vmul.f32 v5, v6  }
0x3c: {  	v2 =	vmul.f32 v4, v6  }
0x3d: {  	s31 =	sadd.s32 $0xFFFFFFF0, s31;
	s29 =	sadd.s32 $0xFFFFFFF0, s29;
	s1 =	sand.u32 $0x180, s0;
	v4 =	vadd.f32 v7, v8;
	v3 =	vmul.f32 v8, v3  }
0x3e: {  	s0 =	sand.u32 $0x70, s0;
	s1 =	sadd.s32 s1, s23;
	[tilespmem:s29+$0x0] =	vst v2  }
0x3f: {  	s0 =	sadd.s32 s0, s1;
	[tilespmem:s29+$0xFFFFFEC0] =	vst v4  }
0x40: {  	v2 =	vld [tilespmem:s0+$0x0]  }
0x41: {  	v1 =	vadd.f32 v3, v1;
	_ =	sdelay $0x1  }
0x42: {  	vm0 =	vlt.f32 v1, $0.0e+00;
	vm1 =	vgt.f32 v1, $0.0e+00  }
0x43: {  	vm0 =	vmor vm1, vm0  }
0x44: {  	v3 =	vsel vm0, $0x3F800000, v0;
	vm14 =	vlt.f32 v2, $0.0e+00;
	vm15 =	vgt.f32 v2, $0.0e+00  }
0x45: {  	v4 =	vadd.f32 v3, v3;
	vm0 =	vmor vm15, vm14  }
0x46: {  	v5 =	vsel vm0, $0x3F800000, v0  }
0x47: {  	v3 =	vadd.f32 v5, v3;
	v4 =	vmul.f32 v5, v4;
	_ =	sdelay $0x1  }
0x48: {  	s30 =	sadd.s32 $0xFFFFFFF0, s30;
	v3 =	vsub.f32 v3, v4;
	v4 =	vmul.f32 v2, v1  }
0x49: {  	v5 =	vld [tilespmem:s30+$0x0]  }
0x4a: {  	v6 =	vmul.f32 $8.999999760e-01, v4;
	v1 =	vmul.f32 v3, v1  }
0x4b: {  	v4 =	vmul.f32 $1.000000010e-01, v4;
	v2 =	vmul.f32 v3, v2  }
0x4c: {  	v1 =	vadd.f32 v1, v6  }
0x4d: {  	v2 =	vadd.f32 v2, v4  }
0x4e: {  	v3 =	vsub.f32 $1.000000000e+00, v5;
	v1 =	vmul.f32 v1, v5  }
0x4f: {  	v2 =	vmul.f32 v2, v5  }
0x50: {  	s31 =	sadd.s32 $0xFFFFFFF0, s29;
	v1 =	vadd.f32 v1, v3  }
0x51: {  	[tilespmem:s31+$0x0] =	vst v2  }
0x52: {  	s0 =	simm.s32 $0x0;
	[tilespmem:s31+$0xFFFFFEC0] =	vst v1  }
0x53: {  	v2 =	vld [tilespmem:s0+$0x16E40];
	_ =	sdelay $0x3  }
0x54: {  	s29 =	simm.s32 $0x40;
	v1 =	vimm.f32 $1.000000000e+00;
	v3 =	vld [tilespmem:s0+$0x16D00]  }
.LBB2_5:
0x55: {  	s1 =	sshra.s32 s29, $0x2;
	p1 =	sne.s32 s29, $0x4C0;
	s29 =	sadd.s32 $0x40, s29;
	v4 =	vmul.f32 v2, v1  }
.Ltmp1:
0x56: {  	v2 =	vld [tilespmem:s1+$0x16E40];
	(pc) =	sbr.rel @p1 .LBB2_5-.Ltmp1, $3  }
0x57: {  	[tilespmem:s0+$0x16400] =	vst v4;
	s0 =	smov.u32 s1;
	_ =	sdelay $0x1  }
0x58: {  	v1 =	vmul.f32 v3, v1  }
0x59: {  	v3 =	vld [tilespmem:s0+$0x16D00]  }
0x5a: {  	v1 =	vmul.f32 v2, v1;
	s1 =	simm.s32 $0x270;
	s29 =	sadd.s32 $0x270, s28  }
0x5b: {  	s29 =	sand.u32 $0x1F80, s29;
	s1 =	sand.u32 $0x70, s1  }
0x5c: {  	[tilespmem:s0+$0x16400] =	vst v1;
	s1 =	sor.u32 s1, s29  }
0x5d: {  	v1 =	vld [tilespmem:s1+$0x15000];
	_ =	sdelay $0x1  }
0x5e: {  	v3 =	vimm.f32 $0.0e+00  }
0x5f: {  	vm0 =	vlt.f32 v3, $0.0e+00;
	vm1 =	vgt.f32 v3, $0.0e+00  }
0x60: {  	vm0 =	vmor vm1, vm0  }
0x61: {  	v2 =	vsel vm0, $0x3F800000, v0;
	vm14 =	vlt.f32 v1, $0.0e+00;
	vm15 =	vgt.f32 v1, $0.0e+00  }
0x62: {  	v4 =	vadd.f32 v2, v2;
	vm0 =	vmor vm15, vm14  }
0x63: {  	v5 =	vsel vm0, $0x3F800000, v0  }
0x64: {  	v2 =	vadd.f32 v5, v2;
	v4 =	vmul.f32 v5, v4;
	_ =	sdelay $0x1  }
0x65: {  	v2 =	vsub.f32 v2, v4;
	v4 =	vmul.f32 v1, v3  }
0x66: {  	v5 =	vld [tilespmem:s25+$0x0]  }
0x67: {  	v6 =	vmul.f32 $8.999999760e-01, v4;
	v7 =	vmul.f32 v2, v3  }
0x68: {  	v4 =	vmul.f32 $1.000000010e-01, v4;
	v2 =	vmul.f32 v2, v1  }
0x69: {  	v6 =	vadd.f32 v7, v6  }
0x6a: {  	v2 =	vadd.f32 v2, v4  }
0x6b: {  	v4 =	vmul.f32 v6, v5;
	v6 =	vsub.f32 $1.000000000e+00, v5  }
0x6c: {  	s31 =	simm.s32 $0x250;
	s30 =	smov.u32 s25;
	v1 =	vmax.f32 v3, v1;
	v2 =	vmul.f32 v2, v5  }
0x6d: {  	s29 =	simm.s32 $0x16F70;
	s0 =	simm.s32 $0x260;
	s1 =	sadd.s32 $0x260, s28;
	v1 =	vmul.f32 v1, v5;
	v4 =	vadd.f32 v4, v6;
	v3 =	vmul.f32 v6, v3  }
.LBB2_7:
0x6e: {  	p1 =	sne.s32 s31, $0x140;
	s1 =	sand.u32 $0x1F80, s1;
	s0 =	sand.u32 $0x70, s0;
	[tilespmem:s29+$0x0] =	vst v2  }
0x6f: {  	s1 =	sor.u32 s0, s1;
	[tilespmem:s29+$0xFFFFFEC0] =	vst v4;
	v3 =	vadd.f32 v3, v1;
	s0 =	smov.u32 s31  }
0x70: {  	v1 =	vld [tilespmem:s1+$0x15000];
	_ =	sdelay $0x2  }
0x71: {  	vm0 =	vlt.f32 v3, $0.0e+00;
	vm1 =	vgt.f32 v3, $0.0e+00  }
0x72: {  	vm0 =	vmor vm1, vm0  }
0x73: {  	v2 =	vsel vm0, $0x3F800000, v0;
	vm0 =	vlt.f32 v1, $0.0e+00;
	vm1 =	vgt.f32 v1, $0.0e+00  }
0x74: {  	v4 =	vadd.f32 v2, v2;
	v5 =	vmax.f32 v3, v1;
	vm0 =	vmor vm1, vm0  }
0x75: {  	v6 =	vsel vm0, $0x3F800000, v0  }
0x76: {  	v2 =	vadd.f32 v6, v2;
	v4 =	vmul.f32 v6, v4;
	_ =	sdelay $0x1  }
0x77: {  	s30 =	sadd.s32 $0xFFFFFFF0, s30;
	v2 =	vsub.f32 v2, v4;
	v4 =	vmul.f32 v1, v3  }
0x78: {  	v6 =	vld [tilespmem:s30+$0x0]  }
0x79: {  	v7 =	vmul.f32 $8.999999760e-01, v4;
	v8 =	vmul.f32 v2, v3  }
0x7a: {  	v4 =	vmul.f32 $1.000000010e-01, v4;
	v1 =	vmul.f32 v2, v1  }
.Ltmp2:
0x7b: {  	v2 =	vadd.f32 v8, v7;
	(pc) =	sbr.rel @p1 .LBB2_7-.Ltmp2, $4  }
0x7c: {  	v4 =	vadd.f32 v1, v4  }
0x7d: {  	v7 =	vmul.f32 v2, v6;
	v8 =	vsub.f32 $1.000000000e+00, v6;
	v1 =	vmul.f32 v5, v6  }
0x7e: {  	v2 =	vmul.f32 v4, v6  }
0x7f: {  	s31 =	sadd.s32 $0xFFFFFFF0, s31;
	s29 =	sadd.s32 $0xFFFFFFF0, s29;
	s1 =	sadd.s32 s0, s28;
	v4 =	vadd.f32 v7, v8;
	v3 =	vmul.f32 v8, v3  }
0x80: {  	s1 =	sand.u32 $0x1F80, s1;
	s0 =	sand.u32 $0x70, s0;
	[tilespmem:s29+$0x0] =	vst v2  }
0x81: {  	s0 =	sor.u32 s0, s1;
	[tilespmem:s29+$0xFFFFFEC0] =	vst v4  }
0x82: {  	v2 =	vld [tilespmem:s0+$0x15000]  }
0x83: {  	v1 =	vadd.f32 v3, v1;
	_ =	sdelay $0x1  }
0x84: {  	vm0 =	vlt.f32 v1, $0.0e+00;
	vm1 =	vgt.f32 v1, $0.0e+00  }
0x85: {  	vm0 =	vmor vm1, vm0  }
0x86: {  	v3 =	vsel vm0, $0x3F800000, v0;
	vm14 =	vlt.f32 v2, $0.0e+00;
	vm15 =	vgt.f32 v2, $0.0e+00  }
0x87: {  	v4 =	vadd.f32 v3, v3;
	vm0 =	vmor vm15, vm14  }
0x88: {  	v5 =	vsel vm0, $0x3F800000, v0  }
0x89: {  	v3 =	vadd.f32 v5, v3;
	v4 =	vmul.f32 v5, v4;
	_ =	sdelay $0x1  }
0x8a: {  	s30 =	sadd.s32 $0xFFFFFFF0, s30;
	v3 =	vsub.f32 v3, v4;
	v4 =	vmul.f32 v2, v1  }
0x8b: {  	v5 =	vld [tilespmem:s30+$0x0]  }
0x8c: {  	v6 =	vmul.f32 $8.999999760e-01, v4;
	v1 =	vmul.f32 v3, v1  }
0x8d: {  	v4 =	vmul.f32 $1.000000010e-01, v4;
	v2 =	vmul.f32 v3, v2  }
0x8e: {  	v1 =	vadd.f32 v1, v6  }
0x8f: {  	v2 =	vadd.f32 v2, v4  }
0x90: {  	v3 =	vsub.f32 $1.000000000e+00, v5;
	v1 =	vmul.f32 v1, v5  }
0x91: {  	v2 =	vmul.f32 v2, v5  }
0x92: {  	s31 =	sadd.s32 $0xFFFFFFF0, s29;
	v1 =	vadd.f32 v1, v3  }
0x93: {  	[tilespmem:s31+$0x0] =	vst v2  }
0x94: {  	s28 =	simm.s32 $0x0;
	[tilespmem:s31+$0xFFFFFEC0] =	vst v1  }
0x95: {  	v2 =	vld [tilespmem:s28+$0x16E40];
	_ =	sdelay $0x3  }
0x96: {  	s29 =	simm.s32 $0x0;
	s0 =	simm.s32 $0x40;
	v1 =	vimm.f32 $1.000000000e+00;
	v3 =	vld [tilespmem:s28+$0x16D00]  }
.LBB2_9:
0x97: {  	s1 =	sshra.s32 s0, $0x2;
	p1 =	sne.s32 s0, $0x4C0;
	s0 =	sadd.s32 $0x40, s0;
	v4 =	vmul.f32 v2, v1  }
.Ltmp3:
0x98: {  	v2 =	vld [tilespmem:s1+$0x16E40];
	(pc) =	sbr.rel @p1 .LBB2_9-.Ltmp3, $3  }
0x99: {  	[tilespmem:s29+$0x16540] =	vst v4;
	s29 =	smov.u32 s1;
	_ =	sdelay $0x1  }
0x9a: {  	v1 =	vmul.f32 v3, v1  }
0x9b: {  	v3 =	vld [tilespmem:s29+$0x16D00]  }
0x9c: {  	v1 =	vmul.f32 v2, v1;
	_ =	sdelay $0x1  }
0x9d: {  	[tilespmem:s29+$0x16540] =	vst v1;
	v1 =	vmov s26;
	_ =	sdelay $0x3  }
0x9e: {  	v2 =	vimm.f32 $0.0e+00;
	s0 =	simm.s32 $0xFFFFFFC0  }
.LBB2_11:
0x9f: {  	p1 =	sne.s32 s0, $0xFFFFFB40;
	v3 =	vld.idx.msk [tilespmem:v1+s28+$0x3B0 ss:$0x1], $0xffff;
	_ =	sdelay $0x3  }
0xa0: {  	vm0 =	vlt.f32 v2, $0.0e+00;
	vm1 =	vgt.f32 v2, $0.0e+00  }
0xa1: {  	vm0 =	vmor vm1, vm0  }
0xa2: {  	v4 =	vsel vm0, $0x3F800000, v0;
	vm0 =	vlt.f32 v3, $0.0e+00;
	vm1 =	vgt.f32 v3, $0.0e+00  }
0xa3: {  	v5 =	vadd.f32 v4, v4;
	v6 =	vmax.f32 v2, v3;
	vm0 =	vmor vm1, vm0  }
0xa4: {  	v7 =	vsel vm0, $0x3F800000, v0  }
0xa5: {  	v4 =	vadd.f32 v7, v4;
	v5 =	vmul.f32 v7, v5;
	_ =	sdelay $0x1  }
0xa6: {  	v4 =	vsub.f32 v4, v5;
	v5 =	vmul.f32 v3, v2;
	v7 =	vld.idx.msk [tilespmem:v1+s28+$0x9F0 ss:$0x1], $0xffff;
	_ =	sdelay $0x1  }
0xa7: {  	v8 =	vmul.f32 $8.999999760e-01, v5;
	v9 =	vmul.f32 v4, v2  }
0xa8: {  	v5 =	vmul.f32 $1.000000010e-01, v5;
	v3 =	vmul.f32 v4, v3  }
0xa9: {  	v4 =	vadd.f32 v9, v8  }
0xaa: {  	v3 =	vadd.f32 v3, v5  }
.Ltmp4:
0xab: {  	v4 =	vmul.f32 v4, v7;
	v5 =	vsub.f32 $1.000000000e+00, v7;
	v6 =	vmul.f32 v6, v7;
	(pc) =	sbr.rel @p1 .LBB2_11-.Ltmp4, $4  }
0xac: {  	v3 =	vmul.f32 v3, v7  }
0xad: {  	v4 =	vadd.f32 v4, v5;
	v2 =	vmul.f32 v5, v2  }
0xae: {  	[tilespmem:s28+$0x16F70] =	vst v3  }
0xaf: {  	v2 =	vadd.f32 v2, v6;
	[tilespmem:s28+$0x16E30] =	vst v4;
	s28 =	sshra.s32 s0, $0x2;
	s0 =	sadd.s32 $0xFFFFFFC0, s0  }
0xb0: {  	_ =	sdelay $0x3  }
0xb1: {  	v3 =	vld.idx.msk [tilespmem:v1+s28+$0x3B0 ss:$0x1], $0xffff;
	_ =	sdelay $0x2  }
0xb2: {  	vm0 =	vlt.f32 v2, $0.0e+00;
	vm1 =	vgt.f32 v2, $0.0e+00  }
0xb3: {  	vm0 =	vmor vm1, vm0  }
0xb4: {  	v4 =	vsel vm0, $0x3F800000, v0;
	vm14 =	vlt.f32 v3, $0.0e+00;
	vm15 =	vgt.f32 v3, $0.0e+00  }
0xb5: {  	v5 =	vadd.f32 v4, v4;
	vm0 =	vmor vm15, vm14  }
0xb6: {  	v6 =	vsel vm0, $0x3F800000, v0  }
0xb7: {  	v4 =	vadd.f32 v6, v4;
	v5 =	vmul.f32 v6, v5;
	_ =	sdelay $0x1  }
0xb8: {  	v4 =	vsub.f32 v4, v5;
	v5 =	vmul.f32 v3, v2  }
0xb9: {  	v6 =	vld.idx.msk [tilespmem:v1+s28+$0x9F0 ss:$0x1], $0xffff  }
0xba: {  	v7 =	vmul.f32 $8.999999760e-01, v5;
	v2 =	vmul.f32 v4, v2  }
0xbb: {  	v5 =	vmul.f32 $1.000000010e-01, v5;
	v3 =	vmul.f32 v4, v3  }
0xbc: {  	v2 =	vadd.f32 v2, v7  }
0xbd: {  	v3 =	vadd.f32 v3, v5  }
0xbe: {  	v4 =	vsub.f32 $1.000000000e+00, v6;
	v2 =	vmul.f32 v2, v6  }
0xbf: {  	v3 =	vmul.f32 v3, v6  }
0xc0: {  	v2 =	vadd.f32 v2, v4  }
0xc1: {  	[tilespmem:s28+$0x16F70] =	vst v3  }
0xc2: {  	s0 =	simm.s32 $0x16D00;
	[tilespmem:s28+$0x16E30] =	vst v2  }
0xc3: {  	v3 =	vld [tilespmem:s0+$0x140];
	_ =	sdelay $0x3  }
0xc4: {  	v2 =	vimm.f32 $1.000000000e+00  }
0xc5: {  	s1 =	simm.s32 $0x0;
	v3 =	vmul.f32 v3, v2  }
0xc6: {  	s1 =	sand.u32 $0x1F0, s1  }
0xc7: {  	[tilespmem:s1+$0x16680] =	vst v3  }
0xc8: {  	v3 =	vld [tilespmem:s0+$0x0]  }
0xc9: {  	s26 =	simm.s32 $0x16D10  }
0xca: {  	s28 =	simm.s32 $0x20;
	s0 =	simm.s32 $0x10;
	v4 =	vld [tilespmem:s26+$0x140]  }
.LBB2_13:
0xcb: {  	p1 =	sne.s32 s28, $0x130;
	_ =	sdelay $0x1  }
0xcc: {  	v2 =	vmul.f32 v3, v2;
	_ =	sdelay $0x1  }
0xcd: {  	v3 =	vmul.f32 v4, v2  }
.Ltmp5:
0xce: {  	s1 =	sand.u32 $0x1F0, s0;
	s0 =	smov.u32 s28;
	(pc) =	sbr.rel @p1 .LBB2_13-.Ltmp5, $4  }
0xcf: {  	[tilespmem:s1+$0x16680] =	vst v3  }
0xd0: {  	v3 =	vld [tilespmem:s26+$0x0]  }
0xd1: {  	s26 =	sadd.s32 $0x10, s26  }
0xd2: {  	s28 =	sadd.s32 $0x10, s28;
	v4 =	vld [tilespmem:s26+$0x140]  }
0xd3: {  	_ =	sdelay $0x1  }
0xd4: {  	v2 =	vmul.f32 v3, v2;
	_ =	sdelay $0x1  }
0xd5: {  	v2 =	vmul.f32 v4, v2  }
0xd6: {  	s0 =	sand.u32 $0x1F0, s0  }
0xd7: {  	s26 =	simm.s32 $0x0;
	[tilespmem:s0+$0x16680] =	vst v2;
	v2 =	vimm.f32 $0.0e+00;
	s0 =	simm.s32 $0xFFFFFFC0  }
.LBB2_15:
0xd8: {  	p1 =	sne.s32 s0, $0xFFFFFB40;
	v3 =	vld.idx.msk [tilespmem:v1+s26+$0x4F0 ss:$0x1], $0xffff;
	_ =	sdelay $0x3  }
0xd9: {  	vm0 =	vlt.f32 v2, $0.0e+00;
	vm1 =	vgt.f32 v2, $0.0e+00  }
0xda: {  	vm0 =	vmor vm1, vm0  }
0xdb: {  	v4 =	vsel vm0, $0x3F800000, v0;
	vm0 =	vlt.f32 v3, $0.0e+00;
	vm1 =	vgt.f32 v3, $0.0e+00  }
0xdc: {  	v5 =	vadd.f32 v4, v4;
	v6 =	vmax.f32 v2, v3;
	vm0 =	vmor vm1, vm0  }
0xdd: {  	v7 =	vsel vm0, $0x3F800000, v0  }
0xde: {  	v4 =	vadd.f32 v7, v4;
	v5 =	vmul.f32 v7, v5;
	_ =	sdelay $0x1  }
0xdf: {  	v4 =	vsub.f32 v4, v5;
	v5 =	vmul.f32 v3, v2;
	v7 =	vld.idx.msk [tilespmem:v1+s26+$0x9F0 ss:$0x1], $0xffff;
	_ =	sdelay $0x1  }
0xe0: {  	v8 =	vmul.f32 $8.999999760e-01, v5;
	v9 =	vmul.f32 v4, v2  }
0xe1: {  	v5 =	vmul.f32 $1.000000010e-01, v5;
	v3 =	vmul.f32 v4, v3  }
0xe2: {  	v4 =	vadd.f32 v9, v8  }
0xe3: {  	v3 =	vadd.f32 v3, v5  }
.Ltmp6:
0xe4: {  	v4 =	vmul.f32 v4, v7;
	v5 =	vsub.f32 $1.000000000e+00, v7;
	v6 =	vmul.f32 v6, v7;
	(pc) =	sbr.rel @p1 .LBB2_15-.Ltmp6, $4  }
0xe5: {  	v3 =	vmul.f32 v3, v7  }
0xe6: {  	v4 =	vadd.f32 v4, v5;
	v2 =	vmul.f32 v5, v2  }
0xe7: {  	[tilespmem:s26+$0x16F70] =	vst v3  }
0xe8: {  	v2 =	vadd.f32 v2, v6;
	[tilespmem:s26+$0x16E30] =	vst v4;
	s26 =	sshra.s32 s0, $0x2;
	s0 =	sadd.s32 $0xFFFFFFC0, s0  }
0xe9: {  	_ =	sdelay $0x3  }
0xea: {  	v3 =	vld.idx.msk [tilespmem:v1+s26+$0x4F0 ss:$0x1], $0xffff;
	_ =	sdelay $0x2  }
0xeb: {  	vm0 =	vlt.f32 v2, $0.0e+00;
	vm1 =	vgt.f32 v2, $0.0e+00  }
0xec: {  	vm0 =	vmor vm1, vm0  }
0xed: {  	v4 =	vsel vm0, $0x3F800000, v0;
	vm14 =	vlt.f32 v3, $0.0e+00;
	vm15 =	vgt.f32 v3, $0.0e+00  }
0xee: {  	v5 =	vadd.f32 v4, v4;
	vm0 =	vmor vm15, vm14  }
0xef: {  	v6 =	vsel vm0, $0x3F800000, v0  }
0xf0: {  	v4 =	vadd.f32 v6, v4;
	v5 =	vmul.f32 v6, v5;
	_ =	sdelay $0x1  }
0xf1: {  	v39 =	vmul.f32 v3, v2;
	v4 =	vsub.f32 v4, v5  }
0xf2: {  	v1 =	vld.idx.msk [tilespmem:v1+s26+$0x9F0 ss:$0x1], $0xffff  }
0xf3: {  	v40 =	vmul.f32 $8.999999760e-01, v39;
	v2 =	vmul.f32 v4, v2  }
0xf4: {  	v5 =	vmul.f32 $1.000000010e-01, v39;
	v3 =	vmul.f32 v4, v3  }
0xf5: {  	v2 =	vadd.f32 v2, v40  }
0xf6: {  	v3 =	vadd.f32 v3, v5  }
0xf7: {  	v41 =	vsub.f32 $1.000000000e+00, v1;
	v2 =	vmul.f32 v2, v1  }
0xf8: {  	v1 =	vmul.f32 v3, v1  }
0xf9: {  	v2 =	vadd.f32 v2, v41  }
0xfa: {  	[tilespmem:s26+$0x16F70] =	vst v1  }
0xfb: {  	[tilespmem:s26+$0x16E30] =	vst v2  }
0xfc: {  	v2 =	vld [tilespmem:$0x16D00]  }
0xfd: {  	v3 =	vld [tilespmem:$0x16D10]  }
0xfe: {  	v1 =	vld [tilespmem:$0x16E40]  }
0xff: {  	v43 =	vld [tilespmem:$0x16D20]  }
0x100: {  	v42 =	vld [tilespmem:$0x16E50]  }
0x101: {  	v7 =	vld [tilespmem:$0x16D30]  }
0x102: {  	v44 =	vld [tilespmem:$0x16E60];
	v3 =	vmul.f32 v3, v2  }
0x103: {  	v9 =	vld [tilespmem:$0x16D40]  }
0x104: {  	v8 =	vld [tilespmem:$0x16E70];
	v5 =	vmul.f32 v43, v3  }
0x105: {  	v11 =	vld [tilespmem:$0x16D50]  }
0x106: {  	v10 =	vld [tilespmem:$0x16E80];
	v7 =	vmul.f32 v7, v5  }
0x107: {  	v13 =	vld [tilespmem:$0x16D60]  }
0x108: {  	v12 =	vld [tilespmem:$0x16E90];
	v9 =	vmul.f32 v9, v7  }
0x109: {  	v15 =	vld [tilespmem:$0x16D70]  }
0x10a: {  	v14 =	vld [tilespmem:$0x16EA0];
	v11 =	vmul.f32 v11, v9  }
0x10b: {  	v17 =	vld [tilespmem:$0x16D80]  }
0x10c: {  	v16 =	vld [tilespmem:$0x16EB0];
	v13 =	vmul.f32 v13, v11  }
0x10d: {  	v19 =	vld [tilespmem:$0x16D90]  }
0x10e: {  	v18 =	vld [tilespmem:$0x16EC0];
	v15 =	vmul.f32 v15, v13  }
0x10f: {  	v21 =	vld [tilespmem:$0x16DA0]  }
0x110: {  	v20 =	vld [tilespmem:$0x16ED0];
	v17 =	vmul.f32 v17, v15  }
0x111: {  	v23 =	vld [tilespmem:$0x16DB0]  }
0x112: {  	v22 =	vld [tilespmem:$0x16EE0];
	v19 =	vmul.f32 v19, v17  }
0x113: {  	v25 =	vld [tilespmem:$0x16DC0]  }
0x114: {  	v24 =	vld [tilespmem:$0x16EF0];
	[tilespmem:$0x167C0] =	vst v1;
	v1 =	vmul.f32 v44, v3;
	v45 =	vmul.f32 v21, v19  }
0x115: {  	v2 =	vmul.f32 v42, v2;
	v3 =	vld [tilespmem:$0x16DD0]  }
0x116: {  	v46 =	vld [tilespmem:$0x16F00];
	[tilespmem:$0x167E0] =	vst v1;
	v1 =	vmul.f32 v10, v7;
	v47 =	vmul.f32 v23, v45  }
0x117: {  	v49 =	vld [tilespmem:$0x16DE0];
	[tilespmem:$0x167D0] =	vst v2;
	v2 =	vmul.f32 v8, v5  }
0x118: {  	v48 =	vld [tilespmem:$0x16F10];
	[tilespmem:$0x16800] =	vst v1;
	v1 =	vmul.f32 v14, v11;
	v50 =	vmul.f32 v25, v47  }
0x119: {  	v52 =	vld [tilespmem:$0x16DF0];
	[tilespmem:$0x167F0] =	vst v2;
	v2 =	vmul.f32 v12, v9  }
0x11a: {  	v51 =	vld [tilespmem:$0x16F20];
	[tilespmem:$0x16820] =	vst v1;
	v1 =	vmul.f32 v18, v15;
	v3 =	vmul.f32 v3, v50  }
0x11b: {  	v54 =	vld [tilespmem:$0x16E00];
	[tilespmem:$0x16810] =	vst v2;
	v2 =	vmul.f32 v16, v13  }
0x11c: {  	v55 =	vld [tilespmem:$0x16F40];
	[tilespmem:$0x16840] =	vst v1;
	v1 =	vmul.f32 v22, v19;
	v7 =	vmul.f32 v49, v3  }
0x11d: {  	v56 =	vld [tilespmem:$0x16E10];
	[tilespmem:$0x16830] =	vst v2;
	v2 =	vmul.f32 v20, v17  }
0x11e: {  	v53 =	vld [tilespmem:$0x16F30];
	[tilespmem:$0x16860] =	vst v1;
	v1 =	vmul.f32 v46, v47;
	v57 =	vmul.f32 v52, v7  }
0x11f: {  	v61 =	vld [tilespmem:$0x16F60];
	[tilespmem:$0x16850] =	vst v2;
	v2 =	vmul.f32 v24, v45  }
0x120: {  	v58 =	vld [tilespmem:$0x16F50];
	[tilespmem:$0x16880] =	vst v1;
	v1 =	vmul.f32 v51, v3;
	v60 =	vmul.f32 v54, v57  }
0x121: {  	v59 =	vld [tilespmem:$0x16E20];
	[tilespmem:$0x16870] =	vst v2;
	v2 =	vmul.f32 v48, v50  }
0x122: {  	[tilespmem:$0x168A0] =	vst v1;
	v1 =	vmul.f32 v55, v57;
	v62 =	vmul.f32 v56, v60  }
0x123: {  	v3 =	vld [tilespmem:$0x16F70];
	[tilespmem:$0x16890] =	vst v2;
	v2 =	vmul.f32 v53, v7  }
0x124: {  	[tilespmem:$0x168C0] =	vst v1;
	v1 =	vmul.f32 v61, v62  }
0x125: {  	[tilespmem:$0x168B0] =	vst v2  }
0x126: {  	v2 =	vmul.f32 v58, v60;
	v63 =	vmul.f32 v59, v62;
	[tilespmem:$0x168E0] =	vst v1;
	v1 =	vmov s25;
	_ =	sdelay $0x1  }
0x127: {  	[tilespmem:$0x168D0] =	vst v2;
	v2 =	vmul.f32 v3, v63;
	_ =	sdelay $0x1  }
0x128: {  	s0 =	simm.s32 $0xFFFFFFC0;
	s26 =	simm.s32 $0x0;
	s25 =	simm.s32 $0x0;
	[tilespmem:$0x168F0] =	vst v2;
	v2 =	vimm.f32 $0.0e+00  }
.LBB2_17:
0x129: {  	p1 =	sne.s32 s0, $0xFFFFFB40;
	v3 =	vld.idx.msk [tilespmem:v1+s25+$0xFFFFFC40 ss:$0x1], $0xffff;
	_ =	sdelay $0x3  }
0x12a: {  	vm0 =	vlt.f32 v2, $0.0e+00;
	vm1 =	vgt.f32 v2, $0.0e+00  }
0x12b: {  	vm0 =	vmor vm1, vm0  }
0x12c: {  	v4 =	vsel vm0, $0x3F800000, v0;
	vm0 =	vlt.f32 v3, $0.0e+00;
	vm1 =	vgt.f32 v3, $0.0e+00  }
0x12d: {  	v5 =	vadd.f32 v4, v4;
	v6 =	vmax.f32 v2, v3;
	vm0 =	vmor vm1, vm0  }
0x12e: {  	v7 =	vsel vm0, $0x3F800000, v0  }
0x12f: {  	v4 =	vadd.f32 v7, v4;
	v5 =	vmul.f32 v7, v5;
	_ =	sdelay $0x1  }
0x130: {  	v4 =	vsub.f32 v4, v5;
	v5 =	vmul.f32 v3, v2;
	v7 =	vld.idx.msk [tilespmem:v1+s25+$0x0 ss:$0x1], $0xffff;
	_ =	sdelay $0x1  }
0x131: {  	v8 =	vmul.f32 $8.999999760e-01, v5;
	v9 =	vmul.f32 v4, v2  }
0x132: {  	v5 =	vmul.f32 $1.000000010e-01, v5;
	v3 =	vmul.f32 v4, v3  }
0x133: {  	v4 =	vadd.f32 v9, v8  }
0x134: {  	v3 =	vadd.f32 v3, v5  }
.Ltmp7:
0x135: {  	v4 =	vmul.f32 v4, v7;
	v5 =	vsub.f32 $1.000000000e+00, v7;
	v6 =	vmul.f32 v6, v7;
	(pc) =	sbr.rel @p1 .LBB2_17-.Ltmp7, $4  }
0x136: {  	v3 =	vmul.f32 v3, v7  }
0x137: {  	v4 =	vadd.f32 v4, v5;
	v2 =	vmul.f32 v5, v2  }
0x138: {  	[tilespmem:s25+$0x16F70] =	vst v3  }
0x139: {  	v2 =	vadd.f32 v2, v6;
	[tilespmem:s25+$0x16E30] =	vst v4;
	s25 =	sshra.s32 s0, $0x2;
	s0 =	sadd.s32 $0xFFFFFFC0, s0  }
0x13a: {  	_ =	sdelay $0x3  }
0x13b: {  	v3 =	vld.idx.msk [tilespmem:v1+s25+$0xFFFFFC40 ss:$0x1], $0xffff;
	_ =	sdelay $0x2  }
0x13c: {  	vm0 =	vlt.f32 v2, $0.0e+00;
	vm1 =	vgt.f32 v2, $0.0e+00  }
0x13d: {  	vm0 =	vmor vm1, vm0  }
0x13e: {  	v4 =	vsel vm0, $0x3F800000, v0;
	vm14 =	vlt.f32 v3, $0.0e+00;
	vm15 =	vgt.f32 v3, $0.0e+00  }
0x13f: {  	v5 =	vadd.f32 v4, v4;
	vm0 =	vmor vm15, vm14  }
0x140: {  	v6 =	vsel vm0, $0x3F800000, v0  }
0x141: {  	v4 =	vadd.f32 v6, v4;
	v5 =	vmul.f32 v6, v5;
	_ =	sdelay $0x1  }
0x142: {  	v4 =	vsub.f32 v4, v5;
	v5 =	vmul.f32 v3, v2  }
0x143: {  	v6 =	vld.idx.msk [tilespmem:v1+s25+$0x0 ss:$0x1], $0xffff  }
0x144: {  	v7 =	vmul.f32 $8.999999760e-01, v5;
	v2 =	vmul.f32 v4, v2  }
0x145: {  	v5 =	vmul.f32 $1.000000010e-01, v5;
	v3 =	vmul.f32 v4, v3  }
0x146: {  	v2 =	vadd.f32 v2, v7  }
0x147: {  	v3 =	vadd.f32 v3, v5  }
0x148: {  	v4 =	vsub.f32 $1.000000000e+00, v6;
	v2 =	vmul.f32 v2, v6  }
0x149: {  	v3 =	vmul.f32 v3, v6  }
0x14a: {  	v2 =	vadd.f32 v2, v4  }
0x14b: {  	[tilespmem:s25+$0x16F70] =	vst v3  }
0x14c: {  	s0 =	simm.s32 $0x16D00;
	[tilespmem:s25+$0x16E30] =	vst v2  }
0x14d: {  	v3 =	vld [tilespmem:s0+$0x140];
	_ =	sdelay $0x3  }
0x14e: {  	v2 =	vimm.f32 $1.000000000e+00  }
0x14f: {  	v3 =	vmul.f32 v3, v2  }
0x150: {  	s1 =	sand.u32 $0x1F0, s26  }
0x151: {  	[tilespmem:s1+$0x16900] =	vst v3  }
0x152: {  	v3 =	vld [tilespmem:s0+$0x0]  }
0x153: {  	s25 =	simm.s32 $0x16D10  }
0x154: {  	s26 =	simm.s32 $0x20;
	s0 =	simm.s32 $0x10;
	v4 =	vld [tilespmem:s25+$0x140]  }
.LBB2_19:
0x155: {  	p1 =	sne.s32 s26, $0x130;
	_ =	sdelay $0x1  }
0x156: {  	v2 =	vmul.f32 v3, v2;
	_ =	sdelay $0x1  }
0x157: {  	v3 =	vmul.f32 v4, v2  }
.Ltmp8:
0x158: {  	s1 =	sand.u32 $0x1F0, s0;
	s0 =	smov.u32 s26;
	(pc) =	sbr.rel @p1 .LBB2_19-.Ltmp8, $4  }
0x159: {  	[tilespmem:s1+$0x16900] =	vst v3  }
0x15a: {  	v3 =	vld [tilespmem:s25+$0x0]  }
0x15b: {  	s25 =	sadd.s32 $0x10, s25  }
0x15c: {  	s26 =	sadd.s32 $0x10, s26;
	v4 =	vld [tilespmem:s25+$0x140]  }
0x15d: {  	_ =	sdelay $0x1  }
0x15e: {  	v2 =	vmul.f32 v3, v2;
	_ =	sdelay $0x1  }
0x15f: {  	v2 =	vmul.f32 v4, v2  }
0x160: {  	s0 =	sand.u32 $0x1F0, s0  }
0x161: {  	s25 =	simm.s32 $0x0;
	[tilespmem:s0+$0x16900] =	vst v2;
	v2 =	vimm.f32 $0.0e+00;
	s0 =	simm.s32 $0xFFFFFFC0  }
.LBB2_21:
0x162: {  	p1 =	sne.s32 s0, $0xFFFFFB40;
	v3 =	vld.idx.msk [tilespmem:v1+s25+$0xFFFFFD80 ss:$0x1], $0xffff;
	_ =	sdelay $0x3  }
0x163: {  	vm0 =	vlt.f32 v2, $0.0e+00;
	vm1 =	vgt.f32 v2, $0.0e+00  }
0x164: {  	vm0 =	vmor vm1, vm0  }
0x165: {  	v4 =	vsel vm0, $0x3F800000, v0;
	vm0 =	vlt.f32 v3, $0.0e+00;
	vm1 =	vgt.f32 v3, $0.0e+00  }
0x166: {  	v5 =	vadd.f32 v4, v4;
	v6 =	vmax.f32 v2, v3;
	vm0 =	vmor vm1, vm0  }
0x167: {  	v7 =	vsel vm0, $0x3F800000, v0  }
0x168: {  	v4 =	vadd.f32 v7, v4;
	v5 =	vmul.f32 v7, v5;
	_ =	sdelay $0x1  }
0x169: {  	v4 =	vsub.f32 v4, v5;
	v5 =	vmul.f32 v3, v2;
	v7 =	vld.idx.msk [tilespmem:v1+s25+$0x0 ss:$0x1], $0xffff;
	_ =	sdelay $0x1  }
0x16a: {  	v8 =	vmul.f32 $8.999999760e-01, v5;
	v9 =	vmul.f32 v4, v2  }
0x16b: {  	v5 =	vmul.f32 $1.000000010e-01, v5;
	v3 =	vmul.f32 v4, v3  }
0x16c: {  	v4 =	vadd.f32 v9, v8  }
0x16d: {  	v3 =	vadd.f32 v3, v5  }
.Ltmp9:
0x16e: {  	v4 =	vmul.f32 v4, v7;
	v5 =	vsub.f32 $1.000000000e+00, v7;
	v6 =	vmul.f32 v6, v7;
	(pc) =	sbr.rel @p1 .LBB2_21-.Ltmp9, $4  }
0x16f: {  	v3 =	vmul.f32 v3, v7  }
0x170: {  	v4 =	vadd.f32 v4, v5;
	v2 =	vmul.f32 v5, v2  }
0x171: {  	[tilespmem:s25+$0x16F70] =	vst v3  }
0x172: {  	v2 =	vadd.f32 v2, v6;
	[tilespmem:s25+$0x16E30] =	vst v4;
	s25 =	sshra.s32 s0, $0x2;
	s0 =	sadd.s32 $0xFFFFFFC0, s0  }
0x173: {  	_ =	sdelay $0x3  }
0x174: {  	v3 =	vld.idx.msk [tilespmem:v1+s25+$0xFFFFFD80 ss:$0x1], $0xffff;
	_ =	sdelay $0x2  }
0x175: {  	vm0 =	vlt.f32 v2, $0.0e+00;
	vm1 =	vgt.f32 v2, $0.0e+00  }
0x176: {  	vm0 =	vmor vm1, vm0  }
0x177: {  	v4 =	vsel vm0, $0x3F800000, v0;
	vm14 =	vlt.f32 v3, $0.0e+00;
	vm15 =	vgt.f32 v3, $0.0e+00  }
0x178: {  	v5 =	vadd.f32 v4, v4;
	vm0 =	vmor vm15, vm14  }
0x179: {  	v6 =	vsel vm0, $0x3F800000, v0  }
0x17a: {  	v4 =	vadd.f32 v6, v4;
	v5 =	vmul.f32 v6, v5;
	_ =	sdelay $0x1  }
0x17b: {  	v36 =	vmul.f32 v3, v2;
	v4 =	vsub.f32 v4, v5  }
0x17c: {  	v37 =	vld.idx.msk [tilespmem:v1+s25+$0x0 ss:$0x1], $0xffff  }
0x17d: {  	v7 =	vmul.f32 $8.999999760e-01, v36;
	v2 =	vmul.f32 v4, v2  }
0x17e: {  	v5 =	vmul.f32 $1.000000010e-01, v36;
	v3 =	vmul.f32 v4, v3  }
0x17f: {  	v2 =	vadd.f32 v2, v7  }
0x180: {  	v3 =	vadd.f32 v3, v5  }
0x181: {  	v38 =	vsub.f32 $1.000000000e+00, v37;
	v2 =	vmul.f32 v2, v37  }
0x182: {  	v3 =	vmul.f32 v3, v37  }
0x183: {  	v2 =	vadd.f32 v2, v38  }
0x184: {  	[tilespmem:s25+$0x16F70] =	vst v3  }
0x185: {  	[tilespmem:s25+$0x16E30] =	vst v2  }
0x186: {  	v2 =	vld [tilespmem:$0x16E40]  }
0x187: {  	v3 =	vld [tilespmem:$0x16D00]  }
0x188: {  	v39 =	vld [tilespmem:$0x16D10]  }
0x189: {  	v40 =	vld [tilespmem:$0x16E50]  }
0x18a: {  	v41 =	vld [tilespmem:$0x16D20]  }
0x18b: {  	v42 =	vld [tilespmem:$0x16E60]  }
0x18c: {  	v8 =	vld [tilespmem:$0x16D30]  }
0x18d: {  	v9 =	vld [tilespmem:$0x16E70];
	v4 =	vmul.f32 v39, v3  }
0x18e: {  	v10 =	vld [tilespmem:$0x16D40]  }
0x18f: {  	v11 =	vld [tilespmem:$0x16E80];
	v6 =	vmul.f32 v41, v4  }
0x190: {  	v12 =	vld [tilespmem:$0x16D50]  }
0x191: {  	v13 =	vld [tilespmem:$0x16E90];
	v8 =	vmul.f32 v8, v6  }
0x192: {  	v14 =	vld [tilespmem:$0x16D60]  }
0x193: {  	v15 =	vld [tilespmem:$0x16EA0];
	v10 =	vmul.f32 v10, v8  }
0x194: {  	v16 =	vld [tilespmem:$0x16D70]  }
0x195: {  	v17 =	vld [tilespmem:$0x16EB0];
	v12 =	vmul.f32 v12, v10  }
0x196: {  	v18 =	vld [tilespmem:$0x16D80]  }
0x197: {  	v19 =	vld [tilespmem:$0x16EC0];
	v14 =	vmul.f32 v14, v12  }
0x198: {  	v20 =	vld [tilespmem:$0x16D90]  }
0x199: {  	v21 =	vld [tilespmem:$0x16ED0];
	v16 =	vmul.f32 v16, v14  }
0x19a: {  	v22 =	vld [tilespmem:$0x16DA0]  }
0x19b: {  	v23 =	vld [tilespmem:$0x16EE0];
	v18 =	vmul.f32 v18, v16  }
0x19c: {  	v24 =	vld [tilespmem:$0x16DB0]  }
0x19d: {  	v25 =	vld [tilespmem:$0x16EF0];
	v20 =	vmul.f32 v20, v18  }
0x19e: {  	v26 =	vld [tilespmem:$0x16DC0]  }
0x19f: {  	v44 =	vld [tilespmem:$0x16F00];
	v3 =	vmul.f32 v40, v3;
	v43 =	vmul.f32 v22, v20  }
0x1a0: {  	v45 =	vld [tilespmem:$0x16DD0];
	[tilespmem:$0x16A40] =	vst v2;
	v2 =	vmul.f32 v42, v4  }
0x1a1: {  	v47 =	vld [tilespmem:$0x16F10];
	[tilespmem:$0x16A50] =	vst v3;
	v3 =	vmul.f32 v9, v6;
	v46 =	vmul.f32 v24, v43  }
0x1a2: {  	v48 =	vld [tilespmem:$0x16DE0];
	[tilespmem:$0x16A60] =	vst v2;
	v2 =	vmul.f32 v11, v8  }
0x1a3: {  	v50 =	vld [tilespmem:$0x16F20];
	[tilespmem:$0x16A70] =	vst v3;
	v3 =	vmul.f32 v13, v10;
	v49 =	vmul.f32 v26, v46  }
0x1a4: {  	v51 =	vld [tilespmem:$0x16DF0];
	[tilespmem:$0x16A80] =	vst v2;
	v2 =	vmul.f32 v15, v12  }
0x1a5: {  	v52 =	vld [tilespmem:$0x16F30];
	[tilespmem:$0x16A90] =	vst v3;
	v3 =	vmul.f32 v17, v14;
	v4 =	vmul.f32 v45, v49  }
0x1a6: {  	v53 =	vld [tilespmem:$0x16E00];
	[tilespmem:$0x16AA0] =	vst v2;
	v2 =	vmul.f32 v19, v16  }
0x1a7: {  	v54 =	vld [tilespmem:$0x16F40];
	[tilespmem:$0x16AB0] =	vst v3;
	v3 =	vmul.f32 v21, v18;
	v8 =	vmul.f32 v48, v4  }
0x1a8: {  	v55 =	vld [tilespmem:$0x16E10];
	[tilespmem:$0x16AC0] =	vst v2;
	v2 =	vmul.f32 v23, v20  }
0x1a9: {  	v57 =	vld [tilespmem:$0x16F50];
	[tilespmem:$0x16AD0] =	vst v3;
	v3 =	vmul.f32 v25, v43;
	v56 =	vmul.f32 v51, v8  }
0x1aa: {  	v58 =	vld [tilespmem:$0x16E20];
	[tilespmem:$0x16AE0] =	vst v2;
	v2 =	vmul.f32 v44, v46  }
0x1ab: {  	v60 =	vld [tilespmem:$0x16F60];
	[tilespmem:$0x16AF0] =	vst v3;
	v3 =	vmul.f32 v47, v49;
	v59 =	vmul.f32 v53, v56  }
0x1ac: {  	v61 =	vld [tilespmem:$0x16F70];
	[tilespmem:$0x16B00] =	vst v2;
	v2 =	vmul.f32 v50, v4  }
0x1ad: {  	[tilespmem:$0x16B10] =	vst v3;
	v3 =	vmul.f32 v52, v8;
	v62 =	vmul.f32 v55, v59  }
0x1ae: {  	p1 =	por $0x0, $0x0;
	[tilespmem:$0x16B20] =	vst v2;
	v2 =	vmul.f32 v54, v56  }
.Ltmp10:
0x1af: {  	[tilespmem:$0x16B30] =	vst v3;
	v3 =	vmul.f32 v57, v59;
	v63 =	vmul.f32 v58, v62;
	(pc) =	sbr.rel @p1 .LBB2_24-.Ltmp10, $4  }
0x1b0: {  	[tilespmem:$0x16B40] =	vst v2;
	v2 =	vmul.f32 v60, v62  }
0x1b1: {  	[tilespmem:$0x16B50] =	vst v3;
	v3 =	vmul.f32 v61, v63  }
0x1b2: {  	[tilespmem:$0x16B60] =	vst v2  }
0x1b3: {  	s26 =	simm.s32 $0x0;
	s0 =	simm.s32 $0xFFFFFFC0;
	s25 =	simm.s32 $0x0;
	v2 =	vimm.f32 $0.0e+00;
	[tilespmem:$0x16B70] =	vst v3  }
.LBB2_23:
0x1b4: {  	p1 =	seq.s32 s0, $0xFFFFFB40;
	v3 =	vld.idx.msk [tilespmem:v1+s26+$0xFFFFFEC0 ss:$0x1], $0xffff;
	_ =	sdelay $0x3  }
0x1b5: {  	vm0 =	vlt.f32 v2, $0.0e+00;
	vm1 =	vgt.f32 v2, $0.0e+00  }
0x1b6: {  	vm0 =	vmor vm1, vm0  }
0x1b7: {  	v4 =	vsel vm0, $0x3F800000, v0;
	vm0 =	vlt.f32 v3, $0.0e+00;
	vm1 =	vgt.f32 v3, $0.0e+00  }
0x1b8: {  	v5 =	vadd.f32 v4, v4;
	v6 =	vmax.f32 v2, v3;
	vm0 =	vmor vm1, vm0  }
0x1b9: {  	v7 =	vsel vm0, $0x3F800000, v0  }
0x1ba: {  	v4 =	vadd.f32 v7, v4;
	v5 =	vmul.f32 v7, v5;
	_ =	sdelay $0x1  }
0x1bb: {  	v4 =	vsub.f32 v4, v5;
	v5 =	vmul.f32 v3, v2;
	v7 =	vld.idx.msk [tilespmem:v1+s26+$0x0 ss:$0x1], $0xffff;
	_ =	sdelay $0x1  }
0x1bc: {  	v8 =	vmul.f32 $8.999999760e-01, v5;
	v9 =	vmul.f32 v4, v2  }
0x1bd: {  	v5 =	vmul.f32 $1.000000010e-01, v5;
	v3 =	vmul.f32 v4, v3  }
0x1be: {  	v4 =	vadd.f32 v9, v8  }
0x1bf: {  	v3 =	vadd.f32 v3, v5  }
.Ltmp11:
0x1c0: {  	v4 =	vmul.f32 v4, v7;
	v5 =	vsub.f32 $1.000000000e+00, v7;
	v6 =	vmul.f32 v6, v7;
	(pc) =	sbr.rel @!p1 .LBB2_23-.Ltmp11, $4  }
0x1c1: {  	v3 =	vmul.f32 v3, v7  }
0x1c2: {  	v4 =	vadd.f32 v4, v5;
	v2 =	vmul.f32 v5, v2  }
0x1c3: {  	[tilespmem:s26+$0x16F70] =	vst v3  }
0x1c4: {  	v2 =	vadd.f32 v2, v6;
	[tilespmem:s26+$0x16E30] =	vst v4;
	s26 =	sshra.s32 s0, $0x2;
	s0 =	sadd.s32 $0xFFFFFFC0, s0  }
.LBB2_24:
0x1c5: {  	_ =	sdelay $0x3  }
0x1c6: {  	v3 =	vld.idx.msk [tilespmem:v1+s26+$0xFFFFFEC0 ss:$0x1], $0xffff;
	_ =	sdelay $0x2  }
0x1c7: {  	vm0 =	vlt.f32 v2, $0.0e+00;
	vm1 =	vgt.f32 v2, $0.0e+00  }
0x1c8: {  	vm0 =	vmor vm1, vm0  }
0x1c9: {  	v4 =	vsel vm0, $0x3F800000, v0;
	vm14 =	vlt.f32 v3, $0.0e+00;
	vm15 =	vgt.f32 v3, $0.0e+00  }
0x1ca: {  	v5 =	vadd.f32 v4, v4;
	vm0 =	vmor vm15, vm14  }
0x1cb: {  	v6 =	vsel vm0, $0x3F800000, v0  }
0x1cc: {  	v4 =	vadd.f32 v6, v4;
	v5 =	vmul.f32 v6, v5;
	_ =	sdelay $0x1  }
0x1cd: {  	v4 =	vsub.f32 v4, v5;
	v5 =	vmul.f32 v3, v2  }
0x1ce: {  	v1 =	vld.idx.msk [tilespmem:v1+s26+$0x0 ss:$0x1], $0xffff  }
0x1cf: {  	v63 =	vmul.f32 $8.999999760e-01, v5;
	v2 =	vmul.f32 v4, v2  }
0x1d0: {  	v5 =	vmul.f32 $1.000000010e-01, v5;
	v3 =	vmul.f32 v4, v3  }
0x1d1: {  	v2 =	vadd.f32 v2, v63  }
0x1d2: {  	v3 =	vadd.f32 v3, v5  }
0x1d3: {  	v4 =	vsub.f32 $1.000000000e+00, v1;
	v2 =	vmul.f32 v2, v1  }
0x1d4: {  	v1 =	vmul.f32 v3, v1  }
0x1d5: {  	v2 =	vadd.f32 v2, v4  }
0x1d6: {  	[tilespmem:s26+$0x16F70] =	vst v1  }
0x1d7: {  	s0 =	simm.s32 $0x16D00;
	[tilespmem:s26+$0x16E30] =	vst v2  }
0x1d8: {  	v2 =	vld [tilespmem:s0+$0x140];
	_ =	sdelay $0x3  }
0x1d9: {  	v1 =	vimm.f32 $1.000000000e+00  }
0x1da: {  	v2 =	vmul.f32 v2, v1  }
0x1db: {  	s1 =	sand.u32 $0x1F0, s25  }
0x1dc: {  	[tilespmem:s1+$0x16B80] =	vst v2  }
0x1dd: {  	v2 =	vld [tilespmem:s0+$0x0]  }
0x1de: {  	s25 =	simm.s32 $0x16D10  }
0x1df: {  	s26 =	simm.s32 $0x20;
	s0 =	simm.s32 $0x10;
	v3 =	vld [tilespmem:s25+$0x140]  }
.LBB2_25:
0x1e0: {  	p1 =	seq.s32 s26, $0x130;
	_ =	sdelay $0x1  }
0x1e1: {  	v1 =	vmul.f32 v2, v1;
	_ =	sdelay $0x1  }
0x1e2: {  	v2 =	vmul.f32 v3, v1  }
.Ltmp12:
0x1e3: {  	s1 =	sand.u32 $0x1F0, s0;
	s0 =	smov.u32 s26;
	(pc) =	sbr.rel @!p1 .LBB2_25-.Ltmp12, $4  }
0x1e4: {  	[tilespmem:s1+$0x16B80] =	vst v2  }
0x1e5: {  	v2 =	vld [tilespmem:s25+$0x0]  }
0x1e6: {  	s25 =	sadd.s32 $0x10, s25  }
0x1e7: {  	s26 =	sadd.s32 $0x10, s26;
	v3 =	vld [tilespmem:s25+$0x140]  }
0x1e8: {  	_ =	sdelay $0x1  }
0x1e9: {  	v1 =	vmul.f32 v2, v1;
	_ =	sdelay $0x1  }
0x1ea: {  	v1 =	vmul.f32 v3, v1  }
0x1eb: {  	s0 =	sand.u32 $0x1F0, s0;
	s30 =	smul.u32 $0x2A000, s24;
	s31 =	simm.s32 $0x0  }
0x1ec: {  	[tilespmem:s0+$0x16B80] =	vst v1;
	s0 =	smul.u32 $0xE000, s31;
	_ =	sdelay $0x1  }
0x1ed: {  	s26 =	simm.s32 $0x0;
	s24 =	sshrl.u32 s30, $0x2;
	s0 =	sshra.s32 s0, $0x2  }
0x1ee: {  	s25 =	simm.s32 $0x16400;
	s1 =	sand.u32 $0x380, s26;
	s0 =	sadd.s32 s0, s24  }
0x1ef: {  	v2 =	vld [tilespmem:s25+$0x0];
	s28 =	sadd.s32 s1, s0  }
0x1f0: {  	v1 =	vld [tilespmem:s28+$0x470]  }
0x1f1: {  	v3 =	vld [tilespmem:s28+$0x0]  }
0x1f2: {  	v4 =	vld [tilespmem:s28+$0x10]  }
0x1f3: {  	v5 =	vld [tilespmem:s28+$0x20]  }
0x1f4: {  	v9 =	vld [tilespmem:s28+$0x40]  }
0x1f5: {  	v10 =	vld [tilespmem:s28+$0x50]  }
0x1f6: {  	v6 =	vimm.f32 $0.0e+00;
	v16 =	vimm.f32 $0.0e+00;
	v7 =	vld [tilespmem:s28+$0x30]  }
0x1f7: {  	v17 =	vimm.f32 $0.0e+00;
	v15 =	vimm.f32 $0.0e+00;
	v1 =	vmul.f32 v1, v2  }
0x1f8: {  	v14 =	vimm.f32 $0.0e+00;
	v3 =	vmul.f32 v3, v2;
	v4 =	vmul.f32 v4, v2  }
0x1f9: {  	v13 =	vimm.f32 $0.0e+00;
	v21 =	vld [tilespmem:s28+$0x60];
	v5 =	vmul.f32 v5, v2;
	v23 =	vmul.f32 v9, v2  }
0x1fa: {  	v22 =	vld [tilespmem:s28+$0x70];
	v24 =	vmul.f32 v10, v2;
	v10 =	vimm.f32 $0.0e+00;
	v1 =	vadd.f32 v1, v6  }
0x1fb: {  	v20 =	vld [tilespmem:s28+$0x400];
	v12 =	vadd.f32 v3, v6;
	v3 =	vmul.f32 v7, v2;
	v11 =	vadd.f32 v4, v6  }
0x1fc: {  	v19 =	vld [tilespmem:s28+$0x410];
	v8 =	vadd.f32 v5, v6;
	v7 =	vimm.f32 $0.0e+00;
	v5 =	vimm.f32 $0.0e+00  }
0x1fd: {  	s29 =	simm.s32 $0x2;
	s0 =	simm.s32 $0x0;
	v18 =	vld [tilespmem:s28+$0x420];
	v4 =	vimm.f32 $0.0e+00;
	v9 =	vadd.f32 v3, v6;
	v3 =	vimm.f32 $0.0e+00  }
.LBB2_27:
0x1fe: {  	p1 =	sne.s32 s29, $0x13;
	s0 =	smul.u32 $0xE000, s0;
	v6 =	vadd.f32 v23, v6;
	v21 =	vmul.f32 v21, v2;
	v23 =	vld [tilespmem:s28+$0x430]  }
0x1ff: {  	v16 =	vadd.f32 v24, v16;
	v22 =	vmul.f32 v22, v2;
	v24 =	vld [tilespmem:s28+$0x440]  }
0x200: {  	s26 =	sadd.s32 $0x80, s26;
	s0 =	sshra.s32 s0, $0x2;
	v17 =	vadd.f32 v21, v17;
	v20 =	vmul.f32 v20, v2;
	v21 =	vld [tilespmem:s28+$0x450]  }
0x201: {  	s25 =	sadd.s32 $0x10, s25;
	s1 =	sand.u32 $0x380, s26;
	s0 =	sadd.s32 s0, s24;
	v15 =	vadd.f32 v22, v15;
	v19 =	vmul.f32 v19, v2;
	v22 =	vld [tilespmem:s28+$0x460]  }
0x202: {  	v25 =	vld [tilespmem:s25+$0x0];
	s28 =	sadd.s32 s1, s0;
	v14 =	vadd.f32 v20, v14;
	v18 =	vmul.f32 v18, v2  }
0x203: {  	v20 =	vld [tilespmem:s28+$0x470];
	v13 =	vadd.f32 v19, v13;
	v19 =	vmul.f32 v23, v2  }
0x204: {  	v23 =	vld [tilespmem:s28+$0x0];
	v10 =	vadd.f32 v18, v10;
	v18 =	vmul.f32 v24, v2  }
0x205: {  	v24 =	vld [tilespmem:s28+$0x10];
	v7 =	vadd.f32 v19, v7;
	v19 =	vmul.f32 v21, v2  }
0x206: {  	v26 =	vld [tilespmem:s28+$0x20];
	v5 =	vadd.f32 v18, v5;
	v18 =	vmul.f32 v22, v2  }
0x207: {  	v27 =	vld [tilespmem:s28+$0x30];
	v4 =	vadd.f32 v19, v4;
	v2 =	vmov v25  }
0x208: {  	v19 =	vld [tilespmem:s28+$0x40];
	v20 =	vmul.f32 v20, v2;
	v3 =	vadd.f32 v18, v3  }
0x209: {  	v18 =	vmul.f32 v23, v2;
	v25 =	vld [tilespmem:s28+$0x50]  }
.Ltmp13:
0x20a: {  	v23 =	vmul.f32 v24, v2;
	v21 =	vld [tilespmem:s28+$0x60];
	v1 =	vadd.f32 v20, v1;
	(pc) =	sbr.rel @p1 .LBB2_27-.Ltmp13, $4  }
0x20b: {  	v12 =	vadd.f32 v18, v12;
	v18 =	vmul.f32 v26, v2;
	v22 =	vld [tilespmem:s28+$0x70]  }
0x20c: {  	v11 =	vadd.f32 v23, v11;
	v24 =	vmul.f32 v27, v2;
	v20 =	vld [tilespmem:s28+$0x400]  }
0x20d: {  	v8 =	vadd.f32 v18, v8;
	v23 =	vmul.f32 v19, v2;
	v19 =	vld [tilespmem:s28+$0x410]  }
0x20e: {  	s0 =	sshrl.u32 s29, $0x3;
	s29 =	sadd.s32 $0x1, s29;
	v9 =	vadd.f32 v24, v9;
	v24 =	vmul.f32 v25, v2;
	v18 =	vld [tilespmem:s28+$0x420]  }
0x20f: {  	s0 =	smul.u32 $0xE000, s0;
	v25 =	vld [tilespmem:s28+$0x430]  }
0x210: {  	v26 =	vld [tilespmem:s28+$0x440]  }
0x211: {  	v27 =	vld [tilespmem:s28+$0x450];
	s1 =	sadd.s32 $0x80, s26;
	s0 =	sshra.s32 s0, $0x2  }
0x212: {  	v28 =	vld [tilespmem:s28+$0x460];
	s25 =	sadd.s32 $0x10, s25;
	s1 =	sand.u32 $0x380, s1;
	s0 =	sadd.s32 s0, s24  }
0x213: {  	v29 =	vld [tilespmem:s25+$0x0];
	s0 =	sadd.s32 s1, s0  }
0x214: {  	v30 =	vld [tilespmem:s0+$0x470]  }
0x215: {  	v31 =	vld [tilespmem:s0+$0x0]  }
0x216: {  	v32 =	vld [tilespmem:s0+$0x10]  }
0x217: {  	v33 =	vld [tilespmem:s0+$0x20]  }
0x218: {  	v34 =	vld [tilespmem:s0+$0x30]  }
0x219: {  	v35 =	vld [tilespmem:s0+$0x40]  }
0x21a: {  	v36 =	vld [tilespmem:s0+$0x50]  }
0x21b: {  	v37 =	vld [tilespmem:s0+$0x60]  }
0x21c: {  	v38 =	vld [tilespmem:s0+$0x70]  }
0x21d: {  	v21 =	vmul.f32 v21, v2;
	v39 =	vld [tilespmem:s0+$0x400]  }
0x21e: {  	v6 =	vadd.f32 v23, v6;
	v22 =	vmul.f32 v22, v2;
	v40 =	vld [tilespmem:s0+$0x410]  }
0x21f: {  	v17 =	vadd.f32 v21, v17;
	v20 =	vmul.f32 v20, v2;
	v23 =	vld [tilespmem:s0+$0x420];
	v21 =	vmul.f32 v31, v29  }
0x220: {  	v16 =	vadd.f32 v24, v16;
	v15 =	vadd.f32 v22, v15;
	v24 =	vld [tilespmem:s0+$0x430];
	v22 =	vmul.f32 v32, v29  }
0x221: {  	v14 =	vadd.f32 v20, v14;
	v62 =	vld [tilespmem:s0+$0x440];
	v20 =	vmul.f32 v34, v29;
	v12 =	vadd.f32 v21, v12  }
0x222: {  	v63 =	vld [tilespmem:s0+$0x450];
	v21 =	vmul.f32 v33, v29;
	v11 =	vadd.f32 v22, v11  }
0x223: {  	v19 =	vmul.f32 v19, v2;
	v22 =	vld [tilespmem:s0+$0x460];
	v9 =	vadd.f32 v20, v9;
	[tilespmem:$0x16F80] =	vst v12  }
0x224: {  	v8 =	vadd.f32 v21, v8;
	v12 =	vmul.f32 v35, v29;
	[tilespmem:$0x16F90] =	vst v11  }
0x225: {  	v13 =	vadd.f32 v19, v13;
	v11 =	vmul.f32 v18, v2;
	v18 =	vmul.f32 v36, v29;
	[tilespmem:$0x16FB0] =	vst v9  }
0x226: {  	v9 =	vmul.f32 v38, v29;
	v6 =	vadd.f32 v12, v6;
	[tilespmem:$0x16FA0] =	vst v8;
	v8 =	vmul.f32 v25, v2  }
0x227: {  	v12 =	vmul.f32 v37, v29;
	v10 =	vadd.f32 v11, v10;
	v11 =	vadd.f32 v18, v16  }
0x228: {  	v9 =	vadd.f32 v9, v15;
	v15 =	vmul.f32 v40, v29;
	[tilespmem:$0x16FC0] =	vst v6;
	v6 =	vmul.f32 v39, v29  }
0x229: {  	v7 =	vadd.f32 v8, v7;
	v8 =	vadd.f32 v12, v17;
	v12 =	vmul.f32 v26, v2;
	[tilespmem:$0x16FD0] =	vst v11  }
0x22a: {  	v11 =	vmul.f32 v27, v2;
	[tilespmem:$0x16FF0] =	vst v9;
	v6 =	vadd.f32 v6, v14;
	v14 =	vmul.f32 v23, v29  }
0x22b: {  	[tilespmem:$0x16FE0] =	vst v8;
	v5 =	vadd.f32 v12, v5;
	v8 =	vadd.f32 v15, v13;
	v12 =	vmul.f32 v24, v29  }
0x22c: {  	v2 =	vmul.f32 v28, v2;
	v9 =	vadd.f32 v14, v10;
	v10 =	vmul.f32 v62, v29;
	[tilespmem:$0x17000] =	vst v6  }
0x22d: {  	v4 =	vadd.f32 v11, v4;
	v6 =	vadd.f32 v12, v7;
	v7 =	vmul.f32 v63, v29;
	[tilespmem:$0x17010] =	vst v8  }
0x22e: {  	v2 =	vadd.f32 v2, v3;
	v8 =	vmul.f32 v30, v29;
	v3 =	vadd.f32 v10, v5;
	[tilespmem:$0x17020] =	vst v9  }
0x22f: {  	s30 =	simm.s32 $0x0;
	v5 =	vmul.f32 v22, v29;
	v4 =	vadd.f32 v7, v4;
	[tilespmem:$0x17030] =	vst v6  }
0x230: {  	s0 =	smul.u32 $0xE000, s30;
	v1 =	vadd.f32 v8, v1;
	[tilespmem:$0x17040] =	vst v3  }
0x231: {  	v2 =	vadd.f32 v5, v2;
	[tilespmem:$0x17050] =	vst v4  }
0x232: {  	s26 =	simm.s32 $0x0;
	s0 =	sshra.s32 s0, $0x2;
	[tilespmem:$0x17070] =	vst v1  }
0x233: {  	s25 =	simm.s32 $0x16540;
	s31 =	sand.u32 $0x380, s26;
	s0 =	sadd.s32 s0, s24;
	[tilespmem:$0x17060] =	vst v2  }
0x234: {  	s28 =	sadd.s32 s31, s0;
	v2 =	vld [tilespmem:s25+$0x0]  }
0x235: {  	v1 =	vld [tilespmem:s28+$0xC70]  }
0x236: {  	v3 =	vld [tilespmem:s28+$0x800]  }
0x237: {  	v4 =	vld [tilespmem:s28+$0x810]  }
0x238: {  	v5 =	vld [tilespmem:s28+$0x820]  }
0x239: {  	v8 =	vld [tilespmem:s28+$0x840]  }
0x23a: {  	v9 =	vld [tilespmem:s28+$0x850]  }
0x23b: {  	v16 =	vimm.f32 $0.0e+00;
	v17 =	vimm.f32 $0.0e+00;
	v6 =	vld [tilespmem:s28+$0x830]  }
0x23c: {  	v15 =	vimm.f32 $0.0e+00;
	v13 =	vimm.f32 $0.0e+00;
	v1 =	vmul.f32 v1, v2  }
0x23d: {  	v12 =	vimm.f32 $0.0e+00;
	v3 =	vmul.f32 v3, v2;
	v4 =	vmul.f32 v4, v2  }
0x23e: {  	v14 =	vimm.f32 $0.0e+00;
	v21 =	vld [tilespmem:s28+$0x860];
	v5 =	vmul.f32 v5, v2;
	v23 =	vmul.f32 v8, v2  }
0x23f: {  	v22 =	vld [tilespmem:s28+$0x870];
	v24 =	vmul.f32 v9, v2;
	v9 =	vimm.f32 $0.0e+00;
	v1 =	vadd.f32 v1, v12  }
0x240: {  	v20 =	vld [tilespmem:s28+$0xC00];
	v11 =	vadd.f32 v3, v12;
	v3 =	vmul.f32 v6, v2;
	v10 =	vadd.f32 v4, v12  }
0x241: {  	v19 =	vld [tilespmem:s28+$0xC10];
	v7 =	vadd.f32 v5, v12;
	v6 =	vimm.f32 $0.0e+00;
	v5 =	vimm.f32 $0.0e+00  }
0x242: {  	s29 =	simm.s32 $0x2;
	s0 =	simm.s32 $0x0;
	v18 =	vld [tilespmem:s28+$0xC20];
	v4 =	vimm.f32 $0.0e+00;
	v8 =	vadd.f32 v3, v12;
	v3 =	vimm.f32 $0.0e+00  }
.LBB2_29:
0x243: {  	p1 =	sne.s32 s29, $0x13;
	s0 =	smul.u32 $0xE000, s0;
	v12 =	vadd.f32 v23, v12;
	v21 =	vmul.f32 v21, v2;
	v23 =	vld [tilespmem:s28+$0xC30]  }
0x244: {  	v16 =	vadd.f32 v24, v16;
	v22 =	vmul.f32 v22, v2;
	v24 =	vld [tilespmem:s28+$0xC40]  }
0x245: {  	s26 =	sadd.s32 $0x80, s26;
	s0 =	sshra.s32 s0, $0x2;
	v17 =	vadd.f32 v21, v17;
	v20 =	vmul.f32 v20, v2;
	v21 =	vld [tilespmem:s28+$0xC50]  }
0x246: {  	s25 =	sadd.s32 $0x10, s25;
	s1 =	sand.u32 $0x380, s26;
	s0 =	sadd.s32 s0, s24;
	v15 =	vadd.f32 v22, v15;
	v19 =	vmul.f32 v19, v2;
	v22 =	vld [tilespmem:s28+$0xC60]  }
0x247: {  	v25 =	vld [tilespmem:s25+$0x0];
	s28 =	sadd.s32 s1, s0;
	v14 =	vadd.f32 v20, v14;
	v18 =	vmul.f32 v18, v2  }
0x248: {  	v20 =	vld [tilespmem:s28+$0xC70];
	v13 =	vadd.f32 v19, v13;
	v19 =	vmul.f32 v23, v2  }
0x249: {  	v23 =	vld [tilespmem:s28+$0x800];
	v9 =	vadd.f32 v18, v9;
	v18 =	vmul.f32 v24, v2  }
0x24a: {  	v24 =	vld [tilespmem:s28+$0x810];
	v6 =	vadd.f32 v19, v6;
	v19 =	vmul.f32 v21, v2  }
0x24b: {  	v26 =	vld [tilespmem:s28+$0x820];
	v5 =	vadd.f32 v18, v5;
	v18 =	vmul.f32 v22, v2  }
0x24c: {  	v27 =	vld [tilespmem:s28+$0x830];
	v4 =	vadd.f32 v19, v4;
	v2 =	vmov v25  }
0x24d: {  	v19 =	vld [tilespmem:s28+$0x840];
	v20 =	vmul.f32 v20, v2;
	v3 =	vadd.f32 v18, v3  }
0x24e: {  	v18 =	vmul.f32 v23, v2;
	v25 =	vld [tilespmem:s28+$0x850]  }
.Ltmp14:
0x24f: {  	v23 =	vmul.f32 v24, v2;
	v21 =	vld [tilespmem:s28+$0x860];
	v1 =	vadd.f32 v20, v1;
	(pc) =	sbr.rel @p1 .LBB2_29-.Ltmp14, $4  }
0x250: {  	v11 =	vadd.f32 v18, v11;
	v18 =	vmul.f32 v26, v2;
	v22 =	vld [tilespmem:s28+$0x870]  }
0x251: {  	v10 =	vadd.f32 v23, v10;
	v24 =	vmul.f32 v27, v2;
	v20 =	vld [tilespmem:s28+$0xC00]  }
0x252: {  	v7 =	vadd.f32 v18, v7;
	v23 =	vmul.f32 v19, v2;
	v19 =	vld [tilespmem:s28+$0xC10]  }
0x253: {  	s0 =	sshrl.u32 s29, $0x3;
	s29 =	sadd.s32 $0x1, s29;
	v8 =	vadd.f32 v24, v8;
	v24 =	vmul.f32 v25, v2;
	v18 =	vld [tilespmem:s28+$0xC20]  }
0x254: {  	s0 =	smul.u32 $0xE000, s0;
	v25 =	vld [tilespmem:s28+$0xC30]  }
0x255: {  	v26 =	vld [tilespmem:s28+$0xC40]  }
0x256: {  	v27 =	vld [tilespmem:s28+$0xC50];
	s1 =	sadd.s32 $0x80, s26;
	s0 =	sshra.s32 s0, $0x2  }
0x257: {  	v28 =	vld [tilespmem:s28+$0xC60];
	s25 =	sadd.s32 $0x10, s25;
	s1 =	sand.u32 $0x380, s1;
	s0 =	sadd.s32 s0, s24  }
0x258: {  	v29 =	vld [tilespmem:s25+$0x0];
	s0 =	sadd.s32 s1, s0  }
0x259: {  	v30 =	vld [tilespmem:s0+$0xC70]  }
0x25a: {  	v31 =	vld [tilespmem:s0+$0x800]  }
0x25b: {  	v32 =	vld [tilespmem:s0+$0x810]  }
0x25c: {  	v33 =	vld [tilespmem:s0+$0x820]  }
0x25d: {  	v34 =	vld [tilespmem:s0+$0x830]  }
0x25e: {  	v35 =	vld [tilespmem:s0+$0x840]  }
0x25f: {  	v36 =	vld [tilespmem:s0+$0x850]  }
0x260: {  	v37 =	vld [tilespmem:s0+$0x860]  }
0x261: {  	v38 =	vld [tilespmem:s0+$0x870]  }
0x262: {  	v21 =	vmul.f32 v21, v2;
	v39 =	vld [tilespmem:s0+$0xC00]  }
0x263: {  	v12 =	vadd.f32 v23, v12;
	v22 =	vmul.f32 v22, v2;
	v40 =	vld [tilespmem:s0+$0xC10]  }
0x264: {  	v17 =	vadd.f32 v21, v17;
	v20 =	vmul.f32 v20, v2;
	v23 =	vld [tilespmem:s0+$0xC20];
	v21 =	vmul.f32 v31, v29  }
0x265: {  	v16 =	vadd.f32 v24, v16;
	v15 =	vadd.f32 v22, v15;
	v24 =	vld [tilespmem:s0+$0xC30];
	v22 =	vmul.f32 v32, v29  }
0x266: {  	v14 =	vadd.f32 v20, v14;
	v62 =	vld [tilespmem:s0+$0xC40];
	v20 =	vmul.f32 v34, v29;
	v11 =	vadd.f32 v21, v11  }
0x267: {  	v63 =	vld [tilespmem:s0+$0xC50];
	v21 =	vmul.f32 v33, v29;
	v10 =	vadd.f32 v22, v10  }
0x268: {  	v19 =	vmul.f32 v19, v2;
	v22 =	vld [tilespmem:s0+$0xC60];
	v8 =	vadd.f32 v20, v8;
	[tilespmem:$0x17080] =	vst v11  }
0x269: {  	v7 =	vadd.f32 v21, v7;
	v11 =	vmul.f32 v35, v29;
	[tilespmem:$0x17090] =	vst v10  }
0x26a: {  	v13 =	vadd.f32 v19, v13;
	v10 =	vmul.f32 v18, v2;
	v18 =	vmul.f32 v36, v29;
	[tilespmem:$0x170B0] =	vst v8  }
0x26b: {  	v8 =	vmul.f32 v38, v29;
	v11 =	vadd.f32 v11, v12;
	[tilespmem:$0x170A0] =	vst v7;
	v7 =	vmul.f32 v25, v2  }
0x26c: {  	v12 =	vmul.f32 v37, v29;
	v9 =	vadd.f32 v10, v9;
	v10 =	vadd.f32 v18, v16  }
0x26d: {  	v8 =	vadd.f32 v8, v15;
	v15 =	vmul.f32 v40, v29;
	[tilespmem:$0x170C0] =	vst v11;
	v11 =	vmul.f32 v39, v29  }
0x26e: {  	v6 =	vadd.f32 v7, v6;
	v7 =	vadd.f32 v12, v17;
	v12 =	vmul.f32 v26, v2;
	[tilespmem:$0x170D0] =	vst v10  }
0x26f: {  	v10 =	vmul.f32 v27, v2;
	[tilespmem:$0x170F0] =	vst v8;
	v11 =	vadd.f32 v11, v14;
	v14 =	vmul.f32 v23, v29  }
0x270: {  	[tilespmem:$0x170E0] =	vst v7;
	v5 =	vadd.f32 v12, v5;
	v7 =	vadd.f32 v15, v13;
	v12 =	vmul.f32 v24, v29  }
0x271: {  	v4 =	vadd.f32 v10, v4;
	v10 =	vmul.f32 v63, v29;
	v8 =	vadd.f32 v14, v9;
	[tilespmem:$0x17100] =	vst v11  }
0x272: {  	v2 =	vmul.f32 v28, v2;
	v9 =	vmul.f32 v62, v29;
	v6 =	vadd.f32 v12, v6;
	[tilespmem:$0x17110] =	vst v7  }
0x273: {  	v7 =	vmul.f32 v30, v29;
	v4 =	vadd.f32 v10, v4;
	[tilespmem:$0x17120] =	vst v8  }
0x274: {  	s26 =	simm.s32 $0x0;
	v2 =	vadd.f32 v2, v3;
	v3 =	vadd.f32 v9, v5;
	v5 =	vmul.f32 v22, v29;
	[tilespmem:$0x17130] =	vst v6  }
0x275: {  	s0 =	smul.u32 $0xE000, s26;
	v1 =	vadd.f32 v7, v1;
	[tilespmem:$0x17150] =	vst v4  }
0x276: {  	v2 =	vadd.f32 v5, v2;
	[tilespmem:$0x17140] =	vst v3  }
0x277: {  	s25 =	simm.s32 $0x0;
	s0 =	sshra.s32 s0, $0x2;
	[tilespmem:$0x17170] =	vst v1  }
0x278: {  	s30 =	sand.u32 $0x1F0, s25;
	s31 =	sand.u32 $0x380, s25;
	s0 =	sadd.s32 s0, s24;
	[tilespmem:$0x17160] =	vst v2  }
0x279: {  	s26 =	sadd.s32 s31, s0;
	v2 =	vld [tilespmem:s30+$0x16680]  }
0x27a: {  	v1 =	vld [tilespmem:s26+$0x1470]  }
0x27b: {  	v3 =	vld [tilespmem:s26+$0x1000]  }
0x27c: {  	v4 =	vld [tilespmem:s26+$0x1010]  }
0x27d: {  	v5 =	vld [tilespmem:s26+$0x1020]  }
0x27e: {  	v8 =	vld [tilespmem:s26+$0x1040]  }
0x27f: {  	v9 =	vld [tilespmem:s26+$0x1050]  }
0x280: {  	v16 =	vimm.f32 $0.0e+00;
	v17 =	vimm.f32 $0.0e+00;
	v6 =	vld [tilespmem:s26+$0x1030]  }
0x281: {  	v15 =	vimm.f32 $0.0e+00;
	v13 =	vimm.f32 $0.0e+00;
	v1 =	vmul.f32 v1, v2  }
0x282: {  	v12 =	vimm.f32 $0.0e+00;
	v3 =	vmul.f32 v3, v2;
	v4 =	vmul.f32 v4, v2  }
0x283: {  	v14 =	vimm.f32 $0.0e+00;
	v21 =	vld [tilespmem:s26+$0x1060];
	v5 =	vmul.f32 v5, v2;
	v23 =	vmul.f32 v8, v2  }
0x284: {  	v22 =	vld [tilespmem:s26+$0x1070];
	v24 =	vmul.f32 v9, v2;
	v9 =	vimm.f32 $0.0e+00;
	v1 =	vadd.f32 v1, v12  }
0x285: {  	v20 =	vld [tilespmem:s26+$0x1400];
	v11 =	vadd.f32 v3, v12;
	v3 =	vmul.f32 v6, v2;
	v10 =	vadd.f32 v4, v12  }
0x286: {  	v19 =	vld [tilespmem:s26+$0x1410];
	v7 =	vadd.f32 v5, v12;
	v6 =	vimm.f32 $0.0e+00;
	v5 =	vimm.f32 $0.0e+00  }
0x287: {  	s29 =	simm.s32 $0x2;
	s28 =	simm.s32 $0x0;
	s0 =	simm.s32 $0x0;
	v18 =	vld [tilespmem:s26+$0x1420];
	v4 =	vimm.f32 $0.0e+00;
	v8 =	vadd.f32 v3, v12;
	v3 =	vimm.f32 $0.0e+00  }
.LBB2_31:
0x288: {  	p1 =	sne.s32 s29, $0x13;
	s0 =	smul.u32 $0xE000, s0;
	v12 =	vadd.f32 v23, v12;
	v21 =	vmul.f32 v21, v2;
	v23 =	vld [tilespmem:s26+$0x1430]  }
0x289: {  	v16 =	vadd.f32 v24, v16;
	v22 =	vmul.f32 v22, v2;
	v24 =	vld [tilespmem:s26+$0x1440]  }
0x28a: {  	s25 =	sadd.s32 $0x80, s25;
	s28 =	sadd.s32 $0x10, s28;
	s0 =	sshra.s32 s0, $0x2;
	v17 =	vadd.f32 v21, v17;
	v20 =	vmul.f32 v20, v2;
	v21 =	vld [tilespmem:s26+$0x1450]  }
0x28b: {  	s1 =	sand.u32 $0x1F0, s28;
	s30 =	sand.u32 $0x380, s25;
	s0 =	sadd.s32 s0, s24;
	v15 =	vadd.f32 v22, v15;
	v19 =	vmul.f32 v19, v2;
	v22 =	vld [tilespmem:s26+$0x1460]  }
0x28c: {  	v25 =	vld [tilespmem:s1+$0x16680];
	s26 =	sadd.s32 s30, s0;
	v14 =	vadd.f32 v20, v14;
	v18 =	vmul.f32 v18, v2  }
0x28d: {  	v20 =	vld [tilespmem:s26+$0x1470];
	v13 =	vadd.f32 v19, v13;
	v19 =	vmul.f32 v23, v2  }
0x28e: {  	v23 =	vld [tilespmem:s26+$0x1000];
	v9 =	vadd.f32 v18, v9;
	v18 =	vmul.f32 v24, v2  }
0x28f: {  	v24 =	vld [tilespmem:s26+$0x1010];
	v6 =	vadd.f32 v19, v6;
	v19 =	vmul.f32 v21, v2  }
0x290: {  	v26 =	vld [tilespmem:s26+$0x1020];
	v5 =	vadd.f32 v18, v5;
	v18 =	vmul.f32 v22, v2  }
0x291: {  	v27 =	vld [tilespmem:s26+$0x1030];
	v4 =	vadd.f32 v19, v4;
	v2 =	vmov v25  }
0x292: {  	v19 =	vld [tilespmem:s26+$0x1040];
	v20 =	vmul.f32 v20, v2;
	v3 =	vadd.f32 v18, v3  }
0x293: {  	v18 =	vmul.f32 v23, v2;
	v25 =	vld [tilespmem:s26+$0x1050]  }
.Ltmp15:
0x294: {  	v23 =	vmul.f32 v24, v2;
	v21 =	vld [tilespmem:s26+$0x1060];
	v1 =	vadd.f32 v20, v1;
	(pc) =	sbr.rel @p1 .LBB2_31-.Ltmp15, $4  }
0x295: {  	v11 =	vadd.f32 v18, v11;
	v18 =	vmul.f32 v26, v2;
	v22 =	vld [tilespmem:s26+$0x1070]  }
0x296: {  	v10 =	vadd.f32 v23, v10;
	v24 =	vmul.f32 v27, v2;
	v20 =	vld [tilespmem:s26+$0x1400]  }
0x297: {  	v7 =	vadd.f32 v18, v7;
	v23 =	vmul.f32 v19, v2;
	v19 =	vld [tilespmem:s26+$0x1410]  }
0x298: {  	s0 =	sshrl.u32 s29, $0x3;
	s29 =	sadd.s32 $0x1, s29;
	v8 =	vadd.f32 v24, v8;
	v24 =	vmul.f32 v25, v2;
	v18 =	vld [tilespmem:s26+$0x1420]  }
0x299: {  	s0 =	smul.u32 $0xE000, s0;
	v25 =	vld [tilespmem:s26+$0x1430]  }
0x29a: {  	v26 =	vld [tilespmem:s26+$0x1440]  }
0x29b: {  	v27 =	vld [tilespmem:s26+$0x1450];
	s1 =	sadd.s32 $0x80, s25;
	s31 =	sadd.s32 $0x10, s28;
	s0 =	sshra.s32 s0, $0x2  }
0x29c: {  	v28 =	vld [tilespmem:s26+$0x1460];
	s25 =	sand.u32 $0x1F0, s31;
	s1 =	sand.u32 $0x380, s1;
	s0 =	sadd.s32 s0, s24  }
0x29d: {  	v29 =	vld [tilespmem:s25+$0x16680];
	s0 =	sadd.s32 s1, s0  }
0x29e: {  	v30 =	vld [tilespmem:s0+$0x1470]  }
0x29f: {  	v31 =	vld [tilespmem:s0+$0x1000]  }
0x2a0: {  	v32 =	vld [tilespmem:s0+$0x1010]  }
0x2a1: {  	v33 =	vld [tilespmem:s0+$0x1020]  }
0x2a2: {  	v34 =	vld [tilespmem:s0+$0x1030]  }
0x2a3: {  	v35 =	vld [tilespmem:s0+$0x1040]  }
0x2a4: {  	v36 =	vld [tilespmem:s0+$0x1050]  }
0x2a5: {  	v37 =	vld [tilespmem:s0+$0x1060]  }
0x2a6: {  	v38 =	vld [tilespmem:s0+$0x1070]  }
0x2a7: {  	v21 =	vmul.f32 v21, v2;
	v39 =	vld [tilespmem:s0+$0x1400]  }
0x2a8: {  	v12 =	vadd.f32 v23, v12;
	v22 =	vmul.f32 v22, v2;
	v40 =	vld [tilespmem:s0+$0x1410]  }
0x2a9: {  	v17 =	vadd.f32 v21, v17;
	v20 =	vmul.f32 v20, v2;
	v23 =	vld [tilespmem:s0+$0x1420];
	v21 =	vmul.f32 v31, v29  }
0x2aa: {  	v16 =	vadd.f32 v24, v16;
	v15 =	vadd.f32 v22, v15;
	v24 =	vld [tilespmem:s0+$0x1430];
	v22 =	vmul.f32 v32, v29  }
0x2ab: {  	v14 =	vadd.f32 v20, v14;
	v62 =	vld [tilespmem:s0+$0x1440];
	v20 =	vmul.f32 v34, v29;
	v11 =	vadd.f32 v21, v11  }
0x2ac: {  	v63 =	vld [tilespmem:s0+$0x1450];
	v21 =	vmul.f32 v33, v29;
	v10 =	vadd.f32 v22, v10  }
0x2ad: {  	v19 =	vmul.f32 v19, v2;
	v22 =	vld [tilespmem:s0+$0x1460];
	v8 =	vadd.f32 v20, v8;
	[tilespmem:$0x17180] =	vst v11  }
0x2ae: {  	v7 =	vadd.f32 v21, v7;
	v11 =	vmul.f32 v35, v29;
	[tilespmem:$0x17190] =	vst v10  }
0x2af: {  	v13 =	vadd.f32 v19, v13;
	v10 =	vmul.f32 v18, v2;
	v18 =	vmul.f32 v36, v29;
	[tilespmem:$0x171B0] =	vst v8  }
0x2b0: {  	v8 =	vmul.f32 v38, v29;
	v11 =	vadd.f32 v11, v12;
	[tilespmem:$0x171A0] =	vst v7;
	v7 =	vmul.f32 v25, v2  }
0x2b1: {  	v12 =	vmul.f32 v37, v29;
	v9 =	vadd.f32 v10, v9;
	v10 =	vadd.f32 v18, v16  }
0x2b2: {  	v8 =	vadd.f32 v8, v15;
	v15 =	vmul.f32 v40, v29;
	[tilespmem:$0x171C0] =	vst v11;
	v11 =	vmul.f32 v39, v29  }
0x2b3: {  	v6 =	vadd.f32 v7, v6;
	v7 =	vadd.f32 v12, v17;
	v12 =	vmul.f32 v26, v2;
	[tilespmem:$0x171D0] =	vst v10  }
0x2b4: {  	v10 =	vmul.f32 v27, v2;
	[tilespmem:$0x171F0] =	vst v8;
	v11 =	vadd.f32 v11, v14;
	v14 =	vmul.f32 v23, v29  }
0x2b5: {  	[tilespmem:$0x171E0] =	vst v7;
	v5 =	vadd.f32 v12, v5;
	v7 =	vadd.f32 v15, v13;
	v12 =	vmul.f32 v24, v29  }
0x2b6: {  	v4 =	vadd.f32 v10, v4;
	v10 =	vmul.f32 v63, v29;
	v8 =	vadd.f32 v14, v9;
	[tilespmem:$0x17200] =	vst v11  }
0x2b7: {  	v2 =	vmul.f32 v28, v2;
	v9 =	vmul.f32 v62, v29;
	v6 =	vadd.f32 v12, v6;
	[tilespmem:$0x17210] =	vst v7  }
0x2b8: {  	v7 =	vmul.f32 v30, v29;
	v4 =	vadd.f32 v10, v4;
	[tilespmem:$0x17220] =	vst v8  }
0x2b9: {  	s30 =	simm.s32 $0x0;
	v2 =	vadd.f32 v2, v3;
	v3 =	vadd.f32 v9, v5;
	v5 =	vmul.f32 v22, v29;
	[tilespmem:$0x17230] =	vst v6  }
0x2ba: {  	s0 =	smul.u32 $0xE000, s30;
	v1 =	vadd.f32 v7, v1;
	[tilespmem:$0x17250] =	vst v4  }
0x2bb: {  	v2 =	vadd.f32 v5, v2;
	[tilespmem:$0x17240] =	vst v3  }
0x2bc: {  	s26 =	simm.s32 $0x0;
	s0 =	sshra.s32 s0, $0x2;
	[tilespmem:$0x17270] =	vst v1  }
0x2bd: {  	s31 =	sand.u32 $0x380, s26;
	s25 =	simm.s32 $0x167C0;
	s0 =	sadd.s32 s0, s24;
	[tilespmem:$0x17260] =	vst v2  }
0x2be: {  	s28 =	sadd.s32 s31, s0;
	v2 =	vld [tilespmem:s25+$0x0]  }
0x2bf: {  	v1 =	vld [tilespmem:s28+$0x1C70]  }
0x2c0: {  	v3 =	vld [tilespmem:s28+$0x1800]  }
0x2c1: {  	v4 =	vld [tilespmem:s28+$0x1810]  }
0x2c2: {  	v5 =	vld [tilespmem:s28+$0x1820]  }
0x2c3: {  	v8 =	vld [tilespmem:s28+$0x1840]  }
0x2c4: {  	v9 =	vld [tilespmem:s28+$0x1850]  }
0x2c5: {  	v16 =	vimm.f32 $0.0e+00;
	v17 =	vimm.f32 $0.0e+00;
	v6 =	vld [tilespmem:s28+$0x1830]  }
0x2c6: {  	v15 =	vimm.f32 $0.0e+00;
	v13 =	vimm.f32 $0.0e+00;
	v1 =	vmul.f32 v1, v2  }
0x2c7: {  	v12 =	vimm.f32 $0.0e+00;
	v3 =	vmul.f32 v3, v2;
	v4 =	vmul.f32 v4, v2  }
0x2c8: {  	v14 =	vimm.f32 $0.0e+00;
	v21 =	vld [tilespmem:s28+$0x1860];
	v5 =	vmul.f32 v5, v2;
	v23 =	vmul.f32 v8, v2  }
0x2c9: {  	v22 =	vld [tilespmem:s28+$0x1870];
	v24 =	vmul.f32 v9, v2;
	v9 =	vimm.f32 $0.0e+00;
	v1 =	vadd.f32 v1, v12  }
0x2ca: {  	v20 =	vld [tilespmem:s28+$0x1C00];
	v11 =	vadd.f32 v3, v12;
	v3 =	vmul.f32 v6, v2;
	v10 =	vadd.f32 v4, v12  }
0x2cb: {  	v19 =	vld [tilespmem:s28+$0x1C10];
	v7 =	vadd.f32 v5, v12;
	v6 =	vimm.f32 $0.0e+00;
	v5 =	vimm.f32 $0.0e+00  }
0x2cc: {  	s29 =	simm.s32 $0x2;
	s0 =	simm.s32 $0x0;
	v18 =	vld [tilespmem:s28+$0x1C20];
	v4 =	vimm.f32 $0.0e+00;
	v8 =	vadd.f32 v3, v12;
	v3 =	vimm.f32 $0.0e+00  }
.LBB2_33:
0x2cd: {  	p1 =	sne.s32 s29, $0x13;
	s0 =	smul.u32 $0xE000, s0;
	v12 =	vadd.f32 v23, v12;
	v21 =	vmul.f32 v21, v2;
	v23 =	vld [tilespmem:s28+$0x1C30]  }
0x2ce: {  	v16 =	vadd.f32 v24, v16;
	v22 =	vmul.f32 v22, v2;
	v24 =	vld [tilespmem:s28+$0x1C40]  }
0x2cf: {  	s26 =	sadd.s32 $0x80, s26;
	s0 =	sshra.s32 s0, $0x2;
	v17 =	vadd.f32 v21, v17;
	v20 =	vmul.f32 v20, v2;
	v21 =	vld [tilespmem:s28+$0x1C50]  }
0x2d0: {  	s25 =	sadd.s32 $0x10, s25;
	s1 =	sand.u32 $0x380, s26;
	s0 =	sadd.s32 s0, s24;
	v15 =	vadd.f32 v22, v15;
	v19 =	vmul.f32 v19, v2;
	v22 =	vld [tilespmem:s28+$0x1C60]  }
0x2d1: {  	v25 =	vld [tilespmem:s25+$0x0];
	s28 =	sadd.s32 s1, s0;
	v14 =	vadd.f32 v20, v14;
	v18 =	vmul.f32 v18, v2  }
0x2d2: {  	v20 =	vld [tilespmem:s28+$0x1C70];
	v13 =	vadd.f32 v19, v13;
	v19 =	vmul.f32 v23, v2  }
0x2d3: {  	v23 =	vld [tilespmem:s28+$0x1800];
	v9 =	vadd.f32 v18, v9;
	v18 =	vmul.f32 v24, v2  }
0x2d4: {  	v24 =	vld [tilespmem:s28+$0x1810];
	v6 =	vadd.f32 v19, v6;
	v19 =	vmul.f32 v21, v2  }
0x2d5: {  	v26 =	vld [tilespmem:s28+$0x1820];
	v5 =	vadd.f32 v18, v5;
	v18 =	vmul.f32 v22, v2  }
0x2d6: {  	v27 =	vld [tilespmem:s28+$0x1830];
	v4 =	vadd.f32 v19, v4;
	v2 =	vmov v25  }
0x2d7: {  	v19 =	vld [tilespmem:s28+$0x1840];
	v20 =	vmul.f32 v20, v2;
	v3 =	vadd.f32 v18, v3  }
0x2d8: {  	v18 =	vmul.f32 v23, v2;
	v25 =	vld [tilespmem:s28+$0x1850]  }
.Ltmp16:
0x2d9: {  	v23 =	vmul.f32 v24, v2;
	v21 =	vld [tilespmem:s28+$0x1860];
	v1 =	vadd.f32 v20, v1;
	(pc) =	sbr.rel @p1 .LBB2_33-.Ltmp16, $4  }
0x2da: {  	v11 =	vadd.f32 v18, v11;
	v18 =	vmul.f32 v26, v2;
	v22 =	vld [tilespmem:s28+$0x1870]  }
0x2db: {  	v10 =	vadd.f32 v23, v10;
	v24 =	vmul.f32 v27, v2;
	v20 =	vld [tilespmem:s28+$0x1C00]  }
0x2dc: {  	v7 =	vadd.f32 v18, v7;
	v23 =	vmul.f32 v19, v2;
	v19 =	vld [tilespmem:s28+$0x1C10]  }
0x2dd: {  	s0 =	sshrl.u32 s29, $0x3;
	s29 =	sadd.s32 $0x1, s29;
	v8 =	vadd.f32 v24, v8;
	v24 =	vmul.f32 v25, v2;
	v18 =	vld [tilespmem:s28+$0x1C20]  }
0x2de: {  	s0 =	smul.u32 $0xE000, s0;
	v25 =	vld [tilespmem:s28+$0x1C30]  }
0x2df: {  	v26 =	vld [tilespmem:s28+$0x1C40]  }
0x2e0: {  	v27 =	vld [tilespmem:s28+$0x1C50];
	s1 =	sadd.s32 $0x80, s26;
	s0 =	sshra.s32 s0, $0x2  }
0x2e1: {  	v28 =	vld [tilespmem:s28+$0x1C60];
	s25 =	sadd.s32 $0x10, s25;
	s1 =	sand.u32 $0x380, s1;
	s0 =	sadd.s32 s0, s24  }
0x2e2: {  	v29 =	vld [tilespmem:s25+$0x0];
	s0 =	sadd.s32 s1, s0  }
0x2e3: {  	v30 =	vld [tilespmem:s0+$0x1C70]  }
0x2e4: {  	v31 =	vld [tilespmem:s0+$0x1800]  }
0x2e5: {  	v32 =	vld [tilespmem:s0+$0x1810]  }
0x2e6: {  	v33 =	vld [tilespmem:s0+$0x1820]  }
0x2e7: {  	v34 =	vld [tilespmem:s0+$0x1830]  }
0x2e8: {  	v35 =	vld [tilespmem:s0+$0x1840]  }
0x2e9: {  	v36 =	vld [tilespmem:s0+$0x1850]  }
0x2ea: {  	v37 =	vld [tilespmem:s0+$0x1860]  }
0x2eb: {  	v38 =	vld [tilespmem:s0+$0x1870]  }
0x2ec: {  	v21 =	vmul.f32 v21, v2;
	v39 =	vld [tilespmem:s0+$0x1C00]  }
0x2ed: {  	v12 =	vadd.f32 v23, v12;
	v22 =	vmul.f32 v22, v2;
	v40 =	vld [tilespmem:s0+$0x1C10]  }
0x2ee: {  	v17 =	vadd.f32 v21, v17;
	v20 =	vmul.f32 v20, v2;
	v23 =	vld [tilespmem:s0+$0x1C20];
	v21 =	vmul.f32 v31, v29  }
0x2ef: {  	v16 =	vadd.f32 v24, v16;
	v15 =	vadd.f32 v22, v15;
	v24 =	vld [tilespmem:s0+$0x1C30];
	v22 =	vmul.f32 v32, v29  }
0x2f0: {  	v14 =	vadd.f32 v20, v14;
	v62 =	vld [tilespmem:s0+$0x1C40];
	v20 =	vmul.f32 v34, v29;
	v11 =	vadd.f32 v21, v11  }
0x2f1: {  	v63 =	vld [tilespmem:s0+$0x1C50];
	v21 =	vmul.f32 v33, v29;
	v10 =	vadd.f32 v22, v10  }
0x2f2: {  	v19 =	vmul.f32 v19, v2;
	v22 =	vld [tilespmem:s0+$0x1C60];
	v8 =	vadd.f32 v20, v8;
	[tilespmem:$0x17280] =	vst v11  }
0x2f3: {  	v7 =	vadd.f32 v21, v7;
	v11 =	vmul.f32 v35, v29;
	[tilespmem:$0x17290] =	vst v10  }
0x2f4: {  	v13 =	vadd.f32 v19, v13;
	v10 =	vmul.f32 v18, v2;
	v18 =	vmul.f32 v36, v29;
	[tilespmem:$0x172B0] =	vst v8  }
0x2f5: {  	v8 =	vmul.f32 v38, v29;
	v11 =	vadd.f32 v11, v12;
	[tilespmem:$0x172A0] =	vst v7;
	v7 =	vmul.f32 v25, v2  }
0x2f6: {  	v12 =	vmul.f32 v37, v29;
	v9 =	vadd.f32 v10, v9;
	v10 =	vadd.f32 v18, v16  }
0x2f7: {  	v8 =	vadd.f32 v8, v15;
	v15 =	vmul.f32 v40, v29;
	[tilespmem:$0x172C0] =	vst v11;
	v11 =	vmul.f32 v39, v29  }
0x2f8: {  	v6 =	vadd.f32 v7, v6;
	v7 =	vadd.f32 v12, v17;
	v12 =	vmul.f32 v26, v2;
	[tilespmem:$0x172D0] =	vst v10  }
0x2f9: {  	v10 =	vmul.f32 v27, v2;
	[tilespmem:$0x172F0] =	vst v8;
	v11 =	vadd.f32 v11, v14;
	v14 =	vmul.f32 v23, v29  }
0x2fa: {  	[tilespmem:$0x172E0] =	vst v7;
	v5 =	vadd.f32 v12, v5;
	v7 =	vadd.f32 v15, v13;
	v12 =	vmul.f32 v24, v29  }
0x2fb: {  	v4 =	vadd.f32 v10, v4;
	v10 =	vmul.f32 v63, v29;
	v8 =	vadd.f32 v14, v9;
	[tilespmem:$0x17300] =	vst v11  }
0x2fc: {  	v2 =	vmul.f32 v28, v2;
	v9 =	vmul.f32 v62, v29;
	v6 =	vadd.f32 v12, v6;
	[tilespmem:$0x17310] =	vst v7  }
0x2fd: {  	v7 =	vmul.f32 v30, v29;
	v4 =	vadd.f32 v10, v4;
	[tilespmem:$0x17320] =	vst v8  }
0x2fe: {  	s26 =	simm.s32 $0x0;
	v2 =	vadd.f32 v2, v3;
	v3 =	vadd.f32 v9, v5;
	v5 =	vmul.f32 v22, v29;
	[tilespmem:$0x17330] =	vst v6  }
0x2ff: {  	s0 =	smul.u32 $0xE000, s26;
	v1 =	vadd.f32 v7, v1;
	[tilespmem:$0x17350] =	vst v4  }
0x300: {  	v2 =	vadd.f32 v5, v2;
	[tilespmem:$0x17340] =	vst v3  }
0x301: {  	s25 =	simm.s32 $0x0;
	s0 =	sshra.s32 s0, $0x2;
	[tilespmem:$0x17370] =	vst v1  }
0x302: {  	s30 =	sand.u32 $0x1F0, s25;
	s31 =	sand.u32 $0x380, s25;
	s0 =	sadd.s32 s0, s24;
	[tilespmem:$0x17360] =	vst v2  }
0x303: {  	s26 =	sadd.s32 s31, s0;
	v2 =	vld [tilespmem:s30+$0x16900]  }
0x304: {  	v1 =	vld [tilespmem:s26+$0x2470]  }
0x305: {  	v3 =	vld [tilespmem:s26+$0x2000]  }
0x306: {  	v4 =	vld [tilespmem:s26+$0x2010]  }
0x307: {  	v5 =	vld [tilespmem:s26+$0x2020]  }
0x308: {  	v8 =	vld [tilespmem:s26+$0x2040]  }
0x309: {  	v9 =	vld [tilespmem:s26+$0x2050]  }
0x30a: {  	v16 =	vimm.f32 $0.0e+00;
	v17 =	vimm.f32 $0.0e+00;
	v6 =	vld [tilespmem:s26+$0x2030]  }
0x30b: {  	v15 =	vimm.f32 $0.0e+00;
	v13 =	vimm.f32 $0.0e+00;
	v1 =	vmul.f32 v1, v2  }
0x30c: {  	v12 =	vimm.f32 $0.0e+00;
	v3 =	vmul.f32 v3, v2;
	v4 =	vmul.f32 v4, v2  }
0x30d: {  	v14 =	vimm.f32 $0.0e+00;
	v21 =	vld [tilespmem:s26+$0x2060];
	v5 =	vmul.f32 v5, v2;
	v23 =	vmul.f32 v8, v2  }
0x30e: {  	v22 =	vld [tilespmem:s26+$0x2070];
	v24 =	vmul.f32 v9, v2;
	v9 =	vimm.f32 $0.0e+00;
	v1 =	vadd.f32 v1, v12  }
0x30f: {  	v20 =	vld [tilespmem:s26+$0x2400];
	v11 =	vadd.f32 v3, v12;
	v3 =	vmul.f32 v6, v2;
	v10 =	vadd.f32 v4, v12  }
0x310: {  	v19 =	vld [tilespmem:s26+$0x2410];
	v7 =	vadd.f32 v5, v12;
	v6 =	vimm.f32 $0.0e+00;
	v5 =	vimm.f32 $0.0e+00  }
0x311: {  	s29 =	simm.s32 $0x2;
	s28 =	simm.s32 $0x0;
	s0 =	simm.s32 $0x0;
	v18 =	vld [tilespmem:s26+$0x2420];
	v4 =	vimm.f32 $0.0e+00;
	v8 =	vadd.f32 v3, v12;
	v3 =	vimm.f32 $0.0e+00  }
.LBB2_35:
0x312: {  	p1 =	sne.s32 s29, $0x13;
	s0 =	smul.u32 $0xE000, s0;
	v12 =	vadd.f32 v23, v12;
	v21 =	vmul.f32 v21, v2;
	v23 =	vld [tilespmem:s26+$0x2430]  }
0x313: {  	v16 =	vadd.f32 v24, v16;
	v22 =	vmul.f32 v22, v2;
	v24 =	vld [tilespmem:s26+$0x2440]  }
0x314: {  	s25 =	sadd.s32 $0x80, s25;
	s28 =	sadd.s32 $0x10, s28;
	s0 =	sshra.s32 s0, $0x2;
	v17 =	vadd.f32 v21, v17;
	v20 =	vmul.f32 v20, v2;
	v21 =	vld [tilespmem:s26+$0x2450]  }
0x315: {  	s1 =	sand.u32 $0x1F0, s28;
	s30 =	sand.u32 $0x380, s25;
	s0 =	sadd.s32 s0, s24;
	v15 =	vadd.f32 v22, v15;
	v19 =	vmul.f32 v19, v2;
	v22 =	vld [tilespmem:s26+$0x2460]  }
0x316: {  	v25 =	vld [tilespmem:s1+$0x16900];
	s26 =	sadd.s32 s30, s0;
	v14 =	vadd.f32 v20, v14;
	v18 =	vmul.f32 v18, v2  }
0x317: {  	v20 =	vld [tilespmem:s26+$0x2470];
	v13 =	vadd.f32 v19, v13;
	v19 =	vmul.f32 v23, v2  }
0x318: {  	v23 =	vld [tilespmem:s26+$0x2000];
	v9 =	vadd.f32 v18, v9;
	v18 =	vmul.f32 v24, v2  }
0x319: {  	v24 =	vld [tilespmem:s26+$0x2010];
	v6 =	vadd.f32 v19, v6;
	v19 =	vmul.f32 v21, v2  }
0x31a: {  	v26 =	vld [tilespmem:s26+$0x2020];
	v5 =	vadd.f32 v18, v5;
	v18 =	vmul.f32 v22, v2  }
0x31b: {  	v27 =	vld [tilespmem:s26+$0x2030];
	v4 =	vadd.f32 v19, v4;
	v2 =	vmov v25  }
0x31c: {  	v19 =	vld [tilespmem:s26+$0x2040];
	v20 =	vmul.f32 v20, v2;
	v3 =	vadd.f32 v18, v3  }
0x31d: {  	v18 =	vmul.f32 v23, v2;
	v25 =	vld [tilespmem:s26+$0x2050]  }
.Ltmp17:
0x31e: {  	v23 =	vmul.f32 v24, v2;
	v21 =	vld [tilespmem:s26+$0x2060];
	v1 =	vadd.f32 v20, v1;
	(pc) =	sbr.rel @p1 .LBB2_35-.Ltmp17, $4  }
0x31f: {  	v11 =	vadd.f32 v18, v11;
	v18 =	vmul.f32 v26, v2;
	v22 =	vld [tilespmem:s26+$0x2070]  }
0x320: {  	v10 =	vadd.f32 v23, v10;
	v24 =	vmul.f32 v27, v2;
	v20 =	vld [tilespmem:s26+$0x2400]  }
0x321: {  	v7 =	vadd.f32 v18, v7;
	v23 =	vmul.f32 v19, v2;
	v19 =	vld [tilespmem:s26+$0x2410]  }
0x322: {  	s0 =	sshrl.u32 s29, $0x3;
	s29 =	sadd.s32 $0x1, s29;
	v8 =	vadd.f32 v24, v8;
	v24 =	vmul.f32 v25, v2;
	v18 =	vld [tilespmem:s26+$0x2420]  }
0x323: {  	s0 =	smul.u32 $0xE000, s0;
	v25 =	vld [tilespmem:s26+$0x2430]  }
0x324: {  	v26 =	vld [tilespmem:s26+$0x2440]  }
0x325: {  	v27 =	vld [tilespmem:s26+$0x2450];
	s1 =	sadd.s32 $0x80, s25;
	s31 =	sadd.s32 $0x10, s28;
	s0 =	sshra.s32 s0, $0x2  }
0x326: {  	v28 =	vld [tilespmem:s26+$0x2460];
	s25 =	sand.u32 $0x1F0, s31;
	s1 =	sand.u32 $0x380, s1;
	s0 =	sadd.s32 s0, s24  }
0x327: {  	v29 =	vld [tilespmem:s25+$0x16900];
	s0 =	sadd.s32 s1, s0  }
0x328: {  	v30 =	vld [tilespmem:s0+$0x2470]  }
0x329: {  	v31 =	vld [tilespmem:s0+$0x2000]  }
0x32a: {  	v32 =	vld [tilespmem:s0+$0x2010]  }
0x32b: {  	v33 =	vld [tilespmem:s0+$0x2020]  }
0x32c: {  	v34 =	vld [tilespmem:s0+$0x2030]  }
0x32d: {  	v35 =	vld [tilespmem:s0+$0x2040]  }
0x32e: {  	v36 =	vld [tilespmem:s0+$0x2050]  }
0x32f: {  	v37 =	vld [tilespmem:s0+$0x2060]  }
0x330: {  	v38 =	vld [tilespmem:s0+$0x2070]  }
0x331: {  	v21 =	vmul.f32 v21, v2;
	v39 =	vld [tilespmem:s0+$0x2400]  }
0x332: {  	v12 =	vadd.f32 v23, v12;
	v22 =	vmul.f32 v22, v2;
	v40 =	vld [tilespmem:s0+$0x2410]  }
0x333: {  	v17 =	vadd.f32 v21, v17;
	v20 =	vmul.f32 v20, v2;
	v23 =	vld [tilespmem:s0+$0x2420];
	v21 =	vmul.f32 v31, v29  }
0x334: {  	v16 =	vadd.f32 v24, v16;
	v15 =	vadd.f32 v22, v15;
	v24 =	vld [tilespmem:s0+$0x2430];
	v22 =	vmul.f32 v32, v29  }
0x335: {  	v14 =	vadd.f32 v20, v14;
	v62 =	vld [tilespmem:s0+$0x2440];
	v20 =	vmul.f32 v34, v29;
	v11 =	vadd.f32 v21, v11  }
0x336: {  	v63 =	vld [tilespmem:s0+$0x2450];
	v21 =	vmul.f32 v33, v29;
	v10 =	vadd.f32 v22, v10  }
0x337: {  	v19 =	vmul.f32 v19, v2;
	v22 =	vld [tilespmem:s0+$0x2460];
	v8 =	vadd.f32 v20, v8;
	[tilespmem:$0x17380] =	vst v11  }
0x338: {  	v7 =	vadd.f32 v21, v7;
	v11 =	vmul.f32 v35, v29;
	[tilespmem:$0x17390] =	vst v10  }
0x339: {  	v13 =	vadd.f32 v19, v13;
	v10 =	vmul.f32 v18, v2;
	v18 =	vmul.f32 v36, v29;
	[tilespmem:$0x173B0] =	vst v8  }
0x33a: {  	v8 =	vmul.f32 v38, v29;
	v11 =	vadd.f32 v11, v12;
	[tilespmem:$0x173A0] =	vst v7;
	v7 =	vmul.f32 v25, v2  }
0x33b: {  	v12 =	vmul.f32 v37, v29;
	v9 =	vadd.f32 v10, v9;
	v10 =	vadd.f32 v18, v16  }
0x33c: {  	v8 =	vadd.f32 v8, v15;
	v15 =	vmul.f32 v40, v29;
	[tilespmem:$0x173C0] =	vst v11;
	v11 =	vmul.f32 v39, v29  }
0x33d: {  	v6 =	vadd.f32 v7, v6;
	v7 =	vadd.f32 v12, v17;
	v12 =	vmul.f32 v26, v2;
	[tilespmem:$0x173D0] =	vst v10  }
0x33e: {  	v10 =	vmul.f32 v27, v2;
	[tilespmem:$0x173F0] =	vst v8;
	v11 =	vadd.f32 v11, v14;
	v14 =	vmul.f32 v23, v29  }
0x33f: {  	[tilespmem:$0x173E0] =	vst v7;
	v5 =	vadd.f32 v12, v5;
	v7 =	vadd.f32 v15, v13;
	v12 =	vmul.f32 v24, v29  }
0x340: {  	v4 =	vadd.f32 v10, v4;
	v10 =	vmul.f32 v63, v29;
	v8 =	vadd.f32 v14, v9;
	[tilespmem:$0x17400] =	vst v11  }
0x341: {  	v2 =	vmul.f32 v28, v2;
	v9 =	vmul.f32 v62, v29;
	v6 =	vadd.f32 v12, v6;
	[tilespmem:$0x17410] =	vst v7  }
0x342: {  	v7 =	vmul.f32 v30, v29;
	v4 =	vadd.f32 v10, v4;
	[tilespmem:$0x17420] =	vst v8  }
0x343: {  	s30 =	simm.s32 $0x0;
	v2 =	vadd.f32 v2, v3;
	v3 =	vadd.f32 v9, v5;
	v5 =	vmul.f32 v22, v29;
	[tilespmem:$0x17430] =	vst v6  }
0x344: {  	s0 =	smul.u32 $0xE000, s30;
	v1 =	vadd.f32 v7, v1;
	[tilespmem:$0x17450] =	vst v4  }
0x345: {  	v2 =	vadd.f32 v5, v2;
	[tilespmem:$0x17440] =	vst v3  }
0x346: {  	s26 =	simm.s32 $0x0;
	s0 =	sshra.s32 s0, $0x2;
	[tilespmem:$0x17470] =	vst v1  }
0x347: {  	s31 =	sand.u32 $0x380, s26;
	s25 =	simm.s32 $0x16A40;
	s0 =	sadd.s32 s0, s24;
	[tilespmem:$0x17460] =	vst v2  }
0x348: {  	s28 =	sadd.s32 s31, s0;
	v2 =	vld [tilespmem:s25+$0x0]  }
0x349: {  	v1 =	vld [tilespmem:s28+$0x2C70]  }
0x34a: {  	v3 =	vld [tilespmem:s28+$0x2800]  }
0x34b: {  	v4 =	vld [tilespmem:s28+$0x2810]  }
0x34c: {  	v5 =	vld [tilespmem:s28+$0x2820]  }
0x34d: {  	v8 =	vld [tilespmem:s28+$0x2840]  }
0x34e: {  	v9 =	vld [tilespmem:s28+$0x2850]  }
0x34f: {  	v16 =	vimm.f32 $0.0e+00;
	v17 =	vimm.f32 $0.0e+00;
	v6 =	vld [tilespmem:s28+$0x2830]  }
0x350: {  	v15 =	vimm.f32 $0.0e+00;
	v13 =	vimm.f32 $0.0e+00;
	v1 =	vmul.f32 v1, v2  }
0x351: {  	v12 =	vimm.f32 $0.0e+00;
	v3 =	vmul.f32 v3, v2;
	v4 =	vmul.f32 v4, v2  }
0x352: {  	v14 =	vimm.f32 $0.0e+00;
	v21 =	vld [tilespmem:s28+$0x2860];
	v5 =	vmul.f32 v5, v2;
	v23 =	vmul.f32 v8, v2  }
0x353: {  	v22 =	vld [tilespmem:s28+$0x2870];
	v24 =	vmul.f32 v9, v2;
	v9 =	vimm.f32 $0.0e+00;
	v1 =	vadd.f32 v1, v12  }
0x354: {  	v20 =	vld [tilespmem:s28+$0x2C00];
	v11 =	vadd.f32 v3, v12;
	v3 =	vmul.f32 v6, v2;
	v10 =	vadd.f32 v4, v12  }
0x355: {  	v19 =	vld [tilespmem:s28+$0x2C10];
	v7 =	vadd.f32 v5, v12;
	v6 =	vimm.f32 $0.0e+00;
	v5 =	vimm.f32 $0.0e+00  }
0x356: {  	s29 =	simm.s32 $0x2;
	s0 =	simm.s32 $0x0;
	v18 =	vld [tilespmem:s28+$0x2C20];
	v4 =	vimm.f32 $0.0e+00;
	v8 =	vadd.f32 v3, v12;
	v3 =	vimm.f32 $0.0e+00  }
.LBB2_37:
0x357: {  	p1 =	sne.s32 s29, $0x13;
	s0 =	smul.u32 $0xE000, s0;
	v12 =	vadd.f32 v23, v12;
	v21 =	vmul.f32 v21, v2;
	v23 =	vld [tilespmem:s28+$0x2C30]  }
0x358: {  	v16 =	vadd.f32 v24, v16;
	v22 =	vmul.f32 v22, v2;
	v24 =	vld [tilespmem:s28+$0x2C40]  }
0x359: {  	s26 =	sadd.s32 $0x80, s26;
	s0 =	sshra.s32 s0, $0x2;
	v17 =	vadd.f32 v21, v17;
	v20 =	vmul.f32 v20, v2;
	v21 =	vld [tilespmem:s28+$0x2C50]  }
0x35a: {  	s25 =	sadd.s32 $0x10, s25;
	s1 =	sand.u32 $0x380, s26;
	s0 =	sadd.s32 s0, s24;
	v15 =	vadd.f32 v22, v15;
	v19 =	vmul.f32 v19, v2;
	v22 =	vld [tilespmem:s28+$0x2C60]  }
0x35b: {  	v25 =	vld [tilespmem:s25+$0x0];
	s28 =	sadd.s32 s1, s0;
	v14 =	vadd.f32 v20, v14;
	v18 =	vmul.f32 v18, v2  }
0x35c: {  	v20 =	vld [tilespmem:s28+$0x2C70];
	v13 =	vadd.f32 v19, v13;
	v19 =	vmul.f32 v23, v2  }
0x35d: {  	v23 =	vld [tilespmem:s28+$0x2800];
	v9 =	vadd.f32 v18, v9;
	v18 =	vmul.f32 v24, v2  }
0x35e: {  	v24 =	vld [tilespmem:s28+$0x2810];
	v6 =	vadd.f32 v19, v6;
	v19 =	vmul.f32 v21, v2  }
0x35f: {  	v26 =	vld [tilespmem:s28+$0x2820];
	v5 =	vadd.f32 v18, v5;
	v18 =	vmul.f32 v22, v2  }
0x360: {  	v27 =	vld [tilespmem:s28+$0x2830];
	v4 =	vadd.f32 v19, v4;
	v2 =	vmov v25  }
0x361: {  	v19 =	vld [tilespmem:s28+$0x2840];
	v20 =	vmul.f32 v20, v2;
	v3 =	vadd.f32 v18, v3  }
0x362: {  	v18 =	vmul.f32 v23, v2;
	v25 =	vld [tilespmem:s28+$0x2850]  }
.Ltmp18:
0x363: {  	v23 =	vmul.f32 v24, v2;
	v21 =	vld [tilespmem:s28+$0x2860];
	v1 =	vadd.f32 v20, v1;
	(pc) =	sbr.rel @p1 .LBB2_37-.Ltmp18, $4  }
0x364: {  	v11 =	vadd.f32 v18, v11;
	v18 =	vmul.f32 v26, v2;
	v22 =	vld [tilespmem:s28+$0x2870]  }
0x365: {  	v10 =	vadd.f32 v23, v10;
	v24 =	vmul.f32 v27, v2;
	v20 =	vld [tilespmem:s28+$0x2C00]  }
0x366: {  	v7 =	vadd.f32 v18, v7;
	v23 =	vmul.f32 v19, v2;
	v19 =	vld [tilespmem:s28+$0x2C10]  }
0x367: {  	s0 =	sshrl.u32 s29, $0x3;
	s29 =	sadd.s32 $0x1, s29;
	v8 =	vadd.f32 v24, v8;
	v24 =	vmul.f32 v25, v2;
	v18 =	vld [tilespmem:s28+$0x2C20]  }
0x368: {  	s0 =	smul.u32 $0xE000, s0;
	v25 =	vld [tilespmem:s28+$0x2C30]  }
0x369: {  	v26 =	vld [tilespmem:s28+$0x2C40]  }
0x36a: {  	v27 =	vld [tilespmem:s28+$0x2C50];
	s1 =	sadd.s32 $0x80, s26;
	s0 =	sshra.s32 s0, $0x2  }
0x36b: {  	v28 =	vld [tilespmem:s28+$0x2C60];
	s25 =	sadd.s32 $0x10, s25;
	s1 =	sand.u32 $0x380, s1;
	s0 =	sadd.s32 s0, s24  }
0x36c: {  	v29 =	vld [tilespmem:s25+$0x0];
	s0 =	sadd.s32 s1, s0  }
0x36d: {  	v30 =	vld [tilespmem:s0+$0x2C70]  }
0x36e: {  	v31 =	vld [tilespmem:s0+$0x2800]  }
0x36f: {  	v32 =	vld [tilespmem:s0+$0x2810]  }
0x370: {  	v33 =	vld [tilespmem:s0+$0x2820]  }
0x371: {  	v34 =	vld [tilespmem:s0+$0x2830]  }
0x372: {  	v35 =	vld [tilespmem:s0+$0x2840]  }
0x373: {  	v36 =	vld [tilespmem:s0+$0x2850]  }
0x374: {  	v37 =	vld [tilespmem:s0+$0x2860]  }
0x375: {  	v38 =	vld [tilespmem:s0+$0x2870]  }
0x376: {  	v21 =	vmul.f32 v21, v2;
	v39 =	vld [tilespmem:s0+$0x2C00]  }
0x377: {  	v12 =	vadd.f32 v23, v12;
	v22 =	vmul.f32 v22, v2;
	v40 =	vld [tilespmem:s0+$0x2C10]  }
0x378: {  	v17 =	vadd.f32 v21, v17;
	v20 =	vmul.f32 v20, v2;
	v23 =	vld [tilespmem:s0+$0x2C20];
	v21 =	vmul.f32 v31, v29  }
0x379: {  	v16 =	vadd.f32 v24, v16;
	v15 =	vadd.f32 v22, v15;
	v24 =	vld [tilespmem:s0+$0x2C30];
	v22 =	vmul.f32 v32, v29  }
0x37a: {  	v14 =	vadd.f32 v20, v14;
	v62 =	vld [tilespmem:s0+$0x2C40];
	v20 =	vmul.f32 v34, v29;
	v11 =	vadd.f32 v21, v11  }
0x37b: {  	v63 =	vld [tilespmem:s0+$0x2C50];
	v21 =	vmul.f32 v33, v29;
	v10 =	vadd.f32 v22, v10  }
0x37c: {  	v19 =	vmul.f32 v19, v2;
	v22 =	vld [tilespmem:s0+$0x2C60];
	v8 =	vadd.f32 v20, v8;
	[tilespmem:$0x17480] =	vst v11  }
0x37d: {  	v7 =	vadd.f32 v21, v7;
	v11 =	vmul.f32 v35, v29;
	[tilespmem:$0x17490] =	vst v10  }
0x37e: {  	v13 =	vadd.f32 v19, v13;
	v10 =	vmul.f32 v18, v2;
	v18 =	vmul.f32 v36, v29;
	[tilespmem:$0x174B0] =	vst v8  }
0x37f: {  	v8 =	vmul.f32 v38, v29;
	v11 =	vadd.f32 v11, v12;
	[tilespmem:$0x174A0] =	vst v7;
	v7 =	vmul.f32 v25, v2  }
0x380: {  	v12 =	vmul.f32 v37, v29;
	v9 =	vadd.f32 v10, v9;
	v10 =	vadd.f32 v18, v16  }
0x381: {  	v8 =	vadd.f32 v8, v15;
	v15 =	vmul.f32 v40, v29;
	[tilespmem:$0x174C0] =	vst v11;
	v11 =	vmul.f32 v39, v29  }
0x382: {  	v6 =	vadd.f32 v7, v6;
	v7 =	vadd.f32 v12, v17;
	v12 =	vmul.f32 v26, v2;
	[tilespmem:$0x174D0] =	vst v10  }
0x383: {  	v10 =	vmul.f32 v27, v2;
	[tilespmem:$0x174F0] =	vst v8;
	v11 =	vadd.f32 v11, v14;
	v14 =	vmul.f32 v23, v29  }
0x384: {  	[tilespmem:$0x174E0] =	vst v7;
	v5 =	vadd.f32 v12, v5;
	v7 =	vadd.f32 v15, v13;
	v12 =	vmul.f32 v24, v29  }
0x385: {  	v4 =	vadd.f32 v10, v4;
	v10 =	vmul.f32 v63, v29;
	v8 =	vadd.f32 v14, v9;
	[tilespmem:$0x17500] =	vst v11  }
0x386: {  	v2 =	vmul.f32 v28, v2;
	v9 =	vmul.f32 v62, v29;
	v6 =	vadd.f32 v12, v6;
	[tilespmem:$0x17510] =	vst v7  }
0x387: {  	v7 =	vmul.f32 v30, v29;
	v4 =	vadd.f32 v10, v4;
	[tilespmem:$0x17520] =	vst v8  }
0x388: {  	s26 =	simm.s32 $0x0;
	v2 =	vadd.f32 v2, v3;
	v3 =	vadd.f32 v9, v5;
	v5 =	vmul.f32 v22, v29;
	[tilespmem:$0x17530] =	vst v6  }
0x389: {  	s0 =	smul.u32 $0xE000, s26;
	v1 =	vadd.f32 v7, v1;
	[tilespmem:$0x17550] =	vst v4  }
0x38a: {  	v2 =	vadd.f32 v5, v2;
	[tilespmem:$0x17540] =	vst v3  }
0x38b: {  	s25 =	simm.s32 $0x0;
	s0 =	sshra.s32 s0, $0x2;
	[tilespmem:$0x17570] =	vst v1  }
0x38c: {  	s30 =	sand.u32 $0x1F0, s25;
	s31 =	sand.u32 $0x380, s25;
	s0 =	sadd.s32 s0, s24;
	[tilespmem:$0x17560] =	vst v2  }
0x38d: {  	s26 =	sadd.s32 s31, s0;
	v2 =	vld [tilespmem:s30+$0x16B80]  }
0x38e: {  	v1 =	vld [tilespmem:s26+$0x3470]  }
0x38f: {  	v3 =	vld [tilespmem:s26+$0x3000]  }
0x390: {  	v4 =	vld [tilespmem:s26+$0x3010]  }
0x391: {  	v5 =	vld [tilespmem:s26+$0x3020]  }
0x392: {  	v8 =	vld [tilespmem:s26+$0x3040]  }
0x393: {  	v9 =	vld [tilespmem:s26+$0x3050]  }
0x394: {  	v16 =	vimm.f32 $0.0e+00;
	v17 =	vimm.f32 $0.0e+00;
	v6 =	vld [tilespmem:s26+$0x3030]  }
0x395: {  	v15 =	vimm.f32 $0.0e+00;
	v13 =	vimm.f32 $0.0e+00;
	v1 =	vmul.f32 v1, v2  }
0x396: {  	v12 =	vimm.f32 $0.0e+00;
	v3 =	vmul.f32 v3, v2;
	v4 =	vmul.f32 v4, v2  }
0x397: {  	v14 =	vimm.f32 $0.0e+00;
	v21 =	vld [tilespmem:s26+$0x3060];
	v5 =	vmul.f32 v5, v2;
	v23 =	vmul.f32 v8, v2  }
0x398: {  	v22 =	vld [tilespmem:s26+$0x3070];
	v24 =	vmul.f32 v9, v2;
	v9 =	vimm.f32 $0.0e+00;
	v1 =	vadd.f32 v1, v12  }
0x399: {  	v20 =	vld [tilespmem:s26+$0x3400];
	v11 =	vadd.f32 v3, v12;
	v3 =	vmul.f32 v6, v2;
	v10 =	vadd.f32 v4, v12  }
0x39a: {  	v19 =	vld [tilespmem:s26+$0x3410];
	v7 =	vadd.f32 v5, v12;
	v6 =	vimm.f32 $0.0e+00;
	v5 =	vimm.f32 $0.0e+00  }
0x39b: {  	s29 =	simm.s32 $0x2;
	s28 =	simm.s32 $0x0;
	s0 =	simm.s32 $0x0;
	v18 =	vld [tilespmem:s26+$0x3420];
	v4 =	vimm.f32 $0.0e+00;
	v8 =	vadd.f32 v3, v12;
	v3 =	vimm.f32 $0.0e+00  }
.LBB2_39:
0x39c: {  	p1 =	sne.s32 s29, $0x13;
	s0 =	smul.u32 $0xE000, s0;
	v12 =	vadd.f32 v23, v12;
	v21 =	vmul.f32 v21, v2;
	v23 =	vld [tilespmem:s26+$0x3430]  }
0x39d: {  	v16 =	vadd.f32 v24, v16;
	v22 =	vmul.f32 v22, v2;
	v24 =	vld [tilespmem:s26+$0x3440]  }
0x39e: {  	s25 =	sadd.s32 $0x80, s25;
	s28 =	sadd.s32 $0x10, s28;
	s0 =	sshra.s32 s0, $0x2;
	v17 =	vadd.f32 v21, v17;
	v20 =	vmul.f32 v20, v2;
	v21 =	vld [tilespmem:s26+$0x3450]  }
0x39f: {  	s1 =	sand.u32 $0x1F0, s28;
	s30 =	sand.u32 $0x380, s25;
	s0 =	sadd.s32 s0, s24;
	v15 =	vadd.f32 v22, v15;
	v19 =	vmul.f32 v19, v2;
	v22 =	vld [tilespmem:s26+$0x3460]  }
0x3a0: {  	v25 =	vld [tilespmem:s1+$0x16B80];
	s26 =	sadd.s32 s30, s0;
	v14 =	vadd.f32 v20, v14;
	v18 =	vmul.f32 v18, v2  }
0x3a1: {  	v20 =	vld [tilespmem:s26+$0x3470];
	v13 =	vadd.f32 v19, v13;
	v19 =	vmul.f32 v23, v2  }
0x3a2: {  	v23 =	vld [tilespmem:s26+$0x3000];
	v9 =	vadd.f32 v18, v9;
	v18 =	vmul.f32 v24, v2  }
0x3a3: {  	v24 =	vld [tilespmem:s26+$0x3010];
	v6 =	vadd.f32 v19, v6;
	v19 =	vmul.f32 v21, v2  }
0x3a4: {  	v26 =	vld [tilespmem:s26+$0x3020];
	v5 =	vadd.f32 v18, v5;
	v18 =	vmul.f32 v22, v2  }
0x3a5: {  	v27 =	vld [tilespmem:s26+$0x3030];
	v4 =	vadd.f32 v19, v4;
	v2 =	vmov v25  }
0x3a6: {  	v19 =	vld [tilespmem:s26+$0x3040];
	v20 =	vmul.f32 v20, v2;
	v3 =	vadd.f32 v18, v3  }
0x3a7: {  	v18 =	vmul.f32 v23, v2;
	v25 =	vld [tilespmem:s26+$0x3050]  }
.Ltmp19:
0x3a8: {  	v23 =	vmul.f32 v24, v2;
	v21 =	vld [tilespmem:s26+$0x3060];
	v1 =	vadd.f32 v20, v1;
	(pc) =	sbr.rel @p1 .LBB2_39-.Ltmp19, $4  }
0x3a9: {  	v11 =	vadd.f32 v18, v11;
	v18 =	vmul.f32 v26, v2;
	v22 =	vld [tilespmem:s26+$0x3070]  }
0x3aa: {  	v10 =	vadd.f32 v23, v10;
	v24 =	vmul.f32 v27, v2;
	v20 =	vld [tilespmem:s26+$0x3400]  }
0x3ab: {  	v7 =	vadd.f32 v18, v7;
	v23 =	vmul.f32 v19, v2;
	v19 =	vld [tilespmem:s26+$0x3410]  }
0x3ac: {  	s0 =	sshrl.u32 s29, $0x3;
	s29 =	sadd.s32 $0x1, s29;
	v8 =	vadd.f32 v24, v8;
	v24 =	vmul.f32 v25, v2;
	v18 =	vld [tilespmem:s26+$0x3420]  }
0x3ad: {  	s0 =	smul.u32 $0xE000, s0;
	v25 =	vld [tilespmem:s26+$0x3430]  }
0x3ae: {  	v26 =	vld [tilespmem:s26+$0x3440]  }
0x3af: {  	v27 =	vld [tilespmem:s26+$0x3450];
	s1 =	sadd.s32 $0x80, s25;
	s29 =	sadd.s32 $0x10, s28;
	s0 =	sshra.s32 s0, $0x2  }
0x3b0: {  	v28 =	vld [tilespmem:s26+$0x3460];
	s25 =	sand.u32 $0x1F0, s29;
	s1 =	sand.u32 $0x380, s1;
	s0 =	sadd.s32 s0, s24  }
0x3b1: {  	v29 =	vld [tilespmem:s25+$0x16B80];
	s0 =	sadd.s32 s1, s0  }
0x3b2: {  	v30 =	vld [tilespmem:s0+$0x3470]  }
0x3b3: {  	v31 =	vld [tilespmem:s0+$0x3000]  }
0x3b4: {  	v32 =	vld [tilespmem:s0+$0x3010]  }
0x3b5: {  	v33 =	vld [tilespmem:s0+$0x3020]  }
0x3b6: {  	v34 =	vld [tilespmem:s0+$0x3030]  }
0x3b7: {  	v35 =	vld [tilespmem:s0+$0x3040]  }
0x3b8: {  	v36 =	vld [tilespmem:s0+$0x3050]  }
0x3b9: {  	v37 =	vld [tilespmem:s0+$0x3060]  }
0x3ba: {  	v38 =	vld [tilespmem:s0+$0x3070]  }
0x3bb: {  	v21 =	vmul.f32 v21, v2;
	v39 =	vld [tilespmem:s0+$0x3400]  }
0x3bc: {  	v22 =	vmul.f32 v22, v2;
	v20 =	vmul.f32 v20, v2;
	v40 =	vld [tilespmem:s0+$0x3410]  }
0x3bd: {  	v16 =	vadd.f32 v24, v16;
	v19 =	vmul.f32 v19, v2;
	v58 =	vld [tilespmem:s0+$0x3420];
	v59 =	vmul.f32 v31, v29  }
0x3be: {  	v17 =	vadd.f32 v21, v17;
	v45 =	vmul.f32 v18, v2;
	v60 =	vld [tilespmem:s0+$0x3430];
	v61 =	vmul.f32 v32, v29  }
0x3bf: {  	v62 =	vld [tilespmem:s0+$0x3440];
	v13 =	vadd.f32 v19, v13;
	v63 =	vmul.f32 v33, v29;
	v11 =	vadd.f32 v59, v11  }
0x3c0: {  	v41 =	vld [tilespmem:s0+$0x3450];
	v47 =	vmul.f32 v25, v2;
	v42 =	vmul.f32 v34, v29;
	v10 =	vadd.f32 v61, v10  }
0x3c1: {  	v43 =	vld [tilespmem:s0+$0x3460];
	v53 =	vmul.f32 v26, v2;
	v46 =	vmul.f32 v36, v29;
	v7 =	vadd.f32 v63, v7;
	[tilespmem:$0x17580] =	vst v11  }
0x3c2: {  	v55 =	vmul.f32 v27, v2;
	v48 =	vmul.f32 v37, v29;
	v8 =	vadd.f32 v42, v8;
	[tilespmem:$0x17590] =	vst v10  }
0x3c3: {  	v2 =	vmul.f32 v28, v2;
	v54 =	vmul.f32 v40, v29;
	v49 =	vadd.f32 v46, v16;
	[tilespmem:$0x175A0] =	vst v7  }
0x3c4: {  	v9 =	vadd.f32 v45, v9;
	v56 =	vmul.f32 v58, v29;
	v51 =	vadd.f32 v48, v17;
	[tilespmem:$0x175B0] =	vst v8  }
0x3c5: {  	v6 =	vadd.f32 v47, v6;
	v58 =	vmul.f32 v60, v29;
	v57 =	vadd.f32 v54, v13;
	[tilespmem:$0x175D0] =	vst v49  }
0x3c6: {  	v5 =	vadd.f32 v53, v5;
	v60 =	vmul.f32 v62, v29;
	v59 =	vadd.f32 v56, v9;
	[tilespmem:$0x175E0] =	vst v51  }
0x3c7: {  	v2 =	vadd.f32 v2, v3;
	v62 =	vmul.f32 v43, v29;
	v6 =	vadd.f32 v58, v6;
	[tilespmem:$0x17610] =	vst v57  }
0x3c8: {  	v12 =	vadd.f32 v23, v12;
	v44 =	vmul.f32 v35, v29;
	v3 =	vadd.f32 v60, v5;
	[tilespmem:$0x17620] =	vst v59  }
0x3c9: {  	v15 =	vadd.f32 v22, v15;
	v50 =	vmul.f32 v38, v29;
	v2 =	vadd.f32 v62, v2;
	[tilespmem:$0x17630] =	vst v6  }
0x3ca: {  	s30 =	sor.u32 s3, s22;
	v4 =	vadd.f32 v55, v4;
	v61 =	vmul.f32 v41, v29;
	v11 =	vadd.f32 v44, v12;
	[tilespmem:$0x17640] =	vst v3  }
0x3cb: {  	s0 =	sshrl.u32 s30, $0x3;
	v63 =	vmul.f32 v30, v29;
	v8 =	vadd.f32 v50, v15;
	[tilespmem:$0x17660] =	vst v2  }
0x3cc: {  	s31 =	sshll.u32 s22, $0x7;
	v14 =	vadd.f32 v20, v14;
	s0 =	smul.u32 $0x3800, s0;
	v52 =	vmul.f32 v39, v29;
	v4 =	vadd.f32 v61, v4;
	[tilespmem:$0x175C0] =	vst v11  }
0x3cd: {  	s1 =	sand.u32 $0x380, s31;
	v1 =	vadd.f32 v63, v1;
	[tilespmem:$0x175F0] =	vst v8  }
0x3ce: {  	s0 =	sor.u32 s1, s0;
	v11 =	vadd.f32 v52, v14;
	[tilespmem:$0x17650] =	vst v4  }
0x3cf: {  	s0 =	sshrl.u32 s0, $0x3;
	[tilespmem:$0x17670] =	vst v1  }
0x3d0: {  	p1 =	sgt.u32 s22, $0x1D;
	s0 =	sadd.s32 s6, s0;
	[tilespmem:$0x17600] =	vst v11  }
0x3d1: {  	[hbm4b:s0+s12] =	stream.strided.scatter [tilespmem:s19], [sflag:$0x3], $0x700, s13, s12, $0x38;
	[tilespmem:$0x17680] =	vst v63  }
0x3d2: {  	s0 =	sadd.s32 @!p1 $0x2, s22  }
0x3d3: {  	s26 =	simm.s32 @!p1 $0x0;
	s1 =	sadd.s32 @!p1 s3, s0  }
0x3d4: {  	_ =	swait.ge [sflag:s20], $0x700;
	s0 =	sshll.u32 @!p1 s0, $0x7;
	s25 =	smul.u32 @!p1 $0x1500, s1  }
0x3d5: {  	[sflag:s20] =	ssyncset.done $0x0;
	s1 =	sshrl.u32 @!p1 s1, $0x3;
	s0 =	sand.u32 @!p1 $0x380, s0  }
0x3d6: {  	[sflag:s20] =	ssyncadd.s32 $0xFFFFF900;
	s1 =	smul.u32 @!p1 $0x5000, s1;
	s25 =	sadd.s32 @!p1 s4, s25  }
0x3d7: {  	[tilespmem:s24], [sflag:$0x1] =	stream.linear.gather @!p1 [hbm4b:s25+s26], $0xA800, $0x38;
	[tilespmem:$0x17680] =	vst v63  }
0x3d8: {  	s0 =	sor.u32 @!p1 s0, s1  }
0x3d9: {  	s22 =	sadd.s32 $0x1, s22;
	s0 =	sshrl.u32 @!p1 s0, $0x3  }
0x3da: {  	s1 =	simm.s32 @!p1 $0x80;
	s24 =	simm.s32 @!p1 $0x400;
	s0 =	sadd.s32 @!p1 s5, s0  }
0x3db: {  	[tilespmem:s23], [sflag:$0x2] =	stream.strided.gather @!p1 [hbm4b:s0+s1], $0xA00, s24, s1, $0x38;
	[tilespmem:$0x17680] =	vst v63  }
0x3dc: {  	p1 =	sne.s32 s22, $0x20  }
.Ltmp20:
0x3dd: {  	_ = 	snop;
	(pc) =	sbr.rel @p1 .LBB2_2-.Ltmp20, $2  }
0x3de: {  	_ =	sdelay $0x2  }
0x3df: {  	p0 =	por !p0, !p0  }
0x3e0: {  	s21 =	sadd.s32 $0x1, s21  }
0x3e1: {  	p0 =	sne.s32 s21, s11  }
.Ltmp21:
0x3e2: {  	_ = 	snop;
	(pc) =	sbr.rel @p0 .LBB2_1-.Ltmp21, $1  }
0x3e3: {  	_ =	sdelay $0x3  }
0x3e4: {  	_ =	sfence.sel $0x180000  }
0x3e5: {  	[bflag:$0x0] =	sbarrier.arrive $0xFFFF  }
0x3e6: {  	_ =	strace $0x90000047  }
0x3e7: {  	s0 =	stileid.u32;
	[bflag:$0x2] =	sbarrier.arrive $0xFFFF  }
0x3e8: {  	p0 =	sne.s32 s0, $0x0;
	s0 =	rddreg [dreg:$0x1]  }
0x3e9: {  	s0 =	sadd.s32 @!p0 $0x100000, s0  }
0x3ea: {  	[sflag:s0] =	ssyncadd.tile.s32 @!p0 $0x1;
	_ =	shalt  }
.Lfunc_end2:
_tile_overlayer_lowered:
.L_overlay_start_2:
0x3eb: {  	(tag) =	ssettag $0x2  }
0x3ec: {  	s0 =	rddreg [dreg:$0x0];
	s2 =	stileid.u32  }
0x3ed: {  	s1 =	rddreg [dreg:$0x1];
	p0 =	sne.s32 s2, $0x0  }
0x3ee: {  	s3 =	rddreg [dreg:$0x2];
	[bflag:$0x3] =	sbarrier.arrive $0xFFFF;
	s2 =	simm.s32 @!p0 $0x1C03  }
0x3ef: {  	[timem:s3], [sflag:s2] =	dma.local @!p0 [hbm:s0], s1  }
0x3f0: {  	s0 =	simm.s32 @!p0 $0x3  }
0x3f1: {  	_ =	swait.ge @!p0 [sflag:s0], s1  }
0x3f2: {  	s1 =	ssub.s32 @!p0 $0x0, s1;
	[sflag:s0] =	ssyncset.done @!p0 $0x0  }
0x3f3: {  	[sflag:s0] =	ssyncadd.s32 @!p0 s1  }
0x3f4: {  	[bflag:$0x3] =	sbarrier.arrive $0xFFFF  }
0x3f5: {  	_ =	shalt  }

</sc_bundles>
